<compile_context>
chip_gen: v7x
topology: tpu7x:2x2x1
jax: 0.10.2.dev20260603
libtpu: 0.0.44.dev20260713+nightly
codegen_flags: <defaults>
</compile_context>

<pallas_src>
import functools

import jax
import jax.numpy as jnp
from jax import lax
from jax.experimental import pallas as pl
from jax.experimental.pallas import tpu as pltpu
from jax.experimental.pallas import tpu_sc as plsc

N = 100000
D = 128
S = 64

NC = 2
NS = 16
NW = NC * NS

B = 160
NB = N // B
CH = 80
NCH = B // CH
NBJ = 5

_MESH = plsc.VectorSubcoreMesh(
    core_axis_name="c", subcore_axis_name="s", num_cores=NC, num_subcores=NS
)


@functools.partial(
    pl.kernel,
    out_type=jax.ShapeDtypeStruct((NC, S, D), jnp.float32),
    mesh=_MESH,
    compiler_params=pltpu.CompilerParams(needs_layout_passes=False),
    scratch_types=[
        [pltpu.VMEM((B, D), jnp.float32) for _ in range(4)],
        [pltpu.VMEM((NCH, CH), jnp.int32) for _ in range(4)],
        pltpu.VMEM((D,), jnp.float32),
        pltpu.VMEM((D,), jnp.float32),
        pltpu.VMEM((16,), jnp.float32),
        pltpu.VMEM((B, 16), jnp.float32),
        pltpu.VMEM((S, D), jnp.float32),
        [pltpu.SemaphoreType.DMA for _ in range(4)],
        [pltpu.SemaphoreType.DMA for _ in range(4)],
        pltpu.VMEM_SHARED((S, D), jnp.float32),
    ],
)
def _sc_pool(x_hbm, idx_hbm, wa_hbm, wm_hbm, b_hbm, out_hbm,
             xb, ib, wav, wmv, bv, sbuf, zbuf, semx, sems, acc):
    cid = lax.axis_index("c")
    sid = lax.axis_index("s")
    wid = sid * NC + cid

    pltpu.sync_copy(wa_hbm, wav)
    pltpu.sync_copy(wm_hbm, wmv)
    pltpu.sync_copy(b_hbm, bv)

    @pl.when(sid == 0)
    def _init():
        zeros16 = jnp.zeros((16,), jnp.float32)

        def zbody(i, carry):
            zbuf[i // (D // 16), pl.ds((i % (D // 16)) * 16, 16)] = zeros16
            return carry

        lax.fori_loop(0, S * (D // 16), zbody, 0)
        pltpu.sync_copy(zbuf, acc)

    plsc.subcore_barrier()

    wa_k = [wav[pl.ds(k * 16, 16)] for k in range(D // 16)]
    wm_k = [wmv[pl.ds(k * 16, 16)] for k in range(D // 16)]
    bvec = bv[...]
    ba = bvec[0]
    bm = bvec[1]

    nb_w = (NB - wid + NW - 1) // NW

    def _compute(xsrc):
        @plsc.parallel_loop(0, B, unroll=8)
        def _score(r):
            x0 = xsrc[r, pl.ds(0, 16)]
            pa = x0 * wa_k[0]
            pm = x0 * wm_k[0]
            for k in range(1, D // 16):
                xk = xsrc[r, pl.ds(k * 16, 16)]
                pa = pa + xk * wa_k[k]
                pm = pm + xk * wm_k[k]
            pa_s = jnp.sum(pa) + ba
            pm_s = jnp.sum(pm) + bm
            sv = jnp.full((16,), pa_s, jnp.float32)
            mv = jnp.full((16,), pm_s, jnp.float32)
            sbuf[r, :] = sv / (1.0 + jnp.exp(-mv))

        @plsc.parallel_loop(0, B, unroll=8)
        def _scale(r):
            w = sbuf[r, :]
            for k in range(D // 16):
                xsrc[r, pl.ds(k * 16, 16)] = xsrc[r, pl.ds(k * 16, 16)] * w

    def _start_in(blk, t4):
        pltpu.async_copy(x_hbm.at[pl.ds(blk * B, B)], xb[t4], semx[t4])
        pltpu.async_copy(idx_hbm.at[pl.ds(blk * NCH, NCH)], ib[t4], semx[t4])

    def _wait_in(blk, t4):
        pltpu.make_async_copy(
            x_hbm.at[pl.ds(blk * B, B)], xb[t4], semx[t4]).wait()
        pltpu.make_async_copy(
            idx_hbm.at[pl.ds(blk * NCH, NCH)], ib[t4], semx[t4]).wait()

    def _wait_scatter(t4):
        for c in range(NCH):
            pltpu.make_async_copy(
                xb[t4].at[pl.ds(c * CH, CH)], acc.at[ib[t4].at[c]],
                sems[t4]).wait()

    _start_in(wid, 0)

    def outer(jj, carry):
        for t in range(4):
            j = jj * 4 + t
            b = wid + j * NW
            nxt = j + 1
            bn = wid + nxt * NW
            n4 = (t + 1) % 4

            @pl.when((j >= 3) & (nxt < nb_w))
            def _free_next():
                _wait_scatter(n4)

            @pl.when(nxt < nb_w)
            def _prefetch():
                _start_in(bn, n4)

            @pl.when(j < nb_w)
            def _work():
                _wait_in(b, t)
                _compute(xb[t])
                for c in range(NCH):
                    pltpu.async_copy(
                        xb[t].at[pl.ds(c * CH, CH)], acc.at[ib[t].at[c]],
                        sems[t], add=True)
        return carry

    lax.fori_loop(0, NBJ, outer, 0)

    for p in range(4):
        _wait_scatter(p)

    plsc.subcore_barrier()

    @pl.when(sid == 0)
    def _writeout():
        pltpu.sync_copy(acc, out_hbm.at[cid])


def _combine_body(p_ref, o_ref):
    o_ref[...] = p_ref[0] + p_ref[1]


_combine = pl.pallas_call(
    _combine_body,
    out_shape=jax.ShapeDtypeStruct((S, D), jnp.float32),
)


@jax.jit
def kernel(node_feats, batch_idx, W_attn, b_attn, W_mask, b_mask):
    idx = batch_idx.astype(jnp.int32).reshape(N // CH, CH)
    wa = W_attn.reshape(D)
    wm = W_mask.reshape(D)
    bias = jnp.concatenate(
        [b_attn.astype(jnp.float32), b_mask.astype(jnp.float32),
         jnp.zeros((14,), jnp.float32)]
    )
    partials = _sc_pool(node_feats, idx, wa, wm, bias)
    return _combine(partials)

# --- scband reference (transcript-rebuilt; emitter-appended) ---
"""Pipeline reference for scband-attention-pooling-26233660244214 (READ-ONLY COPY).

The authoritative reference and input builder live on the scoring server;
editing this copy changes nothing except your own understanding.
"""

import jax, jax.numpy as jnp
import numpy as np

N = 100000
D = 128
NUM_SEGMENTS = 64


def setup_inputs(seed: int = 0) -> dict:
    key = jax.random.key(seed)
    k1, k2, k3, k4, k5, k6 = jax.random.split(key, 6)
    node_feats = jax.random.normal(k1, (N, D), dtype=jnp.float32)
    batch_idx = jnp.sort(jax.random.randint(k2, (N,), 0, NUM_SEGMENTS, dtype=jnp.int64))
    # nn.Linear(node_dim, 1) params (store weight transposed for jnp matmul)
    bound = 1.0 / np.sqrt(D)
    W_attn = jax.random.uniform(k3, (D, 1), minval=-bound, maxval=bound, dtype=jnp.float32)
    b_attn = jax.random.uniform(k4, (1,), minval=-bound, maxval=bound, dtype=jnp.float32)
    W_mask = jax.random.uniform(k5, (D, 1), minval=-bound, maxval=bound, dtype=jnp.float32)
    b_mask = jax.random.uniform(k6, (1,), minval=-bound, maxval=bound, dtype=jnp.float32)
    return {"node_feats": node_feats, "batch_idx": batch_idx,
            "W_attn": W_attn, "b_attn": b_attn,
            "W_mask": W_mask, "b_mask": b_mask}


def reference(node_feats, batch_idx, W_attn, b_attn, W_mask, b_mask):
    attn_scores = node_feats @ W_attn + b_attn          # [N, 1]
    mask_logits = node_feats @ W_mask + b_mask          # [N, 1]
    node_mask = jax.nn.sigmoid(mask_logits)             # [N, 1]
    final_scores = attn_scores * node_mask              # [N, 1]
    weighted = node_feats * final_scores                # [N, D]
    pooled = jax.ops.segment_sum(weighted, batch_idx, num_segments=NUM_SEGMENTS)
    return pooled

if __name__ == "__main__":
    import jax
    _d = setup_inputs()
    print(jax.jit(kernel)(*tuple(_d.values())))

</pallas_src>

<mosaic_0001>
#map = affine_map<(d0, d1) -> (0, 0)>
#map1 = affine_map<(d0, d1) -> (0)>
#map2 = affine_map<(d0, d1) -> (0, 0, 0)>
module attributes {stable_mosaic.version = 14 : i64} {
  func.func @_sc_pool(%arg0: i32, %arg1: i32, %arg2: memref<100000x128xf32, #tpu.memory_space<hbm>>, %arg3: memref<1250x80xi32, #tpu.memory_space<hbm>>, %arg4: memref<128xf32, #tpu.memory_space<hbm>>, %arg5: memref<128xf32, #tpu.memory_space<hbm>>, %arg6: memref<16xf32, #tpu.memory_space<hbm>>, %arg7: memref<2x64x128xf32, #tpu.memory_space<hbm>>, %arg8: memref<160x128xf32, #tpu.memory_space<vmem>>, %arg9: memref<160x128xf32, #tpu.memory_space<vmem>>, %arg10: memref<160x128xf32, #tpu.memory_space<vmem>>, %arg11: memref<160x128xf32, #tpu.memory_space<vmem>>, %arg12: memref<2x80xi32, #tpu.memory_space<vmem>>, %arg13: memref<2x80xi32, #tpu.memory_space<vmem>>, %arg14: memref<2x80xi32, #tpu.memory_space<vmem>>, %arg15: memref<2x80xi32, #tpu.memory_space<vmem>>, %arg16: memref<128xf32, #tpu.memory_space<vmem>>, %arg17: memref<128xf32, #tpu.memory_space<vmem>>, %arg18: memref<16xf32, #tpu.memory_space<vmem>>, %arg19: memref<160x16xf32, #tpu.memory_space<vmem>>, %arg20: memref<64x128xf32, #tpu.memory_space<vmem>>, %arg21: memref<!tpu.dma_semaphore, #tpu.memory_space<semaphore_mem>>, %arg22: memref<!tpu.dma_semaphore, #tpu.memory_space<semaphore_mem>>, %arg23: memref<!tpu.dma_semaphore, #tpu.memory_space<semaphore_mem>>, %arg24: memref<!tpu.dma_semaphore, #tpu.memory_space<semaphore_mem>>, %arg25: memref<!tpu.dma_semaphore, #tpu.memory_space<semaphore_mem>>, %arg26: memref<!tpu.dma_semaphore, #tpu.memory_space<semaphore_mem>>, %arg27: memref<!tpu.dma_semaphore, #tpu.memory_space<semaphore_mem>>, %arg28: memref<!tpu.dma_semaphore, #tpu.memory_space<semaphore_mem>>, %arg29: memref<64x128xf32, #tpu.memory_space<vmem_shared>>) attributes {dimension_semantics = [#tpu.dimension_semantics<core_parallel>, #tpu.dimension_semantics<subcore_parallel>], iteration_bounds = array<i64: 2, 16>, scalar_prefetch = 0 : i64, scratch_operands = 22 : i64, tpu.core_type = #tpu.core_type<sc_vector_subcore>, window_params = [{transform_indices = #map}, {transform_indices = #map}, {transform_indices = #map1}, {transform_indices = #map1}, {transform_indices = #map1}, {transform_indices = #map2}]} {
    %mul3A = arith.constant 2 : i32
    %mul3A_0 = arith.muli %arg1, %mul3A : i32
    %add3A = arith.addi %mul3A_0, %arg0 : i32
    "tpu.region"() ({
      %run_scoped3A = tpu.sem_alloc : memref<!tpu.dma_semaphore, #tpu.memory_space<semaphore_mem>>
      tpu.enqueue_dma source(%arg4 : memref<128xf32, #tpu.memory_space<hbm>>) target(%arg16 : memref<128xf32, #tpu.memory_space<vmem>>) target_semaphore(%run_scoped3A : memref<!tpu.dma_semaphore, #tpu.memory_space<semaphore_mem>>)
      tpu.wait_dma2 semaphore(%run_scoped3A : memref<!tpu.dma_semaphore, #tpu.memory_space<semaphore_mem>>) src(%arg4 : memref<128xf32, #tpu.memory_space<hbm>>) dst(%arg16 : memref<128xf32, #tpu.memory_space<vmem>>)
      tpu.yield
    }) : () -> ()
    "tpu.region"() ({
      %run_scoped3A = tpu.sem_alloc : memref<!tpu.dma_semaphore, #tpu.memory_space<semaphore_mem>>
      tpu.enqueue_dma source(%arg5 : memref<128xf32, #tpu.memory_space<hbm>>) target(%arg17 : memref<128xf32, #tpu.memory_space<vmem>>) target_semaphore(%run_scoped3A : memref<!tpu.dma_semaphore, #tpu.memory_space<semaphore_mem>>)
      tpu.wait_dma2 semaphore(%run_scoped3A : memref<!tpu.dma_semaphore, #tpu.memory_space<semaphore_mem>>) src(%arg5 : memref<128xf32, #tpu.memory_space<hbm>>) dst(%arg17 : memref<128xf32, #tpu.memory_space<vmem>>)
      tpu.yield
    }) : () -> ()
    "tpu.region"() ({
      %run_scoped3A = tpu.sem_alloc : memref<!tpu.dma_semaphore, #tpu.memory_space<semaphore_mem>>
      tpu.enqueue_dma source(%arg6 : memref<16xf32, #tpu.memory_space<hbm>>) target(%arg18 : memref<16xf32, #tpu.memory_space<vmem>>) target_semaphore(%run_scoped3A : memref<!tpu.dma_semaphore, #tpu.memory_space<semaphore_mem>>)
      tpu.wait_dma2 semaphore(%run_scoped3A : memref<!tpu.dma_semaphore, #tpu.memory_space<semaphore_mem>>) src(%arg6 : memref<16xf32, #tpu.memory_space<hbm>>) dst(%arg18 : memref<16xf32, #tpu.memory_space<vmem>>)
      tpu.yield
    }) : () -> ()
    %eq3A = arith.constant 0 : i32
    %eq3A_1 = arith.cmpi eq, %arg1, %eq3A : i32
    %convert_element_type3A = arith.extui %eq3A_1 : i1 to i32
    %cond3A = arith.constant 0 : i32
    %cond3A_2 = arith.cmpi ne, %convert_element_type3A, %cond3A : i32
    scf.if %cond3A_2 {
      %broadcast_in_dim3A = arith.constant 0.000000e+00 : f32
      %broadcast_in_dim3A_161 = vector.broadcast %broadcast_in_dim3A : f32 to vector<16xf32>
      %scan3A_162 = arith.constant 0 : i32
      %scan3A_163 = arith.constant 0 : i32
      %scan3A_164 = arith.constant 512 : i32
      %scan3A_165 = arith.addi %scan3A_163, %scan3A_164 : i32
      %scan3A_166 = arith.constant 1 : i32
      scf.for %scan3A_168 = %scan3A_163 to %scan3A_165 step %scan3A_166  : i32 {
        %jit3A_169 = arith.constant 8 : i32
        %div3A_170 = arith.divsi %scan3A_168, %jit3A_169 : i32
        %sign3A_171 = arith.constant 0 : i32
        %sign3A_172 = arith.cmpi sgt, %scan3A_168, %sign3A_171 : i32
        %sign3A_173 = arith.extui %sign3A_172 : i1 to i32
        %sign3A_174 = arith.constant 0 : i32
        %sign3A_175 = arith.cmpi slt, %scan3A_168, %sign3A_174 : i32
        %sign3A_176 = arith.extui %sign3A_175 : i1 to i32
        %sign3A_177 = arith.subi %sign3A_173, %sign3A_176 : i32
        %sign3A_178 = arith.constant 0 : i32
        %sign3A_179 = arith.cmpi sgt, %jit3A_169, %sign3A_178 : i32
        %sign3A_180 = arith.extui %sign3A_179 : i1 to i32
        %sign3A_181 = arith.constant 0 : i32
        %sign3A_182 = arith.cmpi slt, %jit3A_169, %sign3A_181 : i32
        %sign3A_183 = arith.extui %sign3A_182 : i1 to i32
        %sign3A_184 = arith.subi %sign3A_180, %sign3A_183 : i32
        %ne3A_185 = arith.cmpi ne, %sign3A_177, %sign3A_184 : i32
        %rem3A_186 = arith.remsi %scan3A_168, %jit3A_169 : i32
        %ne3A_187 = arith.constant 0 : i32
        %ne3A_188 = arith.cmpi ne, %rem3A_186, %ne3A_187 : i32
        %and3A_189 = arith.andi %ne3A_185, %ne3A_188 : i1
        %sub3A_190 = arith.constant 1 : i32
        %sub3A_191 = arith.subi %div3A_170, %sub3A_190 : i32
        %select_n3A_192 = arith.select %and3A_189, %sub3A_191, %div3A_170 : i32
        %jit3A_193 = arith.constant 8 : i32
        %eq3A_194 = arith.constant 0 : i32
        %eq3A_195 = arith.cmpi eq, %jit3A_193, %eq3A_194 : i32
        %jit3A_196 = arith.constant 1 : i32
        %select_n3A_197 = arith.select %eq3A_195, %jit3A_196, %jit3A_193 : i32
        %rem3A_198 = arith.remsi %scan3A_168, %select_n3A_197 : i32
        %ne3A_199 = arith.constant 0 : i32
        %ne3A_200 = arith.cmpi ne, %rem3A_198, %ne3A_199 : i32
        %lt3A = arith.constant 0 : i32
        %lt3A_201 = arith.cmpi slt, %rem3A_198, %lt3A : i32
        %lt3A_202 = arith.constant 0 : i32
        %lt3A_203 = arith.cmpi slt, %select_n3A_197, %lt3A_202 : i32
        %ne3A_204 = arith.xori %lt3A_201, %lt3A_203 : i1
        %and3A_205 = arith.andi %ne3A_204, %ne3A_200 : i1
        %add3A_206 = arith.addi %rem3A_198, %select_n3A_197 : i32
        %select_n3A_207 = arith.select %and3A_205, %add3A_206, %rem3A_198 : i32
        %mul3A_208 = arith.constant 16 : i32
        %mul3A_209 = arith.muli %select_n3A_207, %mul3A_208 : i32
        %swap3A = arith.index_cast %select_n3A_192 : i32 to index
        %swap3A_210 = arith.index_cast %mul3A_209 : i32 to index
        %swap3A_211 = tpu.vector_load %arg20[%swap3A, %swap3A_210] {strides = array<i32>} : memref<64x128xf32, #tpu.memory_space<vmem>>, vector<16xf32>,
        tpu.vector_store %arg20[%swap3A, %swap3A_210], %broadcast_in_dim3A_161 {strides = array<i32>} : memref<64x128xf32, #tpu.memory_space<vmem>>, vector<16xf32>,
      }
      %scan3A_167 = arith.constant 512 : i32
      "tpu.region"() ({
        %run_scoped3A = tpu.sem_alloc : memref<!tpu.dma_semaphore, #tpu.memory_space<semaphore_mem>>
        tpu.enqueue_dma source(%arg20 : memref<64x128xf32, #tpu.memory_space<vmem>>) target(%arg29 : memref<64x128xf32, #tpu.memory_space<vmem_shared>>) target_semaphore(%run_scoped3A : memref<!tpu.dma_semaphore, #tpu.memory_space<semaphore_mem>>)
        tpu.wait_dma2 semaphore(%run_scoped3A : memref<!tpu.dma_semaphore, #tpu.memory_space<semaphore_mem>>) src(%arg20 : memref<64x128xf32, #tpu.memory_space<vmem>>) dst(%arg29 : memref<64x128xf32, #tpu.memory_space<vmem_shared>>)
        tpu.yield
      }) : () -> ()
    } else {
    }
    %barrier3A = arith.constant 0 : index
    tpu.barrier barrier_id(%barrier3A)
    %get3A = arith.constant 0 : index
    %get3A_3 = tpu.vector_load %arg16[%get3A] {strides = array<i32>} : memref<128xf32, #tpu.memory_space<vmem>>, vector<16xf32>,
    %get3A_4 = arith.constant 16 : index
    %get3A_5 = tpu.vector_load %arg16[%get3A_4] {strides = array<i32>} : memref<128xf32, #tpu.memory_space<vmem>>, vector<16xf32>,
    %get3A_6 = arith.constant 32 : index
    %get3A_7 = tpu.vector_load %arg16[%get3A_6] {strides = array<i32>} : memref<128xf32, #tpu.memory_space<vmem>>, vector<16xf32>,
    %get3A_8 = arith.constant 48 : index
    %get3A_9 = tpu.vector_load %arg16[%get3A_8] {strides = array<i32>} : memref<128xf32, #tpu.memory_space<vmem>>, vector<16xf32>,
    %get3A_10 = arith.constant 64 : index
    %get3A_11 = tpu.vector_load %arg16[%get3A_10] {strides = array<i32>} : memref<128xf32, #tpu.memory_space<vmem>>, vector<16xf32>,
    %get3A_12 = arith.constant 80 : index
    %get3A_13 = tpu.vector_load %arg16[%get3A_12] {strides = array<i32>} : memref<128xf32, #tpu.memory_space<vmem>>, vector<16xf32>,
    %get3A_14 = arith.constant 96 : index
    %get3A_15 = tpu.vector_load %arg16[%get3A_14] {strides = array<i32>} : memref<128xf32, #tpu.memory_space<vmem>>, vector<16xf32>,
    %get3A_16 = arith.constant 112 : index
    %get3A_17 = tpu.vector_load %arg16[%get3A_16] {strides = array<i32>} : memref<128xf32, #tpu.memory_space<vmem>>, vector<16xf32>,
    %get3A_18 = arith.constant 0 : index
    %get3A_19 = tpu.vector_load %arg17[%get3A_18] {strides = array<i32>} : memref<128xf32, #tpu.memory_space<vmem>>, vector<16xf32>,
    %get3A_20 = arith.constant 16 : index
    %get3A_21 = tpu.vector_load %arg17[%get3A_20] {strides = array<i32>} : memref<128xf32, #tpu.memory_space<vmem>>, vector<16xf32>,
    %get3A_22 = arith.constant 32 : index
    %get3A_23 = tpu.vector_load %arg17[%get3A_22] {strides = array<i32>} : memref<128xf32, #tpu.memory_space<vmem>>, vector<16xf32>,
    %get3A_24 = arith.constant 48 : index
    %get3A_25 = tpu.vector_load %arg17[%get3A_24] {strides = array<i32>} : memref<128xf32, #tpu.memory_space<vmem>>, vector<16xf32>,
    %get3A_26 = arith.constant 64 : index
    %get3A_27 = tpu.vector_load %arg17[%get3A_26] {strides = array<i32>} : memref<128xf32, #tpu.memory_space<vmem>>, vector<16xf32>,
    %get3A_28 = arith.constant 80 : index
    %get3A_29 = tpu.vector_load %arg17[%get3A_28] {strides = array<i32>} : memref<128xf32, #tpu.memory_space<vmem>>, vector<16xf32>,
    %get3A_30 = arith.constant 96 : index
    %get3A_31 = tpu.vector_load %arg17[%get3A_30] {strides = array<i32>} : memref<128xf32, #tpu.memory_space<vmem>>, vector<16xf32>,
    %get3A_32 = arith.constant 112 : index
    %get3A_33 = tpu.vector_load %arg17[%get3A_32] {strides = array<i32>} : memref<128xf32, #tpu.memory_space<vmem>>, vector<16xf32>,
    %get3A_34 = arith.constant 0 : index
    %get3A_35 = tpu.vector_load %arg18[%get3A_34] {strides = array<i32>} : memref<16xf32, #tpu.memory_space<vmem>>, vector<16xf32>,
    %slice3A = vector.extract_strided_slice %get3A_35 {offsets = [0], sizes = [1], strides = [1]} : vector<16xf32> to vector<1xf32>
    %squeeze3A = vector.extract %slice3A[0] : f32 from vector<1xf32>
    %slice3A_36 = vector.extract_strided_slice %get3A_35 {offsets = [1], sizes = [1], strides = [1]} : vector<16xf32> to vector<1xf32>
    %squeeze3A_37 = vector.extract %slice3A_36[0] : f32 from vector<1xf32>
    %sub3A = arith.constant 625 : i32
    %sub3A_38 = arith.subi %sub3A, %add3A : i32
    %add3A_39 = arith.constant 32 : i32
    %add3A_40 = arith.addi %sub3A_38, %add3A_39 : i32
    %sub3A_41 = arith.constant 1 : i32
    %sub3A_42 = arith.subi %add3A_40, %sub3A_41 : i32
    %jit3A = arith.constant 32 : i32
    %div3A = arith.divsi %sub3A_42, %jit3A : i32
    %sign3A = arith.constant 0 : i32
    %sign3A_43 = arith.cmpi sgt, %sub3A_42, %sign3A : i32
    %sign3A_44 = arith.extui %sign3A_43 : i1 to i32
    %sign3A_45 = arith.constant 0 : i32
    %sign3A_46 = arith.cmpi slt, %sub3A_42, %sign3A_45 : i32
    %sign3A_47 = arith.extui %sign3A_46 : i1 to i32
    %sign3A_48 = arith.subi %sign3A_44, %sign3A_47 : i32
    %sign3A_49 = arith.constant 0 : i32
    %sign3A_50 = arith.cmpi sgt, %jit3A, %sign3A_49 : i32
    %sign3A_51 = arith.extui %sign3A_50 : i1 to i32
    %sign3A_52 = arith.constant 0 : i32
    %sign3A_53 = arith.cmpi slt, %jit3A, %sign3A_52 : i32
    %sign3A_54 = arith.extui %sign3A_53 : i1 to i32
    %sign3A_55 = arith.subi %sign3A_51, %sign3A_54 : i32
    %ne3A = arith.cmpi ne, %sign3A_48, %sign3A_55 : i32
    %rem3A = arith.remsi %sub3A_42, %jit3A : i32
    %ne3A_56 = arith.constant 0 : i32
    %ne3A_57 = arith.cmpi ne, %rem3A, %ne3A_56 : i32
    %and3A = arith.andi %ne3A, %ne3A_57 : i1
    %sub3A_58 = arith.constant 1 : i32
    %sub3A_59 = arith.subi %div3A, %sub3A_58 : i32
    %select_n3A = arith.select %and3A, %sub3A_59, %div3A : i32
    %mul3A_60 = arith.constant 160 : i32
    %mul3A_61 = arith.muli %add3A, %mul3A_60 : i32
    %dma_start3A = arith.constant 0 : i32
    %dma_start3A_62 = tpu.memref_slice %arg2[%mul3A_61, %dma_start3A] : memref<100000x128xf32, #tpu.memory_space<hbm>> -> memref<160x128xf32, #tpu.memory_space<hbm>>
    %dma_start3A_63 = arith.constant 0 : i32
    %dma_start3A_64 = tpu.memref_slice %arg2[%mul3A_61, %dma_start3A_63] : memref<100000x128xf32, #tpu.memory_space<hbm>> -> memref<160x128xf32, #tpu.memory_space<hbm>>
    tpu.enqueue_dma source(%dma_start3A_64 : memref<160x128xf32, #tpu.memory_space<hbm>>) target(%arg8 : memref<160x128xf32, #tpu.memory_space<vmem>>) target_semaphore(%arg21 : memref<!tpu.dma_semaphore, #tpu.memory_space<semaphore_mem>>)
    %mul3A_65 = arith.constant 2 : i32
    %mul3A_66 = arith.muli %add3A, %mul3A_65 : i32
    %dma_start3A_67 = arith.constant 0 : i32
    %dma_start3A_68 = tpu.memref_slice %arg3[%mul3A_66, %dma_start3A_67] : memref<1250x80xi32, #tpu.memory_space<hbm>> -> memref<2x80xi32, #tpu.memory_space<hbm>>
    %dma_start3A_69 = arith.constant 0 : i32
    %dma_start3A_70 = tpu.memref_slice %arg3[%mul3A_66, %dma_start3A_69] : memref<1250x80xi32, #tpu.memory_space<hbm>> -> memref<2x80xi32, #tpu.memory_space<hbm>>
    tpu.enqueue_dma source(%dma_start3A_70 : memref<2x80xi32, #tpu.memory_space<hbm>>) target(%arg12 : memref<2x80xi32, #tpu.memory_space<vmem>>) target_semaphore(%arg21 : memref<!tpu.dma_semaphore, #tpu.memory_space<semaphore_mem>>)
    %scan3A = arith.constant 0 : i32
    %scan3A_71 = arith.constant 0 : i32
    %scan3A_72 = arith.constant 5 : i32
    %scan3A_73 = arith.addi %scan3A_71, %scan3A_72 : i32
    %scan3A_74 = arith.constant 1 : i32
    scf.for %scan3A_161 = %scan3A_71 to %scan3A_73 step %scan3A_74  : i32 {
      %mul3A_162 = arith.constant 4 : i32
      %mul3A_163 = arith.muli %scan3A_161, %mul3A_162 : i32
      %add3A_164 = arith.constant 0 : i32
      %add3A_165 = arith.addi %mul3A_163, %add3A_164 : i32
      %mul3A_166 = arith.constant 32 : i32
      %mul3A_167 = arith.muli %add3A_165, %mul3A_166 : i32
      %add3A_168 = arith.addi %add3A, %mul3A_167 : i32
      %add3A_169 = arith.constant 1 : i32
      %add3A_170 = arith.addi %add3A_165, %add3A_169 : i32
      %mul3A_171 = arith.constant 32 : i32
      %mul3A_172 = arith.muli %add3A_170, %mul3A_171 : i32
      %add3A_173 = arith.addi %add3A, %mul3A_172 : i32
      %ge3A = arith.constant 3 : i32
      %ge3A_174 = arith.cmpi sge, %add3A_165, %ge3A : i32
      %lt3A = arith.cmpi slt, %add3A_170, %select_n3A : i32
      %and3A_175 = arith.andi %ge3A_174, %lt3A : i1
      %convert_element_type3A_176 = arith.extui %and3A_175 : i1 to i32
      %cond3A_177 = arith.constant 0 : i32
      %cond3A_178 = arith.cmpi ne, %convert_element_type3A_176, %cond3A_177 : i32
      scf.if %cond3A_178 {
        %dma_wait3A_268 = arith.constant 0 : i32
        %dma_wait3A_269 = arith.constant 0 : i32
        %dma_wait3A_270 = arith.constant 0 : i32
        %dma_wait3A_271 = tpu.memref_slice %arg9[%dma_wait3A_269, %dma_wait3A_270] : memref<160x128xf32, #tpu.memory_space<vmem>> -> memref<80x128xf32, #tpu.memory_space<vmem>>
        %dma_wait3A_272 = arith.constant 0 : i32
        %dma_wait3A_273 = tpu.memref_slice %arg13[%dma_wait3A_268, %dma_wait3A_272] : memref<2x80xi32, #tpu.memory_space<vmem>> -> memref<1x80xi32, #tpu.memory_space<vmem>>
        %dma_wait3A_274 = tpu.memref_squeeze %dma_wait3A_273 : memref<1x80xi32, #tpu.memory_space<vmem>> -> memref<80xi32, #tpu.memory_space<vmem>>
        %dma_wait3A_275 = arith.constant 0 : i32
        %dma_wait3A_276 = arith.constant 0 : i32
        %dma_wait3A_277 = tpu.memref_slice %arg29[%dma_wait3A_275, %dma_wait3A_276] : memref<64x128xf32, #tpu.memory_space<vmem_shared>> -> memref<64x128xf32, #tpu.memory_space<vmem_shared>>
        tpu.wait_indirect_dma semaphore(%arg26 : memref<!tpu.dma_semaphore, #tpu.memory_space<semaphore_mem>>) src(%dma_wait3A_271 : memref<80x128xf32, #tpu.memory_space<vmem>>) dst(%dma_wait3A_277 : memref<64x128xf32, #tpu.memory_space<vmem_shared>>)
        %dma_wait3A_278 = arith.constant 1 : i32
        %dma_wait3A_279 = arith.constant 80 : i32
        %dma_wait3A_280 = arith.constant 0 : i32
        %dma_wait3A_281 = tpu.memref_slice %arg9[%dma_wait3A_279, %dma_wait3A_280] : memref<160x128xf32, #tpu.memory_space<vmem>> -> memref<80x128xf32, #tpu.memory_space<vmem>>
        %dma_wait3A_282 = arith.constant 0 : i32
        %dma_wait3A_283 = tpu.memref_slice %arg13[%dma_wait3A_278, %dma_wait3A_282] : memref<2x80xi32, #tpu.memory_space<vmem>> -> memref<1x80xi32, #tpu.memory_space<vmem>>
        %dma_wait3A_284 = tpu.memref_squeeze %dma_wait3A_283 : memref<1x80xi32, #tpu.memory_space<vmem>> -> memref<80xi32, #tpu.memory_space<vmem>>
        %dma_wait3A_285 = arith.constant 0 : i32
        %dma_wait3A_286 = arith.constant 0 : i32
        %dma_wait3A_287 = tpu.memref_slice %arg29[%dma_wait3A_285, %dma_wait3A_286] : memref<64x128xf32, #tpu.memory_space<vmem_shared>> -> memref<64x128xf32, #tpu.memory_space<vmem_shared>>
        tpu.wait_indirect_dma semaphore(%arg26 : memref<!tpu.dma_semaphore, #tpu.memory_space<semaphore_mem>>) src(%dma_wait3A_281 : memref<80x128xf32, #tpu.memory_space<vmem>>) dst(%dma_wait3A_287 : memref<64x128xf32, #tpu.memory_space<vmem_shared>>)
      } else {
      }
      %lt3A_179 = arith.cmpi slt, %add3A_170, %select_n3A : i32
      %convert_element_type3A_180 = arith.extui %lt3A_179 : i1 to i32
      %cond3A_181 = arith.constant 0 : i32
      %cond3A_182 = arith.cmpi ne, %convert_element_type3A_180, %cond3A_181 : i32
      scf.if %cond3A_182 {
        %mul3A_268 = arith.constant 160 : i32
        %mul3A_269 = arith.muli %add3A_173, %mul3A_268 : i32
        %dma_start3A_270 = arith.constant 0 : i32
        %dma_start3A_271 = tpu.memref_slice %arg2[%mul3A_269, %dma_start3A_270] : memref<100000x128xf32, #tpu.memory_space<hbm>> -> memref<160x128xf32, #tpu.memory_space<hbm>>
        %dma_start3A_272 = arith.constant 0 : i32
        %dma_start3A_273 = tpu.memref_slice %arg2[%mul3A_269, %dma_start3A_272] : memref<100000x128xf32, #tpu.memory_space<hbm>> -> memref<160x128xf32, #tpu.memory_space<hbm>>
        tpu.enqueue_dma source(%dma_start3A_273 : memref<160x128xf32, #tpu.memory_space<hbm>>) target(%arg9 : memref<160x128xf32, #tpu.memory_space<vmem>>) target_semaphore(%arg22 : memref<!tpu.dma_semaphore, #tpu.memory_space<semaphore_mem>>)
        %mul3A_274 = arith.constant 2 : i32
        %mul3A_275 = arith.muli %add3A_173, %mul3A_274 : i32
        %dma_start3A_276 = arith.constant 0 : i32
        %dma_start3A_277 = tpu.memref_slice %arg3[%mul3A_275, %dma_start3A_276] : memref<1250x80xi32, #tpu.memory_space<hbm>> -> memref<2x80xi32, #tpu.memory_space<hbm>>
        %dma_start3A_278 = arith.constant 0 : i32
        %dma_start3A_279 = tpu.memref_slice %arg3[%mul3A_275, %dma_start3A_278] : memref<1250x80xi32, #tpu.memory_space<hbm>> -> memref<2x80xi32, #tpu.memory_space<hbm>>
        tpu.enqueue_dma source(%dma_start3A_279 : memref<2x80xi32, #tpu.memory_space<hbm>>) target(%arg13 : memref<2x80xi32, #tpu.memory_space<vmem>>) target_semaphore(%arg22 : memref<!tpu.dma_semaphore, #tpu.memory_space<semaphore_mem>>)
      } else {
      }
      %lt3A_183 = arith.cmpi slt, %add3A_165, %select_n3A : i32
      %convert_element_type3A_184 = arith.extui %lt3A_183 : i1 to i32
      %cond3A_185 = arith.constant 0 : i32
      %cond3A_186 = arith.cmpi ne, %convert_element_type3A_184, %cond3A_185 : i32
      scf.if %cond3A_186 {
        %mul3A_268 = arith.constant 160 : i32
        %mul3A_269 = arith.muli %add3A_168, %mul3A_268 : i32
        %dma_wait3A_270 = arith.constant 0 : i32
        %dma_wait3A_271 = tpu.memref_slice %arg2[%mul3A_269, %dma_wait3A_270] : memref<100000x128xf32, #tpu.memory_space<hbm>> -> memref<160x128xf32, #tpu.memory_space<hbm>>
        %dma_wait3A_272 = arith.constant 0 : i32
        %dma_wait3A_273 = tpu.memref_slice %arg2[%mul3A_269, %dma_wait3A_272] : memref<100000x128xf32, #tpu.memory_space<hbm>> -> memref<160x128xf32, #tpu.memory_space<hbm>>
        tpu.wait_dma2 semaphore(%arg21 : memref<!tpu.dma_semaphore, #tpu.memory_space<semaphore_mem>>) src(%dma_wait3A_273 : memref<160x128xf32, #tpu.memory_space<hbm>>) dst(%arg8 : memref<160x128xf32, #tpu.memory_space<vmem>>)
        %mul3A_274 = arith.constant 2 : i32
        %mul3A_275 = arith.muli %add3A_168, %mul3A_274 : i32
        %dma_wait3A_276 = arith.constant 0 : i32
        %dma_wait3A_277 = tpu.memref_slice %arg3[%mul3A_275, %dma_wait3A_276] : memref<1250x80xi32, #tpu.memory_space<hbm>> -> memref<2x80xi32, #tpu.memory_space<hbm>>
        %dma_wait3A_278 = arith.constant 0 : i32
        %dma_wait3A_279 = tpu.memref_slice %arg3[%mul3A_275, %dma_wait3A_278] : memref<1250x80xi32, #tpu.memory_space<hbm>> -> memref<2x80xi32, #tpu.memory_space<hbm>>
        tpu.wait_dma2 semaphore(%arg21 : memref<!tpu.dma_semaphore, #tpu.memory_space<semaphore_mem>>) src(%dma_wait3A_279 : memref<2x80xi32, #tpu.memory_space<hbm>>) dst(%arg12 : memref<2x80xi32, #tpu.memory_space<vmem>>)
        %parallel_loop3A = arith.constant 0 : i32
        %parallel_loop3A_280 = arith.constant 160 : i32
        %parallel_loop3A_281 = arith.constant 1 : i32
        scf.for %parallel_loop3A_305 = %parallel_loop3A to %parallel_loop3A_280 step %parallel_loop3A_281  : i32 {
          %parallel_loop3A_306 = arith.index_cast %parallel_loop3A_305 : i32 to index
          %parallel_loop3A_307 = arith.constant 0 : index
          %parallel_loop3A_308 = tpu.vector_load %arg8[%parallel_loop3A_306, %parallel_loop3A_307] {strides = array<i32>} : memref<160x128xf32, #tpu.memory_space<vmem>>, vector<16xf32>,
          %parallel_loop3A_309 = arith.mulf %parallel_loop3A_308, %get3A_3 : vector<16xf32>
          %parallel_loop3A_310 = arith.mulf %parallel_loop3A_308, %get3A_19 : vector<16xf32>
          %parallel_loop3A_311 = arith.index_cast %parallel_loop3A_305 : i32 to index
          %parallel_loop3A_312 = arith.constant 16 : index
          %parallel_loop3A_313 = tpu.vector_load %arg8[%parallel_loop3A_311, %parallel_loop3A_312] {strides = array<i32>} : memref<160x128xf32, #tpu.memory_space<vmem>>, vector<16xf32>,
          %parallel_loop3A_314 = arith.mulf %parallel_loop3A_313, %get3A_5 : vector<16xf32>
          %parallel_loop3A_315 = arith.addf %parallel_loop3A_309, %parallel_loop3A_314 : vector<16xf32>
          %parallel_loop3A_316 = arith.mulf %parallel_loop3A_313, %get3A_21 : vector<16xf32>
          %parallel_loop3A_317 = arith.addf %parallel_loop3A_310, %parallel_loop3A_316 : vector<16xf32>
          %parallel_loop3A_318 = arith.index_cast %parallel_loop3A_305 : i32 to index
          %parallel_loop3A_319 = arith.constant 32 : index
          %parallel_loop3A_320 = tpu.vector_load %arg8[%parallel_loop3A_318, %parallel_loop3A_319] {strides = array<i32>} : memref<160x128xf32, #tpu.memory_space<vmem>>, vector<16xf32>,
          %parallel_loop3A_321 = arith.mulf %parallel_loop3A_320, %get3A_7 : vector<16xf32>
          %parallel_loop3A_322 = arith.addf %parallel_loop3A_315, %parallel_loop3A_321 : vector<16xf32>
          %parallel_loop3A_323 = arith.mulf %parallel_loop3A_320, %get3A_23 : vector<16xf32>
          %parallel_loop3A_324 = arith.addf %parallel_loop3A_317, %parallel_loop3A_323 : vector<16xf32>
          %parallel_loop3A_325 = arith.index_cast %parallel_loop3A_305 : i32 to index
          %parallel_loop3A_326 = arith.constant 48 : index
          %parallel_loop3A_327 = tpu.vector_load %arg8[%parallel_loop3A_325, %parallel_loop3A_326] {strides = array<i32>} : memref<160x128xf32, #tpu.memory_space<vmem>>, vector<16xf32>,
          %parallel_loop3A_328 = arith.mulf %parallel_loop3A_327, %get3A_9 : vector<16xf32>
          %parallel_loop3A_329 = arith.addf %parallel_loop3A_322, %parallel_loop3A_328 : vector<16xf32>
          %parallel_loop3A_330 = arith.mulf %parallel_loop3A_327, %get3A_25 : vector<16xf32>
          %parallel_loop3A_331 = arith.addf %parallel_loop3A_324, %parallel_loop3A_330 : vector<16xf32>
          %parallel_loop3A_332 = arith.index_cast %parallel_loop3A_305 : i32 to index
          %parallel_loop3A_333 = arith.constant 64 : index
          %parallel_loop3A_334 = tpu.vector_load %arg8[%parallel_loop3A_332, %parallel_loop3A_333] {strides = array<i32>} : memref<160x128xf32, #tpu.memory_space<vmem>>, vector<16xf32>,
          %parallel_loop3A_335 = arith.mulf %parallel_loop3A_334, %get3A_11 : vector<16xf32>
          %parallel_loop3A_336 = arith.addf %parallel_loop3A_329, %parallel_loop3A_335 : vector<16xf32>
          %parallel_loop3A_337 = arith.mulf %parallel_loop3A_334, %get3A_27 : vector<16xf32>
          %parallel_loop3A_338 = arith.addf %parallel_loop3A_331, %parallel_loop3A_337 : vector<16xf32>
          %parallel_loop3A_339 = arith.index_cast %parallel_loop3A_305 : i32 to index
          %parallel_loop3A_340 = arith.constant 80 : index
          %parallel_loop3A_341 = tpu.vector_load %arg8[%parallel_loop3A_339, %parallel_loop3A_340] {strides = array<i32>} : memref<160x128xf32, #tpu.memory_space<vmem>>, vector<16xf32>,
          %parallel_loop3A_342 = arith.mulf %parallel_loop3A_341, %get3A_13 : vector<16xf32>
          %parallel_loop3A_343 = arith.addf %parallel_loop3A_336, %parallel_loop3A_342 : vector<16xf32>
          %parallel_loop3A_344 = arith.mulf %parallel_loop3A_341, %get3A_29 : vector<16xf32>
          %parallel_loop3A_345 = arith.addf %parallel_loop3A_338, %parallel_loop3A_344 : vector<16xf32>
          %parallel_loop3A_346 = arith.index_cast %parallel_loop3A_305 : i32 to index
          %parallel_loop3A_347 = arith.constant 96 : index
          %parallel_loop3A_348 = tpu.vector_load %arg8[%parallel_loop3A_346, %parallel_loop3A_347] {strides = array<i32>} : memref<160x128xf32, #tpu.memory_space<vmem>>, vector<16xf32>,
          %parallel_loop3A_349 = arith.mulf %parallel_loop3A_348, %get3A_15 : vector<16xf32>
          %parallel_loop3A_350 = arith.addf %parallel_loop3A_343, %parallel_loop3A_349 : vector<16xf32>
          %parallel_loop3A_351 = arith.mulf %parallel_loop3A_348, %get3A_31 : vector<16xf32>
          %parallel_loop3A_352 = arith.addf %parallel_loop3A_345, %parallel_loop3A_351 : vector<16xf32>
          %parallel_loop3A_353 = arith.index_cast %parallel_loop3A_305 : i32 to index
          %parallel_loop3A_354 = arith.constant 112 : index
          %parallel_loop3A_355 = tpu.vector_load %arg8[%parallel_loop3A_353, %parallel_loop3A_354] {strides = array<i32>} : memref<160x128xf32, #tpu.memory_space<vmem>>, vector<16xf32>,
          %parallel_loop3A_356 = arith.mulf %parallel_loop3A_355, %get3A_17 : vector<16xf32>
          %parallel_loop3A_357 = arith.addf %parallel_loop3A_350, %parallel_loop3A_356 : vector<16xf32>
          %parallel_loop3A_358 = arith.mulf %parallel_loop3A_355, %get3A_33 : vector<16xf32>
          %parallel_loop3A_359 = arith.addf %parallel_loop3A_352, %parallel_loop3A_358 : vector<16xf32>
          %parallel_loop3A_360 = arith.constant true
          %parallel_loop3A_361 = vector.broadcast %parallel_loop3A_360 : i1 to vector<16xi1>
          %parallel_loop3A_362 = tpu.scan <sum>, %parallel_loop3A_357 masked %parallel_loop3A_361 : vector<16xf32>, vector<16xi1> -> vector<16xf32>
          %parallel_loop3A_363 = vector.extract %parallel_loop3A_362[15] : f32 from vector<16xf32>
          %parallel_loop3A_364 = arith.addf %parallel_loop3A_363, %squeeze3A : f32
          %parallel_loop3A_365 = arith.constant true
          %parallel_loop3A_366 = vector.broadcast %parallel_loop3A_365 : i1 to vector<16xi1>
          %parallel_loop3A_367 = tpu.scan <sum>, %parallel_loop3A_359 masked %parallel_loop3A_366 : vector<16xf32>, vector<16xi1> -> vector<16xf32>
          %parallel_loop3A_368 = vector.extract %parallel_loop3A_367[15] : f32 from vector<16xf32>
          %parallel_loop3A_369 = arith.addf %parallel_loop3A_368, %squeeze3A_37 : f32
          %parallel_loop3A_370 = vector.broadcast %parallel_loop3A_364 : f32 to vector<16xf32>
          %parallel_loop3A_371 = vector.broadcast %parallel_loop3A_369 : f32 to vector<16xf32>
          %parallel_loop3A_372 = arith.constant 0.000000e+00 : f32
          %parallel_loop3A_373 = vector.broadcast %parallel_loop3A_372 : f32 to vector<16xf32>
          %parallel_loop3A_374 = arith.subf %parallel_loop3A_373, %parallel_loop3A_371 : vector<16xf32>
          %parallel_loop3A_375 = math.exp %parallel_loop3A_374 : vector<16xf32>
          %parallel_loop3A_376 = arith.constant 1.000000e+00 : f32
          %parallel_loop3A_377 = vector.broadcast %parallel_loop3A_376 : f32 to vector<16xf32>
          %parallel_loop3A_378 = arith.addf %parallel_loop3A_377, %parallel_loop3A_375 : vector<16xf32>
          %parallel_loop3A_379 = arith.divf %parallel_loop3A_370, %parallel_loop3A_378 : vector<16xf32>
          %parallel_loop3A_380 = arith.index_cast %parallel_loop3A_305 : i32 to index
          %parallel_loop3A_381 = arith.constant 0 : index
          %parallel_loop3A_382 = tpu.vector_load %arg19[%parallel_loop3A_380, %parallel_loop3A_381] {strides = array<i32>} : memref<160x16xf32, #tpu.memory_space<vmem>>, vector<16xf32>,
          tpu.vector_store %arg19[%parallel_loop3A_380, %parallel_loop3A_381], %parallel_loop3A_379 {strides = array<i32>} : memref<160x16xf32, #tpu.memory_space<vmem>>, vector<16xf32>,
        } {sc.loop_unroll_factor = 8 : i64, sc.parallel_access}
        %parallel_loop3A_282 = arith.constant 0 : i32
        %parallel_loop3A_283 = arith.constant 160 : i32
        %parallel_loop3A_284 = arith.constant 1 : i32
        scf.for %parallel_loop3A_305 = %parallel_loop3A_282 to %parallel_loop3A_283 step %parallel_loop3A_284  : i32 {
          %parallel_loop3A_306 = arith.index_cast %parallel_loop3A_305 : i32 to index
          %parallel_loop3A_307 = arith.constant 0 : index
          %parallel_loop3A_308 = tpu.vector_load %arg19[%parallel_loop3A_306, %parallel_loop3A_307] {strides = array<i32>} : memref<160x16xf32, #tpu.memory_space<vmem>>, vector<16xf32>,
          %parallel_loop3A_309 = arith.index_cast %parallel_loop3A_305 : i32 to index
          %parallel_loop3A_310 = arith.constant 0 : index
          %parallel_loop3A_311 = tpu.vector_load %arg8[%parallel_loop3A_309, %parallel_loop3A_310] {strides = array<i32>} : memref<160x128xf32, #tpu.memory_space<vmem>>, vector<16xf32>,
          %parallel_loop3A_312 = arith.mulf %parallel_loop3A_311, %parallel_loop3A_308 : vector<16xf32>
          %parallel_loop3A_313 = arith.index_cast %parallel_loop3A_305 : i32 to index
          %parallel_loop3A_314 = arith.constant 0 : index
          %parallel_loop3A_315 = tpu.vector_load %arg8[%parallel_loop3A_313, %parallel_loop3A_314] {strides = array<i32>} : memref<160x128xf32, #tpu.memory_space<vmem>>, vector<16xf32>,
          tpu.vector_store %arg8[%parallel_loop3A_313, %parallel_loop3A_314], %parallel_loop3A_312 {strides = array<i32>} : memref<160x128xf32, #tpu.memory_space<vmem>>, vector<16xf32>,
          %parallel_loop3A_316 = arith.index_cast %parallel_loop3A_305 : i32 to index
          %parallel_loop3A_317 = arith.constant 16 : index
          %parallel_loop3A_318 = tpu.vector_load %arg8[%parallel_loop3A_316, %parallel_loop3A_317] {strides = array<i32>} : memref<160x128xf32, #tpu.memory_space<vmem>>, vector<16xf32>,
          %parallel_loop3A_319 = arith.mulf %parallel_loop3A_318, %parallel_loop3A_308 : vector<16xf32>
          %parallel_loop3A_320 = arith.index_cast %parallel_loop3A_305 : i32 to index
          %parallel_loop3A_321 = arith.constant 16 : index
          %parallel_loop3A_322 = tpu.vector_load %arg8[%parallel_loop3A_320, %parallel_loop3A_321] {strides = array<i32>} : memref<160x128xf32, #tpu.memory_space<vmem>>, vector<16xf32>,
          tpu.vector_store %arg8[%parallel_loop3A_320, %parallel_loop3A_321], %parallel_loop3A_319 {strides = array<i32>} : memref<160x128xf32, #tpu.memory_space<vmem>>, vector<16xf32>,
          %parallel_loop3A_323 = arith.index_cast %parallel_loop3A_305 : i32 to index
          %parallel_loop3A_324 = arith.constant 32 : index
          %parallel_loop3A_325 = tpu.vector_load %arg8[%parallel_loop3A_323, %parallel_loop3A_324] {strides = array<i32>} : memref<160x128xf32, #tpu.memory_space<vmem>>, vector<16xf32>,
          %parallel_loop3A_326 = arith.mulf %parallel_loop3A_325, %parallel_loop3A_308 : vector<16xf32>
          %parallel_loop3A_327 = arith.index_cast %parallel_loop3A_305 : i32 to index
          %parallel_loop3A_328 = arith.constant 32 : index
          %parallel_loop3A_329 = tpu.vector_load %arg8[%parallel_loop3A_327, %parallel_loop3A_328] {strides = array<i32>} : memref<160x128xf32, #tpu.memory_space<vmem>>, vector<16xf32>,
          tpu.vector_store %arg8[%parallel_loop3A_327, %parallel_loop3A_328], %parallel_loop3A_326 {strides = array<i32>} : memref<160x128xf32, #tpu.memory_space<vmem>>, vector<16xf32>,
          %parallel_loop3A_330 = arith.index_cast %parallel_loop3A_305 : i32 to index
          %parallel_loop3A_331 = arith.constant 48 : index
          %parallel_loop3A_332 = tpu.vector_load %arg8[%parallel_loop3A_330, %parallel_loop3A_331] {strides = array<i32>} : memref<160x128xf32, #tpu.memory_space<vmem>>, vector<16xf32>,
          %parallel_loop3A_333 = arith.mulf %parallel_loop3A_332, %parallel_loop3A_308 : vector<16xf32>
          %parallel_loop3A_334 = arith.index_cast %parallel_loop3A_305 : i32 to index
          %parallel_loop3A_335 = arith.constant 48 : index
          %parallel_loop3A_336 = tpu.vector_load %arg8[%parallel_loop3A_334, %parallel_loop3A_335] {strides = array<i32>} : memref<160x128xf32, #tpu.memory_space<vmem>>, vector<16xf32>,
          tpu.vector_store %arg8[%parallel_loop3A_334, %parallel_loop3A_335], %parallel_loop3A_333 {strides = array<i32>} : memref<160x128xf32, #tpu.memory_space<vmem>>, vector<16xf32>,
          %parallel_loop3A_337 = arith.index_cast %parallel_loop3A_305 : i32 to index
          %parallel_loop3A_338 = arith.constant 64 : index
          %parallel_loop3A_339 = tpu.vector_load %arg8[%parallel_loop3A_337, %parallel_loop3A_338] {strides = array<i32>} : memref<160x128xf32, #tpu.memory_space<vmem>>, vector<16xf32>,
          %parallel_loop3A_340 = arith.mulf %parallel_loop3A_339, %parallel_loop3A_308 : vector<16xf32>
          %parallel_loop3A_341 = arith.index_cast %parallel_loop3A_305 : i32 to index
          %parallel_loop3A_342 = arith.constant 64 : index
          %parallel_loop3A_343 = tpu.vector_load %arg8[%parallel_loop3A_341, %parallel_loop3A_342] {strides = array<i32>} : memref<160x128xf32, #tpu.memory_space<vmem>>, vector<16xf32>,
          tpu.vector_store %arg8[%parallel_loop3A_341, %parallel_loop3A_342], %parallel_loop3A_340 {strides = array<i32>} : memref<160x128xf32, #tpu.memory_space<vmem>>, vector<16xf32>,
          %parallel_loop3A_344 = arith.index_cast %parallel_loop3A_305 : i32 to index
          %parallel_loop3A_345 = arith.constant 80 : index
          %parallel_loop3A_346 = tpu.vector_load %arg8[%parallel_loop3A_344, %parallel_loop3A_345] {strides = array<i32>} : memref<160x128xf32, #tpu.memory_space<vmem>>, vector<16xf32>,
          %parallel_loop3A_347 = arith.mulf %parallel_loop3A_346, %parallel_loop3A_308 : vector<16xf32>
          %parallel_loop3A_348 = arith.index_cast %parallel_loop3A_305 : i32 to index
          %parallel_loop3A_349 = arith.constant 80 : index
          %parallel_loop3A_350 = tpu.vector_load %arg8[%parallel_loop3A_348, %parallel_loop3A_349] {strides = array<i32>} : memref<160x128xf32, #tpu.memory_space<vmem>>, vector<16xf32>,
          tpu.vector_store %arg8[%parallel_loop3A_348, %parallel_loop3A_349], %parallel_loop3A_347 {strides = array<i32>} : memref<160x128xf32, #tpu.memory_space<vmem>>, vector<16xf32>,
          %parallel_loop3A_351 = arith.index_cast %parallel_loop3A_305 : i32 to index
          %parallel_loop3A_352 = arith.constant 96 : index
          %parallel_loop3A_353 = tpu.vector_load %arg8[%parallel_loop3A_351, %parallel_loop3A_352] {strides = array<i32>} : memref<160x128xf32, #tpu.memory_space<vmem>>, vector<16xf32>,
          %parallel_loop3A_354 = arith.mulf %parallel_loop3A_353, %parallel_loop3A_308 : vector<16xf32>
          %parallel_loop3A_355 = arith.index_cast %parallel_loop3A_305 : i32 to index
          %parallel_loop3A_356 = arith.constant 96 : index
          %parallel_loop3A_357 = tpu.vector_load %arg8[%parallel_loop3A_355, %parallel_loop3A_356] {strides = array<i32>} : memref<160x128xf32, #tpu.memory_space<vmem>>, vector<16xf32>,
          tpu.vector_store %arg8[%parallel_loop3A_355, %parallel_loop3A_356], %parallel_loop3A_354 {strides = array<i32>} : memref<160x128xf32, #tpu.memory_space<vmem>>, vector<16xf32>,
          %parallel_loop3A_358 = arith.index_cast %parallel_loop3A_305 : i32 to index
          %parallel_loop3A_359 = arith.constant 112 : index
          %parallel_loop3A_360 = tpu.vector_load %arg8[%parallel_loop3A_358, %parallel_loop3A_359] {strides = array<i32>} : memref<160x128xf32, #tpu.memory_space<vmem>>, vector<16xf32>,
          %parallel_loop3A_361 = arith.mulf %parallel_loop3A_360, %parallel_loop3A_308 : vector<16xf32>
          %parallel_loop3A_362 = arith.index_cast %parallel_loop3A_305 : i32 to index
          %parallel_loop3A_363 = arith.constant 112 : index
          %parallel_loop3A_364 = tpu.vector_load %arg8[%parallel_loop3A_362, %parallel_loop3A_363] {strides = array<i32>} : memref<160x128xf32, #tpu.memory_space<vmem>>, vector<16xf32>,
          tpu.vector_store %arg8[%parallel_loop3A_362, %parallel_loop3A_363], %parallel_loop3A_361 {strides = array<i32>} : memref<160x128xf32, #tpu.memory_space<vmem>>, vector<16xf32>,
        } {sc.loop_unroll_factor = 8 : i64, sc.parallel_access}
        %dma_start3A_285 = arith.constant 0 : i32
        %dma_start3A_286 = arith.constant 0 : i32
        %dma_start3A_287 = arith.constant 0 : i32
        %dma_start3A_288 = tpu.memref_slice %arg8[%dma_start3A_286, %dma_start3A_287] : memref<160x128xf32, #tpu.memory_space<vmem>> -> memref<80x128xf32, #tpu.memory_space<vmem>>
        %dma_start3A_289 = arith.constant 0 : i32
        %dma_start3A_290 = tpu.memref_slice %arg12[%dma_start3A_285, %dma_start3A_289] : memref<2x80xi32, #tpu.memory_space<vmem>> -> memref<1x80xi32, #tpu.memory_space<vmem>>
        %dma_start3A_291 = tpu.memref_squeeze %dma_start3A_290 : memref<1x80xi32, #tpu.memory_space<vmem>> -> memref<80xi32, #tpu.memory_space<vmem>>
        %dma_start3A_292 = arith.constant 0 : i32
        %dma_start3A_293 = arith.constant 0 : i32
        %dma_start3A_294 = tpu.memref_slice %arg29[%dma_start3A_292, %dma_start3A_293] : memref<64x128xf32, #tpu.memory_space<vmem_shared>> -> memref<64x128xf32, #tpu.memory_space<vmem_shared>>
        tpu.enqueue_indirect_dma source(%dma_start3A_288 : memref<80x128xf32, #tpu.memory_space<vmem>>) target(%dma_start3A_294 : memref<64x128xf32, #tpu.memory_space<vmem_shared>>) offsets(%dma_start3A_291 : memref<80xi32, #tpu.memory_space<vmem>>) semaphore(%arg25 : memref<!tpu.dma_semaphore, #tpu.memory_space<semaphore_mem>>) {add = true}
        %dma_start3A_295 = arith.constant 1 : i32
        %dma_start3A_296 = arith.constant 80 : i32
        %dma_start3A_297 = arith.constant 0 : i32
        %dma_start3A_298 = tpu.memref_slice %arg8[%dma_start3A_296, %dma_start3A_297] : memref<160x128xf32, #tpu.memory_space<vmem>> -> memref<80x128xf32, #tpu.memory_space<vmem>>
        %dma_start3A_299 = arith.constant 0 : i32
        %dma_start3A_300 = tpu.memref_slice %arg12[%dma_start3A_295, %dma_start3A_299] : memref<2x80xi32, #tpu.memory_space<vmem>> -> memref<1x80xi32, #tpu.memory_space<vmem>>
        %dma_start3A_301 = tpu.memref_squeeze %dma_start3A_300 : memref<1x80xi32, #tpu.memory_space<vmem>> -> memref<80xi32, #tpu.memory_space<vmem>>
        %dma_start3A_302 = arith.constant 0 : i32
        %dma_start3A_303 = arith.constant 0 : i32
        %dma_start3A_304 = tpu.memref_slice %arg29[%dma_start3A_302, %dma_start3A_303] : memref<64x128xf32, #tpu.memory_space<vmem_shared>> -> memref<64x128xf32, #tpu.memory_space<vmem_shared>>
        tpu.enqueue_indirect_dma source(%dma_start3A_298 : memref<80x128xf32, #tpu.memory_space<vmem>>) target(%dma_start3A_304 : memref<64x128xf32, #tpu.memory_space<vmem_shared>>) offsets(%dma_start3A_301 : memref<80xi32, #tpu.memory_space<vmem>>) semaphore(%arg25 : memref<!tpu.dma_semaphore, #tpu.memory_space<semaphore_mem>>) {add = true}
      } else {
      }
      %mul3A_187 = arith.constant 4 : i32
      %mul3A_188 = arith.muli %scan3A_161, %mul3A_187 : i32
      %add3A_189 = arith.constant 1 : i32
      %add3A_190 = arith.addi %mul3A_188, %add3A_189 : i32
      %mul3A_191 = arith.constant 32 : i32
      %mul3A_192 = arith.muli %add3A_190, %mul3A_191 : i32
      %add3A_193 = arith.addi %add3A, %mul3A_192 : i32
      %add3A_194 = arith.constant 1 : i32
      %add3A_195 = arith.addi %add3A_190, %add3A_194 : i32
      %mul3A_196 = arith.constant 32 : i32
      %mul3A_197 = arith.muli %add3A_195, %mul3A_196 : i32
      %add3A_198 = arith.addi %add3A, %mul3A_197 : i32
      %ge3A_199 = arith.constant 3 : i32
      %ge3A_200 = arith.cmpi sge, %add3A_190, %ge3A_199 : i32
      %lt3A_201 = arith.cmpi slt, %add3A_195, %select_n3A : i32
      %and3A_202 = arith.andi %ge3A_200, %lt3A_201 : i1
      %convert_element_type3A_203 = arith.extui %and3A_202 : i1 to i32
      %cond3A_204 = arith.constant 0 : i32
      %cond3A_205 = arith.cmpi ne, %convert_element_type3A_203, %cond3A_204 : i32
      scf.if %cond3A_205 {
        %dma_wait3A_268 = arith.constant 0 : i32
        %dma_wait3A_269 = arith.constant 0 : i32
        %dma_wait3A_270 = arith.constant 0 : i32
        %dma_wait3A_271 = tpu.memref_slice %arg10[%dma_wait3A_269, %dma_wait3A_270] : memref<160x128xf32, #tpu.memory_space<vmem>> -> memref<80x128xf32, #tpu.memory_space<vmem>>
        %dma_wait3A_272 = arith.constant 0 : i32
        %dma_wait3A_273 = tpu.memref_slice %arg14[%dma_wait3A_268, %dma_wait3A_272] : memref<2x80xi32, #tpu.memory_space<vmem>> -> memref<1x80xi32, #tpu.memory_space<vmem>>
        %dma_wait3A_274 = tpu.memref_squeeze %dma_wait3A_273 : memref<1x80xi32, #tpu.memory_space<vmem>> -> memref<80xi32, #tpu.memory_space<vmem>>
        %dma_wait3A_275 = arith.constant 0 : i32
        %dma_wait3A_276 = arith.constant 0 : i32
        %dma_wait3A_277 = tpu.memref_slice %arg29[%dma_wait3A_275, %dma_wait3A_276] : memref<64x128xf32, #tpu.memory_space<vmem_shared>> -> memref<64x128xf32, #tpu.memory_space<vmem_shared>>
        tpu.wait_indirect_dma semaphore(%arg27 : memref<!tpu.dma_semaphore, #tpu.memory_space<semaphore_mem>>) src(%dma_wait3A_271 : memref<80x128xf32, #tpu.memory_space<vmem>>) dst(%dma_wait3A_277 : memref<64x128xf32, #tpu.memory_space<vmem_shared>>)
        %dma_wait3A_278 = arith.constant 1 : i32
        %dma_wait3A_279 = arith.constant 80 : i32
        %dma_wait3A_280 = arith.constant 0 : i32
        %dma_wait3A_281 = tpu.memref_slice %arg10[%dma_wait3A_279, %dma_wait3A_280] : memref<160x128xf32, #tpu.memory_space<vmem>> -> memref<80x128xf32, #tpu.memory_space<vmem>>
        %dma_wait3A_282 = arith.constant 0 : i32
        %dma_wait3A_283 = tpu.memref_slice %arg14[%dma_wait3A_278, %dma_wait3A_282] : memref<2x80xi32, #tpu.memory_space<vmem>> -> memref<1x80xi32, #tpu.memory_space<vmem>>
        %dma_wait3A_284 = tpu.memref_squeeze %dma_wait3A_283 : memref<1x80xi32, #tpu.memory_space<vmem>> -> memref<80xi32, #tpu.memory_space<vmem>>
        %dma_wait3A_285 = arith.constant 0 : i32
        %dma_wait3A_286 = arith.constant 0 : i32
        %dma_wait3A_287 = tpu.memref_slice %arg29[%dma_wait3A_285, %dma_wait3A_286] : memref<64x128xf32, #tpu.memory_space<vmem_shared>> -> memref<64x128xf32, #tpu.memory_space<vmem_shared>>
        tpu.wait_indirect_dma semaphore(%arg27 : memref<!tpu.dma_semaphore, #tpu.memory_space<semaphore_mem>>) src(%dma_wait3A_281 : memref<80x128xf32, #tpu.memory_space<vmem>>) dst(%dma_wait3A_287 : memref<64x128xf32, #tpu.memory_space<vmem_shared>>)
      } else {
      }
      %lt3A_206 = arith.cmpi slt, %add3A_195, %select_n3A : i32
      %convert_element_type3A_207 = arith.extui %lt3A_206 : i1 to i32
      %cond3A_208 = arith.constant 0 : i32
      %cond3A_209 = arith.cmpi ne, %convert_element_type3A_207, %cond3A_208 : i32
      scf.if %cond3A_209 {
        %mul3A_268 = arith.constant 160 : i32
        %mul3A_269 = arith.muli %add3A_198, %mul3A_268 : i32
        %dma_start3A_270 = arith.constant 0 : i32
        %dma_start3A_271 = tpu.memref_slice %arg2[%mul3A_269, %dma_start3A_270] : memref<100000x128xf32, #tpu.memory_space<hbm>> -> memref<160x128xf32, #tpu.memory_space<hbm>>
        %dma_start3A_272 = arith.constant 0 : i32
        %dma_start3A_273 = tpu.memref_slice %arg2[%mul3A_269, %dma_start3A_272] : memref<100000x128xf32, #tpu.memory_space<hbm>> -> memref<160x128xf32, #tpu.memory_space<hbm>>
        tpu.enqueue_dma source(%dma_start3A_273 : memref<160x128xf32, #tpu.memory_space<hbm>>) target(%arg10 : memref<160x128xf32, #tpu.memory_space<vmem>>) target_semaphore(%arg23 : memref<!tpu.dma_semaphore, #tpu.memory_space<semaphore_mem>>)
        %mul3A_274 = arith.constant 2 : i32
        %mul3A_275 = arith.muli %add3A_198, %mul3A_274 : i32
        %dma_start3A_276 = arith.constant 0 : i32
        %dma_start3A_277 = tpu.memref_slice %arg3[%mul3A_275, %dma_start3A_276] : memref<1250x80xi32, #tpu.memory_space<hbm>> -> memref<2x80xi32, #tpu.memory_space<hbm>>
        %dma_start3A_278 = arith.constant 0 : i32
        %dma_start3A_279 = tpu.memref_slice %arg3[%mul3A_275, %dma_start3A_278] : memref<1250x80xi32, #tpu.memory_space<hbm>> -> memref<2x80xi32, #tpu.memory_space<hbm>>
        tpu.enqueue_dma source(%dma_start3A_279 : memref<2x80xi32, #tpu.memory_space<hbm>>) target(%arg14 : memref<2x80xi32, #tpu.memory_space<vmem>>) target_semaphore(%arg23 : memref<!tpu.dma_semaphore, #tpu.memory_space<semaphore_mem>>)
      } else {
      }
      %lt3A_210 = arith.cmpi slt, %add3A_190, %select_n3A : i32
      %convert_element_type3A_211 = arith.extui %lt3A_210 : i1 to i32
      %cond3A_212 = arith.constant 0 : i32
      %cond3A_213 = arith.cmpi ne, %convert_element_type3A_211, %cond3A_212 : i32
      scf.if %cond3A_213 {
        %mul3A_268 = arith.constant 160 : i32
        %mul3A_269 = arith.muli %add3A_193, %mul3A_268 : i32
        %dma_wait3A_270 = arith.constant 0 : i32
        %dma_wait3A_271 = tpu.memref_slice %arg2[%mul3A_269, %dma_wait3A_270] : memref<100000x128xf32, #tpu.memory_space<hbm>> -> memref<160x128xf32, #tpu.memory_space<hbm>>
        %dma_wait3A_272 = arith.constant 0 : i32
        %dma_wait3A_273 = tpu.memref_slice %arg2[%mul3A_269, %dma_wait3A_272] : memref<100000x128xf32, #tpu.memory_space<hbm>> -> memref<160x128xf32, #tpu.memory_space<hbm>>
        tpu.wait_dma2 semaphore(%arg22 : memref<!tpu.dma_semaphore, #tpu.memory_space<semaphore_mem>>) src(%dma_wait3A_273 : memref<160x128xf32, #tpu.memory_space<hbm>>) dst(%arg9 : memref<160x128xf32, #tpu.memory_space<vmem>>)
        %mul3A_274 = arith.constant 2 : i32
        %mul3A_275 = arith.muli %add3A_193, %mul3A_274 : i32
        %dma_wait3A_276 = arith.constant 0 : i32
        %dma_wait3A_277 = tpu.memref_slice %arg3[%mul3A_275, %dma_wait3A_276] : memref<1250x80xi32, #tpu.memory_space<hbm>> -> memref<2x80xi32, #tpu.memory_space<hbm>>
        %dma_wait3A_278 = arith.constant 0 : i32
        %dma_wait3A_279 = tpu.memref_slice %arg3[%mul3A_275, %dma_wait3A_278] : memref<1250x80xi32, #tpu.memory_space<hbm>> -> memref<2x80xi32, #tpu.memory_space<hbm>>
        tpu.wait_dma2 semaphore(%arg22 : memref<!tpu.dma_semaphore, #tpu.memory_space<semaphore_mem>>) src(%dma_wait3A_279 : memref<2x80xi32, #tpu.memory_space<hbm>>) dst(%arg13 : memref<2x80xi32, #tpu.memory_space<vmem>>)
        %parallel_loop3A = arith.constant 0 : i32
        %parallel_loop3A_280 = arith.constant 160 : i32
        %parallel_loop3A_281 = arith.constant 1 : i32
        scf.for %parallel_loop3A_305 = %parallel_loop3A to %parallel_loop3A_280 step %parallel_loop3A_281  : i32 {
          %parallel_loop3A_306 = arith.index_cast %parallel_loop3A_305 : i32 to index
          %parallel_loop3A_307 = arith.constant 0 : index
          %parallel_loop3A_308 = tpu.vector_load %arg9[%parallel_loop3A_306, %parallel_loop3A_307] {strides = array<i32>} : memref<160x128xf32, #tpu.memory_space<vmem>>, vector<16xf32>,
          %parallel_loop3A_309 = arith.mulf %parallel_loop3A_308, %get3A_3 : vector<16xf32>
          %parallel_loop3A_310 = arith.mulf %parallel_loop3A_308, %get3A_19 : vector<16xf32>
          %parallel_loop3A_311 = arith.index_cast %parallel_loop3A_305 : i32 to index
          %parallel_loop3A_312 = arith.constant 16 : index
          %parallel_loop3A_313 = tpu.vector_load %arg9[%parallel_loop3A_311, %parallel_loop3A_312] {strides = array<i32>} : memref<160x128xf32, #tpu.memory_space<vmem>>, vector<16xf32>,
          %parallel_loop3A_314 = arith.mulf %parallel_loop3A_313, %get3A_5 : vector<16xf32>
          %parallel_loop3A_315 = arith.addf %parallel_loop3A_309, %parallel_loop3A_314 : vector<16xf32>
          %parallel_loop3A_316 = arith.mulf %parallel_loop3A_313, %get3A_21 : vector<16xf32>
          %parallel_loop3A_317 = arith.addf %parallel_loop3A_310, %parallel_loop3A_316 : vector<16xf32>
          %parallel_loop3A_318 = arith.index_cast %parallel_loop3A_305 : i32 to index
          %parallel_loop3A_319 = arith.constant 32 : index
          %parallel_loop3A_320 = tpu.vector_load %arg9[%parallel_loop3A_318, %parallel_loop3A_319] {strides = array<i32>} : memref<160x128xf32, #tpu.memory_space<vmem>>, vector<16xf32>,
          %parallel_loop3A_321 = arith.mulf %parallel_loop3A_320, %get3A_7 : vector<16xf32>
          %parallel_loop3A_322 = arith.addf %parallel_loop3A_315, %parallel_loop3A_321 : vector<16xf32>
          %parallel_loop3A_323 = arith.mulf %parallel_loop3A_320, %get3A_23 : vector<16xf32>
          %parallel_loop3A_324 = arith.addf %parallel_loop3A_317, %parallel_loop3A_323 : vector<16xf32>
          %parallel_loop3A_325 = arith.index_cast %parallel_loop3A_305 : i32 to index
          %parallel_loop3A_326 = arith.constant 48 : index
          %parallel_loop3A_327 = tpu.vector_load %arg9[%parallel_loop3A_325, %parallel_loop3A_326] {strides = array<i32>} : memref<160x128xf32, #tpu.memory_space<vmem>>, vector<16xf32>,
          %parallel_loop3A_328 = arith.mulf %parallel_loop3A_327, %get3A_9 : vector<16xf32>
          %parallel_loop3A_329 = arith.addf %parallel_loop3A_322, %parallel_loop3A_328 : vector<16xf32>
          %parallel_loop3A_330 = arith.mulf %parallel_loop3A_327, %get3A_25 : vector<16xf32>
          %parallel_loop3A_331 = arith.addf %parallel_loop3A_324, %parallel_loop3A_330 : vector<16xf32>
          %parallel_loop3A_332 = arith.index_cast %parallel_loop3A_305 : i32 to index
          %parallel_loop3A_333 = arith.constant 64 : index
          %parallel_loop3A_334 = tpu.vector_load %arg9[%parallel_loop3A_332, %parallel_loop3A_333] {strides = array<i32>} : memref<160x128xf32, #tpu.memory_space<vmem>>, vector<16xf32>,
          %parallel_loop3A_335 = arith.mulf %parallel_loop3A_334, %get3A_11 : vector<16xf32>
          %parallel_loop3A_336 = arith.addf %parallel_loop3A_329, %parallel_loop3A_335 : vector<16xf32>
          %parallel_loop3A_337 = arith.mulf %parallel_loop3A_334, %get3A_27 : vector<16xf32>
          %parallel_loop3A_338 = arith.addf %parallel_loop3A_331, %parallel_loop3A_337 : vector<16xf32>
          %parallel_loop3A_339 = arith.index_cast %parallel_loop3A_305 : i32 to index
          %parallel_loop3A_340 = arith.constant 80 : index
          %parallel_loop3A_341 = tpu.vector_load %arg9[%parallel_loop3A_339, %parallel_loop3A_340] {strides = array<i32>} : memref<160x128xf32, #tpu.memory_space<vmem>>, vector<16xf32>,
          %parallel_loop3A_342 = arith.mulf %parallel_loop3A_341, %get3A_13 : vector<16xf32>
          %parallel_loop3A_343 = arith.addf %parallel_loop3A_336, %parallel_loop3A_342 : vector<16xf32>
          %parallel_loop3A_344 = arith.mulf %parallel_loop3A_341, %get3A_29 : vector<16xf32>
          %parallel_loop3A_345 = arith.addf %parallel_loop3A_338, %parallel_loop3A_344 : vector<16xf32>
          %parallel_loop3A_346 = arith.index_cast %parallel_loop3A_305 : i32 to index
          %parallel_loop3A_347 = arith.constant 96 : index
          %parallel_loop3A_348 = tpu.vector_load %arg9[%parallel_loop3A_346, %parallel_loop3A_347] {strides = array<i32>} : memref<160x128xf32, #tpu.memory_space<vmem>>, vector<16xf32>,
          %parallel_loop3A_349 = arith.mulf %parallel_loop3A_348, %get3A_15 : vector<16xf32>
          %parallel_loop3A_350 = arith.addf %parallel_loop3A_343, %parallel_loop3A_349 : vector<16xf32>
          %parallel_loop3A_351 = arith.mulf %parallel_loop3A_348, %get3A_31 : vector<16xf32>
          %parallel_loop3A_352 = arith.addf %parallel_loop3A_345, %parallel_loop3A_351 : vector<16xf32>
          %parallel_loop3A_353 = arith.index_cast %parallel_loop3A_305 : i32 to index
          %parallel_loop3A_354 = arith.constant 112 : index
          %parallel_loop3A_355 = tpu.vector_load %arg9[%parallel_loop3A_353, %parallel_loop3A_354] {strides = array<i32>} : memref<160x128xf32, #tpu.memory_space<vmem>>, vector<16xf32>,
          %parallel_loop3A_356 = arith.mulf %parallel_loop3A_355, %get3A_17 : vector<16xf32>
          %parallel_loop3A_357 = arith.addf %parallel_loop3A_350, %parallel_loop3A_356 : vector<16xf32>
          %parallel_loop3A_358 = arith.mulf %parallel_loop3A_355, %get3A_33 : vector<16xf32>
          %parallel_loop3A_359 = arith.addf %parallel_loop3A_352, %parallel_loop3A_358 : vector<16xf32>
          %parallel_loop3A_360 = arith.constant true
          %parallel_loop3A_361 = vector.broadcast %parallel_loop3A_360 : i1 to vector<16xi1>
          %parallel_loop3A_362 = tpu.scan <sum>, %parallel_loop3A_357 masked %parallel_loop3A_361 : vector<16xf32>, vector<16xi1> -> vector<16xf32>
          %parallel_loop3A_363 = vector.extract %parallel_loop3A_362[15] : f32 from vector<16xf32>
          %parallel_loop3A_364 = arith.addf %parallel_loop3A_363, %squeeze3A : f32
          %parallel_loop3A_365 = arith.constant true
          %parallel_loop3A_366 = vector.broadcast %parallel_loop3A_365 : i1 to vector<16xi1>
          %parallel_loop3A_367 = tpu.scan <sum>, %parallel_loop3A_359 masked %parallel_loop3A_366 : vector<16xf32>, vector<16xi1> -> vector<16xf32>
          %parallel_loop3A_368 = vector.extract %parallel_loop3A_367[15] : f32 from vector<16xf32>
          %parallel_loop3A_369 = arith.addf %parallel_loop3A_368, %squeeze3A_37 : f32
          %parallel_loop3A_370 = vector.broadcast %parallel_loop3A_364 : f32 to vector<16xf32>
          %parallel_loop3A_371 = vector.broadcast %parallel_loop3A_369 : f32 to vector<16xf32>
          %parallel_loop3A_372 = arith.constant 0.000000e+00 : f32
          %parallel_loop3A_373 = vector.broadcast %parallel_loop3A_372 : f32 to vector<16xf32>
          %parallel_loop3A_374 = arith.subf %parallel_loop3A_373, %parallel_loop3A_371 : vector<16xf32>
          %parallel_loop3A_375 = math.exp %parallel_loop3A_374 : vector<16xf32>
          %parallel_loop3A_376 = arith.constant 1.000000e+00 : f32
          %parallel_loop3A_377 = vector.broadcast %parallel_loop3A_376 : f32 to vector<16xf32>
          %parallel_loop3A_378 = arith.addf %parallel_loop3A_377, %parallel_loop3A_375 : vector<16xf32>
          %parallel_loop3A_379 = arith.divf %parallel_loop3A_370, %parallel_loop3A_378 : vector<16xf32>
          %parallel_loop3A_380 = arith.index_cast %parallel_loop3A_305 : i32 to index
          %parallel_loop3A_381 = arith.constant 0 : index
          %parallel_loop3A_382 = tpu.vector_load %arg19[%parallel_loop3A_380, %parallel_loop3A_381] {strides = array<i32>} : memref<160x16xf32, #tpu.memory_space<vmem>>, vector<16xf32>,
          tpu.vector_store %arg19[%parallel_loop3A_380, %parallel_loop3A_381], %parallel_loop3A_379 {strides = array<i32>} : memref<160x16xf32, #tpu.memory_space<vmem>>, vector<16xf32>,
        } {sc.loop_unroll_factor = 8 : i64, sc.parallel_access}
        %parallel_loop3A_282 = arith.constant 0 : i32
        %parallel_loop3A_283 = arith.constant 160 : i32
        %parallel_loop3A_284 = arith.constant 1 : i32
        scf.for %parallel_loop3A_305 = %parallel_loop3A_282 to %parallel_loop3A_283 step %parallel_loop3A_284  : i32 {
          %parallel_loop3A_306 = arith.index_cast %parallel_loop3A_305 : i32 to index
          %parallel_loop3A_307 = arith.constant 0 : index
          %parallel_loop3A_308 = tpu.vector_load %arg19[%parallel_loop3A_306, %parallel_loop3A_307] {strides = array<i32>} : memref<160x16xf32, #tpu.memory_space<vmem>>, vector<16xf32>,
          %parallel_loop3A_309 = arith.index_cast %parallel_loop3A_305 : i32 to index
          %parallel_loop3A_310 = arith.constant 0 : index
          %parallel_loop3A_311 = tpu.vector_load %arg9[%parallel_loop3A_309, %parallel_loop3A_310] {strides = array<i32>} : memref<160x128xf32, #tpu.memory_space<vmem>>, vector<16xf32>,
          %parallel_loop3A_312 = arith.mulf %parallel_loop3A_311, %parallel_loop3A_308 : vector<16xf32>
          %parallel_loop3A_313 = arith.index_cast %parallel_loop3A_305 : i32 to index
          %parallel_loop3A_314 = arith.constant 0 : index
          %parallel_loop3A_315 = tpu.vector_load %arg9[%parallel_loop3A_313, %parallel_loop3A_314] {strides = array<i32>} : memref<160x128xf32, #tpu.memory_space<vmem>>, vector<16xf32>,
          tpu.vector_store %arg9[%parallel_loop3A_313, %parallel_loop3A_314], %parallel_loop3A_312 {strides = array<i32>} : memref<160x128xf32, #tpu.memory_space<vmem>>, vector<16xf32>,
          %parallel_loop3A_316 = arith.index_cast %parallel_loop3A_305 : i32 to index
          %parallel_loop3A_317 = arith.constant 16 : index
          %parallel_loop3A_318 = tpu.vector_load %arg9[%parallel_loop3A_316, %parallel_loop3A_317] {strides = array<i32>} : memref<160x128xf32, #tpu.memory_space<vmem>>, vector<16xf32>,
          %parallel_loop3A_319 = arith.mulf %parallel_loop3A_318, %parallel_loop3A_308 : vector<16xf32>
          %parallel_loop3A_320 = arith.index_cast %parallel_loop3A_305 : i32 to index
          %parallel_loop3A_321 = arith.constant 16 : index
          %parallel_loop3A_322 = tpu.vector_load %arg9[%parallel_loop3A_320, %parallel_loop3A_321] {strides = array<i32>} : memref<160x128xf32, #tpu.memory_space<vmem>>, vector<16xf32>,
          tpu.vector_store %arg9[%parallel_loop3A_320, %parallel_loop3A_321], %parallel_loop3A_319 {strides = array<i32>} : memref<160x128xf32, #tpu.memory_space<vmem>>, vector<16xf32>,
          %parallel_loop3A_323 = arith.index_cast %parallel_loop3A_305 : i32 to index
          %parallel_loop3A_324 = arith.constant 32 : index
          %parallel_loop3A_325 = tpu.vector_load %arg9[%parallel_loop3A_323, %parallel_loop3A_324] {strides = array<i32>} : memref<160x128xf32, #tpu.memory_space<vmem>>, vector<16xf32>,
          %parallel_loop3A_326 = arith.mulf %parallel_loop3A_325, %parallel_loop3A_308 : vector<16xf32>
          %parallel_loop3A_327 = arith.index_cast %parallel_loop3A_305 : i32 to index
          %parallel_loop3A_328 = arith.constant 32 : index
          %parallel_loop3A_329 = tpu.vector_load %arg9[%parallel_loop3A_327, %parallel_loop3A_328] {strides = array<i32>} : memref<160x128xf32, #tpu.memory_space<vmem>>, vector<16xf32>,
          tpu.vector_store %arg9[%parallel_loop3A_327, %parallel_loop3A_328], %parallel_loop3A_326 {strides = array<i32>} : memref<160x128xf32, #tpu.memory_space<vmem>>, vector<16xf32>,
          %parallel_loop3A_330 = arith.index_cast %parallel_loop3A_305 : i32 to index
          %parallel_loop3A_331 = arith.constant 48 : index
          %parallel_loop3A_332 = tpu.vector_load %arg9[%parallel_loop3A_330, %parallel_loop3A_331] {strides = array<i32>} : memref<160x128xf32, #tpu.memory_space<vmem>>, vector<16xf32>,
          %parallel_loop3A_333 = arith.mulf %parallel_loop3A_332, %parallel_loop3A_308 : vector<16xf32>
          %parallel_loop3A_334 = arith.index_cast %parallel_loop3A_305 : i32 to index
          %parallel_loop3A_335 = arith.constant 48 : index
          %parallel_loop3A_336 = tpu.vector_load %arg9[%parallel_loop3A_334, %parallel_loop3A_335] {strides = array<i32>} : memref<160x128xf32, #tpu.memory_space<vmem>>, vector<16xf32>,
          tpu.vector_store %arg9[%parallel_loop3A_334, %parallel_loop3A_335], %parallel_loop3A_333 {strides = array<i32>} : memref<160x128xf32, #tpu.memory_space<vmem>>, vector<16xf32>,
          %parallel_loop3A_337 = arith.index_cast %parallel_loop3A_305 : i32 to index
          %parallel_loop3A_338 = arith.constant 64 : index
          %parallel_loop3A_339 = tpu.vector_load %arg9[%parallel_loop3A_337, %parallel_loop3A_338] {strides = array<i32>} : memref<160x128xf32, #tpu.memory_space<vmem>>, vector<16xf32>,
          %parallel_loop3A_340 = arith.mulf %parallel_loop3A_339, %parallel_loop3A_308 : vector<16xf32>
          %parallel_loop3A_341 = arith.index_cast %parallel_loop3A_305 : i32 to index
          %parallel_loop3A_342 = arith.constant 64 : index
          %parallel_loop3A_343 = tpu.vector_load %arg9[%parallel_loop3A_341, %parallel_loop3A_342] {strides = array<i32>} : memref<160x128xf32, #tpu.memory_space<vmem>>, vector<16xf32>,
          tpu.vector_store %arg9[%parallel_loop3A_341, %parallel_loop3A_342], %parallel_loop3A_340 {strides = array<i32>} : memref<160x128xf32, #tpu.memory_space<vmem>>, vector<16xf32>,
          %parallel_loop3A_344 = arith.index_cast %parallel_loop3A_305 : i32 to index
          %parallel_loop3A_345 = arith.constant 80 : index
          %parallel_loop3A_346 = tpu.vector_load %arg9[%parallel_loop3A_344, %parallel_loop3A_345] {strides = array<i32>} : memref<160x128xf32, #tpu.memory_space<vmem>>, vector<16xf32>,
          %parallel_loop3A_347 = arith.mulf %parallel_loop3A_346, %parallel_loop3A_308 : vector<16xf32>
          %parallel_loop3A_348 = arith.index_cast %parallel_loop3A_305 : i32 to index
          %parallel_loop3A_349 = arith.constant 80 : index
          %parallel_loop3A_350 = tpu.vector_load %arg9[%parallel_loop3A_348, %parallel_loop3A_349] {strides = array<i32>} : memref<160x128xf32, #tpu.memory_space<vmem>>, vector<16xf32>,
          tpu.vector_store %arg9[%parallel_loop3A_348, %parallel_loop3A_349], %parallel_loop3A_347 {strides = array<i32>} : memref<160x128xf32, #tpu.memory_space<vmem>>, vector<16xf32>,
          %parallel_loop3A_351 = arith.index_cast %parallel_loop3A_305 : i32 to index
          %parallel_loop3A_352 = arith.constant 96 : index
          %parallel_loop3A_353 = tpu.vector_load %arg9[%parallel_loop3A_351, %parallel_loop3A_352] {strides = array<i32>} : memref<160x128xf32, #tpu.memory_space<vmem>>, vector<16xf32>,
          %parallel_loop3A_354 = arith.mulf %parallel_loop3A_353, %parallel_loop3A_308 : vector<16xf32>
          %parallel_loop3A_355 = arith.index_cast %parallel_loop3A_305 : i32 to index
          %parallel_loop3A_356 = arith.constant 96 : index
          %parallel_loop3A_357 = tpu.vector_load %arg9[%parallel_loop3A_355, %parallel_loop3A_356] {strides = array<i32>} : memref<160x128xf32, #tpu.memory_space<vmem>>, vector<16xf32>,
          tpu.vector_store %arg9[%parallel_loop3A_355, %parallel_loop3A_356], %parallel_loop3A_354 {strides = array<i32>} : memref<160x128xf32, #tpu.memory_space<vmem>>, vector<16xf32>,
          %parallel_loop3A_358 = arith.index_cast %parallel_loop3A_305 : i32 to index
          %parallel_loop3A_359 = arith.constant 112 : index
          %parallel_loop3A_360 = tpu.vector_load %arg9[%parallel_loop3A_358, %parallel_loop3A_359] {strides = array<i32>} : memref<160x128xf32, #tpu.memory_space<vmem>>, vector<16xf32>,
          %parallel_loop3A_361 = arith.mulf %parallel_loop3A_360, %parallel_loop3A_308 : vector<16xf32>
          %parallel_loop3A_362 = arith.index_cast %parallel_loop3A_305 : i32 to index
          %parallel_loop3A_363 = arith.constant 112 : index
          %parallel_loop3A_364 = tpu.vector_load %arg9[%parallel_loop3A_362, %parallel_loop3A_363] {strides = array<i32>} : memref<160x128xf32, #tpu.memory_space<vmem>>, vector<16xf32>,
          tpu.vector_store %arg9[%parallel_loop3A_362, %parallel_loop3A_363], %parallel_loop3A_361 {strides = array<i32>} : memref<160x128xf32, #tpu.memory_space<vmem>>, vector<16xf32>,
        } {sc.loop_unroll_factor = 8 : i64, sc.parallel_access}
        %dma_start3A_285 = arith.constant 0 : i32
        %dma_start3A_286 = arith.constant 0 : i32
        %dma_start3A_287 = arith.constant 0 : i32
        %dma_start3A_288 = tpu.memref_slice %arg9[%dma_start3A_286, %dma_start3A_287] : memref<160x128xf32, #tpu.memory_space<vmem>> -> memref<80x128xf32, #tpu.memory_space<vmem>>
        %dma_start3A_289 = arith.constant 0 : i32
        %dma_start3A_290 = tpu.memref_slice %arg13[%dma_start3A_285, %dma_start3A_289] : memref<2x80xi32, #tpu.memory_space<vmem>> -> memref<1x80xi32, #tpu.memory_space<vmem>>
        %dma_start3A_291 = tpu.memref_squeeze %dma_start3A_290 : memref<1x80xi32, #tpu.memory_space<vmem>> -> memref<80xi32, #tpu.memory_space<vmem>>
        %dma_start3A_292 = arith.constant 0 : i32
        %dma_start3A_293 = arith.constant 0 : i32
        %dma_start3A_294 = tpu.memref_slice %arg29[%dma_start3A_292, %dma_start3A_293] : memref<64x128xf32, #tpu.memory_space<vmem_shared>> -> memref<64x128xf32, #tpu.memory_space<vmem_shared>>
        tpu.enqueue_indirect_dma source(%dma_start3A_288 : memref<80x128xf32, #tpu.memory_space<vmem>>) target(%dma_start3A_294 : memref<64x128xf32, #tpu.memory_space<vmem_shared>>) offsets(%dma_start3A_291 : memref<80xi32, #tpu.memory_space<vmem>>) semaphore(%arg26 : memref<!tpu.dma_semaphore, #tpu.memory_space<semaphore_mem>>) {add = true}
        %dma_start3A_295 = arith.constant 1 : i32
        %dma_start3A_296 = arith.constant 80 : i32
        %dma_start3A_297 = arith.constant 0 : i32
        %dma_start3A_298 = tpu.memref_slice %arg9[%dma_start3A_296, %dma_start3A_297] : memref<160x128xf32, #tpu.memory_space<vmem>> -> memref<80x128xf32, #tpu.memory_space<vmem>>
        %dma_start3A_299 = arith.constant 0 : i32
        %dma_start3A_300 = tpu.memref_slice %arg13[%dma_start3A_295, %dma_start3A_299] : memref<2x80xi32, #tpu.memory_space<vmem>> -> memref<1x80xi32, #tpu.memory_space<vmem>>
        %dma_start3A_301 = tpu.memref_squeeze %dma_start3A_300 : memref<1x80xi32, #tpu.memory_space<vmem>> -> memref<80xi32, #tpu.memory_space<vmem>>
        %dma_start3A_302 = arith.constant 0 : i32
        %dma_start3A_303 = arith.constant 0 : i32
        %dma_start3A_304 = tpu.memref_slice %arg29[%dma_start3A_302, %dma_start3A_303] : memref<64x128xf32, #tpu.memory_space<vmem_shared>> -> memref<64x128xf32, #tpu.memory_space<vmem_shared>>
        tpu.enqueue_indirect_dma source(%dma_start3A_298 : memref<80x128xf32, #tpu.memory_space<vmem>>) target(%dma_start3A_304 : memref<64x128xf32, #tpu.memory_space<vmem_shared>>) offsets(%dma_start3A_301 : memref<80xi32, #tpu.memory_space<vmem>>) semaphore(%arg26 : memref<!tpu.dma_semaphore, #tpu.memory_space<semaphore_mem>>) {add = true}
      } else {
      }
      %mul3A_214 = arith.constant 4 : i32
      %mul3A_215 = arith.muli %scan3A_161, %mul3A_214 : i32
      %add3A_216 = arith.constant 2 : i32
      %add3A_217 = arith.addi %mul3A_215, %add3A_216 : i32
      %mul3A_218 = arith.constant 32 : i32
      %mul3A_219 = arith.muli %add3A_217, %mul3A_218 : i32
      %add3A_220 = arith.addi %add3A, %mul3A_219 : i32
      %add3A_221 = arith.constant 1 : i32
      %add3A_222 = arith.addi %add3A_217, %add3A_221 : i32
      %mul3A_223 = arith.constant 32 : i32
      %mul3A_224 = arith.muli %add3A_222, %mul3A_223 : i32
      %add3A_225 = arith.addi %add3A, %mul3A_224 : i32
      %ge3A_226 = arith.constant 3 : i32
      %ge3A_227 = arith.cmpi sge, %add3A_217, %ge3A_226 : i32
      %lt3A_228 = arith.cmpi slt, %add3A_222, %select_n3A : i32
      %and3A_229 = arith.andi %ge3A_227, %lt3A_228 : i1
      %convert_element_type3A_230 = arith.extui %and3A_229 : i1 to i32
      %cond3A_231 = arith.constant 0 : i32
      %cond3A_232 = arith.cmpi ne, %convert_element_type3A_230, %cond3A_231 : i32
      scf.if %cond3A_232 {
        %dma_wait3A_268 = arith.constant 0 : i32
        %dma_wait3A_269 = arith.constant 0 : i32
        %dma_wait3A_270 = arith.constant 0 : i32
        %dma_wait3A_271 = tpu.memref_slice %arg11[%dma_wait3A_269, %dma_wait3A_270] : memref<160x128xf32, #tpu.memory_space<vmem>> -> memref<80x128xf32, #tpu.memory_space<vmem>>
        %dma_wait3A_272 = arith.constant 0 : i32
        %dma_wait3A_273 = tpu.memref_slice %arg15[%dma_wait3A_268, %dma_wait3A_272] : memref<2x80xi32, #tpu.memory_space<vmem>> -> memref<1x80xi32, #tpu.memory_space<vmem>>
        %dma_wait3A_274 = tpu.memref_squeeze %dma_wait3A_273 : memref<1x80xi32, #tpu.memory_space<vmem>> -> memref<80xi32, #tpu.memory_space<vmem>>
        %dma_wait3A_275 = arith.constant 0 : i32
        %dma_wait3A_276 = arith.constant 0 : i32
        %dma_wait3A_277 = tpu.memref_slice %arg29[%dma_wait3A_275, %dma_wait3A_276] : memref<64x128xf32, #tpu.memory_space<vmem_shared>> -> memref<64x128xf32, #tpu.memory_space<vmem_shared>>
        tpu.wait_indirect_dma semaphore(%arg28 : memref<!tpu.dma_semaphore, #tpu.memory_space<semaphore_mem>>) src(%dma_wait3A_271 : memref<80x128xf32, #tpu.memory_space<vmem>>) dst(%dma_wait3A_277 : memref<64x128xf32, #tpu.memory_space<vmem_shared>>)
        %dma_wait3A_278 = arith.constant 1 : i32
        %dma_wait3A_279 = arith.constant 80 : i32
        %dma_wait3A_280 = arith.constant 0 : i32
        %dma_wait3A_281 = tpu.memref_slice %arg11[%dma_wait3A_279, %dma_wait3A_280] : memref<160x128xf32, #tpu.memory_space<vmem>> -> memref<80x128xf32, #tpu.memory_space<vmem>>
        %dma_wait3A_282 = arith.constant 0 : i32
        %dma_wait3A_283 = tpu.memref_slice %arg15[%dma_wait3A_278, %dma_wait3A_282] : memref<2x80xi32, #tpu.memory_space<vmem>> -> memref<1x80xi32, #tpu.memory_space<vmem>>
        %dma_wait3A_284 = tpu.memref_squeeze %dma_wait3A_283 : memref<1x80xi32, #tpu.memory_space<vmem>> -> memref<80xi32, #tpu.memory_space<vmem>>
        %dma_wait3A_285 = arith.constant 0 : i32
        %dma_wait3A_286 = arith.constant 0 : i32
        %dma_wait3A_287 = tpu.memref_slice %arg29[%dma_wait3A_285, %dma_wait3A_286] : memref<64x128xf32, #tpu.memory_space<vmem_shared>> -> memref<64x128xf32, #tpu.memory_space<vmem_shared>>
        tpu.wait_indirect_dma semaphore(%arg28 : memref<!tpu.dma_semaphore, #tpu.memory_space<semaphore_mem>>) src(%dma_wait3A_281 : memref<80x128xf32, #tpu.memory_space<vmem>>) dst(%dma_wait3A_287 : memref<64x128xf32, #tpu.memory_space<vmem_shared>>)
      } else {
      }
      %lt3A_233 = arith.cmpi slt, %add3A_222, %select_n3A : i32
      %convert_element_type3A_234 = arith.extui %lt3A_233 : i1 to i32
      %cond3A_235 = arith.constant 0 : i32
      %cond3A_236 = arith.cmpi ne, %convert_element_type3A_234, %cond3A_235 : i32
      scf.if %cond3A_236 {
        %mul3A_268 = arith.constant 160 : i32
        %mul3A_269 = arith.muli %add3A_225, %mul3A_268 : i32
        %dma_start3A_270 = arith.constant 0 : i32
        %dma_start3A_271 = tpu.memref_slice %arg2[%mul3A_269, %dma_start3A_270] : memref<100000x128xf32, #tpu.memory_space<hbm>> -> memref<160x128xf32, #tpu.memory_space<hbm>>
        %dma_start3A_272 = arith.constant 0 : i32
        %dma_start3A_273 = tpu.memref_slice %arg2[%mul3A_269, %dma_start3A_272] : memref<100000x128xf32, #tpu.memory_space<hbm>> -> memref<160x128xf32, #tpu.memory_space<hbm>>
        tpu.enqueue_dma source(%dma_start3A_273 : memref<160x128xf32, #tpu.memory_space<hbm>>) target(%arg11 : memref<160x128xf32, #tpu.memory_space<vmem>>) target_semaphore(%arg24 : memref<!tpu.dma_semaphore, #tpu.memory_space<semaphore_mem>>)
        %mul3A_274 = arith.constant 2 : i32
        %mul3A_275 = arith.muli %add3A_225, %mul3A_274 : i32
        %dma_start3A_276 = arith.constant 0 : i32
        %dma_start3A_277 = tpu.memref_slice %arg3[%mul3A_275, %dma_start3A_276] : memref<1250x80xi32, #tpu.memory_space<hbm>> -> memref<2x80xi32, #tpu.memory_space<hbm>>
        %dma_start3A_278 = arith.constant 0 : i32
        %dma_start3A_279 = tpu.memref_slice %arg3[%mul3A_275, %dma_start3A_278] : memref<1250x80xi32, #tpu.memory_space<hbm>> -> memref<2x80xi32, #tpu.memory_space<hbm>>
        tpu.enqueue_dma source(%dma_start3A_279 : memref<2x80xi32, #tpu.memory_space<hbm>>) target(%arg15 : memref<2x80xi32, #tpu.memory_space<vmem>>) target_semaphore(%arg24 : memref<!tpu.dma_semaphore, #tpu.memory_space<semaphore_mem>>)
      } else {
      }
      %lt3A_237 = arith.cmpi slt, %add3A_217, %select_n3A : i32
      %convert_element_type3A_238 = arith.extui %lt3A_237 : i1 to i32
      %cond3A_239 = arith.constant 0 : i32
      %cond3A_240 = arith.cmpi ne, %convert_element_type3A_238, %cond3A_239 : i32
      scf.if %cond3A_240 {
        %mul3A_268 = arith.constant 160 : i32
        %mul3A_269 = arith.muli %add3A_220, %mul3A_268 : i32
        %dma_wait3A_270 = arith.constant 0 : i32
        %dma_wait3A_271 = tpu.memref_slice %arg2[%mul3A_269, %dma_wait3A_270] : memref<100000x128xf32, #tpu.memory_space<hbm>> -> memref<160x128xf32, #tpu.memory_space<hbm>>
        %dma_wait3A_272 = arith.constant 0 : i32
        %dma_wait3A_273 = tpu.memref_slice %arg2[%mul3A_269, %dma_wait3A_272] : memref<100000x128xf32, #tpu.memory_space<hbm>> -> memref<160x128xf32, #tpu.memory_space<hbm>>
        tpu.wait_dma2 semaphore(%arg23 : memref<!tpu.dma_semaphore, #tpu.memory_space<semaphore_mem>>) src(%dma_wait3A_273 : memref<160x128xf32, #tpu.memory_space<hbm>>) dst(%arg10 : memref<160x128xf32, #tpu.memory_space<vmem>>)
        %mul3A_274 = arith.constant 2 : i32
        %mul3A_275 = arith.muli %add3A_220, %mul3A_274 : i32
        %dma_wait3A_276 = arith.constant 0 : i32
        %dma_wait3A_277 = tpu.memref_slice %arg3[%mul3A_275, %dma_wait3A_276] : memref<1250x80xi32, #tpu.memory_space<hbm>> -> memref<2x80xi32, #tpu.memory_space<hbm>>
        %dma_wait3A_278 = arith.constant 0 : i32
        %dma_wait3A_279 = tpu.memref_slice %arg3[%mul3A_275, %dma_wait3A_278] : memref<1250x80xi32, #tpu.memory_space<hbm>> -> memref<2x80xi32, #tpu.memory_space<hbm>>
        tpu.wait_dma2 semaphore(%arg23 : memref<!tpu.dma_semaphore, #tpu.memory_space<semaphore_mem>>) src(%dma_wait3A_279 : memref<2x80xi32, #tpu.memory_space<hbm>>) dst(%arg14 : memref<2x80xi32, #tpu.memory_space<vmem>>)
        %parallel_loop3A = arith.constant 0 : i32
        %parallel_loop3A_280 = arith.constant 160 : i32
        %parallel_loop3A_281 = arith.constant 1 : i32
        scf.for %parallel_loop3A_305 = %parallel_loop3A to %parallel_loop3A_280 step %parallel_loop3A_281  : i32 {
          %parallel_loop3A_306 = arith.index_cast %parallel_loop3A_305 : i32 to index
          %parallel_loop3A_307 = arith.constant 0 : index
          %parallel_loop3A_308 = tpu.vector_load %arg10[%parallel_loop3A_306, %parallel_loop3A_307] {strides = array<i32>} : memref<160x128xf32, #tpu.memory_space<vmem>>, vector<16xf32>,
          %parallel_loop3A_309 = arith.mulf %parallel_loop3A_308, %get3A_3 : vector<16xf32>
          %parallel_loop3A_310 = arith.mulf %parallel_loop3A_308, %get3A_19 : vector<16xf32>
          %parallel_loop3A_311 = arith.index_cast %parallel_loop3A_305 : i32 to index
          %parallel_loop3A_312 = arith.constant 16 : index
          %parallel_loop3A_313 = tpu.vector_load %arg10[%parallel_loop3A_311, %parallel_loop3A_312] {strides = array<i32>} : memref<160x128xf32, #tpu.memory_space<vmem>>, vector<16xf32>,
          %parallel_loop3A_314 = arith.mulf %parallel_loop3A_313, %get3A_5 : vector<16xf32>
          %parallel_loop3A_315 = arith.addf %parallel_loop3A_309, %parallel_loop3A_314 : vector<16xf32>
          %parallel_loop3A_316 = arith.mulf %parallel_loop3A_313, %get3A_21 : vector<16xf32>
          %parallel_loop3A_317 = arith.addf %parallel_loop3A_310, %parallel_loop3A_316 : vector<16xf32>
          %parallel_loop3A_318 = arith.index_cast %parallel_loop3A_305 : i32 to index
          %parallel_loop3A_319 = arith.constant 32 : index
          %parallel_loop3A_320 = tpu.vector_load %arg10[%parallel_loop3A_318, %parallel_loop3A_319] {strides = array<i32>} : memref<160x128xf32, #tpu.memory_space<vmem>>, vector<16xf32>,
          %parallel_loop3A_321 = arith.mulf %parallel_loop3A_320, %get3A_7 : vector<16xf32>
          %parallel_loop3A_322 = arith.addf %parallel_loop3A_315, %parallel_loop3A_321 : vector<16xf32>
          %parallel_loop3A_323 = arith.mulf %parallel_loop3A_320, %get3A_23 : vector<16xf32>
          %parallel_loop3A_324 = arith.addf %parallel_loop3A_317, %parallel_loop3A_323 : vector<16xf32>
          %parallel_loop3A_325 = arith.index_cast %parallel_loop3A_305 : i32 to index
          %parallel_loop3A_326 = arith.constant 48 : index
          %parallel_loop3A_327 = tpu.vector_load %arg10[%parallel_loop3A_325, %parallel_loop3A_326] {strides = array<i32>} : memref<160x128xf32, #tpu.memory_space<vmem>>, vector<16xf32>,
          %parallel_loop3A_328 = arith.mulf %parallel_loop3A_327, %get3A_9 : vector<16xf32>
          %parallel_loop3A_329 = arith.addf %parallel_loop3A_322, %parallel_loop3A_328 : vector<16xf32>
          %parallel_loop3A_330 = arith.mulf %parallel_loop3A_327, %get3A_25 : vector<16xf32>
          %parallel_loop3A_331 = arith.addf %parallel_loop3A_324, %parallel_loop3A_330 : vector<16xf32>
          %parallel_loop3A_332 = arith.index_cast %parallel_loop3A_305 : i32 to index
          %parallel_loop3A_333 = arith.constant 64 : index
          %parallel_loop3A_334 = tpu.vector_load %arg10[%parallel_loop3A_332, %parallel_loop3A_333] {strides = array<i32>} : memref<160x128xf32, #tpu.memory_space<vmem>>, vector<16xf32>,
          %parallel_loop3A_335 = arith.mulf %parallel_loop3A_334, %get3A_11 : vector<16xf32>
          %parallel_loop3A_336 = arith.addf %parallel_loop3A_329, %parallel_loop3A_335 : vector<16xf32>
          %parallel_loop3A_337 = arith.mulf %parallel_loop3A_334, %get3A_27 : vector<16xf32>
          %parallel_loop3A_338 = arith.addf %parallel_loop3A_331, %parallel_loop3A_337 : vector<16xf32>
          %parallel_loop3A_339 = arith.index_cast %parallel_loop3A_305 : i32 to index
          %parallel_loop3A_340 = arith.constant 80 : index
          %parallel_loop3A_341 = tpu.vector_load %arg10[%parallel_loop3A_339, %parallel_loop3A_340] {strides = array<i32>} : memref<160x128xf32, #tpu.memory_space<vmem>>, vector<16xf32>,
          %parallel_loop3A_342 = arith.mulf %parallel_loop3A_341, %get3A_13 : vector<16xf32>
          %parallel_loop3A_343 = arith.addf %parallel_loop3A_336, %parallel_loop3A_342 : vector<16xf32>
          %parallel_loop3A_344 = arith.mulf %parallel_loop3A_341, %get3A_29 : vector<16xf32>
          %parallel_loop3A_345 = arith.addf %parallel_loop3A_338, %parallel_loop3A_344 : vector<16xf32>
          %parallel_loop3A_346 = arith.index_cast %parallel_loop3A_305 : i32 to index
          %parallel_loop3A_347 = arith.constant 96 : index
          %parallel_loop3A_348 = tpu.vector_load %arg10[%parallel_loop3A_346, %parallel_loop3A_347] {strides = array<i32>} : memref<160x128xf32, #tpu.memory_space<vmem>>, vector<16xf32>,
          %parallel_loop3A_349 = arith.mulf %parallel_loop3A_348, %get3A_15 : vector<16xf32>
          %parallel_loop3A_350 = arith.addf %parallel_loop3A_343, %parallel_loop3A_349 : vector<16xf32>
          %parallel_loop3A_351 = arith.mulf %parallel_loop3A_348, %get3A_31 : vector<16xf32>
          %parallel_loop3A_352 = arith.addf %parallel_loop3A_345, %parallel_loop3A_351 : vector<16xf32>
          %parallel_loop3A_353 = arith.index_cast %parallel_loop3A_305 : i32 to index
          %parallel_loop3A_354 = arith.constant 112 : index
          %parallel_loop3A_355 = tpu.vector_load %arg10[%parallel_loop3A_353, %parallel_loop3A_354] {strides = array<i32>} : memref<160x128xf32, #tpu.memory_space<vmem>>, vector<16xf32>,
          %parallel_loop3A_356 = arith.mulf %parallel_loop3A_355, %get3A_17 : vector<16xf32>
          %parallel_loop3A_357 = arith.addf %parallel_loop3A_350, %parallel_loop3A_356 : vector<16xf32>
          %parallel_loop3A_358 = arith.mulf %parallel_loop3A_355, %get3A_33 : vector<16xf32>
          %parallel_loop3A_359 = arith.addf %parallel_loop3A_352, %parallel_loop3A_358 : vector<16xf32>
          %parallel_loop3A_360 = arith.constant true
          %parallel_loop3A_361 = vector.broadcast %parallel_loop3A_360 : i1 to vector<16xi1>
          %parallel_loop3A_362 = tpu.scan <sum>, %parallel_loop3A_357 masked %parallel_loop3A_361 : vector<16xf32>, vector<16xi1> -> vector<16xf32>
          %parallel_loop3A_363 = vector.extract %parallel_loop3A_362[15] : f32 from vector<16xf32>
          %parallel_loop3A_364 = arith.addf %parallel_loop3A_363, %squeeze3A : f32
          %parallel_loop3A_365 = arith.constant true
          %parallel_loop3A_366 = vector.broadcast %parallel_loop3A_365 : i1 to vector<16xi1>
          %parallel_loop3A_367 = tpu.scan <sum>, %parallel_loop3A_359 masked %parallel_loop3A_366 : vector<16xf32>, vector<16xi1> -> vector<16xf32>
          %parallel_loop3A_368 = vector.extract %parallel_loop3A_367[15] : f32 from vector<16xf32>
          %parallel_loop3A_369 = arith.addf %parallel_loop3A_368, %squeeze3A_37 : f32
          %parallel_loop3A_370 = vector.broadcast %parallel_loop3A_364 : f32 to vector<16xf32>
          %parallel_loop3A_371 = vector.broadcast %parallel_loop3A_369 : f32 to vector<16xf32>
          %parallel_loop3A_372 = arith.constant 0.000000e+00 : f32
          %parallel_loop3A_373 = vector.broadcast %parallel_loop3A_372 : f32 to vector<16xf32>
          %parallel_loop3A_374 = arith.subf %parallel_loop3A_373, %parallel_loop3A_371 : vector<16xf32>
          %parallel_loop3A_375 = math.exp %parallel_loop3A_374 : vector<16xf32>
          %parallel_loop3A_376 = arith.constant 1.000000e+00 : f32
          %parallel_loop3A_377 = vector.broadcast %parallel_loop3A_376 : f32 to vector<16xf32>
          %parallel_loop3A_378 = arith.addf %parallel_loop3A_377, %parallel_loop3A_375 : vector<16xf32>
          %parallel_loop3A_379 = arith.divf %parallel_loop3A_370, %parallel_loop3A_378 : vector<16xf32>
          %parallel_loop3A_380 = arith.index_cast %parallel_loop3A_305 : i32 to index
          %parallel_loop3A_381 = arith.constant 0 : index
          %parallel_loop3A_382 = tpu.vector_load %arg19[%parallel_loop3A_380, %parallel_loop3A_381] {strides = array<i32>} : memref<160x16xf32, #tpu.memory_space<vmem>>, vector<16xf32>,
          tpu.vector_store %arg19[%parallel_loop3A_380, %parallel_loop3A_381], %parallel_loop3A_379 {strides = array<i32>} : memref<160x16xf32, #tpu.memory_space<vmem>>, vector<16xf32>,
        } {sc.loop_unroll_factor = 8 : i64, sc.parallel_access}
        %parallel_loop3A_282 = arith.constant 0 : i32
        %parallel_loop3A_283 = arith.constant 160 : i32
        %parallel_loop3A_284 = arith.constant 1 : i32
        scf.for %parallel_loop3A_305 = %parallel_loop3A_282 to %parallel_loop3A_283 step %parallel_loop3A_284  : i32 {
          %parallel_loop3A_306 = arith.index_cast %parallel_loop3A_305 : i32 to index
          %parallel_loop3A_307 = arith.constant 0 : index
          %parallel_loop3A_308 = tpu.vector_load %arg19[%parallel_loop3A_306, %parallel_loop3A_307] {strides = array<i32>} : memref<160x16xf32, #tpu.memory_space<vmem>>, vector<16xf32>,
          %parallel_loop3A_309 = arith.index_cast %parallel_loop3A_305 : i32 to index
          %parallel_loop3A_310 = arith.constant 0 : index
          %parallel_loop3A_311 = tpu.vector_load %arg10[%parallel_loop3A_309, %parallel_loop3A_310] {strides = array<i32>} : memref<160x128xf32, #tpu.memory_space<vmem>>, vector<16xf32>,
          %parallel_loop3A_312 = arith.mulf %parallel_loop3A_311, %parallel_loop3A_308 : vector<16xf32>
          %parallel_loop3A_313 = arith.index_cast %parallel_loop3A_305 : i32 to index
          %parallel_loop3A_314 = arith.constant 0 : index
          %parallel_loop3A_315 = tpu.vector_load %arg10[%parallel_loop3A_313, %parallel_loop3A_314] {strides = array<i32>} : memref<160x128xf32, #tpu.memory_space<vmem>>, vector<16xf32>,
          tpu.vector_store %arg10[%parallel_loop3A_313, %parallel_loop3A_314], %parallel_loop3A_312 {strides = array<i32>} : memref<160x128xf32, #tpu.memory_space<vmem>>, vector<16xf32>,
          %parallel_loop3A_316 = arith.index_cast %parallel_loop3A_305 : i32 to index
          %parallel_loop3A_317 = arith.constant 16 : index
          %parallel_loop3A_318 = tpu.vector_load %arg10[%parallel_loop3A_316, %parallel_loop3A_317] {strides = array<i32>} : memref<160x128xf32, #tpu.memory_space<vmem>>, vector<16xf32>,
          %parallel_loop3A_319 = arith.mulf %parallel_loop3A_318, %parallel_loop3A_308 : vector<16xf32>
          %parallel_loop3A_320 = arith.index_cast %parallel_loop3A_305 : i32 to index
          %parallel_loop3A_321 = arith.constant 16 : index
          %parallel_loop3A_322 = tpu.vector_load %arg10[%parallel_loop3A_320, %parallel_loop3A_321] {strides = array<i32>} : memref<160x128xf32, #tpu.memory_space<vmem>>, vector<16xf32>,
          tpu.vector_store %arg10[%parallel_loop3A_320, %parallel_loop3A_321], %parallel_loop3A_319 {strides = array<i32>} : memref<160x128xf32, #tpu.memory_space<vmem>>, vector<16xf32>,
          %parallel_loop3A_323 = arith.index_cast %parallel_loop3A_305 : i32 to index
          %parallel_loop3A_324 = arith.constant 32 : index
          %parallel_loop3A_325 = tpu.vector_load %arg10[%parallel_loop3A_323, %parallel_loop3A_324] {strides = array<i32>} : memref<160x128xf32, #tpu.memory_space<vmem>>, vector<16xf32>,
          %parallel_loop3A_326 = arith.mulf %parallel_loop3A_325, %parallel_loop3A_308 : vector<16xf32>
          %parallel_loop3A_327 = arith.index_cast %parallel_loop3A_305 : i32 to index
          %parallel_loop3A_328 = arith.constant 32 : index
          %parallel_loop3A_329 = tpu.vector_load %arg10[%parallel_loop3A_327, %parallel_loop3A_328] {strides = array<i32>} : memref<160x128xf32, #tpu.memory_space<vmem>>, vector<16xf32>,
          tpu.vector_store %arg10[%parallel_loop3A_327, %parallel_loop3A_328], %parallel_loop3A_326 {strides = array<i32>} : memref<160x128xf32, #tpu.memory_space<vmem>>, vector<16xf32>,
          %parallel_loop3A_330 = arith.index_cast %parallel_loop3A_305 : i32 to index
          %parallel_loop3A_331 = arith.constant 48 : index
          %parallel_loop3A_332 = tpu.vector_load %arg10[%parallel_loop3A_330, %parallel_loop3A_331] {strides = array<i32>} : memref<160x128xf32, #tpu.memory_space<vmem>>, vector<16xf32>,
          %parallel_loop3A_333 = arith.mulf %parallel_loop3A_332, %parallel_loop3A_308 : vector<16xf32>
          %parallel_loop3A_334 = arith.index_cast %parallel_loop3A_305 : i32 to index
          %parallel_loop3A_335 = arith.constant 48 : index
          %parallel_loop3A_336 = tpu.vector_load %arg10[%parallel_loop3A_334, %parallel_loop3A_335] {strides = array<i32>} : memref<160x128xf32, #tpu.memory_space<vmem>>, vector<16xf32>,
          tpu.vector_store %arg10[%parallel_loop3A_334, %parallel_loop3A_335], %parallel_loop3A_333 {strides = array<i32>} : memref<160x128xf32, #tpu.memory_space<vmem>>, vector<16xf32>,
          %parallel_loop3A_337 = arith.index_cast %parallel_loop3A_305 : i32 to index
          %parallel_loop3A_338 = arith.constant 64 : index
          %parallel_loop3A_339 = tpu.vector_load %arg10[%parallel_loop3A_337, %parallel_loop3A_338] {strides = array<i32>} : memref<160x128xf32, #tpu.memory_space<vmem>>, vector<16xf32>,
          %parallel_loop3A_340 = arith.mulf %parallel_loop3A_339, %parallel_loop3A_308 : vector<16xf32>
          %parallel_loop3A_341 = arith.index_cast %parallel_loop3A_305 : i32 to index
          %parallel_loop3A_342 = arith.constant 64 : index
          %parallel_loop3A_343 = tpu.vector_load %arg10[%parallel_loop3A_341, %parallel_loop3A_342] {strides = array<i32>} : memref<160x128xf32, #tpu.memory_space<vmem>>, vector<16xf32>,
          tpu.vector_store %arg10[%parallel_loop3A_341, %parallel_loop3A_342], %parallel_loop3A_340 {strides = array<i32>} : memref<160x128xf32, #tpu.memory_space<vmem>>, vector<16xf32>,
          %parallel_loop3A_344 = arith.index_cast %parallel_loop3A_305 : i32 to index
          %parallel_loop3A_345 = arith.constant 80 : index
          %parallel_loop3A_346 = tpu.vector_load %arg10[%parallel_loop3A_344, %parallel_loop3A_345] {strides = array<i32>} : memref<160x128xf32, #tpu.memory_space<vmem>>, vector<16xf32>,
          %parallel_loop3A_347 = arith.mulf %parallel_loop3A_346, %parallel_loop3A_308 : vector<16xf32>
          %parallel_loop3A_348 = arith.index_cast %parallel_loop3A_305 : i32 to index
          %parallel_loop3A_349 = arith.constant 80 : index
          %parallel_loop3A_350 = tpu.vector_load %arg10[%parallel_loop3A_348, %parallel_loop3A_349] {strides = array<i32>} : memref<160x128xf32, #tpu.memory_space<vmem>>, vector<16xf32>,
          tpu.vector_store %arg10[%parallel_loop3A_348, %parallel_loop3A_349], %parallel_loop3A_347 {strides = array<i32>} : memref<160x128xf32, #tpu.memory_space<vmem>>, vector<16xf32>,
          %parallel_loop3A_351 = arith.index_cast %parallel_loop3A_305 : i32 to index
          %parallel_loop3A_352 = arith.constant 96 : index
          %parallel_loop3A_353 = tpu.vector_load %arg10[%parallel_loop3A_351, %parallel_loop3A_352] {strides = array<i32>} : memref<160x128xf32, #tpu.memory_space<vmem>>, vector<16xf32>,
          %parallel_loop3A_354 = arith.mulf %parallel_loop3A_353, %parallel_loop3A_308 : vector<16xf32>
          %parallel_loop3A_355 = arith.index_cast %parallel_loop3A_305 : i32 to index
          %parallel_loop3A_356 = arith.constant 96 : index
          %parallel_loop3A_357 = tpu.vector_load %arg10[%parallel_loop3A_355, %parallel_loop3A_356] {strides = array<i32>} : memref<160x128xf32, #tpu.memory_space<vmem>>, vector<16xf32>,
          tpu.vector_store %arg10[%parallel_loop3A_355, %parallel_loop3A_356], %parallel_loop3A_354 {strides = array<i32>} : memref<160x128xf32, #tpu.memory_space<vmem>>, vector<16xf32>,
          %parallel_loop3A_358 = arith.index_cast %parallel_loop3A_305 : i32 to index
          %parallel_loop3A_359 = arith.constant 112 : index
          %parallel_loop3A_360 = tpu.vector_load %arg10[%parallel_loop3A_358, %parallel_loop3A_359] {strides = array<i32>} : memref<160x128xf32, #tpu.memory_space<vmem>>, vector<16xf32>,
          %parallel_loop3A_361 = arith.mulf %parallel_loop3A_360, %parallel_loop3A_308 : vector<16xf32>
          %parallel_loop3A_362 = arith.index_cast %parallel_loop3A_305 : i32 to index
          %parallel_loop3A_363 = arith.constant 112 : index
          %parallel_loop3A_364 = tpu.vector_load %arg10[%parallel_loop3A_362, %parallel_loop3A_363] {strides = array<i32>} : memref<160x128xf32, #tpu.memory_space<vmem>>, vector<16xf32>,
          tpu.vector_store %arg10[%parallel_loop3A_362, %parallel_loop3A_363], %parallel_loop3A_361 {strides = array<i32>} : memref<160x128xf32, #tpu.memory_space<vmem>>, vector<16xf32>,
        } {sc.loop_unroll_factor = 8 : i64, sc.parallel_access}
        %dma_start3A_285 = arith.constant 0 : i32
        %dma_start3A_286 = arith.constant 0 : i32
        %dma_start3A_287 = arith.constant 0 : i32
        %dma_start3A_288 = tpu.memref_slice %arg10[%dma_start3A_286, %dma_start3A_287] : memref<160x128xf32, #tpu.memory_space<vmem>> -> memref<80x128xf32, #tpu.memory_space<vmem>>
        %dma_start3A_289 = arith.constant 0 : i32
        %dma_start3A_290 = tpu.memref_slice %arg14[%dma_start3A_285, %dma_start3A_289] : memref<2x80xi32, #tpu.memory_space<vmem>> -> memref<1x80xi32, #tpu.memory_space<vmem>>
        %dma_start3A_291 = tpu.memref_squeeze %dma_start3A_290 : memref<1x80xi32, #tpu.memory_space<vmem>> -> memref<80xi32, #tpu.memory_space<vmem>>
        %dma_start3A_292 = arith.constant 0 : i32
        %dma_start3A_293 = arith.constant 0 : i32
        %dma_start3A_294 = tpu.memref_slice %arg29[%dma_start3A_292, %dma_start3A_293] : memref<64x128xf32, #tpu.memory_space<vmem_shared>> -> memref<64x128xf32, #tpu.memory_space<vmem_shared>>
        tpu.enqueue_indirect_dma source(%dma_start3A_288 : memref<80x128xf32, #tpu.memory_space<vmem>>) target(%dma_start3A_294 : memref<64x128xf32, #tpu.memory_space<vmem_shared>>) offsets(%dma_start3A_291 : memref<80xi32, #tpu.memory_space<vmem>>) semaphore(%arg27 : memref<!tpu.dma_semaphore, #tpu.memory_space<semaphore_mem>>) {add = true}
        %dma_start3A_295 = arith.constant 1 : i32
        %dma_start3A_296 = arith.constant 80 : i32
        %dma_start3A_297 = arith.constant 0 : i32
        %dma_start3A_298 = tpu.memref_slice %arg10[%dma_start3A_296, %dma_start3A_297] : memref<160x128xf32, #tpu.memory_space<vmem>> -> memref<80x128xf32, #tpu.memory_space<vmem>>
        %dma_start3A_299 = arith.constant 0 : i32
        %dma_start3A_300 = tpu.memref_slice %arg14[%dma_start3A_295, %dma_start3A_299] : memref<2x80xi32, #tpu.memory_space<vmem>> -> memref<1x80xi32, #tpu.memory_space<vmem>>
        %dma_start3A_301 = tpu.memref_squeeze %dma_start3A_300 : memref<1x80xi32, #tpu.memory_space<vmem>> -> memref<80xi32, #tpu.memory_space<vmem>>
        %dma_start3A_302 = arith.constant 0 : i32
        %dma_start3A_303 = arith.constant 0 : i32
        %dma_start3A_304 = tpu.memref_slice %arg29[%dma_start3A_302, %dma_start3A_303] : memref<64x128xf32, #tpu.memory_space<vmem_shared>> -> memref<64x128xf32, #tpu.memory_space<vmem_shared>>
        tpu.enqueue_indirect_dma source(%dma_start3A_298 : memref<80x128xf32, #tpu.memory_space<vmem>>) target(%dma_start3A_304 : memref<64x128xf32, #tpu.memory_space<vmem_shared>>) offsets(%dma_start3A_301 : memref<80xi32, #tpu.memory_space<vmem>>) semaphore(%arg27 : memref<!tpu.dma_semaphore, #tpu.memory_space<semaphore_mem>>) {add = true}
      } else {
      }
      %mul3A_241 = arith.constant 4 : i32
      %mul3A_242 = arith.muli %scan3A_161, %mul3A_241 : i32
      %add3A_243 = arith.constant 3 : i32
      %add3A_244 = arith.addi %mul3A_242, %add3A_243 : i32
      %mul3A_245 = arith.constant 32 : i32
      %mul3A_246 = arith.muli %add3A_244, %mul3A_245 : i32
      %add3A_247 = arith.addi %add3A, %mul3A_246 : i32
      %add3A_248 = arith.constant 1 : i32
      %add3A_249 = arith.addi %add3A_244, %add3A_248 : i32
      %mul3A_250 = arith.constant 32 : i32
      %mul3A_251 = arith.muli %add3A_249, %mul3A_250 : i32
      %add3A_252 = arith.addi %add3A, %mul3A_251 : i32
      %ge3A_253 = arith.constant 3 : i32
      %ge3A_254 = arith.cmpi sge, %add3A_244, %ge3A_253 : i32
      %lt3A_255 = arith.cmpi slt, %add3A_249, %select_n3A : i32
      %and3A_256 = arith.andi %ge3A_254, %lt3A_255 : i1
      %convert_element_type3A_257 = arith.extui %and3A_256 : i1 to i32
      %cond3A_258 = arith.constant 0 : i32
      %cond3A_259 = arith.cmpi ne, %convert_element_type3A_257, %cond3A_258 : i32
      scf.if %cond3A_259 {
        %dma_wait3A_268 = arith.constant 0 : i32
        %dma_wait3A_269 = arith.constant 0 : i32
        %dma_wait3A_270 = arith.constant 0 : i32
        %dma_wait3A_271 = tpu.memref_slice %arg8[%dma_wait3A_269, %dma_wait3A_270] : memref<160x128xf32, #tpu.memory_space<vmem>> -> memref<80x128xf32, #tpu.memory_space<vmem>>
        %dma_wait3A_272 = arith.constant 0 : i32
        %dma_wait3A_273 = tpu.memref_slice %arg12[%dma_wait3A_268, %dma_wait3A_272] : memref<2x80xi32, #tpu.memory_space<vmem>> -> memref<1x80xi32, #tpu.memory_space<vmem>>
        %dma_wait3A_274 = tpu.memref_squeeze %dma_wait3A_273 : memref<1x80xi32, #tpu.memory_space<vmem>> -> memref<80xi32, #tpu.memory_space<vmem>>
        %dma_wait3A_275 = arith.constant 0 : i32
        %dma_wait3A_276 = arith.constant 0 : i32
        %dma_wait3A_277 = tpu.memref_slice %arg29[%dma_wait3A_275, %dma_wait3A_276] : memref<64x128xf32, #tpu.memory_space<vmem_shared>> -> memref<64x128xf32, #tpu.memory_space<vmem_shared>>
        tpu.wait_indirect_dma semaphore(%arg25 : memref<!tpu.dma_semaphore, #tpu.memory_space<semaphore_mem>>) src(%dma_wait3A_271 : memref<80x128xf32, #tpu.memory_space<vmem>>) dst(%dma_wait3A_277 : memref<64x128xf32, #tpu.memory_space<vmem_shared>>)
        %dma_wait3A_278 = arith.constant 1 : i32
        %dma_wait3A_279 = arith.constant 80 : i32
        %dma_wait3A_280 = arith.constant 0 : i32
        %dma_wait3A_281 = tpu.memref_slice %arg8[%dma_wait3A_279, %dma_wait3A_280] : memref<160x128xf32, #tpu.memory_space<vmem>> -> memref<80x128xf32, #tpu.memory_space<vmem>>
        %dma_wait3A_282 = arith.constant 0 : i32
        %dma_wait3A_283 = tpu.memref_slice %arg12[%dma_wait3A_278, %dma_wait3A_282] : memref<2x80xi32, #tpu.memory_space<vmem>> -> memref<1x80xi32, #tpu.memory_space<vmem>>
        %dma_wait3A_284 = tpu.memref_squeeze %dma_wait3A_283 : memref<1x80xi32, #tpu.memory_space<vmem>> -> memref<80xi32, #tpu.memory_space<vmem>>
        %dma_wait3A_285 = arith.constant 0 : i32
        %dma_wait3A_286 = arith.constant 0 : i32
        %dma_wait3A_287 = tpu.memref_slice %arg29[%dma_wait3A_285, %dma_wait3A_286] : memref<64x128xf32, #tpu.memory_space<vmem_shared>> -> memref<64x128xf32, #tpu.memory_space<vmem_shared>>
        tpu.wait_indirect_dma semaphore(%arg25 : memref<!tpu.dma_semaphore, #tpu.memory_space<semaphore_mem>>) src(%dma_wait3A_281 : memref<80x128xf32, #tpu.memory_space<vmem>>) dst(%dma_wait3A_287 : memref<64x128xf32, #tpu.memory_space<vmem_shared>>)
      } else {
      }
      %lt3A_260 = arith.cmpi slt, %add3A_249, %select_n3A : i32
      %convert_element_type3A_261 = arith.extui %lt3A_260 : i1 to i32
      %cond3A_262 = arith.constant 0 : i32
      %cond3A_263 = arith.cmpi ne, %convert_element_type3A_261, %cond3A_262 : i32
      scf.if %cond3A_263 {
        %mul3A_268 = arith.constant 160 : i32
        %mul3A_269 = arith.muli %add3A_252, %mul3A_268 : i32
        %dma_start3A_270 = arith.constant 0 : i32
        %dma_start3A_271 = tpu.memref_slice %arg2[%mul3A_269, %dma_start3A_270] : memref<100000x128xf32, #tpu.memory_space<hbm>> -> memref<160x128xf32, #tpu.memory_space<hbm>>
        %dma_start3A_272 = arith.constant 0 : i32
        %dma_start3A_273 = tpu.memref_slice %arg2[%mul3A_269, %dma_start3A_272] : memref<100000x128xf32, #tpu.memory_space<hbm>> -> memref<160x128xf32, #tpu.memory_space<hbm>>
        tpu.enqueue_dma source(%dma_start3A_273 : memref<160x128xf32, #tpu.memory_space<hbm>>) target(%arg8 : memref<160x128xf32, #tpu.memory_space<vmem>>) target_semaphore(%arg21 : memref<!tpu.dma_semaphore, #tpu.memory_space<semaphore_mem>>)
        %mul3A_274 = arith.constant 2 : i32
        %mul3A_275 = arith.muli %add3A_252, %mul3A_274 : i32
        %dma_start3A_276 = arith.constant 0 : i32
        %dma_start3A_277 = tpu.memref_slice %arg3[%mul3A_275, %dma_start3A_276] : memref<1250x80xi32, #tpu.memory_space<hbm>> -> memref<2x80xi32, #tpu.memory_space<hbm>>
        %dma_start3A_278 = arith.constant 0 : i32
        %dma_start3A_279 = tpu.memref_slice %arg3[%mul3A_275, %dma_start3A_278] : memref<1250x80xi32, #tpu.memory_space<hbm>> -> memref<2x80xi32, #tpu.memory_space<hbm>>
        tpu.enqueue_dma source(%dma_start3A_279 : memref<2x80xi32, #tpu.memory_space<hbm>>) target(%arg12 : memref<2x80xi32, #tpu.memory_space<vmem>>) target_semaphore(%arg21 : memref<!tpu.dma_semaphore, #tpu.memory_space<semaphore_mem>>)
      } else {
      }
      %lt3A_264 = arith.cmpi slt, %add3A_244, %select_n3A : i32
      %convert_element_type3A_265 = arith.extui %lt3A_264 : i1 to i32
      %cond3A_266 = arith.constant 0 : i32
      %cond3A_267 = arith.cmpi ne, %convert_element_type3A_265, %cond3A_266 : i32
      scf.if %cond3A_267 {
        %mul3A_268 = arith.constant 160 : i32
        %mul3A_269 = arith.muli %add3A_247, %mul3A_268 : i32
        %dma_wait3A_270 = arith.constant 0 : i32
        %dma_wait3A_271 = tpu.memref_slice %arg2[%mul3A_269, %dma_wait3A_270] : memref<100000x128xf32, #tpu.memory_space<hbm>> -> memref<160x128xf32, #tpu.memory_space<hbm>>
        %dma_wait3A_272 = arith.constant 0 : i32
        %dma_wait3A_273 = tpu.memref_slice %arg2[%mul3A_269, %dma_wait3A_272] : memref<100000x128xf32, #tpu.memory_space<hbm>> -> memref<160x128xf32, #tpu.memory_space<hbm>>
        tpu.wait_dma2 semaphore(%arg24 : memref<!tpu.dma_semaphore, #tpu.memory_space<semaphore_mem>>) src(%dma_wait3A_273 : memref<160x128xf32, #tpu.memory_space<hbm>>) dst(%arg11 : memref<160x128xf32, #tpu.memory_space<vmem>>)
        %mul3A_274 = arith.constant 2 : i32
        %mul3A_275 = arith.muli %add3A_247, %mul3A_274 : i32
        %dma_wait3A_276 = arith.constant 0 : i32
        %dma_wait3A_277 = tpu.memref_slice %arg3[%mul3A_275, %dma_wait3A_276] : memref<1250x80xi32, #tpu.memory_space<hbm>> -> memref<2x80xi32, #tpu.memory_space<hbm>>
        %dma_wait3A_278 = arith.constant 0 : i32
        %dma_wait3A_279 = tpu.memref_slice %arg3[%mul3A_275, %dma_wait3A_278] : memref<1250x80xi32, #tpu.memory_space<hbm>> -> memref<2x80xi32, #tpu.memory_space<hbm>>
        tpu.wait_dma2 semaphore(%arg24 : memref<!tpu.dma_semaphore, #tpu.memory_space<semaphore_mem>>) src(%dma_wait3A_279 : memref<2x80xi32, #tpu.memory_space<hbm>>) dst(%arg15 : memref<2x80xi32, #tpu.memory_space<vmem>>)
        %parallel_loop3A = arith.constant 0 : i32
        %parallel_loop3A_280 = arith.constant 160 : i32
        %parallel_loop3A_281 = arith.constant 1 : i32
        scf.for %parallel_loop3A_305 = %parallel_loop3A to %parallel_loop3A_280 step %parallel_loop3A_281  : i32 {
          %parallel_loop3A_306 = arith.index_cast %parallel_loop3A_305 : i32 to index
          %parallel_loop3A_307 = arith.constant 0 : index
          %parallel_loop3A_308 = tpu.vector_load %arg11[%parallel_loop3A_306, %parallel_loop3A_307] {strides = array<i32>} : memref<160x128xf32, #tpu.memory_space<vmem>>, vector<16xf32>,
          %parallel_loop3A_309 = arith.mulf %parallel_loop3A_308, %get3A_3 : vector<16xf32>
          %parallel_loop3A_310 = arith.mulf %parallel_loop3A_308, %get3A_19 : vector<16xf32>
          %parallel_loop3A_311 = arith.index_cast %parallel_loop3A_305 : i32 to index
          %parallel_loop3A_312 = arith.constant 16 : index
          %parallel_loop3A_313 = tpu.vector_load %arg11[%parallel_loop3A_311, %parallel_loop3A_312] {strides = array<i32>} : memref<160x128xf32, #tpu.memory_space<vmem>>, vector<16xf32>,
          %parallel_loop3A_314 = arith.mulf %parallel_loop3A_313, %get3A_5 : vector<16xf32>
          %parallel_loop3A_315 = arith.addf %parallel_loop3A_309, %parallel_loop3A_314 : vector<16xf32>
          %parallel_loop3A_316 = arith.mulf %parallel_loop3A_313, %get3A_21 : vector<16xf32>
          %parallel_loop3A_317 = arith.addf %parallel_loop3A_310, %parallel_loop3A_316 : vector<16xf32>
          %parallel_loop3A_318 = arith.index_cast %parallel_loop3A_305 : i32 to index
          %parallel_loop3A_319 = arith.constant 32 : index
          %parallel_loop3A_320 = tpu.vector_load %arg11[%parallel_loop3A_318, %parallel_loop3A_319] {strides = array<i32>} : memref<160x128xf32, #tpu.memory_space<vmem>>, vector<16xf32>,
          %parallel_loop3A_321 = arith.mulf %parallel_loop3A_320, %get3A_7 : vector<16xf32>
          %parallel_loop3A_322 = arith.addf %parallel_loop3A_315, %parallel_loop3A_321 : vector<16xf32>
          %parallel_loop3A_323 = arith.mulf %parallel_loop3A_320, %get3A_23 : vector<16xf32>
          %parallel_loop3A_324 = arith.addf %parallel_loop3A_317, %parallel_loop3A_323 : vector<16xf32>
          %parallel_loop3A_325 = arith.index_cast %parallel_loop3A_305 : i32 to index
          %parallel_loop3A_326 = arith.constant 48 : index
          %parallel_loop3A_327 = tpu.vector_load %arg11[%parallel_loop3A_325, %parallel_loop3A_326] {strides = array<i32>} : memref<160x128xf32, #tpu.memory_space<vmem>>, vector<16xf32>,
          %parallel_loop3A_328 = arith.mulf %parallel_loop3A_327, %get3A_9 : vector<16xf32>
          %parallel_loop3A_329 = arith.addf %parallel_loop3A_322, %parallel_loop3A_328 : vector<16xf32>
          %parallel_loop3A_330 = arith.mulf %parallel_loop3A_327, %get3A_25 : vector<16xf32>
          %parallel_loop3A_331 = arith.addf %parallel_loop3A_324, %parallel_loop3A_330 : vector<16xf32>
          %parallel_loop3A_332 = arith.index_cast %parallel_loop3A_305 : i32 to index
          %parallel_loop3A_333 = arith.constant 64 : index
          %parallel_loop3A_334 = tpu.vector_load %arg11[%parallel_loop3A_332, %parallel_loop3A_333] {strides = array<i32>} : memref<160x128xf32, #tpu.memory_space<vmem>>, vector<16xf32>,
          %parallel_loop3A_335 = arith.mulf %parallel_loop3A_334, %get3A_11 : vector<16xf32>
          %parallel_loop3A_336 = arith.addf %parallel_loop3A_329, %parallel_loop3A_335 : vector<16xf32>
          %parallel_loop3A_337 = arith.mulf %parallel_loop3A_334, %get3A_27 : vector<16xf32>
          %parallel_loop3A_338 = arith.addf %parallel_loop3A_331, %parallel_loop3A_337 : vector<16xf32>
          %parallel_loop3A_339 = arith.index_cast %parallel_loop3A_305 : i32 to index
          %parallel_loop3A_340 = arith.constant 80 : index
          %parallel_loop3A_341 = tpu.vector_load %arg11[%parallel_loop3A_339, %parallel_loop3A_340] {strides = array<i32>} : memref<160x128xf32, #tpu.memory_space<vmem>>, vector<16xf32>,
          %parallel_loop3A_342 = arith.mulf %parallel_loop3A_341, %get3A_13 : vector<16xf32>
          %parallel_loop3A_343 = arith.addf %parallel_loop3A_336, %parallel_loop3A_342 : vector<16xf32>
          %parallel_loop3A_344 = arith.mulf %parallel_loop3A_341, %get3A_29 : vector<16xf32>
          %parallel_loop3A_345 = arith.addf %parallel_loop3A_338, %parallel_loop3A_344 : vector<16xf32>
          %parallel_loop3A_346 = arith.index_cast %parallel_loop3A_305 : i32 to index
          %parallel_loop3A_347 = arith.constant 96 : index
          %parallel_loop3A_348 = tpu.vector_load %arg11[%parallel_loop3A_346, %parallel_loop3A_347] {strides = array<i32>} : memref<160x128xf32, #tpu.memory_space<vmem>>, vector<16xf32>,
          %parallel_loop3A_349 = arith.mulf %parallel_loop3A_348, %get3A_15 : vector<16xf32>
          %parallel_loop3A_350 = arith.addf %parallel_loop3A_343, %parallel_loop3A_349 : vector<16xf32>
          %parallel_loop3A_351 = arith.mulf %parallel_loop3A_348, %get3A_31 : vector<16xf32>
          %parallel_loop3A_352 = arith.addf %parallel_loop3A_345, %parallel_loop3A_351 : vector<16xf32>
          %parallel_loop3A_353 = arith.index_cast %parallel_loop3A_305 : i32 to index
          %parallel_loop3A_354 = arith.constant 112 : index
          %parallel_loop3A_355 = tpu.vector_load %arg11[%parallel_loop3A_353, %parallel_loop3A_354] {strides = array<i32>} : memref<160x128xf32, #tpu.memory_space<vmem>>, vector<16xf32>,
          %parallel_loop3A_356 = arith.mulf %parallel_loop3A_355, %get3A_17 : vector<16xf32>
          %parallel_loop3A_357 = arith.addf %parallel_loop3A_350, %parallel_loop3A_356 : vector<16xf32>
          %parallel_loop3A_358 = arith.mulf %parallel_loop3A_355, %get3A_33 : vector<16xf32>
          %parallel_loop3A_359 = arith.addf %parallel_loop3A_352, %parallel_loop3A_358 : vector<16xf32>
          %parallel_loop3A_360 = arith.constant true
          %parallel_loop3A_361 = vector.broadcast %parallel_loop3A_360 : i1 to vector<16xi1>
          %parallel_loop3A_362 = tpu.scan <sum>, %parallel_loop3A_357 masked %parallel_loop3A_361 : vector<16xf32>, vector<16xi1> -> vector<16xf32>
          %parallel_loop3A_363 = vector.extract %parallel_loop3A_362[15] : f32 from vector<16xf32>
          %parallel_loop3A_364 = arith.addf %parallel_loop3A_363, %squeeze3A : f32
          %parallel_loop3A_365 = arith.constant true
          %parallel_loop3A_366 = vector.broadcast %parallel_loop3A_365 : i1 to vector<16xi1>
          %parallel_loop3A_367 = tpu.scan <sum>, %parallel_loop3A_359 masked %parallel_loop3A_366 : vector<16xf32>, vector<16xi1> -> vector<16xf32>
          %parallel_loop3A_368 = vector.extract %parallel_loop3A_367[15] : f32 from vector<16xf32>
          %parallel_loop3A_369 = arith.addf %parallel_loop3A_368, %squeeze3A_37 : f32
          %parallel_loop3A_370 = vector.broadcast %parallel_loop3A_364 : f32 to vector<16xf32>
          %parallel_loop3A_371 = vector.broadcast %parallel_loop3A_369 : f32 to vector<16xf32>
          %parallel_loop3A_372 = arith.constant 0.000000e+00 : f32
          %parallel_loop3A_373 = vector.broadcast %parallel_loop3A_372 : f32 to vector<16xf32>
          %parallel_loop3A_374 = arith.subf %parallel_loop3A_373, %parallel_loop3A_371 : vector<16xf32>
          %parallel_loop3A_375 = math.exp %parallel_loop3A_374 : vector<16xf32>
          %parallel_loop3A_376 = arith.constant 1.000000e+00 : f32
          %parallel_loop3A_377 = vector.broadcast %parallel_loop3A_376 : f32 to vector<16xf32>
          %parallel_loop3A_378 = arith.addf %parallel_loop3A_377, %parallel_loop3A_375 : vector<16xf32>
          %parallel_loop3A_379 = arith.divf %parallel_loop3A_370, %parallel_loop3A_378 : vector<16xf32>
          %parallel_loop3A_380 = arith.index_cast %parallel_loop3A_305 : i32 to index
          %parallel_loop3A_381 = arith.constant 0 : index
          %parallel_loop3A_382 = tpu.vector_load %arg19[%parallel_loop3A_380, %parallel_loop3A_381] {strides = array<i32>} : memref<160x16xf32, #tpu.memory_space<vmem>>, vector<16xf32>,
          tpu.vector_store %arg19[%parallel_loop3A_380, %parallel_loop3A_381], %parallel_loop3A_379 {strides = array<i32>} : memref<160x16xf32, #tpu.memory_space<vmem>>, vector<16xf32>,
        } {sc.loop_unroll_factor = 8 : i64, sc.parallel_access}
        %parallel_loop3A_282 = arith.constant 0 : i32
        %parallel_loop3A_283 = arith.constant 160 : i32
        %parallel_loop3A_284 = arith.constant 1 : i32
        scf.for %parallel_loop3A_305 = %parallel_loop3A_282 to %parallel_loop3A_283 step %parallel_loop3A_284  : i32 {
          %parallel_loop3A_306 = arith.index_cast %parallel_loop3A_305 : i32 to index
          %parallel_loop3A_307 = arith.constant 0 : index
          %parallel_loop3A_308 = tpu.vector_load %arg19[%parallel_loop3A_306, %parallel_loop3A_307] {strides = array<i32>} : memref<160x16xf32, #tpu.memory_space<vmem>>, vector<16xf32>,
          %parallel_loop3A_309 = arith.index_cast %parallel_loop3A_305 : i32 to index
          %parallel_loop3A_310 = arith.constant 0 : index
          %parallel_loop3A_311 = tpu.vector_load %arg11[%parallel_loop3A_309, %parallel_loop3A_310] {strides = array<i32>} : memref<160x128xf32, #tpu.memory_space<vmem>>, vector<16xf32>,
          %parallel_loop3A_312 = arith.mulf %parallel_loop3A_311, %parallel_loop3A_308 : vector<16xf32>
          %parallel_loop3A_313 = arith.index_cast %parallel_loop3A_305 : i32 to index
          %parallel_loop3A_314 = arith.constant 0 : index
          %parallel_loop3A_315 = tpu.vector_load %arg11[%parallel_loop3A_313, %parallel_loop3A_314] {strides = array<i32>} : memref<160x128xf32, #tpu.memory_space<vmem>>, vector<16xf32>,
          tpu.vector_store %arg11[%parallel_loop3A_313, %parallel_loop3A_314], %parallel_loop3A_312 {strides = array<i32>} : memref<160x128xf32, #tpu.memory_space<vmem>>, vector<16xf32>,
          %parallel_loop3A_316 = arith.index_cast %parallel_loop3A_305 : i32 to index
          %parallel_loop3A_317 = arith.constant 16 : index
          %parallel_loop3A_318 = tpu.vector_load %arg11[%parallel_loop3A_316, %parallel_loop3A_317] {strides = array<i32>} : memref<160x128xf32, #tpu.memory_space<vmem>>, vector<16xf32>,
          %parallel_loop3A_319 = arith.mulf %parallel_loop3A_318, %parallel_loop3A_308 : vector<16xf32>
          %parallel_loop3A_320 = arith.index_cast %parallel_loop3A_305 : i32 to index
          %parallel_loop3A_321 = arith.constant 16 : index
          %parallel_loop3A_322 = tpu.vector_load %arg11[%parallel_loop3A_320, %parallel_loop3A_321] {strides = array<i32>} : memref<160x128xf32, #tpu.memory_space<vmem>>, vector<16xf32>,
          tpu.vector_store %arg11[%parallel_loop3A_320, %parallel_loop3A_321], %parallel_loop3A_319 {strides = array<i32>} : memref<160x128xf32, #tpu.memory_space<vmem>>, vector<16xf32>,
          %parallel_loop3A_323 = arith.index_cast %parallel_loop3A_305 : i32 to index
          %parallel_loop3A_324 = arith.constant 32 : index
          %parallel_loop3A_325 = tpu.vector_load %arg11[%parallel_loop3A_323, %parallel_loop3A_324] {strides = array<i32>} : memref<160x128xf32, #tpu.memory_space<vmem>>, vector<16xf32>,
          %parallel_loop3A_326 = arith.mulf %parallel_loop3A_325, %parallel_loop3A_308 : vector<16xf32>
          %parallel_loop3A_327 = arith.index_cast %parallel_loop3A_305 : i32 to index
          %parallel_loop3A_328 = arith.constant 32 : index
          %parallel_loop3A_329 = tpu.vector_load %arg11[%parallel_loop3A_327, %parallel_loop3A_328] {strides = array<i32>} : memref<160x128xf32, #tpu.memory_space<vmem>>, vector<16xf32>,
          tpu.vector_store %arg11[%parallel_loop3A_327, %parallel_loop3A_328], %parallel_loop3A_326 {strides = array<i32>} : memref<160x128xf32, #tpu.memory_space<vmem>>, vector<16xf32>,
          %parallel_loop3A_330 = arith.index_cast %parallel_loop3A_305 : i32 to index
          %parallel_loop3A_331 = arith.constant 48 : index
          %parallel_loop3A_332 = tpu.vector_load %arg11[%parallel_loop3A_330, %parallel_loop3A_331] {strides = array<i32>} : memref<160x128xf32, #tpu.memory_space<vmem>>, vector<16xf32>,
          %parallel_loop3A_333 = arith.mulf %parallel_loop3A_332, %parallel_loop3A_308 : vector<16xf32>
          %parallel_loop3A_334 = arith.index_cast %parallel_loop3A_305 : i32 to index
          %parallel_loop3A_335 = arith.constant 48 : index
          %parallel_loop3A_336 = tpu.vector_load %arg11[%parallel_loop3A_334, %parallel_loop3A_335] {strides = array<i32>} : memref<160x128xf32, #tpu.memory_space<vmem>>, vector<16xf32>,
          tpu.vector_store %arg11[%parallel_loop3A_334, %parallel_loop3A_335], %parallel_loop3A_333 {strides = array<i32>} : memref<160x128xf32, #tpu.memory_space<vmem>>, vector<16xf32>,
          %parallel_loop3A_337 = arith.index_cast %parallel_loop3A_305 : i32 to index
          %parallel_loop3A_338 = arith.constant 64 : index
          %parallel_loop3A_339 = tpu.vector_load %arg11[%parallel_loop3A_337, %parallel_loop3A_338] {strides = array<i32>} : memref<160x128xf32, #tpu.memory_space<vmem>>, vector<16xf32>,
          %parallel_loop3A_340 = arith.mulf %parallel_loop3A_339, %parallel_loop3A_308 : vector<16xf32>
          %parallel_loop3A_341 = arith.index_cast %parallel_loop3A_305 : i32 to index
          %parallel_loop3A_342 = arith.constant 64 : index
          %parallel_loop3A_343 = tpu.vector_load %arg11[%parallel_loop3A_341, %parallel_loop3A_342] {strides = array<i32>} : memref<160x128xf32, #tpu.memory_space<vmem>>, vector<16xf32>,
          tpu.vector_store %arg11[%parallel_loop3A_341, %parallel_loop3A_342], %parallel_loop3A_340 {strides = array<i32>} : memref<160x128xf32, #tpu.memory_space<vmem>>, vector<16xf32>,
          %parallel_loop3A_344 = arith.index_cast %parallel_loop3A_305 : i32 to index
          %parallel_loop3A_345 = arith.constant 80 : index
          %parallel_loop3A_346 = tpu.vector_load %arg11[%parallel_loop3A_344, %parallel_loop3A_345] {strides = array<i32>} : memref<160x128xf32, #tpu.memory_space<vmem>>, vector<16xf32>,
          %parallel_loop3A_347 = arith.mulf %parallel_loop3A_346, %parallel_loop3A_308 : vector<16xf32>
          %parallel_loop3A_348 = arith.index_cast %parallel_loop3A_305 : i32 to index
          %parallel_loop3A_349 = arith.constant 80 : index
          %parallel_loop3A_350 = tpu.vector_load %arg11[%parallel_loop3A_348, %parallel_loop3A_349] {strides = array<i32>} : memref<160x128xf32, #tpu.memory_space<vmem>>, vector<16xf32>,
          tpu.vector_store %arg11[%parallel_loop3A_348, %parallel_loop3A_349], %parallel_loop3A_347 {strides = array<i32>} : memref<160x128xf32, #tpu.memory_space<vmem>>, vector<16xf32>,
          %parallel_loop3A_351 = arith.index_cast %parallel_loop3A_305 : i32 to index
          %parallel_loop3A_352 = arith.constant 96 : index
          %parallel_loop3A_353 = tpu.vector_load %arg11[%parallel_loop3A_351, %parallel_loop3A_352] {strides = array<i32>} : memref<160x128xf32, #tpu.memory_space<vmem>>, vector<16xf32>,
          %parallel_loop3A_354 = arith.mulf %parallel_loop3A_353, %parallel_loop3A_308 : vector<16xf32>
          %parallel_loop3A_355 = arith.index_cast %parallel_loop3A_305 : i32 to index
          %parallel_loop3A_356 = arith.constant 96 : index
          %parallel_loop3A_357 = tpu.vector_load %arg11[%parallel_loop3A_355, %parallel_loop3A_356] {strides = array<i32>} : memref<160x128xf32, #tpu.memory_space<vmem>>, vector<16xf32>,
          tpu.vector_store %arg11[%parallel_loop3A_355, %parallel_loop3A_356], %parallel_loop3A_354 {strides = array<i32>} : memref<160x128xf32, #tpu.memory_space<vmem>>, vector<16xf32>,
          %parallel_loop3A_358 = arith.index_cast %parallel_loop3A_305 : i32 to index
          %parallel_loop3A_359 = arith.constant 112 : index
          %parallel_loop3A_360 = tpu.vector_load %arg11[%parallel_loop3A_358, %parallel_loop3A_359] {strides = array<i32>} : memref<160x128xf32, #tpu.memory_space<vmem>>, vector<16xf32>,
          %parallel_loop3A_361 = arith.mulf %parallel_loop3A_360, %parallel_loop3A_308 : vector<16xf32>
          %parallel_loop3A_362 = arith.index_cast %parallel_loop3A_305 : i32 to index
          %parallel_loop3A_363 = arith.constant 112 : index
          %parallel_loop3A_364 = tpu.vector_load %arg11[%parallel_loop3A_362, %parallel_loop3A_363] {strides = array<i32>} : memref<160x128xf32, #tpu.memory_space<vmem>>, vector<16xf32>,
          tpu.vector_store %arg11[%parallel_loop3A_362, %parallel_loop3A_363], %parallel_loop3A_361 {strides = array<i32>} : memref<160x128xf32, #tpu.memory_space<vmem>>, vector<16xf32>,
        } {sc.loop_unroll_factor = 8 : i64, sc.parallel_access}
        %dma_start3A_285 = arith.constant 0 : i32
        %dma_start3A_286 = arith.constant 0 : i32
        %dma_start3A_287 = arith.constant 0 : i32
        %dma_start3A_288 = tpu.memref_slice %arg11[%dma_start3A_286, %dma_start3A_287] : memref<160x128xf32, #tpu.memory_space<vmem>> -> memref<80x128xf32, #tpu.memory_space<vmem>>
        %dma_start3A_289 = arith.constant 0 : i32
        %dma_start3A_290 = tpu.memref_slice %arg15[%dma_start3A_285, %dma_start3A_289] : memref<2x80xi32, #tpu.memory_space<vmem>> -> memref<1x80xi32, #tpu.memory_space<vmem>>
        %dma_start3A_291 = tpu.memref_squeeze %dma_start3A_290 : memref<1x80xi32, #tpu.memory_space<vmem>> -> memref<80xi32, #tpu.memory_space<vmem>>
        %dma_start3A_292 = arith.constant 0 : i32
        %dma_start3A_293 = arith.constant 0 : i32
        %dma_start3A_294 = tpu.memref_slice %arg29[%dma_start3A_292, %dma_start3A_293] : memref<64x128xf32, #tpu.memory_space<vmem_shared>> -> memref<64x128xf32, #tpu.memory_space<vmem_shared>>
        tpu.enqueue_indirect_dma source(%dma_start3A_288 : memref<80x128xf32, #tpu.memory_space<vmem>>) target(%dma_start3A_294 : memref<64x128xf32, #tpu.memory_space<vmem_shared>>) offsets(%dma_start3A_291 : memref<80xi32, #tpu.memory_space<vmem>>) semaphore(%arg28 : memref<!tpu.dma_semaphore, #tpu.memory_space<semaphore_mem>>) {add = true}
        %dma_start3A_295 = arith.constant 1 : i32
        %dma_start3A_296 = arith.constant 80 : i32
        %dma_start3A_297 = arith.constant 0 : i32
        %dma_start3A_298 = tpu.memref_slice %arg11[%dma_start3A_296, %dma_start3A_297] : memref<160x128xf32, #tpu.memory_space<vmem>> -> memref<80x128xf32, #tpu.memory_space<vmem>>
        %dma_start3A_299 = arith.constant 0 : i32
        %dma_start3A_300 = tpu.memref_slice %arg15[%dma_start3A_295, %dma_start3A_299] : memref<2x80xi32, #tpu.memory_space<vmem>> -> memref<1x80xi32, #tpu.memory_space<vmem>>
        %dma_start3A_301 = tpu.memref_squeeze %dma_start3A_300 : memref<1x80xi32, #tpu.memory_space<vmem>> -> memref<80xi32, #tpu.memory_space<vmem>>
        %dma_start3A_302 = arith.constant 0 : i32
        %dma_start3A_303 = arith.constant 0 : i32
        %dma_start3A_304 = tpu.memref_slice %arg29[%dma_start3A_302, %dma_start3A_303] : memref<64x128xf32, #tpu.memory_space<vmem_shared>> -> memref<64x128xf32, #tpu.memory_space<vmem_shared>>
        tpu.enqueue_indirect_dma source(%dma_start3A_298 : memref<80x128xf32, #tpu.memory_space<vmem>>) target(%dma_start3A_304 : memref<64x128xf32, #tpu.memory_space<vmem_shared>>) offsets(%dma_start3A_301 : memref<80xi32, #tpu.memory_space<vmem>>) semaphore(%arg28 : memref<!tpu.dma_semaphore, #tpu.memory_space<semaphore_mem>>) {add = true}
      } else {
      }
    }
    %scan3A_75 = arith.constant 5 : i32
    %dma_wait3A = arith.constant 0 : i32
    %dma_wait3A_76 = arith.constant 0 : i32
    %dma_wait3A_77 = arith.constant 0 : i32
    %dma_wait3A_78 = tpu.memref_slice %arg8[%dma_wait3A_76, %dma_wait3A_77] : memref<160x128xf32, #tpu.memory_space<vmem>> -> memref<80x128xf32, #tpu.memory_space<vmem>>
    %dma_wait3A_79 = arith.constant 0 : i32
    %dma_wait3A_80 = tpu.memref_slice %arg12[%dma_wait3A, %dma_wait3A_79] : memref<2x80xi32, #tpu.memory_space<vmem>> -> memref<1x80xi32, #tpu.memory_space<vmem>>
    %dma_wait3A_81 = tpu.memref_squeeze %dma_wait3A_80 : memref<1x80xi32, #tpu.memory_space<vmem>> -> memref<80xi32, #tpu.memory_space<vmem>>
    %dma_wait3A_82 = arith.constant 0 : i32
    %dma_wait3A_83 = arith.constant 0 : i32
    %dma_wait3A_84 = tpu.memref_slice %arg29[%dma_wait3A_82, %dma_wait3A_83] : memref<64x128xf32, #tpu.memory_space<vmem_shared>> -> memref<64x128xf32, #tpu.memory_space<vmem_shared>>
    tpu.wait_indirect_dma semaphore(%arg25 : memref<!tpu.dma_semaphore, #tpu.memory_space<semaphore_mem>>) src(%dma_wait3A_78 : memref<80x128xf32, #tpu.memory_space<vmem>>) dst(%dma_wait3A_84 : memref<64x128xf32, #tpu.memory_space<vmem_shared>>)
    %dma_wait3A_85 = arith.constant 1 : i32
    %dma_wait3A_86 = arith.constant 80 : i32
    %dma_wait3A_87 = arith.constant 0 : i32
    %dma_wait3A_88 = tpu.memref_slice %arg8[%dma_wait3A_86, %dma_wait3A_87] : memref<160x128xf32, #tpu.memory_space<vmem>> -> memref<80x128xf32, #tpu.memory_space<vmem>>
    %dma_wait3A_89 = arith.constant 0 : i32
    %dma_wait3A_90 = tpu.memref_slice %arg12[%dma_wait3A_85, %dma_wait3A_89] : memref<2x80xi32, #tpu.memory_space<vmem>> -> memref<1x80xi32, #tpu.memory_space<vmem>>
    %dma_wait3A_91 = tpu.memref_squeeze %dma_wait3A_90 : memref<1x80xi32, #tpu.memory_space<vmem>> -> memref<80xi32, #tpu.memory_space<vmem>>
    %dma_wait3A_92 = arith.constant 0 : i32
    %dma_wait3A_93 = arith.constant 0 : i32
    %dma_wait3A_94 = tpu.memref_slice %arg29[%dma_wait3A_92, %dma_wait3A_93] : memref<64x128xf32, #tpu.memory_space<vmem_shared>> -> memref<64x128xf32, #tpu.memory_space<vmem_shared>>
    tpu.wait_indirect_dma semaphore(%arg25 : memref<!tpu.dma_semaphore, #tpu.memory_space<semaphore_mem>>) src(%dma_wait3A_88 : memref<80x128xf32, #tpu.memory_space<vmem>>) dst(%dma_wait3A_94 : memref<64x128xf32, #tpu.memory_space<vmem_shared>>)
    %dma_wait3A_95 = arith.constant 0 : i32
    %dma_wait3A_96 = arith.constant 0 : i32
    %dma_wait3A_97 = arith.constant 0 : i32
    %dma_wait3A_98 = tpu.memref_slice %arg9[%dma_wait3A_96, %dma_wait3A_97] : memref<160x128xf32, #tpu.memory_space<vmem>> -> memref<80x128xf32, #tpu.memory_space<vmem>>
    %dma_wait3A_99 = arith.constant 0 : i32
    %dma_wait3A_100 = tpu.memref_slice %arg13[%dma_wait3A_95, %dma_wait3A_99] : memref<2x80xi32, #tpu.memory_space<vmem>> -> memref<1x80xi32, #tpu.memory_space<vmem>>
    %dma_wait3A_101 = tpu.memref_squeeze %dma_wait3A_100 : memref<1x80xi32, #tpu.memory_space<vmem>> -> memref<80xi32, #tpu.memory_space<vmem>>
    %dma_wait3A_102 = arith.constant 0 : i32
    %dma_wait3A_103 = arith.constant 0 : i32
    %dma_wait3A_104 = tpu.memref_slice %arg29[%dma_wait3A_102, %dma_wait3A_103] : memref<64x128xf32, #tpu.memory_space<vmem_shared>> -> memref<64x128xf32, #tpu.memory_space<vmem_shared>>
    tpu.wait_indirect_dma semaphore(%arg26 : memref<!tpu.dma_semaphore, #tpu.memory_space<semaphore_mem>>) src(%dma_wait3A_98 : memref<80x128xf32, #tpu.memory_space<vmem>>) dst(%dma_wait3A_104 : memref<64x128xf32, #tpu.memory_space<vmem_shared>>)
    %dma_wait3A_105 = arith.constant 1 : i32
    %dma_wait3A_106 = arith.constant 80 : i32
    %dma_wait3A_107 = arith.constant 0 : i32
    %dma_wait3A_108 = tpu.memref_slice %arg9[%dma_wait3A_106, %dma_wait3A_107] : memref<160x128xf32, #tpu.memory_space<vmem>> -> memref<80x128xf32, #tpu.memory_space<vmem>>
    %dma_wait3A_109 = arith.constant 0 : i32
    %dma_wait3A_110 = tpu.memref_slice %arg13[%dma_wait3A_105, %dma_wait3A_109] : memref<2x80xi32, #tpu.memory_space<vmem>> -> memref<1x80xi32, #tpu.memory_space<vmem>>
    %dma_wait3A_111 = tpu.memref_squeeze %dma_wait3A_110 : memref<1x80xi32, #tpu.memory_space<vmem>> -> memref<80xi32, #tpu.memory_space<vmem>>
    %dma_wait3A_112 = arith.constant 0 : i32
    %dma_wait3A_113 = arith.constant 0 : i32
    %dma_wait3A_114 = tpu.memref_slice %arg29[%dma_wait3A_112, %dma_wait3A_113] : memref<64x128xf32, #tpu.memory_space<vmem_shared>> -> memref<64x128xf32, #tpu.memory_space<vmem_shared>>
    tpu.wait_indirect_dma semaphore(%arg26 : memref<!tpu.dma_semaphore, #tpu.memory_space<semaphore_mem>>) src(%dma_wait3A_108 : memref<80x128xf32, #tpu.memory_space<vmem>>) dst(%dma_wait3A_114 : memref<64x128xf32, #tpu.memory_space<vmem_shared>>)
    %dma_wait3A_115 = arith.constant 0 : i32
    %dma_wait3A_116 = arith.constant 0 : i32
    %dma_wait3A_117 = arith.constant 0 : i32
    %dma_wait3A_118 = tpu.memref_slice %arg10[%dma_wait3A_116, %dma_wait3A_117] : memref<160x128xf32, #tpu.memory_space<vmem>> -> memref<80x128xf32, #tpu.memory_space<vmem>>
    %dma_wait3A_119 = arith.constant 0 : i32
    %dma_wait3A_120 = tpu.memref_slice %arg14[%dma_wait3A_115, %dma_wait3A_119] : memref<2x80xi32, #tpu.memory_space<vmem>> -> memref<1x80xi32, #tpu.memory_space<vmem>>
    %dma_wait3A_121 = tpu.memref_squeeze %dma_wait3A_120 : memref<1x80xi32, #tpu.memory_space<vmem>> -> memref<80xi32, #tpu.memory_space<vmem>>
    %dma_wait3A_122 = arith.constant 0 : i32
    %dma_wait3A_123 = arith.constant 0 : i32
    %dma_wait3A_124 = tpu.memref_slice %arg29[%dma_wait3A_122, %dma_wait3A_123] : memref<64x128xf32, #tpu.memory_space<vmem_shared>> -> memref<64x128xf32, #tpu.memory_space<vmem_shared>>
    tpu.wait_indirect_dma semaphore(%arg27 : memref<!tpu.dma_semaphore, #tpu.memory_space<semaphore_mem>>) src(%dma_wait3A_118 : memref<80x128xf32, #tpu.memory_space<vmem>>) dst(%dma_wait3A_124 : memref<64x128xf32, #tpu.memory_space<vmem_shared>>)
    %dma_wait3A_125 = arith.constant 1 : i32
    %dma_wait3A_126 = arith.constant 80 : i32
    %dma_wait3A_127 = arith.constant 0 : i32
    %dma_wait3A_128 = tpu.memref_slice %arg10[%dma_wait3A_126, %dma_wait3A_127] : memref<160x128xf32, #tpu.memory_space<vmem>> -> memref<80x128xf32, #tpu.memory_space<vmem>>
    %dma_wait3A_129 = arith.constant 0 : i32
    %dma_wait3A_130 = tpu.memref_slice %arg14[%dma_wait3A_125, %dma_wait3A_129] : memref<2x80xi32, #tpu.memory_space<vmem>> -> memref<1x80xi32, #tpu.memory_space<vmem>>
    %dma_wait3A_131 = tpu.memref_squeeze %dma_wait3A_130 : memref<1x80xi32, #tpu.memory_space<vmem>> -> memref<80xi32, #tpu.memory_space<vmem>>
    %dma_wait3A_132 = arith.constant 0 : i32
    %dma_wait3A_133 = arith.constant 0 : i32
    %dma_wait3A_134 = tpu.memref_slice %arg29[%dma_wait3A_132, %dma_wait3A_133] : memref<64x128xf32, #tpu.memory_space<vmem_shared>> -> memref<64x128xf32, #tpu.memory_space<vmem_shared>>
    tpu.wait_indirect_dma semaphore(%arg27 : memref<!tpu.dma_semaphore, #tpu.memory_space<semaphore_mem>>) src(%dma_wait3A_128 : memref<80x128xf32, #tpu.memory_space<vmem>>) dst(%dma_wait3A_134 : memref<64x128xf32, #tpu.memory_space<vmem_shared>>)
    %dma_wait3A_135 = arith.constant 0 : i32
    %dma_wait3A_136 = arith.constant 0 : i32
    %dma_wait3A_137 = arith.constant 0 : i32
    %dma_wait3A_138 = tpu.memref_slice %arg11[%dma_wait3A_136, %dma_wait3A_137] : memref<160x128xf32, #tpu.memory_space<vmem>> -> memref<80x128xf32, #tpu.memory_space<vmem>>
    %dma_wait3A_139 = arith.constant 0 : i32
    %dma_wait3A_140 = tpu.memref_slice %arg15[%dma_wait3A_135, %dma_wait3A_139] : memref<2x80xi32, #tpu.memory_space<vmem>> -> memref<1x80xi32, #tpu.memory_space<vmem>>
    %dma_wait3A_141 = tpu.memref_squeeze %dma_wait3A_140 : memref<1x80xi32, #tpu.memory_space<vmem>> -> memref<80xi32, #tpu.memory_space<vmem>>
    %dma_wait3A_142 = arith.constant 0 : i32
    %dma_wait3A_143 = arith.constant 0 : i32
    %dma_wait3A_144 = tpu.memref_slice %arg29[%dma_wait3A_142, %dma_wait3A_143] : memref<64x128xf32, #tpu.memory_space<vmem_shared>> -> memref<64x128xf32, #tpu.memory_space<vmem_shared>>
    tpu.wait_indirect_dma semaphore(%arg28 : memref<!tpu.dma_semaphore, #tpu.memory_space<semaphore_mem>>) src(%dma_wait3A_138 : memref<80x128xf32, #tpu.memory_space<vmem>>) dst(%dma_wait3A_144 : memref<64x128xf32, #tpu.memory_space<vmem_shared>>)
    %dma_wait3A_145 = arith.constant 1 : i32
    %dma_wait3A_146 = arith.constant 80 : i32
    %dma_wait3A_147 = arith.constant 0 : i32
    %dma_wait3A_148 = tpu.memref_slice %arg11[%dma_wait3A_146, %dma_wait3A_147] : memref<160x128xf32, #tpu.memory_space<vmem>> -> memref<80x128xf32, #tpu.memory_space<vmem>>
    %dma_wait3A_149 = arith.constant 0 : i32
    %dma_wait3A_150 = tpu.memref_slice %arg15[%dma_wait3A_145, %dma_wait3A_149] : memref<2x80xi32, #tpu.memory_space<vmem>> -> memref<1x80xi32, #tpu.memory_space<vmem>>
    %dma_wait3A_151 = tpu.memref_squeeze %dma_wait3A_150 : memref<1x80xi32, #tpu.memory_space<vmem>> -> memref<80xi32, #tpu.memory_space<vmem>>
    %dma_wait3A_152 = arith.constant 0 : i32
    %dma_wait3A_153 = arith.constant 0 : i32
    %dma_wait3A_154 = tpu.memref_slice %arg29[%dma_wait3A_152, %dma_wait3A_153] : memref<64x128xf32, #tpu.memory_space<vmem_shared>> -> memref<64x128xf32, #tpu.memory_space<vmem_shared>>
    tpu.wait_indirect_dma semaphore(%arg28 : memref<!tpu.dma_semaphore, #tpu.memory_space<semaphore_mem>>) src(%dma_wait3A_148 : memref<80x128xf32, #tpu.memory_space<vmem>>) dst(%dma_wait3A_154 : memref<64x128xf32, #tpu.memory_space<vmem_shared>>)
    %barrier3A_155 = arith.constant 0 : index
    tpu.barrier barrier_id(%barrier3A_155)
    %eq3A_156 = arith.constant 0 : i32
    %eq3A_157 = arith.cmpi eq, %arg1, %eq3A_156 : i32
    %convert_element_type3A_158 = arith.extui %eq3A_157 : i1 to i32
    %cond3A_159 = arith.constant 0 : i32
    %cond3A_160 = arith.cmpi ne, %convert_element_type3A_158, %cond3A_159 : i32
    scf.if %cond3A_160 {
      "tpu.region"() ({
        %run_scoped3A = tpu.sem_alloc : memref<!tpu.dma_semaphore, #tpu.memory_space<semaphore_mem>>
        %dma_start3A_161 = arith.constant 0 : i32
        %dma_start3A_162 = arith.constant 0 : i32
        %dma_start3A_163 = tpu.memref_slice %arg7[%arg0, %dma_start3A_161, %dma_start3A_162] : memref<2x64x128xf32, #tpu.memory_space<hbm>> -> memref<1x64x128xf32, #tpu.memory_space<hbm>>
        %dma_start3A_164 = tpu.memref_squeeze %dma_start3A_163 : memref<1x64x128xf32, #tpu.memory_space<hbm>> -> memref<64x128xf32, #tpu.memory_space<hbm>>
        tpu.enqueue_dma source(%arg29 : memref<64x128xf32, #tpu.memory_space<vmem_shared>>) target(%dma_start3A_164 : memref<64x128xf32, #tpu.memory_space<hbm>>) target_semaphore(%run_scoped3A : memref<!tpu.dma_semaphore, #tpu.memory_space<semaphore_mem>>)
        %dma_wait3A_165 = arith.constant 0 : i32
        %dma_wait3A_166 = arith.constant 0 : i32
        %dma_wait3A_167 = tpu.memref_slice %arg7[%arg0, %dma_wait3A_165, %dma_wait3A_166] : memref<2x64x128xf32, #tpu.memory_space<hbm>> -> memref<1x64x128xf32, #tpu.memory_space<hbm>>
        %dma_wait3A_168 = tpu.memref_squeeze %dma_wait3A_167 : memref<1x64x128xf32, #tpu.memory_space<hbm>> -> memref<64x128xf32, #tpu.memory_space<hbm>>
        tpu.wait_dma2 semaphore(%run_scoped3A : memref<!tpu.dma_semaphore, #tpu.memory_space<semaphore_mem>>) src(%arg29 : memref<64x128xf32, #tpu.memory_space<vmem_shared>>) dst(%dma_wait3A_168 : memref<64x128xf32, #tpu.memory_space<hbm>>)
        tpu.yield
      }) : () -> ()
    } else {
    }
    return
  }
}

module attributes {stable_mosaic.version = 14 : i64} {
  func.func @_combine_body(%arg0: memref<2x64x128xf32, #tpu.memory_space<vmem>>, %arg1: memref<64x128xf32, #tpu.memory_space<vmem>>) attributes {dimension_semantics = [], scalar_prefetch = 0 : i64, scratch_operands = 0 : i64, tpu.core_type = #tpu.core_type<tc>} {
    %get3A = arith.constant 0 : index
    %get3A_0 = arith.constant 0 : index
    %get3A_1 = arith.constant 0 : index
    %get3A_2 = vector.load %arg0[%get3A, %get3A_0, %get3A_1] : memref<2x64x128xf32, #tpu.memory_space<vmem>>, vector<1x64x128xf32>
    %get3A_3 = vector.shape_cast %get3A_2 : vector<1x64x128xf32> to vector<64x128xf32>
    %get3A_4 = arith.constant 1 : index
    %get3A_5 = arith.constant 0 : index
    %get3A_6 = arith.constant 0 : index
    %get3A_7 = vector.load %arg0[%get3A_4, %get3A_5, %get3A_6] : memref<2x64x128xf32, #tpu.memory_space<vmem>>, vector<1x64x128xf32>
    %get3A_8 = vector.shape_cast %get3A_7 : vector<1x64x128xf32> to vector<64x128xf32>
    %add3A = arith.addf %get3A_3, %get3A_8 : vector<64x128xf32>
    %swap3A = arith.constant 0 : index
    %swap3A_9 = arith.constant 0 : index
    %swap3A_10 = vector.load %arg1[%swap3A, %swap3A_9] : memref<64x128xf32, #tpu.memory_space<vmem>>, vector<64x128xf32>
    tpu.vector_store %arg1[%swap3A, %swap3A_9], %add3A {strides = array<i32>} : memref<64x128xf32, #tpu.memory_space<vmem>>, vector<64x128xf32>,
    return
  }
}

</mosaic_0001>

<sc_bundles>
// kernel: kernel.4.cloned.1.call-start
scs
__scs_entry_jumppad:
0x0: {  	(pc) =	sbr.rel $0x88, $3  }
0x1: {  	(tag) =	ssettag $0x0;
	lr =	simm.s32 $0x1  }
0x2: {  	[smem:$0x3F9B] =	sst lr;
	_ =	strace $0xD0000000  }
0x3: {  	_ = 	snop  }
0x4: {  	_ = 	snop  }
0x5: {  	_ = 	snop  }
0x6: {  	_ = 	snop  }
0x7: {  	_ = 	snop  }
__scs_overlays_trampoline_lowered:
0x8: {  	[smem:$0x3FAA] =	sst s0  }
0x9: {  	[smem:$0x3FAB] =	sst s1  }
0xa: {  	[smem:$0x3FAC] =	sst s2  }
0xb: {  	[smem:$0x3FAD] =	sst s3  }
0xc: {  	[smem:$0x3FAE] =	sst s4  }
0xd: {  	[smem:$0x3FAF] =	sst s5  }
0xe: {  	[smem:$0x3FB0] =	sst s6  }
0xf: {  	[smem:$0x3FB1] =	sst s7  }
0x10: {  	[smem:$0x3FB2] =	sst s8  }
0x11: {  	[smem:$0x3FB3] =	sst s9;
	s0 =	simm.s32 @!p0 $0x0  }
0x12: {  	s1 =	sld [smem:$0x3F99];
	s0 =	simm.s32 @p0 $0x1  }
0x13: {  	[smem:$0x3FB4] =	sst s0;
	s0 =	simm.s32 @!p1 $0x0  }
0x14: {  	s2 =	sld [smem:$0x3F98];
	s0 =	simm.s32 @p1 $0x1  }
0x15: {  	[smem:$0x3FB5] =	sst s0;
	s0 =	simm.s32 @!p2 $0x0  }
0x16: {  	s3 =	sld [smem:$0x3FDB];
	s0 =	simm.s32 @p2 $0x1  }
0x17: {  	s4 =	simm.s32 $0x1BF5;
	[smem:$0x3FB7] =	sst s0  }
0x18: {  	s0 =	sld [smem:$0x3F9A];
	_ =	swait.ge [sflag:s4], $0x0  }
0x19: {  	s7 =	sld [smem:$0x3F9B]  }
0x1a: {  	s8 =	sadd.s32 $0xFFFFE003, lr  }
0x1b: {  	s9 =	sadd.s32 $0xFFFFFEF7, lr;
	s5 =	simm.s32 $0xFFFFFFFF;
	p2 =	slt.u32 s8, $0xFFFFF086  }
0x1c: {  	p1 =	slt.u32 s9, $0xF7A;
	s5 =	simm.s32 @!p2 $0x0  }
0x1d: {  	s5 =	simm.s32 @p1 $0x1;
	p0 =	seq.s32 s7, s2  }
0x1e: {  	s7 =	smul.u32 @!p0 $0xF7A, s2;
	p2 =	seq.s32 @!p0 s5, $0x0  }
0x1f: {  	s9 =	smul.u32 $0xF7A, s1;
	s8 =	simm.s32 @!p0 $0x1BF5;
	p2 =	por !p2, p0  }
0x20: {  	[sflag:s8] =	ssyncset.s32 @!p0 $0xFFFFF086;
	s6 =	sadd.s32 @!p0 s3, s7;
	s7 =	simm.s32 @!p0 $0x108  }
0x21: {  	s3 =	sadd.s32 s3, s9;
	s6 =	sadd.s32 @!p0 $0x88, s6;
	s7 =	simm.s32 @p2 $0x1082  }
0x22: {  	[simem:s7], [sflag:s8] =	dma.local @!p0 [hbm:s6], $0xF7A  }
0x23: {  	s9 =	sor.u32 $0xD0000000, s2;
	s6 =	simm.s32 $0x108;
	_ =	swait.ge @!p0 [sflag:s8], $0x0  }
0x24: {  	s3 =	sadd.s32 $0x88, s3;
	s6 =	simm.s32 @!p1 $0x1082;
	[sflag:s4] =	ssyncset.s32 $0xFFFFF086  }
0x25: {  	[simem:s6], [sflag:s4] =	dma.local [hbm:s3], $0xF7A  }
0x26: {  	[smem:$0x3F9B] =	sst s1;
	(tag) =	ssettag s2;
	_ =	strace s9  }
0x27: {  	s1 =	sld [smem:$0x3FAB]  }
0x28: {  	s2 =	sld [smem:$0x3FAC]  }
0x29: {  	s4 =	sld [smem:$0x3FAE]  }
0x2a: {  	p0 =	seq.s32 s5, $0x0;
	s5 =	sld [smem:$0x3FAF]  }
0x2b: {  	s6 =	sld [smem:$0x3FB0]  }
0x2c: {  	s7 =	sld [smem:$0x3FB1]  }
0x2d: {  	s3 =	simm.s32 $0x108;
	s8 =	sld [smem:$0x3FB2]  }
0x2e: {  	s3 =	simm.s32 @!p0 $0x1082;
	s9 =	sld [smem:$0x3FB3]  }
0x2f: {  	lr =	sadd.s32 s0, s3;
	s0 =	sld [smem:$0x3FAA]  }
0x30: {  	s3 =	sld [smem:$0x3FAD]  }
0x31: {  	[smem:$0x3FB6] =	sst s10  }
0x32: {  	s10 =	sld [smem:$0x3FB4];
	_ =	sdelay $0x3  }
0x33: {  	p0 =	seq.s32 s10, $0x1;
	s10 =	sld [smem:$0x3FB6];
	_ =	sdelay $0x3  }
0x34: {  	[smem:$0x3FB6] =	sst s10  }
0x35: {  	s10 =	sld [smem:$0x3FB5];
	_ =	sdelay $0x3  }
0x36: {  	p1 =	seq.s32 s10, $0x1;
	s10 =	sld [smem:$0x3FB6];
	_ =	sdelay $0x3  }
0x37: {  	[smem:$0x3FB6] =	sst s10  }
0x38: {  	s10 =	sld [smem:$0x3FB7]  }
0x39: {  	_ = 	snop;
	(pc) =	sbr.ind lr, $3  }
0x3a: {  	_ = 	snop  }
0x3b: {  	_ = 	snop  }
0x3c: {  	p2 =	seq.s32 s10, $0x1;
	s10 =	sld [smem:$0x3FB6]  }
0x3d: {  	_ =	shalt  }
0x3e: {  	_ =	shalt  }
0x3f: {  	_ =	shalt  }
0x40: {  	_ =	shalt  }
0x41: {  	_ =	shalt  }
0x42: {  	_ =	shalt  }
0x43: {  	_ =	shalt  }
0x44: {  	_ =	shalt  }
0x45: {  	_ =	shalt  }
0x46: {  	_ =	shalt  }
0x47: {  	_ =	shalt  }
0x48: {  	_ =	shalt  }
0x49: {  	_ =	shalt  }
0x4a: {  	_ =	shalt  }
0x4b: {  	_ =	shalt  }
0x4c: {  	_ =	shalt  }
0x4d: {  	_ =	shalt  }
0x4e: {  	_ =	shalt  }
0x4f: {  	_ =	shalt  }
0x50: {  	_ =	shalt  }
0x51: {  	_ =	shalt  }
0x52: {  	_ =	shalt  }
0x53: {  	_ =	shalt  }
0x54: {  	_ =	shalt  }
0x55: {  	_ =	shalt  }
0x56: {  	_ =	shalt  }
0x57: {  	_ =	shalt  }
0x58: {  	_ =	shalt  }
0x59: {  	_ =	shalt  }
0x5a: {  	_ =	shalt  }
0x5b: {  	_ =	shalt  }
0x5c: {  	_ =	shalt  }
0x5d: {  	_ =	shalt  }
0x5e: {  	_ =	shalt  }
0x5f: {  	_ =	shalt  }
0x60: {  	_ =	shalt  }
0x61: {  	_ =	shalt  }
0x62: {  	_ =	shalt  }
0x63: {  	_ =	shalt  }
0x64: {  	_ =	shalt  }
0x65: {  	_ =	shalt  }
0x66: {  	_ =	shalt  }
0x67: {  	_ =	shalt  }
0x68: {  	_ =	shalt  }
0x69: {  	_ =	shalt  }
0x6a: {  	_ =	shalt  }
0x6b: {  	_ =	shalt  }
0x6c: {  	_ =	shalt  }
0x6d: {  	_ =	shalt  }
0x6e: {  	_ =	shalt  }
0x6f: {  	_ =	shalt  }
0x70: {  	_ =	shalt  }
0x71: {  	_ =	shalt  }
0x72: {  	_ =	shalt  }
0x73: {  	_ =	shalt  }
0x74: {  	_ =	shalt  }
0x75: {  	_ =	shalt  }
0x76: {  	_ =	shalt  }
0x77: {  	_ =	shalt  }
0x78: {  	_ =	shalt  }
0x79: {  	_ =	shalt  }
0x7a: {  	_ =	shalt  }
0x7b: {  	_ =	shalt  }
0x7c: {  	_ =	shalt  }
0x7d: {  	_ =	shalt  }
0x7e: {  	_ =	shalt  }
0x7f: {  	_ =	shalt  }
0x80: {  	_ =	shalt  }
0x81: {  	_ =	shalt  }
0x82: {  	_ =	shalt  }
0x83: {  	_ =	shalt  }
0x84: {  	_ =	shalt  }
0x85: {  	_ =	shalt  }
0x86: {  	_ =	shalt  }
0x87: {  	_ =	shalt  }
.Lfunc_end0:
.L_simem_size_0:
called_computation_lowered:
.L_overlay_start_0:
0x88: {  	s2 =	sld [smem:$0x3FD9]  }
0x89: {  	s3 =	sld [smem:$0x3FFE];
	_ =	sdelay $0x1  }
0x8a: {  	s1 =	srdreg.scid  }
0x8b: {  	s0 =	sand.u32 $0x1, s1  }
0x8c: {  	s17 =	sshll.u32 s0, $0xA;
	s2 =	sadd.s32 s3, s2  }
0x8d: {  	s2 =	sadd.s32 s2, s17  }
0x8e: {  	[smem:$0x3FC2] =	sst s2  }
0x8f: {  	_ = 	snop  }
0x90: {  	s2 =	sld [smem:$0x3FC9]  }
0x91: {  	s18 =	sld [smem:$0x3FC7]  }
0x92: {  	s4 =	sld [smem:$0x3FC5]  }
0x93: {  	s5 =	sld [smem:$0x3FD0];
	(tm) =	ssettm $0x1  }
0x94: {  	s6 =	sld [smem:$0x3FFB];
	_ =	sdelay $0x3  }
0x95: {  	_ =	strace s6  }
0x96: {  	s6 =	sld [smem:$0x3FFC];
	_ =	sdelay $0x3  }
0x97: {  	_ =	strace s6  }
0x98: {  	s6 =	sld [smem:$0x3FFD];
	_ =	sdelay $0x3  }
0x99: {  	_ =	strace s6  }
0x9a: {  	_ =	strace $0x8FFFFFFF  }
0x9b: {  	s19 =	sld [smem:$0x3FDB];
	_ =	sdelay $0x1  }
0x9c: {  	s7 =	simm.s32 $_scs_section_size  }
0x9d: {  	s8 =	simm.s32 $_size__tile_overlayer_lowered;
	s9 =	simm.s32 $_tile_overlayer_lowered  }
0x9e: {  	s22 =	simm.s32 $0x1BFF;
	s21 =	sshll.u32 s9, $0x1;
	s6 =	sadd.s32 s7, s19  }
0x9f: {  	s10 =	simm.s32 $0x0;
	s20 =	sshll.u32 s8, $0x1;
	s8 =	sadd.s32 s21, s6  }
0xa0: {  	[timem:s10], [sflag:s22] =	dma.local [hbm:s8], s20  }
0xa1: {  	_ =	swait.ge [sflag:s22], s20  }
0xa2: {  	s7 =	ssub.s32 $0x0, s20;
	[sflag:s22] =	ssyncset.done $0x0  }
0xa3: {  	[sflag:s22] =	ssyncadd.s32 s7;
	_ =	sdelay $0x1  }
0xa4: {  	s23 =	simm.s32 $0x1B8B  }
0xa5: {  	_ =	swait.ge [sflag:s23], $0x1  }
0xa6: {  	[sflag:s23] =	ssyncset.done $0x0  }
0xa7: {  	s25 =	simm.s32 $0x1B8E;
	s24 =	sld [smem:$0x3FFE];
	[sflag:s23] =	ssyncadd.s32 $0xFFFFFFFF  }
0xa8: {  	s26 =	simm.s32 $execute0_lowered;
	[smem:$0x3FD2] =	sst s25  }
0xa9: {  	s8 =	sshll.u32 s26, $0x1;
	_ =	strace $0x80000046;
	[dreg:$0x1] =	wrdreg $0xFFFFFFFF  }
0xaa: {  	s28 =	simm.s32 $_size_execute0_lowered;
	s6 =	sadd.s32 s6, s8;
	[dreg:$0x0] =	wrdreg $0x0  }
0xab: {  	s8 =	sshll.u32 s28, $0x1;
	[dreg:$0x2] =	wrdreg s6  }
0xac: {  	[dreg:$0x3] =	wrdreg s8  }
0xad: {  	[dreg:$0x4] =	wrdreg $0xC0  }
0xae: {  	_ =	task [dreg:s10], $0x5FFFF  }
0xaf: {  	[dreg:$0x1] =	wrdreg $0xFFFFFFFF  }
0xb0: {  	[dreg:$0x0] =	wrdreg $0x60  }
0xb1: {  	[dreg:$0x2] =	wrdreg s2  }
0xb2: {  	[dreg:$0x3] =	wrdreg s24  }
0xb3: {  	[dreg:$0x4] =	wrdreg s18  }
0xb4: {  	[dreg:$0x5] =	wrdreg s4  }
0xb5: {  	[dreg:$0x6] =	wrdreg s5  }
0xb6: {  	[dreg:$0x7] =	wrdreg $0x1B5800  }
0xb7: {  	[dreg:$0x8] =	wrdreg $0x9  }
0xb8: {  	_ =	task.clear_ibuf [dreg:s10], $0x9FFFF;
	_ =	strace $0x90000046  }
0xb9: {  	s29 =	simm.s32 $0x9;
	_ =	strace $0x80000048  }
0xba: {  	_ =	swait.ge [sflag:s29], $0x1  }
0xbb: {  	[sflag:s29] =	ssyncadd.s32 $0xFFFFFFFF  }
0xbc: {  	_ =	strace $0x90000048  }
0xbd: {  	_ =	sfence  }
0xbe: {  	s30 =	sld [smem:$0x0];
	_ =	sdelay $0x2  }
0xbf: {  	s31 =	sshll.u32 s1, $0xD;
	s1 =	sshrl.u32 s1, $0x2  }
0xc0: {  	s3 =	sand.u32 $0x4000, s31;
	s1 =	sadd.s32 s1, s30  }
0xc1: {  	s0 =	sor.u32 s3, s0;
	s1 =	sshll.u32 s1, $0x11  }
0xc2: {  	s0 =	sor.u32 s1, s0  }
0xc3: {  	s0 =	sadd.s32 $0x8F2B, s0  }
0xc4: {  	[sflag:s0] =	ssyncadd.remote.s32 $0x1  }
0xc5: {  	_ =	sfence.sel $0xFFFF  }
0xc6: {  	[dreg:$0x0] =	wrdreg $0xFFFFFFFF;
	(pc) =	sbr.abs _section_cstart, $3  }
0xc7: {  	[dreg:$0x1] =	wrdreg $0xFFFFFFFF  }
0xc8: {  	_ =	task.clear_ibuf [dreg:s10], $0x2FFFF;
	_ =	strace $0x9FFFFFFF  }
0xc9: {  	(tm) =	ssettm $0x7FFFFFFF  }
tec
execute0_lowered:
.L_overlay_start_1:
0x0: {  	(tag) =	ssettag $0x1  }
0x1: {  	s0 =	rddreg [dreg:$0x0]  }
0x2: {  	s1 =	rddreg [dreg:$0x1]  }
0x3: {  	s5 =	rddreg [dreg:$0x5];
	s6 =	simm.s32 $0x0;
	s2 =	srdreg.scid  }
0x4: {  	s3 =	stileid.u32;
	s30 =	simm.s32 $0x5000;
	s31 =	simm.s32 $0x2  }
0x5: {  	s16 =	simm.s32 $0x4;
	[smem:$0x7FF] =	sst s6;
	s2 =	sand.u32 $0x1, s2  }
0x6: {  	s4 =	sadd.s32 $0x600, s1;
	s8 =	sshll.u32 s3, $0x1;
	p0 =	sne.s32 s3, $0x0  }
0x7: {  	_ =	strace $0x80000047;
	s7 =	sshll.u32 s2, $0xA;
	s9 =	ssub.s32 $0x2, s2  }
0x8: {  	s1 =	sadd.s32 s7, s1;
	s7 =	sor.u32 s2, s8;
	s23 =	sshrl.u32 s9, $0x1  }
0x9: {  	s8 =	ssub.s32 $0x290, s7;
	s10 =	smul.u32 $0xA00, s7;
	s2 =	ssub.s32 s9, s23  }
0xa: {  	s24 =	sshll.u32 s7, $0x5;
	s1 =	sadd.s32 $0x5600, s1;
	s28 =	sor.u32 $0x20, s7  }
0xb: {  	s29 =	sor.u32 $0x40, s7;
	s8 =	sshrl.u32 s8, $0x5;
	[dreg:$0x9] =	wrdreg s1  }
.Ltmp0:
0xc: {  	s25 =	sadd.s32 s4, s24;
	[dreg:$0xb] =	wrdreg s28;
	(pc) =	sbr.rel .LBB2_1-.Ltmp0, $4  }
0xd: {  	s9 =	sand.u32 $0x60, s24;
	s26 =	smax.u32 s2, $0x1;
	[dreg:$0xc] =	wrdreg s29  }
0xe: {  	s24 =	simm.s32 $0x1;
	s2 =	simm.s32 $0x3;
	[dreg:$0x8] =	wrdreg s25  }
0xf: {  	s10 =	sadd.s32 s0, s10;
	s11 =	sadd.s32 s4, s9;
	[dreg:$0xa] =	wrdreg s26  }
0x10: {  	v0 =	vimm.f32 $0.0e+00;
	s25 =	simm.s32 $0x50;
	s4 =	simm.s32 $0x0;
	[dreg:$0x7] =	wrdreg s10  }
.LBB2_25:
0x11: {  	s1 =	simm.s32 $0x5  }
0x12: {  	_ =	swait.ge [sflag:s1], $0x2800  }
0x13: {  	[sflag:s1] =	ssyncset.done $0x0  }
0x14: {  	[sflag:s1] =	ssyncadd.s32 $0xFFFFD800  }
0x15: {  	_ =	swait.ge [sflag:s1], $0x2800  }
0x16: {  	[sflag:s1] =	ssyncset.done $0x0  }
0x17: {  	s22 =	simm.s32 $0x6;
	[sflag:s1] =	ssyncadd.s32 $0xFFFFD800  }
0x18: {  	_ =	swait.ge [sflag:s22], $0x2800  }
0x19: {  	[sflag:s22] =	ssyncset.done $0x0  }
0x1a: {  	[sflag:s22] =	ssyncadd.s32 $0xFFFFD800  }
0x1b: {  	_ =	swait.ge [sflag:s22], $0x2800  }
0x1c: {  	[sflag:s22] =	ssyncset.done $0x0  }
0x1d: {  	s23 =	simm.s32 $0x7;
	[sflag:s22] =	ssyncadd.s32 $0xFFFFD800  }
0x1e: {  	_ =	swait.ge [sflag:s23], $0x2800  }
0x1f: {  	[sflag:s23] =	ssyncset.done $0x0  }
0x20: {  	[sflag:s23] =	ssyncadd.s32 $0xFFFFD800  }
0x21: {  	_ =	swait.ge [sflag:s23], $0x2800  }
0x22: {  	[sflag:s23] =	ssyncset.done $0x0  }
0x23: {  	s26 =	simm.s32 $0x8;
	[sflag:s23] =	ssyncadd.s32 $0xFFFFD800  }
0x24: {  	_ =	swait.ge [sflag:s26], $0x2800  }
0x25: {  	[sflag:s26] =	ssyncset.done $0x0  }
0x26: {  	[sflag:s26] =	ssyncadd.s32 $0xFFFFD800  }
0x27: {  	_ =	swait.ge [sflag:s26], $0x2800  }
0x28: {  	[sflag:s26] =	ssyncset.done $0x0  }
0x29: {  	[sflag:s26] =	ssyncadd.s32 $0xFFFFD800  }
0x2a: {  	[bflag:$0x0] =	sbarrier.arrive $0xFFFF  }
0x2b: {  	s3 =	simm.s32 @!p0 $0x1C09;
	s1 =	sshrl.u32 @!p0 s5, $0x3;
	s4 =	rddreg [dreg:$0x9]  }
0x2c: {  	[hbm:s4], [sflag:s3] =	dma.local @!p0 [spmem:s1], $0x400  }
0x2d: {  	s1 =	simm.s32 @!p0 $0x9  }
0x2e: {  	_ =	swait.ge @!p0 [sflag:s1], $0x400  }
0x2f: {  	s28 =	rddreg [dreg:$0xd]  }
0x30: {  	s29 =	rddreg [dreg:$0xa];
	s4 =	sadd.s32 $0x1, s28  }
0x31: {  	p1 =	sne.s32 s4, s29  }
.Ltmp1:
0x32: {  	_ = 	snop;
	(pc) =	sbr.rel @!p1 .LBB2_26-.Ltmp1, $3  }
0x33: {  	_ =	sdelay $0x1  }
0x34: {  	[sflag:s1] =	ssyncset.done @!p0 $0x0  }
0x35: {  	v0 =	vimm.f32 $0.0e+00;
	[sflag:s1] =	ssyncadd.s32 @!p0 $0xFFFFFC00  }
.LBB2_1:
0x36: {  	[dreg:$0xd] =	wrdreg s4  }
0x37: {  	s1 =	rddreg [dreg:$0x2];
	s3 =	simm.s32 $0x14400;
	s22 =	simm.s32 $0x9  }
0x38: {  	[tilespmem:s3], [sflag:$0x9] =	stream.linear.gather [hbm4b:s1+s6], $0x80, $0x38;
	[tilespmem:$0x1B780] =	vst v63  }
0x39: {  	_ =	swait.ge [sflag:s22], $0x80  }
0x3a: {  	[sflag:s22] =	ssyncset.done $0x0  }
0x3b: {  	[sflag:s22] =	ssyncadd.s32 $0xFFFFFF80  }
0x3c: {  	s26 =	simm.s32 $0x14480;
	s23 =	rddreg [dreg:$0x3]  }
0x3d: {  	[tilespmem:s26], [sflag:$0x9] =	stream.linear.gather [hbm4b:s23+s6], $0x80, $0x38;
	[tilespmem:$0x1B780] =	vst v63  }
0x3e: {  	_ =	swait.ge [sflag:s22], $0x80  }
0x3f: {  	[sflag:s22] =	ssyncset.done $0x0  }
0x40: {  	[sflag:s22] =	ssyncadd.s32 $0xFFFFFF80  }
.Ltmp2:
0x41: {  	s29 =	simm.s32 $0x14500;
	s28 =	rddreg [dreg:$0x4];
	(pc) =	sbr.rel @p0 .LBB2_5-.Ltmp2, $4  }
0x42: {  	[tilespmem:s29], [sflag:$0x9] =	stream.linear.gather [hbm4b:s28+s6], $0x80, $0x38;
	[tilespmem:$0x1B780] =	vst v63  }
0x43: {  	_ =	swait.ge [sflag:s22], $0x80  }
0x44: {  	[sflag:s22] =	ssyncset.done $0x0  }
0x45: {  	[sflag:s22] =	ssyncadd.s32 $0xFFFFFF80  }
0x46: {  	s1 =	sand.u32 $0x7E00, s6  }
0x47: {  	s3 =	sand.u32 $0x70, s6;
	s4 =	sshrl.u32 s1, $0x2  }
0x48: {  	s1 =	simm.s32 $0x40;
	s4 =	sor.u32 s3, s4;
	s3 =	simm.s32 $0x0  }
.LBB2_3:
0x49: {  	p1 =	sne.s32 s1, $0x7FC0  }
0x4a: {  	[tilespmem:s4+$0x19580] =	vst v0;
	s3 =	sadd.s32 $0x10, s3;
	s4 =	smov.u32 s1;
	s1 =	sadd.s32 $0x40, s1  }
.Ltmp3:
0x4b: {  	(pc) =	sbr.rel @p1 .LBB2_3-.Ltmp3, $4  }
0x4c: {  	_ = 	snop  }
0x4d: {  	s4 =	sand.u32 $0x7E00, s4  }
0x4e: {  	s9 =	sand.u32 $0x70, s3;
	s4 =	sshrl.u32 s4, $0x2  }
0x4f: {  	s4 =	sor.u32 s9, s4  }
0x50: {  	[tilespmem:s4+$0x19580] =	vst v0;
	s1 =	simm.s32 $0x19580;
	s29 =	simm.s32 $0x9  }
0x51: {  	[spmem:s5] =	stream.linear.scatter [tilespmem:s1], [sflag:$0x9], $0x2000, $0x38;
	[tilespmem:$0x1B780] =	vst v63  }
0x52: {  	_ =	swait.ge [sflag:s29], $0x2000  }
0x53: {  	[sflag:s29] =	ssyncset.done $0x0  }
0x54: {  	[sflag:s29] =	ssyncadd.s32 $0xFFFFE000  }
.LBB2_5:
0x55: {  	[bflag:$0x0] =	sbarrier.arrive $0xFFFF  }
0x56: {  	v7 =	vld [tilespmem:$0x14500]  }
0x57: {  	v0 =	vld [tilespmem:$0x144A0]  }
0x58: {  	v14 =	vld [tilespmem:$0x14400]  }
0x59: {  	v16 =	vld [tilespmem:$0x14410]  }
0x5a: {  	v11 =	vld [tilespmem:$0x14420]  }
0x5b: {  	v1 =	vld [tilespmem:$0x14430]  }
0x5c: {  	v2 =	vld [tilespmem:$0x14440];
	(v2sf) =	vpush v7, $0x0;
	[tilespmem:$0x1FF00] =	vst v0  }
0x5d: {  	v3 =	vld [tilespmem:$0x14450];
	[tilespmem:$0x1FF10] =	vst v14;
	(v2sf) =	vpush v7, $0x1  }
0x5e: {  	v4 =	vld [tilespmem:$0x14460];
	[tilespmem:$0x1FF20] =	vst v16  }
0x5f: {  	v5 =	vld [tilespmem:$0x14470];
	[tilespmem:$0x1FF30] =	vst v11  }
0x60: {  	v61 =	vld [tilespmem:$0x14480];
	[tilespmem:$0x1FF40] =	vst v1  }
0x61: {  	v62 =	vld [tilespmem:$0x14490];
	[tilespmem:$0x1FF50] =	vst v2  }
0x62: {  	v6 =	vld [tilespmem:$0x144B0];
	[tilespmem:$0x1FF60] =	vst v3  }
0x63: {  	v13 =	vld [tilespmem:$0x144E0];
	[tilespmem:$0x1FF70] =	vst v4  }
0x64: {  	v15 =	vld [tilespmem:$0x144F0];
	[tilespmem:$0x1FF80] =	vst v5  }
0x65: {  	[tilespmem:$0x1FF90] =	vst v61  }
0x66: {  	s13 =	simm.s32 $0x0;
	s1 =	rddreg [dreg:$0x7];
	v0 =	vld [tilespmem:$0x144D0];
	[tilespmem:$0x1FFA0] =	vst v62  }
0x67: {  	[tilespmem:$0x1FFB0] =	vst v6;
	v7 =	vld [tilespmem:$0x144C0];
	[tilespmem:s13], [sflag:$0x1] =	stream.linear.gather [hbm4b:s1+s13], $0x5000, $0x38  }
.Ltmp4:
0x68: {  	[tilespmem:$0x1FFE0] =	vst v13;
	(pc) =	sbr.rel .LBB2_6-.Ltmp4, $4  }
0x69: {  	s3 =	simm.s32 $0x14000;
	s29 =	rddreg [dreg:$0x8];
	[tilespmem:$0x1FFF0] =	vst v15  }
0x6a: {  	[tilespmem:s3], [sflag:$0x1] =	stream.linear.gather [hbm4b:s29+s13], $0x100, $0x38;
	[tilespmem:$0x1B780] =	vst v63  }
0x6b: {  	[tilespmem:$0x1FFD0] =	vst v0;
	s17 =	spop (v2sf)  }
0x6c: {  	[tilespmem:$0x1FFC0] =	vst v7;
	s12 =	spop (v2sf)  }
.LBB2_24:
0x6d: {  	v1 =	vld [tilespmem:$0x1FF40]  }
0x6e: {  	s13 =	sadd.s32 $0x1, s13;
	v2 =	vld [tilespmem:$0x1FF50]  }
0x6f: {  	v3 =	vld [tilespmem:$0x1FF60];
	p1 =	sne.s32 s13, $0x5  }
.Ltmp5:
0x70: {  	v4 =	vld [tilespmem:$0x1FF70];
	(pc) =	sbr.rel @!p1 .LBB2_25-.Ltmp5, $4  }
0x71: {  	v5 =	vld [tilespmem:$0x1FF80]  }
0x72: {  	v6 =	vld [tilespmem:$0x1FFB0]  }
0x73: {  	v7 =	vld [tilespmem:$0x1FFC0]  }
0x74: {  	v0 =	vld [tilespmem:$0x1FFD0]  }
.LBB2_6:
0x75: {  	p1 =	seq.s32 s13, $0x0  }
0x76: {  	s1 =	simm.s32 @!p1 $0x6  }
0x77: {  	_ =	swait.ge @!p1 [sflag:s1], $0x2800  }
0x78: {  	s19 =	sshll.u32 s13, $0x7;
	[sflag:s1] =	ssyncset.done @!p1 $0x0;
	s3 =	rddreg [dreg:$0xb]  }
0x79: {  	s3 =	sor.u32 s3, s19;
	[sflag:s1] =	ssyncadd.s32 @!p1 $0xFFFFD800  }
0x7a: {  	_ =	swait.ge @!p1 [sflag:s1], $0x2800;
	s4 =	smul.u32 $0xA00, s3  }
0x7b: {  	s10 =	sshll.u32 s3, $0x5;
	[sflag:s1] =	ssyncset.done @!p1 $0x0  }
0x7c: {  	[sflag:s1] =	ssyncadd.s32 @!p1 $0xFFFFD800;
	s9 =	sadd.s32 s0, s4;
	s1 =	sand.u32 $0xFFFF780, s10  }
0x7d: {  	[tilespmem:s30], [sflag:$0x2] =	stream.linear.gather [hbm4b:s9+s6], $0x5000, $0x38;
	[tilespmem:$0x1B780] =	vst v63  }
0x7e: {  	s14 =	simm.s32 $0x14100;
	s1 =	sadd.s32 s1, s11  }
0x7f: {  	[tilespmem:s14], [sflag:$0x2] =	stream.linear.gather [hbm4b:s1+s6], $0x100, $0x38;
	[tilespmem:$0x1B780] =	vst v63  }
0x80: {  	_ =	swait.ge [sflag:s24], $0x5000  }
0x81: {  	[sflag:s24] =	ssyncset.done $0x0  }
0x82: {  	[sflag:s24] =	ssyncadd.s32 $0xFFFFB000  }
0x83: {  	_ =	swait.ge [sflag:s24], $0x100  }
0x84: {  	[sflag:s24] =	ssyncset.done $0x0  }
0x85: {  	s9 =	simm.s32 $0x200;
	v63 =	vld [tilespmem:$0x1FF00];
	[sflag:s24] =	ssyncadd.s32 $0xFFFFFF00  }
0x86: {  	v31 =	vld [tilespmem:s9+$0x180]  }
0x87: {  	v32 =	vld [tilespmem:s9+$0x190]  }
0x88: {  	v17 =	vld [tilespmem:s9+$0xFFFFFE10]  }
0x89: {  	v34 =	vld [tilespmem:s9+$0x1A0]  }
0x8a: {  	v18 =	vld [tilespmem:s9+$0xFFFFFE80]  }
0x8b: {  	v36 =	vld [tilespmem:s9+$0x1B0]  }
0x8c: {  	v19 =	vld [tilespmem:s9+$0xFFFFFE90]  }
0x8d: {  	v38 =	vld [tilespmem:s9+$0x1C0]  }
0x8e: {  	v22 =	vld [tilespmem:s9+$0xFFFFFF00];
	v20 =	vmul.f32 v31, v61;
	v21 =	vmul.f32 v32, v62  }
0x8f: {  	v41 =	vld [tilespmem:s9+$0x1D0]  }
0x90: {  	v23 =	vld [tilespmem:s9+$0xFFFFFF10];
	v25 =	vmul.f32 v17, v16;
	v20 =	vadd.f32 v21, v20;
	v21 =	vmul.f32 v34, v63  }
0x91: {  	v43 =	vld [tilespmem:s9+$0x1E0];
	v26 =	vmul.f32 v17, v62;
	v17 =	vmul.f32 v18, v14  }
0x92: {  	v24 =	vld [tilespmem:s9+$0xFFFFFF80];
	v18 =	vmul.f32 v18, v61;
	v20 =	vadd.f32 v21, v20;
	v21 =	vmul.f32 v36, v6  }
0x93: {  	v29 =	vld [tilespmem:s9+$0x0];
	v28 =	vmul.f32 v19, v16;
	v19 =	vmul.f32 v19, v62  }
0x94: {  	v40 =	vld [tilespmem:s9+$0x1F0];
	v20 =	vadd.f32 v21, v20;
	v21 =	vmul.f32 v38, v7  }
0x95: {  	v27 =	vld [tilespmem:s9+$0xFFFFFF90];
	v30 =	vmul.f32 v22, v14;
	v35 =	vadd.f32 v19, v18;
	v8 =	vadd.f32 v28, v17  }
0x96: {  	v33 =	vld [tilespmem:s9+$0x10];
	v18 =	vmul.f32 v22, v61;
	v20 =	vadd.f32 v21, v20;
	v21 =	vmul.f32 v41, v0  }
0x97: {  	v19 =	vmul.f32 v23, v62;
	v22 =	vld [tilespmem:s9+$0x80];
	v23 =	vmul.f32 v23, v16;
	[tilespmem:$0x1FE00] =	vst v8  }
0x98: {  	v44 =	vmul.f32 v29, v14;
	v58 =	vld [tilespmem:s9+$0x90];
	v20 =	vadd.f32 v21, v20;
	v21 =	vmul.f32 v43, v13  }
0x99: {  	v37 =	vadd.f32 v19, v18;
	v19 =	vmul.f32 v24, v14;
	v59 =	vadd.f32 v23, v30;
	v39 =	vld [tilespmem:s9+$0x100]  }
0x9a: {  	v23 =	vmul.f32 v27, v16;
	v42 =	vld [tilespmem:s9+$0x110];
	v20 =	vadd.f32 v21, v20;
	v21 =	vmul.f32 v40, v15  }
0x9b: {  	v12 =	vmul.f32 v33, v16;
	v52 =	vmul.f32 v33, v62;
	[tilespmem:$0x1FE10] =	vst v59  }
0x9c: {  	v53 =	vadd.f32 v23, v19;
	v60 =	vld [tilespmem:s9+$0xFFFFFE00];
	v23 =	vmul.f32 v22, v14;
	v21 =	vadd.f32 v21, v20  }
0x9d: {  	v55 =	vadd.f32 v12, v44;
	v45 =	vld [tilespmem:s9+$0xFFFFFE20];
	v22 =	vmul.f32 v22, v61;
	v54 =	vmul.f32 v58, v62  }
0x9e: {  	v33 =	vld [tilespmem:s9+$0xFFFFFEA0];
	[tilespmem:$0x1FE20] =	vst v53;
	v56 =	vmul.f32 v39, v14;
	(xrf2) =	vadd.scan.msk.f32 $0xffff, v21;
	v21 =	vmul.f32 v58, v16  }
0x9f: {  	v47 =	vld [tilespmem:s9+$0xFFFFFF20];
	v57 =	vmul.f32 v39, v61;
	v39 =	vadd.f32 v54, v22;
	v22 =	vmul.f32 v42, v16  }
0xa0: {  	v29 =	vmul.f32 v29, v61;
	v49 =	vld [tilespmem:s9+$0xFFFFFFA0];
	[tilespmem:$0x1FE30] =	vst v55;
	v59 =	vadd.f32 v21, v23  }
0xa1: {  	v50 =	vld [tilespmem:s9+$0x20];
	v30 =	vmul.f32 v60, v14;
	v58 =	vmul.f32 v60, v61;
	v60 =	vadd.f32 v22, v56  }
0xa2: {  	v51 =	vld [tilespmem:s9+$0xA0];
	[tilespmem:$0x1FE40] =	vst v59  }
0xa3: {  	v48 =	vadd.f32 v52, v29;
	v29 =	vld [tilespmem:s9+$0x120];
	[tilespmem:$0x1FE50] =	vst v60  }
0xa4: {  	v9 =	vld [tilespmem:s9+$0xFFFFFE30];
	_ =	sdelay $0x4  }
0xa5: {  	[tilespmem:$0x1FE60] =	vst v9  }
0xa6: {  	v8 =	vld [tilespmem:s9+$0xFFFFFF30];
	_ =	sdelay $0x4  }
0xa7: {  	v55 =	vld [tilespmem:s9+$0xFFFFFEB0];
	[tilespmem:$0x1FE70] =	vst v8  }
0xa8: {  	v10 =	vld [tilespmem:s9+$0xFFFFFFB0];
	_ =	sdelay $0x2  }
0xa9: {  	v24 =	vmul.f32 v24, v61;
	v27 =	vmul.f32 v27, v62  }
0xaa: {  	v12 =	vmul.f32 v33, v63  }
0xab: {  	v46 =	vadd.f32 v27, v24;
	v23 =	vmul.f32 v45, v63;
	v27 =	vadd.f32 v26, v58;
	[tilespmem:$0x1FE80] =	vst v10  }
0xac: {  	v24 =	vmul.f32 v36, v1;
	v42 =	vmul.f32 v42, v62;
	v35 =	vadd.f32 v12, v35;
	v59, _, _ =	vpop (xrf2);
	v12 =	vld [tilespmem:s9+$0xB0]  }
0xad: {  	v44 =	vadd.f32 v23, v27;
	v27 =	vmul.f32 v49, v63;
	(v2sf) =	vpush v59, $0xF  }
0xae: {  	v54 =	vmul.f32 v45, v11;
	v42 =	vadd.f32 v42, v57;
	v60 =	vmul.f32 v29, v63  }
0xaf: {  	v52 =	vmul.f32 v50, v63;
	v46 =	vadd.f32 v27, v46;
	v27 =	vmul.f32 v31, v14  }
0xb0: {  	v9 =	vmul.f32 v9, v6;
	v42 =	vadd.f32 v60, v42;
	v60 =	vmul.f32 v32, v16  }
0xb1: {  	v53 =	vadd.f32 v25, v30;
	v22 =	vmul.f32 v47, v11;
	v26 =	vmul.f32 v47, v63;
	v57 =	vld [tilespmem:s9+$0x30];
	[tilespmem:$0x1FE90] =	vst v12  }
0xb2: {  	v44 =	vadd.f32 v9, v44;
	v9 =	vmul.f32 v34, v11;
	v47 =	vadd.f32 v60, v27;
	v30 =	vld [tilespmem:s9+$0x130]  }
0xb3: {  	v56 =	vmul.f32 v33, v11;
	v58 =	vmul.f32 v51, v63;
	v45 =	vadd.f32 v52, v48;
	v31 =	vld [tilespmem:s9+$0xFFFFFE40]  }
0xb4: {  	v37 =	vadd.f32 v26, v37;
	v26 =	vmul.f32 v49, v11;
	v47 =	vadd.f32 v9, v47;
	v33 =	vld [tilespmem:s9+$0xFFFFFF40]  }
0xb5: {  	v39 =	vadd.f32 v58, v39;
	v23 =	vmul.f32 v51, v11;
	v52 =	vmul.f32 v55, v6;
	v32 =	vld [tilespmem:s9+$0xFFFFFEC0]  }
0xb6: {  	v27 =	vmul.f32 v38, v2;
	v8 =	vmul.f32 v8, v6;
	v47 =	vadd.f32 v24, v47;
	v34 =	vld [tilespmem:s9+$0xFFFFFFC0]  }
0xb7: {  	v24 =	vmul.f32 v43, v4;
	v52 =	vadd.f32 v52, v35;
	v59 =	vmul.f32 v12, v6;
	v35 =	vld [tilespmem:s9+$0x40]  }
0xb8: {  	v48 =	vadd.f32 v8, v37;
	v58 =	vmul.f32 v10, v6;
	v10 =	vmul.f32 v57, v6;
	v36 =	vld [tilespmem:s9+$0xC0]  }
0xb9: {  	v59 =	vadd.f32 v59, v39;
	v39 =	vld [tilespmem:s9+$0xFFFFFED0];
	v25 =	vmul.f32 v30, v6;
	v12 =	vmul.f32 v33, v7  }
0xba: {  	v47 =	vadd.f32 v27, v47;
	v46 =	vadd.f32 v58, v46;
	v37 =	vld [tilespmem:s9+$0x140];
	v28 =	vmul.f32 v32, v7  }
0xbb: {  	v9 =	vmovc v62;
	v38 =	vld [tilespmem:s9+$0xFFFFFE50];
	v58 =	vadd.f32 v10, v45;
	v62 =	vadd.f32 v25, v42;
	v25 =	vmul.f32 v41, v3  }
0xbc: {  	s15 =	spop (v2sf);
	v43 =	vld [tilespmem:s9+$0x50];
	v10 =	vmovc v63;
	v60 =	vmul.f32 v31, v7;
	v52 =	vadd.f32 v28, v52;
	v28 =	vmul.f32 v35, v7  }
0xbd: {  	s1 =	sadd.f32 s15, s12;
	v49 =	vld [tilespmem:s9+$0xFFFFFE70];
	v63 =	vadd.f32 v12, v48;
	v47 =	vadd.f32 v25, v47;
	v25 =	vmul.f32 v36, v7;
	v12 =	vmovc v0  }
0xbe: {  	v51 =	vld [tilespmem:s9+$0xFFFFFFF0];
	v27 =	vmul.f32 v34, v7;
	v58 =	vadd.f32 v28, v58;
	v28 =	vmul.f32 v39, v12  }
0xbf: {  	v45 =	vld [tilespmem:s9+$0xFFFFFE60];
	v60 =	vadd.f32 v60, v44;
	v59 =	vadd.f32 v25, v59;
	v25 =	vmov s1  }
0xc0: {  	v8 =	vmovc v61;
	v41 =	vld [tilespmem:s9+$0xFFFFFF50];
	v17 =	vmul.f32 v38, v12;
	v61 =	vadd.f32 v28, v52;
	v52 =	vsub.f32 $0.0e+00, v25  }
0xc1: {  	v42 =	vld [tilespmem:s9+$0xFFFFFFD0];
	v46 =	vadd.f32 v27, v46  }
0xc2: {  	v27 =	vmul.f32 v37, v7;
	v48 =	vld [tilespmem:s9+$0x150];
	v19 =	vadd.f32 v17, v60;
	v17 =	vmul.f32 $1.442695020e+00, v52  }
0xc3: {  	v40 =	vmul.f32 v40, v5;
	v44 =	vld [tilespmem:s9+$0xD0];
	v47 =	vadd.f32 v24, v47  }
0xc4: {  	v21 =	vadd.f32 v27, v62;
	v62 =	vld [tilespmem:s9+$0xFFFFFEE0];
	v17 =	vbroadcast v17, $0x0  }
0xc5: {  	v18 =	vmul.f32 v43, v12;
	v0 =	vmul.f32 v41, v12;
	v25 =	vld [tilespmem:s9+$0xFFFFFEF0];
	v40 =	vadd.f32 v40, v47  }
0xc6: {  	v24 =	vmul.f32 v42, v12;
	(erf) = vpow2.f32 v17;
	v17 =	vld [tilespmem:$0x1FE00]  }
0xc7: {  	v20 =	vadd.f32 v18, v58;
	v58 =	vmul.f32 v48, v12;
	v47 =	vadd.f32 v0, v63;
	v63 =	vld [tilespmem:s9+$0xFFFFFF60];
	(xrf2) =	vadd.scan.msk.f32 $0xffff, v40  }
0xc8: {  	v27 =	vmul.f32 v45, v13;
	v60 =	vmul.f32 v50, v11;
	v40 =	vld [tilespmem:s9+$0xFFFFFFE0]  }
0xc9: {  	v50 =	vadd.f32 v24, v46;
	v24 =	vmul.f32 v62, v13;
	v21 =	vadd.f32 v58, v21;
	v58 =	vld [tilespmem:s9+$0xFFFFFF70]  }
0xca: {  	v28 =	vmul.f32 v44, v12;
	v52 =	vld [tilespmem:s9+$0xE0];
	v0 =	vadd.f32 v27, v19;
	v19 =	vmul.f32 v49, v15  }
0xcb: {  	v61 =	vadd.f32 v24, v61;
	v24 =	vadd.f32 v56, v17;
	v17 =	vld [tilespmem:$0x1FE10];
	v56 =	vmul.f32 v25, v15  }
0xcc: {  	v53 =	vadd.f32 v54, v53;
	v46 =	vld [tilespmem:s9+$0x60];
	v19 =	vadd.f32 v19, v0;
	v54 =	vmul.f32 v63, v13  }
0xcd: {  	v59 =	vadd.f32 v28, v59;
	v28 =	vld [tilespmem:s9+$0x160];
	v0 =	vmul.f32 v40, v13;
	v56 =	vadd.f32 v56, v61  }
0xce: {  	v27 =	vld [tilespmem:$0x1FE20];
	(xrf2) =	vadd.scan.msk.f32 $0xffff, v19;
	v19 =	vadd.f32 v54, v47;
	v61 =	vmul.f32 v58, v15  }
0xcf: {  	(xrf2) =	vadd.scan.msk.f32 $0xffff, v56;
	v56 =	vld [tilespmem:$0x1FE40]  }
0xd0: {  	v19 =	vadd.f32 v61, v19;
	v61 =	vld [tilespmem:$0x1FE60];
	v54 =	vadd.f32 v22, v17;
	v17 =	vmul.f32 v52, v13  }
0xd1: {  	v47 =	vmul.f32 v46, v13;
	v18 =	vadd.f32 v0, v50;
	v50 =	vld [tilespmem:s9+$0x70];
	v0, _, _ =	vpop (xrf2)  }
0xd2: {  	(v2sf) =	vpush v0, $0xF;
	v0 =	vld [tilespmem:$0x1FE30];
	v17 =	vadd.f32 v17, v59;
	v59 =	vmul.f32 v51, v15;
	_ =	sdelay $0x1  }
0xd3: {  	v20 =	vadd.f32 v47, v20;
	v47 =	vmul.f32 v28, v13;
	v18 =	vadd.f32 v59, v18;
	v59 =	vld [tilespmem:$0x1FE50]  }
0xd4: {  	v23 =	vadd.f32 v23, v56;
	v56 =	vmul.f32 v61, v1;
	v61 =	vld [tilespmem:$0x1FE70]  }
0xd5: {  	v21 =	vadd.f32 v47, v21;
	v47 =	vmul.f32 v50, v15;
	v22 =	vadd.f32 v26, v27;
	v26 =	vld [tilespmem:s9+$0xF0]  }
0xd6: {  	v27 =	vld [tilespmem:s9+$0x170];
	v60 =	vadd.f32 v60, v0;
	v0 =	vpop (erf)  }
0xd7: {  	v29 =	vmul.f32 v29, v11;
	(xrf2) =	vadd.scan.msk.f32 $0xffff, v19;
	v20 =	vadd.f32 v47, v20;
	v47 =	vadd.f32 $1.000000000e+00, v0;
	v0 =	vld [tilespmem:$0x1FE80]  }
0xd8: {  	v57 =	vmul.f32 v57, v1;
	v30 =	vmul.f32 v30, v1  }
0xd9: {  	v31 =	vmul.f32 v31, v2;
	v29 =	vadd.f32 v29, v59;
	v59 =	vmul.f32 v61, v1;
	v61, _, _ =	vpop (xrf2)  }
0xda: {  	v33 =	vmul.f32 v33, v2;
	v19 =	vmul.f32 v55, v1;
	(v2sf) =	vpush v61, $0xF  }
0xdb: {  	v55 =	vmul.f32 v26, v15;
	(xrf2) =	vadd.scan.msk.f32 $0xffff, v18;
	v18 =	vmul.f32 v27, v15  }
0xdc: {  	(erf) = vrcp.f32 v47;
	v0 =	vmul.f32 v0, v1  }
0xdd: {  	v47 =	vmul.f32 v35, v2;
	v17 =	vadd.f32 v55, v17;
	v18 =	vadd.f32 v18, v21;
	v21 =	vld [tilespmem:$0x1FE90]  }
0xde: {  	v55 =	vmul.f32 v38, v3;
	(xrf2) =	vadd.scan.msk.f32 $0xffff, v20;
	v0 =	vadd.f32 v0, v22;
	v22 =	vadd.f32 v57, v60;
	v60, _, _ =	vpop (xrf2)  }
0xdf: {  	v38 =	vmul.f32 v49, v5;
	v20 =	vadd.f32 v56, v53;
	(xrf2) =	vadd.scan.msk.f32 $0xffff, v17;
	(v2sf) =	vpush v60, $0xF  }
0xe0: {  	v19 =	vadd.f32 v19, v24;
	v56 =	vmul.f32 v39, v3;
	v17 =	vmul.f32 v32, v2  }
0xe1: {  	v61 =	vmul.f32 v34, v2;
	v59 =	vadd.f32 v59, v54;
	v20 =	vadd.f32 v31, v20;
	v53, _, _ =	vpop (xrf2);
	(xrf2) =	vadd.scan.msk.f32 $0xffff, v18  }
0xe2: {  	v57 =	vmul.f32 v42, v3;
	v17 =	vadd.f32 v17, v19;
	v21 =	vmul.f32 v21, v1  }
0xe3: {  	v19 =	vmul.f32 v36, v2;
	v24 =	vadd.f32 v33, v59;
	(v2sf) =	vpush v53, $0xF  }
0xe4: {  	v18 =	vmul.f32 v37, v2;
	v21 =	vadd.f32 v21, v23;
	v23 =	vadd.f32 v30, v29  }
0xe5: {  	v60 =	vmul.f32 v45, v4;
	v0 =	vadd.f32 v61, v0;
	v20 =	vadd.f32 v55, v20  }
0xe6: {  	v36 =	vmul.f32 v48, v3;
	v22 =	vadd.f32 v47, v22;
	v17 =	vadd.f32 v56, v17;
	v54, _, _ =	vpop (xrf2)  }
0xe7: {  	v59 =	vmul.f32 v43, v3;
	v20 =	vadd.f32 v60, v20;
	(v2sf) =	vpush v54, $0xF  }
0xe8: {  	v37 =	vmul.f32 v62, v4;
	s1 =	spop (v2sf);
	v0 =	vadd.f32 v57, v0;
	v18 =	vadd.f32 v18, v23;
	v23, _, _ =	vpop (xrf2)  }
0xe9: {  	v45 =	vmul.f32 v46, v4;
	v22 =	vadd.f32 v59, v22;
	(v2sf) =	vpush v23, $0xF;
	v61, _, _ =	vpop (xrf2);
	s18 =	spop (v2sf)  }
0xea: {  	v19 =	vadd.f32 v19, v21;
	v21 =	vmul.f32 v41, v3;
	(v2sf) =	vpush v61, $0xF;
	s3 =	sadd.f32 s18, s12  }
0xeb: {  	v17 =	vadd.f32 v37, v17;
	v41 =	vmul.f32 v25, v5;
	v20 =	vadd.f32 v38, v20;
	v42, _, _ =	vpop (xrf2)  }
0xec: {  	v21 =	vadd.f32 v21, v24;
	(v2sf) =	vpush v42, $0xF;
	v43 =	vmov s3  }
0xed: {  	v39 =	vmul.f32 v63, v4;
	v17 =	vadd.f32 v41, v17;
	(xrf2) =	vadd.scan.msk.f32 $0xffff, v20;
	v20 =	vsub.f32 $0.0e+00, v43  }
0xee: {  	v22 =	vadd.f32 v45, v22;
	v18 =	vadd.f32 v36, v18;
	v23 =	vmul.f32 v44, v3;
	s20 =	spop (v2sf)  }
0xef: {  	v44 =	vmul.f32 v58, v5;
	v21 =	vadd.f32 v39, v21;
	(xrf2) =	vadd.scan.msk.f32 $0xffff, v17;
	s3 =	sadd.f32 s20, s12;
	v17 =	vmul.f32 $1.442695020e+00, v20  }
0xf0: {  	v19 =	vadd.f32 v23, v19;
	v23 =	vmul.f32 v40, v4;
	v20 =	vmul.f32 v28, v4  }
0xf1: {  	v21 =	vadd.f32 v44, v21;
	v47 =	vmov s3;
	v17 =	vbroadcast v17, $0x0  }
0xf2: {  	v46 =	vmul.f32 v52, v4;
	s21 =	spop (v2sf);
	v18 =	vadd.f32 v20, v18;
	v20 =	vsub.f32 $0.0e+00, v47  }
0xf3: {  	s30 =	simm.s32 $0x600;
	v0 =	vadd.f32 v23, v0;
	(xrf2) =	vadd.scan.msk.f32 $0xffff, v21;
	v21 =	vmul.f32 v51, v5;
	s22 =	sadd.f32 s21, s12;
	(erf) = vpow2.f32 v17  }
0xf4: {  	v31 =	vld [tilespmem:s30+$0x180];
	v19 =	vadd.f32 v46, v19;
	v17 =	vmul.f32 v26, v5;
	v20 =	vmul.f32 $1.442695020e+00, v20  }
0xf5: {  	v23 =	vmul.f32 v50, v5;
	v0 =	vadd.f32 v21, v0;
	v21 =	vmov s22  }
0xf6: {  	s23 =	spop (v2sf);
	v21 =	vsub.f32 $0.0e+00, v21;
	v19 =	vadd.f32 v17, v19;
	v17 =	vbroadcast v20, $0x0  }
0xf7: {  	v22 =	vadd.f32 v23, v22;
	s4 =	sadd.f32 s23, s12  }
0xf8: {  	v49 =	vmul.f32 v27, v5;
	v33 =	vld [tilespmem:s30+$0x190];
	v21 =	vmul.f32 $1.442695020e+00, v21;
	s26 =	spop (v2sf)  }
0xf9: {  	v52 =	vmul.f32 v31, v8;
	(xrf2) =	vadd.scan.msk.f32 $0xffff, v0;
	v48 =	vmov s4;
	s29 =	sadd.f32 s26, s12;
	s10 =	spop (v2sf);
	v20, _, _ =	vpop (xrf2)  }
0xfa: {  	(xrf2) =	vadd.scan.msk.f32 $0xffff, v22;
	v18 =	vadd.f32 v49, v18;
	v21 =	vbroadcast v21, $0x0;
	s23 =	sadd.f32 s10, s12;
	(erf) = vpow2.f32 v17;
	v17 =	vpop (erf)  }
0xfb: {  	v50 =	vsub.f32 $0.0e+00, v48;
	s26 =	spop (v2sf);
	(v2sf) =	vpush v20, $0xF;
	v20 =	vmov s29;
	v22, _, _ =	vpop (xrf2);
	[tilespmem:$0x1FEF0] =	vst v17  }
0xfc: {  	(xrf2) =	vadd.scan.msk.f32 $0xffff, v19;
	v19 =	vmov s23;
	s4 =	sadd.f32 s26, s12;
	v20 =	vsub.f32 $0.0e+00, v20;
	(v2sf) =	vpush v22, $0xF;
	v22 =	vld [tilespmem:s30+$0xFFFFFE10]  }
0xfd: {  	v53 =	vmul.f32 v33, v9;
	v0 =	vmul.f32 $1.442695020e+00, v50;
	v19 =	vsub.f32 $0.0e+00, v19;
	v36 =	vld [tilespmem:s30+$0x1A0]  }
0xfe: {  	(erf) = vpow2.f32 v21;
	v21, _, _ =	vpop (xrf2);
	(xrf2) =	vadd.scan.msk.f32 $0xffff, v18;
	v18 =	vmov s4;
	v20 =	vmul.f32 $1.442695020e+00, v20;
	v51 =	vld [tilespmem:s30+$0xFFFFFE80]  }
0xff: {  	v33 =	vmul.f32 v33, v16;
	v0 =	vbroadcast v0, $0x0;
	v18 =	vsub.f32 $0.0e+00, v18;
	v38 =	vld [tilespmem:s30+$0x1B0]  }
0x100: {  	(v2sf) =	vpush v21, $0xF;
	v19 =	vmul.f32 $1.442695020e+00, v19;
	v23 =	vld [tilespmem:s30+$0xFFFFFE90];
	v21 =	vpop (erf);
	v20 =	vbroadcast v20, $0x0  }
0x101: {  	v42 =	vld [tilespmem:s30+$0x1C0];
	(erf) = vpow2.f32 v0;
	v18 =	vmul.f32 $1.442695020e+00, v18;
	v21 =	vadd.f32 $1.000000000e+00, v21  }
0x102: {  	v40 =	vld [tilespmem:s30+$0x1D0];
	v19 =	vbroadcast v19, $0x0;
	(erf) = vpow2.f32 v20  }
0x103: {  	v55 =	vld [tilespmem:s30+$0xFFFFFF10];
	v58 =	vbroadcast v18, $0x0;
	(erf) = vrcp.f32 v21  }
0x104: {  	v24 =	vadd.f32 v53, v52;
	v39 =	vld [tilespmem:s30+$0x1E0];
	v54 =	vmul.f32 v36, v10;
	v26 =	vmul.f32 v22, v16;
	v20, _, _ =	vpop (xrf2)  }
0x105: {  	v59 =	vld [tilespmem:s30+$0xFFFFFF80];
	v22 =	vmul.f32 v22, v9;
	v56 =	vmul.f32 v38, v6;
	(v2sf) =	vpush v20, $0xF;
	v20, _, _ =	vpop (xrf2)  }
0x106: {  	v21 =	vld [tilespmem:s30+$0xFFFFFF00];
	v61 =	vmul.f32 v23, v16;
	(v2sf) =	vpush v20, $0xF;
	v20 =	vmul.f32 v51, v14  }
0x107: {  	v37 =	vld [tilespmem:s30+$0x1F0];
	v0 =	vmul.f32 v51, v8;
	v60 =	vmul.f32 v42, v7;
	v24 =	vadd.f32 v54, v24  }
0x108: {  	v23 =	vmul.f32 v23, v9;
	v62 =	vmul.f32 v40, v12;
	v17 =	vadd.f32 v61, v20  }
0x109: {  	v48 =	vmul.f32 v39, v13;
	(erf) = vpow2.f32 v19;
	v19 =	vld [tilespmem:s30+$0xFFFFFF90];
	v18 =	vadd.f32 v56, v24  }
0x10a: {  	v63 =	vld [tilespmem:s30+$0x0];
	v49 =	vmul.f32 v55, v16;
	v27 =	vmul.f32 v55, v9;
	v0 =	vadd.f32 v23, v0;
	[tilespmem:$0x1FEA0] =	vst v17  }
0x10b: {  	v23 =	vmul.f32 v21, v14;
	v21 =	vmul.f32 v21, v8;
	v24 =	vadd.f32 v60, v18;
	v20 =	vld [tilespmem:s30+$0x10]  }
0x10c: {  	v52 =	vmul.f32 v37, v15;
	v30 =	vmul.f32 v59, v8;
	v50 =	vld [tilespmem:s30+$0x80]  }
0x10d: {  	v37 =	vmul.f32 v37, v5;
	v27 =	vadd.f32 v27, v21;
	v24 =	vadd.f32 v62, v24;
	v53 =	vld [tilespmem:s30+$0x100]  }
0x10e: {  	v57, _, _ =	vpop (xrf2);
	v21 =	vmul.f32 v59, v14;
	v59 =	vmul.f32 v19, v16;
	v17 =	vadd.f32 v49, v23;
	v61 =	vld [tilespmem:s30+$0x110]  }
0x10f: {  	(erf) = vpow2.f32 v58;
	(v2sf) =	vpush v57, $0xF;
	v51 =	vld [tilespmem:s30+$0x90];
	v24 =	vadd.f32 v48, v24  }
0x110: {  	v23 =	vmul.f32 v63, v14;
	[tilespmem:$0x1FEB0] =	vst v17;
	v17 =	vadd.f32 v59, v21;
	v54 =	vmul.f32 v20, v16  }
0x111: {  	v60 =	vmul.f32 v19, v9;
	v62 =	vmul.f32 v63, v8;
	v63 =	vld [tilespmem:s30+$0xFFFFFE00];
	v24 =	vadd.f32 v52, v24  }
0x112: {  	v47, _, _ =	vpop (xrf2);
	v43 =	vld [tilespmem:s30+$0xFFFFFE20];
	[tilespmem:$0x1FEC0] =	vst v17;
	v20 =	vmul.f32 v20, v9;
	v55 =	vmul.f32 v50, v14;
	v17 =	vadd.f32 v54, v23  }
0x113: {  	(v2sf) =	vpush v47, $0xF;
	v56 =	vld [tilespmem:s30+$0xFFFFFEA0];
	v58 =	vmul.f32 v53, v14;
	v59 =	vmul.f32 v61, v16  }
0x114: {  	v46 =	vld [tilespmem:s30+$0xFFFFFF20];
	v34 =	vmul.f32 v50, v8;
	v57 =	vmul.f32 v51, v16;
	(xrf2) =	vadd.scan.msk.f32 $0xffff, v24;
	[tilespmem:$0x1FED0] =	vst v17  }
0x115: {  	v29 =	vmul.f32 v51, v9;
	v45 =	vadd.f32 v20, v62;
	v62 =	vadd.f32 v59, v58;
	v48 =	vld [tilespmem:s30+$0xFFFFFFA0]  }
0x116: {  	v30 =	vadd.f32 v60, v30;
	v35 =	vmul.f32 v53, v8;
	v44 =	vmul.f32 v61, v9;
	v51 =	vld [tilespmem:s30+$0x20]  }
0x117: {  	v24 =	vmul.f32 v31, v14;
	v49 =	vadd.f32 v29, v34;
	v60 =	vmul.f32 v63, v8;
	v32 =	vld [tilespmem:s30+$0xA0];
	[tilespmem:$0x1FEE0] =	vst v62  }
0x118: {  	v28 =	vmul.f32 v63, v14;
	v9 =	vadd.f32 v57, v55;
	v61 =	vmul.f32 v43, v10;
	v34 =	vld [tilespmem:s30+$0x120]  }
0x119: {  	v35 =	vadd.f32 v44, v35;
	v53 =	vmul.f32 v43, v11;
	v50 =	vadd.f32 v33, v24;
	v17 =	vld [tilespmem:s30+$0xFFFFFE30]  }
0x11a: {  	v22 =	vadd.f32 v22, v60;
	v63 =	vmul.f32 v56, v10;
	v47 =	vmul.f32 v46, v10;
	v8 =	vld [tilespmem:s30+$0xFFFFFEB0]  }
0x11b: {  	v52 =	vadd.f32 v26, v28;
	v54 =	vmul.f32 v56, v11;
	v55 =	vmul.f32 v46, v11;
	v18 =	vld [tilespmem:s30+$0xFFFFFF30]  }
0x11c: {  	v57 =	vadd.f32 v61, v22;
	v41 =	vadd.f32 v47, v27;
	v19 =	vld [tilespmem:s30+$0xFFFFFFB0];
	v27 =	vmul.f32 v36, v11  }
0x11d: {  	v0 =	vadd.f32 v63, v0;
	v28 =	vld [tilespmem:s30+$0x30];
	v58 =	vmul.f32 v48, v10;
	v59 =	vmul.f32 v51, v10  }
0x11e: {  	v29 =	vld [tilespmem:s30+$0xB0];
	v52 =	vadd.f32 v53, v52;
	v61 =	vmul.f32 v32, v10;
	v22 =	vmul.f32 v48, v11;
	v60, _, _ =	vpop (xrf2)  }
0x11f: {  	v31 =	vld [tilespmem:s30+$0xFFFFFE40];
	v51 =	vmul.f32 v51, v11;
	v32 =	vmul.f32 v32, v11;
	(v2sf) =	vpush v60, $0xF  }
0x120: {  	v36 =	vld [tilespmem:s30+$0xFFFFFF40];
	v50 =	vadd.f32 v27, v50;
	v62 =	vmul.f32 v34, v10;
	v63 =	vmul.f32 v17, v6  }
0x121: {  	v33 =	vld [tilespmem:s30+$0xFFFFFFC0];
	v25 =	vmul.f32 v8, v6;
	v26 =	vmul.f32 v18, v6;
	v47 =	vadd.f32 v58, v30  }
0x122: {  	v43 =	vld [tilespmem:s30+$0x140];
	v34 =	vmul.f32 v34, v11;
	v44 =	vadd.f32 v59, v45;
	v49 =	vadd.f32 v61, v49  }
0x123: {  	v53 =	vld [tilespmem:s30+$0xFFFFFE70];
	v10 =	vmovc v17;
	v60 =	vmul.f32 v19, v6;
	v61 =	vmul.f32 v28, v6;
	v32 =	vadd.f32 v32, v9  }
0x124: {  	v9 =	vmul.f32 v10, v1;
	v28 =	vmul.f32 v28, v1;
	v45 =	vadd.f32 v62, v35;
	v35 =	vld [tilespmem:s30+$0xFFFFFEC0]  }
0x125: {  	v30 =	vld [tilespmem:s30+$0x130];
	v46 =	vadd.f32 v63, v57;
	v0 =	vadd.f32 v25, v0;
	v62 =	vmul.f32 v38, v1  }
0x126: {  	v56 =	vadd.f32 v26, v41;
	v63 =	vmul.f32 v29, v6;
	v38 =	vld [tilespmem:s30+$0x40];
	v25 =	vmul.f32 v42, v2  }
0x127: {  	s21 =	spop (v2sf);
	v48 =	vld [tilespmem:s30+$0xFFFFFF60];
	v26 =	vmul.f32 v31, v7;
	v47 =	vadd.f32 v60, v47;
	v58 =	vadd.f32 v61, v44  }
0x128: {  	s20 =	spop (v2sf);
	v41 =	vld [tilespmem:s30+$0xC0];
	v29 =	vmul.f32 v29, v1;
	v50 =	vadd.f32 v62, v50;
	v49 =	vadd.f32 v63, v49  }
0x129: {  	s18 =	spop (v2sf);
	v42 =	vld [tilespmem:s30+$0xFFFFFE50];
	v46 =	vadd.f32 v26, v46;
	v26 =	vmul.f32 v39, v4;
	v27 =	vmul.f32 v35, v7  }
0x12a: {  	s15 =	spop (v2sf);
	v44 =	vld [tilespmem:s30+$0xFFFFFF50];
	v24 =	vmul.f32 v30, v6;
	v63 =	vadd.f32 v25, v50;
	v6 =	vmul.f32 v40, v3  }
0x12b: {  	s14 =	spop (v2sf);
	v39 =	vld [tilespmem:s30+$0x50];
	v25 =	vmul.f32 v33, v7;
	v0 =	vadd.f32 v27, v0;
	v27 =	vmul.f32 v38, v7  }
0x12c: {  	s10 =	spop (v2sf);
	v40 =	vld [tilespmem:s30+$0xFFFFFED0];
	v30 =	vmul.f32 v30, v1;
	v61 =	vadd.f32 v24, v45;
	v24 =	vmul.f32 v36, v7  }
0x12d: {  	s4 =	spop (v2sf);
	v33 =	vmul.f32 v33, v2;
	v50 =	vadd.f32 v6, v63;
	v62 =	vadd.f32 v27, v58;
	v58 =	vld [tilespmem:s30+$0xD0]  }
0x12e: {  	v45 =	vld [tilespmem:s30+$0xFFFFFFD0];
	v6 =	vmul.f32 v41, v7;
	v56 =	vadd.f32 v24, v56;
	v24 =	vmul.f32 v42, v12;
	s22 =	spop (v2sf)  }
0x12f: {  	v57 =	vadd.f32 v25, v47;
	v7 =	vmul.f32 v43, v7;
	v60 =	vadd.f32 v26, v50;
	v50 =	vld [tilespmem:s30+$0x150];
	s22 =	sadd.f32 s22, s12  }
0x130: {  	v59 =	vadd.f32 v6, v49;
	v26 =	vmul.f32 v44, v12;
	v47 =	vadd.f32 v24, v46;
	v46 =	vld [tilespmem:s30+$0xFFFFFEE0]  }
0x131: {  	v49 =	vld [tilespmem:s30+$0xFFFFFE60];
	v25 =	vmul.f32 v40, v12;
	v37 =	vadd.f32 v37, v60;
	v27 =	vmov s22  }
0x132: {  	v60 =	vadd.f32 v7, v61;
	v24 =	vld [tilespmem:s30+$0x160];
	v63 =	vsub.f32 $0.0e+00, v27;
	v27 =	vmul.f32 v58, v12  }
0x133: {  	v14 =	vmovc v18;
	v56 =	vadd.f32 v26, v56;
	v7 =	vmul.f32 v39, v12;
	v26 =	vld [tilespmem:s30+$0xFFFFFFE0];
	v18 =	vadd.f32 v25, v0  }
0x134: {  	v16 =	vmovc v19;
	v6 =	vmul.f32 v45, v12;
	v63 =	vmul.f32 $1.442695020e+00, v63;
	v19 =	vadd.f32 v27, v59;
	v59 =	vld [tilespmem:s30+$0xE0]  }
0x135: {  	v25 =	vld [tilespmem:s30+$0xFFFFFEF0];
	(xrf2) =	vadd.scan.msk.f32 $0xffff, v37;
	v61 =	vadd.f32 v7, v62;
	v17 =	vmul.f32 v50, v12;
	v7 =	vmul.f32 v46, v13  }
0x136: {  	v62 =	vld [tilespmem:s30+$0xFFFFFF70];
	v37 =	vadd.f32 v6, v57;
	v6 =	vmul.f32 v49, v13;
	v63 =	vbroadcast v63, $0x0  }
0x137: {  	v57 =	vld [tilespmem:s30+$0x60];
	v60 =	vadd.f32 v17, v60;
	v21 =	vadd.f32 v7, v18;
	v18 =	vmul.f32 v24, v13  }
0x138: {  	v52 =	vadd.f32 v9, v52;
	v12 =	vmul.f32 v48, v13;
	(erf) = vpow2.f32 v63;
	v63 =	vld [tilespmem:$0x1FEA0]  }
0x139: {  	v18 =	vadd.f32 v18, v60;
	v60 =	vld [tilespmem:$0x1FEE0];
	v27 =	vmul.f32 v26, v13;
	v17 =	vmul.f32 v59, v13  }
0x13a: {  	v47 =	vadd.f32 v6, v47;
	v11 =	vmul.f32 v25, v15;
	v56 =	vadd.f32 v12, v56;
	v12 =	vld [tilespmem:$0x1FEB0]  }
0x13b: {  	v20 =	vadd.f32 v27, v37;
	v37 =	vld [tilespmem:s30+$0xFFFFFFF0];
	v17 =	vadd.f32 v17, v19;
	v19 =	vmul.f32 v53, v15  }
0x13c: {  	v29 =	vadd.f32 v29, v32;
	v25 =	vmul.f32 v25, v5;
	v24 =	vmul.f32 v24, v4;
	v27 =	vld [tilespmem:$0x1FEC0]  }
0x13d: {  	v7 =	vld [tilespmem:$0x1FED0];
	v63 =	vadd.f32 v54, v63;
	v54 =	vmul.f32 v57, v13;
	v19 =	vadd.f32 v19, v47  }
0x13e: {  	v21 =	vadd.f32 v11, v21;
	v11 =	vmul.f32 v16, v1;
	v26 =	vmul.f32 v26, v4  }
0x13f: {  	v6, _, _ =	vpop (xrf2);
	v55 =	vadd.f32 v55, v12;
	v12 =	vmul.f32 v62, v15;
	v54 =	vadd.f32 v54, v61;
	v61 =	vld [tilespmem:s30+$0x70];
	(xrf2) =	vadd.scan.msk.f32 $0xffff, v19  }
0x140: {  	(v2sf) =	vpush v6, $0xF;
	v34 =	vadd.f32 v34, v60;
	v13 =	vmul.f32 v37, v15;
	(xrf2) =	vadd.scan.msk.f32 $0xffff, v21  }
0x141: {  	v6 =	vmul.f32 v50, v3;
	v23 =	vadd.f32 v22, v27;
	v27 =	vld [tilespmem:s30+$0xF0];
	v47 =	vadd.f32 v12, v56  }
0x142: {  	v60 =	vmul.f32 v45, v3;
	v22 =	vadd.f32 v51, v7;
	v51 =	vld [tilespmem:s30+$0x170];
	v0 =	vadd.f32 v13, v20  }
0x143: {  	v45 =	vmul.f32 v62, v5;
	v30 =	vadd.f32 v30, v34;
	v50 =	vmul.f32 v37, v5;
	(xrf2) =	vadd.scan.msk.f32 $0xffff, v47  }
0x144: {  	v23 =	vadd.f32 v11, v23;
	v12 =	vmul.f32 v31, v2;
	v19 =	vmul.f32 v61, v15  }
0x145: {  	v22 =	vadd.f32 v28, v22;
	v56 =	vmul.f32 v44, v3;
	v11 =	vmul.f32 v46, v4;
	(xrf2) =	vadd.scan.msk.f32 $0xffff, v0  }
0x146: {  	v13 =	vmul.f32 v35, v2;
	v20 =	vmul.f32 v27, v15;
	v0 =	vpop (erf);
	v19 =	vadd.f32 v19, v54  }
0x147: {  	v23 =	vadd.f32 v33, v23;
	v10 =	vmul.f32 v51, v15;
	v21 =	vmul.f32 v14, v1;
	v31 =	vpop (erf)  }
0x148: {  	v28 =	vadd.f32 v12, v52;
	v14 =	vmul.f32 v36, v2;
	v36 =	vmul.f32 v38, v2;
	v32 =	vpop (erf)  }
0x149: {  	v38 =	vmul.f32 v41, v2;
	v23 =	vadd.f32 v60, v23;
	v17 =	vadd.f32 v20, v17;
	v41, _, _ =	vpop (xrf2);
	(xrf2) =	vadd.scan.msk.f32 $0xffff, v19  }
0x14a: {  	v12 =	vmul.f32 v48, v4;
	v18 =	vadd.f32 v10, v18;
	(v2sf) =	vpush v41, $0xF;
	v19, _, _ =	vpop (xrf2)  }
0x14b: {  	v47 =	vmul.f32 v43, v2;
	v21 =	vadd.f32 v21, v55;
	v52 =	vpop (erf);
	(v2sf) =	vpush v19, $0xF  }
0x14c: {  	v20 =	vmul.f32 v8, v1;
	v22 =	vadd.f32 v36, v22;
	v29 =	vadd.f32 v38, v29;
	v19 =	vpop (erf)  }
0x14d: {  	v2 =	vmul.f32 v58, v3;
	v30 =	vadd.f32 v47, v30;
	v23 =	vadd.f32 v26, v23;
	v7, _, _ =	vpop (xrf2)  }
0x14e: {  	v48 =	vld [tilespmem:$0x1FEF0];
	v1 =	vmul.f32 v39, v3;
	v20 =	vadd.f32 v20, v63;
	(xrf2) =	vadd.scan.msk.f32 $0xffff, v17;
	v63 =	vpop (erf);
	(v2sf) =	vpush v7, $0xF  }
0x14f: {  	v55 =	vmul.f32 v40, v3;
	v21 =	vadd.f32 v14, v21;
	v29 =	vadd.f32 v2, v29;
	v9, _, _ =	vpop (xrf2)  }
0x150: {  	v8 =	vmul.f32 v49, v4;
	v17 =	vadd.f32 v1, v22;
	v22 =	vpop (erf);
	(v2sf) =	vpush v9, $0xF  }
0x151: {  	s1 =	sadd.f32 s1, s17;
	v14 =	vmul.f32 v59, v4;
	v0 =	vadd.f32 $1.000000000e+00, v0;
	v30 =	vadd.f32 v6, v30;
	v10 =	vpop (erf)  }
0x152: {  	v43 =	vadd.f32 $1.000000000e+00, v31;
	v54 =	vmul.f32 v42, v3;
	v35 =	vadd.f32 $1.000000000e+00, v10  }
0x153: {  	v49 =	vmul.f32 s1, v48;
	v23 =	vadd.f32 v50, v23;
	v20 =	vadd.f32 v13, v20;
	v41, _, _ =	vpop (xrf2)  }
0x154: {  	v28 =	vadd.f32 v54, v28;
	(erf) = vrcp.f32 v35;
	(v2sf) =	vpush v41, $0xF  }
0x155: {  	v21 =	vadd.f32 v56, v21;
	v13 =	vmul.f32 v57, v4;
	v40 =	vadd.f32 v14, v29  }
0x156: {  	v42 =	vmul.f32 v53, v5;
	v20 =	vadd.f32 v55, v20;
	v28 =	vadd.f32 v8, v28  }
0x157: {  	v44 =	vadd.f32 $1.000000000e+00, v32;
	v47 =	vadd.f32 $1.000000000e+00, v52;
	(erf) = vrcp.f32 v0  }
0x158: {  	s29 =	spop (v2sf);
	v20 =	vadd.f32 v11, v20;
	v28 =	vadd.f32 v42, v28;
	(xrf2) =	vadd.scan.msk.f32 $0xffff, v18;
	(erf) = vrcp.f32 v43;
	v46, _, _ =	vpop (xrf2)  }
0x159: {  	v56 =	vmul.f32 v51, v5;
	v21 =	vadd.f32 v12, v21;
	s30 =	spop (v2sf);
	(v2sf) =	vpush v46, $0xF  }
0x15a: {  	v20 =	vadd.f32 v25, v20;
	v53 =	vadd.f32 $1.000000000e+00, v63;
	(xrf2) =	vadd.scan.msk.f32 $0xffff, v28;
	(erf) = vrcp.f32 v44;
	s22 =	sadd.f32 s30, s12;
	s23 =	spop (v2sf)  }
0x15b: {  	v21 =	vadd.f32 v45, v21;
	v22 =	vadd.f32 $1.000000000e+00, v22;
	(erf) = vrcp.f32 v47;
	s1 =	sadd.f32 s23, s12  }
0x15c: {  	s21 =	sadd.f32 s21, s17;
	v17 =	vadd.f32 v13, v17;
	(xrf2) =	vadd.scan.msk.f32 $0xffff, v20;
	v20 =	vmul.f32 v61, v5;
	(erf) = vrcp.f32 v53  }
0x15d: {  	s3 =	sadd.f32 s29, s17;
	v55 =	vpop (erf);
	(erf) = vrcp.f32 v22;
	s26 =	spop (v2sf);
	v52 =	vmov s22;
	v22 =	vmov s1  }
0x15e: {  	v54 =	vmul.f32 v27, v5;
	v0 =	vsub.f32 $0.0e+00, v52;
	s1 =	sadd.f32 s26, s12;
	v22 =	vsub.f32 $0.0e+00, v22  }
0x15f: {  	s29 =	sadd.f32 s20, s17;
	v19 =	vmul.f32 s21, v19;
	v18 =	vadd.f32 v24, v30;
	(xrf2) =	vadd.scan.msk.f32 $0xffff, v21;
	v20 =	vadd.f32 v20, v17;
	s30 =	spop (v2sf)  }
0x160: {  	v59 =	vpop (erf);
	v0 =	vmul.f32 $1.442695020e+00, v0;
	v58 =	vmov s1;
	s1 =	sadd.f32 s30, s12;
	v22 =	vmul.f32 $1.442695020e+00, v22  }
0x161: {  	v17 =	vadd.f32 v56, v18;
	(xrf2) =	vadd.scan.msk.f32 $0xffff, v23;
	v21 =	vmul.f32 s3, v55;
	v60 =	vpop (erf);
	s26 =	simm.s32 $0x14780;
	v18 =	vsub.f32 $0.0e+00, v58  }
0x162: {  	s28 =	simm.s32 $0x14B80;
	s18 =	sadd.f32 s18, s17;
	v57, _, _ =	vpop (xrf2);
	[tilespmem:s26+$0xFFFFFE00] =	vst v19;
	v19 =	vmul.f32 s29, v59;
	v0 =	vbroadcast v0, $0x0;
	v23 =	vmov s1  }
0x163: {  	s15 =	sadd.f32 s15, s17;
	v25 =	vadd.f32 v54, v40;
	[tilespmem:s28+$0x180] =	vst v21;
	v61 =	vpop (erf);
	v21 =	vbroadcast v22, $0x0;
	v18 =	vmul.f32 $1.442695020e+00, v18;
	s22 =	spop (v2sf)  }
0x164: {  	[tilespmem:s26+$0x180] =	vst v49;
	(v2sf) =	vpush v57, $0xF;
	(erf) = vpow2.f32 v0;
	v0 =	vmul.f32 s18, v60;
	v22, _, _ =	vpop (xrf2);
	s23 =	sadd.f32 s22, s12  }
0x165: {  	s20 =	sadd.f32 s14, s17;
	[tilespmem:s26+$0xFFFFFE80] =	vst v19;
	v19 =	vsub.f32 $0.0e+00, v23;
	v23 =	vpop (erf);
	(erf) = vpow2.f32 v21;
	v18 =	vbroadcast v18, $0x0  }
0x166: {  	s21 =	sadd.f32 s10, s17;
	(xrf2) =	vadd.scan.msk.f32 $0xffff, v20;
	(v2sf) =	vpush v22, $0xF;
	v22 =	vmul.f32 s15, v61;
	v62, _, _ =	vpop (xrf2);
	v21 =	vmov s23  }
0x167: {  	s10 =	simm.s32 $0x0;
	s29 =	sadd.f32 s4, s17;
	v19 =	vmul.f32 $1.442695020e+00, v19;
	[tilespmem:s26+$0xFFFFFF00] =	vst v0;
	v63 =	vmul.f32 s20, v23;
	v20 =	vpop (erf);
	(xrf2) =	vadd.scan.msk.f32 $0xffff, v25  }
0x168: {  	s3 =	simm.s32 $0xA00;
	s1 =	simm.s32 $0x14780;
	(v2sf) =	vpush v62, $0xF;
	(erf) = vpow2.f32 v18;
	v18 =	vmul.f32 s21, v20;
	v23 =	vpop (erf);
	[tilespmem:s26+$0xFFFFFF80] =	vst v22;
	s30 =	spop (v2sf)  }
0x169: {  	s18 =	sshll.u32 s13, $0x2;
	s20 =	simm.s32 $0x8;
	v20 =	vbroadcast v19, $0x0;
	v22 =	vsub.f32 $0.0e+00, v21;
	[tilespmem:s26+$0x0] =	vst v63;
	v19 =	vmul.f32 s29, v23;
	s4 =	sadd.f32 s30, s12;
	v21, _, _ =	vpop (xrf2)  }
.LBB2_7:
0x16a: {  	v26 =	vld [tilespmem:s3+$0x180]  }
0x16b: {  	v29 =	vld [tilespmem:s3+$0x190]  }
0x16c: {  	v30 =	vld [tilespmem:s3+$0x1A0]  }
0x16d: {  	v31 =	vld [tilespmem:s3+$0x1B0]  }
0x16e: {  	v2 =	vld [tilespmem:$0x1FFA0]  }
0x16f: {  	v7 =	vld [tilespmem:$0x1FF20]  }
0x170: {  	v3 =	vld [tilespmem:$0x1FF00]  }
0x171: {  	v4 =	vld [tilespmem:$0x1FF10]  }
0x172: {  	v35 =	vld [tilespmem:s3+$0x1D0]  }
0x173: {  	v48 =	vld [tilespmem:s3+$0xFFFFFF10]  }
0x174: {  	v5 =	vld [tilespmem:$0x1FFB0]  }
0x175: {  	v37 =	vld [tilespmem:s3+$0x1E0]  }
0x176: {  	v10 =	vld [tilespmem:$0x1FFD0]  }
0x177: {  	v43 =	vld [tilespmem:s3+$0x0];
	v0 =	vmul.f32 $1.442695020e+00, v22;
	v22 =	vmov s4  }
0x178: {  	(v2sf) =	vpush v21, $0xF;
	v13 =	vld [tilespmem:$0x1FFE0];
	[tilespmem:s1+$0x80] =	vst v18;
	v18 =	vsub.f32 $0.0e+00, v22  }
0x179: {  	[tilespmem:s1+$0x100] =	vst v19;
	v19 =	vld [tilespmem:s3+$0xFFFFFE10]  }
0x17a: {  	v22 =	vld [tilespmem:s3+$0xFFFFFE80];
	v0 =	vbroadcast v0, $0x0;
	v1 =	vmul.f32 $1.442695020e+00, v18  }
0x17b: {  	v55 =	vld [tilespmem:s3+$0x80];
	v24 =	vmul.f32 v29, v2;
	v47 =	vmul.f32 v30, v3  }
0x17c: {  	(xrf2) =	vadd.scan.msk.f32 $0xffff, v17;
	v56 =	vld [tilespmem:s3+$0x90];
	v49 =	vmul.f32 v31, v5;
	v51 =	vmul.f32 v35, v10  }
0x17d: {  	v52 =	vmul.f32 v48, v7;
	v21 =	vpop (erf);
	v46 =	vbroadcast v1, $0x0;
	v1 =	vld [tilespmem:$0x1FF90]  }
0x17e: {  	v34 =	vld [tilespmem:s3+$0x1C0];
	v54 =	vmul.f32 v37, v13;
	(erf) = vpow2.f32 v20;
	v17, _, _ =	vpop (xrf2)  }
0x17f: {  	v39 =	vld [tilespmem:s3+$0xFFFFFF80];
	v58 =	vmul.f32 v43, v4;
	v14 =	vmul.f32 v26, v4;
	v18, _, _ =	vpop (xrf2)  }
0x180: {  	v40 =	vld [tilespmem:s3+$0x1F0];
	v36 =	vmul.f32 v19, v7;
	v38 =	vmul.f32 v19, v2;
	s22 =	spop (v2sf);
	(v2sf) =	vpush v17, $0xF;
	v17 =	vpop (erf)  }
0x181: {  	v50 =	vld [tilespmem:s3+$0xFFFFFF90];
	v27 =	vmul.f32 v22, v4;
	v60 =	vmul.f32 v55, v4;
	(v2sf) =	vpush v18, $0xF;
	v18 =	vpop (erf)  }
0x182: {  	v53 =	vld [tilespmem:s3+$0x10];
	v62 =	vmul.f32 v56, v2;
	v23 =	vmul.f32 v26, v1;
	v6 =	vadd.f32 $1.000000000e+00, v18  }
0x183: {  	v59 =	vld [tilespmem:s3+$0xFFFFFE00];
	v20 =	vadd.f32 $1.000000000e+00, v21;
	v22 =	vmul.f32 v22, v1;
	v43 =	vmul.f32 v43, v1  }
0x184: {  	v61 =	vmul.f32 v55, v1;
	(erf) = vpow2.f32 v0;
	s4 =	sadd.f32 s22, s12;
	[tilespmem:$0x1FDE0] =	vst v6;
	v6 =	vld [tilespmem:$0x1FFC0]  }
0x185: {  	v25, _, _ =	vpop (xrf2);
	v45 =	vadd.f32 $1.000000000e+00, v17;
	(erf) = vrcp.f32 v20;
	v20 =	vld [tilespmem:s3+$0xFFFFFE90];
	v23 =	vadd.f32 v24, v23;
	s23 =	spop (v2sf)  }
0x186: {  	v19 =	vld [tilespmem:s3+$0xFFFFFF00];
	v33, _, _ =	vpop (xrf2);
	(v2sf) =	vpush v25, $0xF;
	s29 =	spop (v2sf);
	v25 =	vmul.f32 v48, v2;
	v21 =	vmov s4  }
0x187: {  	v17 =	vld [tilespmem:$0x1FFF0];
	v23 =	vadd.f32 v47, v23;
	v28 =	vpop (erf);
	(erf) = vpow2.f32 v46;
	s14 =	spop (v2sf);
	(v2sf) =	vpush v33, $0xF  }
0x188: {  	v12 =	vld [tilespmem:$0x1FF30];
	[tilespmem:$0x1FDD0] =	vst v45;
	v45 =	vmul.f32 v50, v7;
	v33 =	vmul.f32 v53, v2;
	v21 =	vsub.f32 $0.0e+00, v21  }
0x189: {  	v15 =	vld [tilespmem:$0x1FF60];
	v23 =	vadd.f32 v49, v23;
	v49 =	vmul.f32 v53, v7;
	v41 =	vmul.f32 v34, v6  }
0x18a: {  	v46 =	vld [tilespmem:s3+$0x100];
	v32 =	vmul.f32 v20, v7;
	v20 =	vmul.f32 v20, v2  }
0x18b: {  	v16 =	vld [tilespmem:$0x1FF70];
	v53 =	vmul.f32 v59, v4;
	v21 =	vmul.f32 $1.442695020e+00, v21;
	v23 =	vadd.f32 v41, v23  }
0x18c: {  	v55 =	vld [tilespmem:s3+$0xA0];
	v57 =	vmul.f32 v40, v17;
	v0 =	vadd.f32 v20, v22;
	v22 =	vmul.f32 v19, v1  }
0x18d: {  	v47 =	vld [tilespmem:s3+$0x110];
	v21 =	vbroadcast v21, $0x0;
	v20 =	vmul.f32 v19, v4;
	v23 =	vadd.f32 v51, v23  }
0x18e: {  	v26 =	vld [tilespmem:s3+$0xFFFFFE40];
	v24 =	vadd.f32 v32, v27;
	v27 =	vmul.f32 v50, v2;
	v44 =	vadd.f32 v25, v22  }
0x18f: {  	v50 =	vld [tilespmem:s3+$0xFFFFFE20];
	v63 =	vmul.f32 v46, v4;
	v25 =	vadd.f32 v52, v20;
	v23 =	vadd.f32 v54, v23  }
0x190: {  	v46 =	vmul.f32 v46, v1;
	v42 =	vpop (erf);
	v20 =	vadd.f32 $1.000000000e+00, v28;
	v28 =	vadd.f32 v49, v58;
	v49 =	vld [tilespmem:s3+$0xFFFFFFA0]  }
0x191: {  	v8 =	vpop (erf);
	(erf) = vpow2.f32 v21;
	v22 =	vmul.f32 v39, v4;
	v41 =	vld [tilespmem:s3+$0xFFFFFF20];
	v23 =	vadd.f32 v57, v23  }
0x192: {  	v21 =	vmul.f32 v39, v1;
	[tilespmem:$0x1FDF0] =	vst v8;
	v8 =	vmul.f32 v47, v7;
	v51 =	vld [tilespmem:s3+$0xFFFFFEA0]  }
0x193: {  	v43 =	vadd.f32 v33, v43;
	v47 =	vmul.f32 v47, v2;
	(xrf2) =	vadd.scan.msk.f32 $0xffff, v23;
	v23 =	vmul.f32 v56, v7;
	v56 =	vld [tilespmem:s3+$0x20]  }
0x194: {  	v52 =	vadd.f32 v62, v61;
	v58 =	vld [tilespmem:s3+$0x120];
	v2 =	vmul.f32 v55, v3;
	v54 =	vmul.f32 v59, v1  }
0x195: {  	v39 =	vld [tilespmem:s3+$0xFFFFFEB0];
	v48 =	vadd.f32 v27, v21;
	v27 =	vadd.f32 v45, v22;
	v9 =	vmul.f32 v50, v3  }
0x196: {  	v33 =	vadd.f32 v8, v63;
	v59 =	vmul.f32 v49, v3;
	v11 =	vadd.f32 v38, v54;
	v38 =	vld [tilespmem:s3+$0xFFFFFE30]  }
0x197: {  	v61 =	vmul.f32 v41, v12;
	v57 =	vadd.f32 v36, v53;
	v54 =	vmul.f32 v41, v3;
	v36 =	vld [tilespmem:s3+$0xFFFFFF30]  }
0x198: {  	v46 =	vadd.f32 v47, v46;
	v41 =	vld [tilespmem:s3+$0xFFFFFFB0];
	v53 =	vmul.f32 v51, v3;
	v1 =	vmul.f32 v56, v3  }
0x199: {  	v48 =	vadd.f32 v59, v48;
	v59 =	vmul.f32 v29, v7;
	v29 =	vld [tilespmem:s3+$0xFFFFFEC0];
	v47 =	vadd.f32 v54, v44  }
0x19a: {  	v44 =	vld [tilespmem:s3+$0x130];
	v0 =	vadd.f32 v53, v0;
	v53 =	vadd.f32 v1, v43;
	v1 =	vmul.f32 v39, v5  }
0x19b: {  	v19 =	vmul.f32 v50, v12;
	s15 =	spop (v2sf);
	v32 =	vadd.f32 v23, v60;
	v23 =	vadd.f32 $1.000000000e+00, v42;
	v42 =	vld [tilespmem:s3+$0x30]  }
0x19c: {  	v62 =	vmul.f32 v49, v12;
	v49 =	vadd.f32 v2, v52;
	s22 =	spop (v2sf);
	v4 =	vadd.f32 v1, v0;
	v0 =	vld [tilespmem:$0x1FF40]  }
0x19d: {  	s21 =	sadd.f32 s23, s17;
	s23 =	spop (v2sf);
	v45 =	vadd.f32 v9, v11;
	v9 =	vmul.f32 v58, v3;
	v19 =	vadd.f32 v19, v57;
	v43 =	vld [tilespmem:s3+$0xB0];
	v8, _, _ =	vpop (xrf2)  }
0x19e: {  	s4 =	sadd.f32 s29, s17;
	s29 =	spop (v2sf);
	v11 =	vmul.f32 v38, v5;
	(v2sf) =	vpush v8, $0xF;
	v8 =	vmul.f32 v30, v12;
	v30 =	vld [tilespmem:s3+$0xFFFFFFC0]  }
0x19f: {  	v50 =	vadd.f32 v9, v46;
	v46 =	vadd.f32 v59, v14;
	v2 =	vmul.f32 v36, v5;
	v1 =	vld [tilespmem:$0x1FF50]  }
0x1a0: {  	v60 =	vmul.f32 v51, v12;
	v63 =	vmul.f32 v41, v5;
	v51 =	vadd.f32 v11, v45;
	v45 =	vld [tilespmem:s3+$0xFFFFFF40]  }
0x1a1: {  	v54 =	vadd.f32 v2, v47;
	v47 =	vld [tilespmem:s3+$0xFFFFFE50];
	v52 =	vadd.f32 v8, v46;
	v14 =	vmul.f32 v31, v0  }
0x1a2: {  	v63 =	vadd.f32 v63, v48;
	v59 =	vmul.f32 v44, v5;
	v11 =	vmul.f32 v43, v5;
	v46 =	vld [tilespmem:s3+$0xC0]  }
0x1a3: {  	v9 =	vmul.f32 v42, v5;
	v31 =	vld [tilespmem:s3+$0x40];
	v2 =	vadd.f32 v14, v52;
	v14 =	vmul.f32 v30, v6  }
0x1a4: {  	v50 =	vadd.f32 v59, v50;
	v7 =	vadd.f32 v11, v49;
	v34 =	vmul.f32 v34, v1;
	v49 =	vld [tilespmem:s3+$0x140]  }
0x1a5: {  	v53 =	vadd.f32 v9, v53;
	v9 =	vmul.f32 v26, v6;
	v63 =	vadd.f32 v14, v63;
	v14 =	vld [tilespmem:$0x1FF80]  }
0x1a6: {  	v48 =	vld [tilespmem:s3+$0xFFFFFED0];
	v11 =	vmul.f32 v29, v6;
	v2 =	vadd.f32 v34, v2;
	v34 =	vmul.f32 v35, v15  }
0x1a7: {  	v3 =	vmul.f32 v45, v6;
	v51 =	vadd.f32 v9, v51;
	v8 =	vmul.f32 v37, v16;
	v35 =	vld [tilespmem:s3+$0xFFFFFF50]  }
0x1a8: {  	v37 =	vld [tilespmem:s3+$0xFFFFFFD0];
	v9 =	vadd.f32 v11, v4;
	v11 =	vmul.f32 v46, v6;
	v2 =	vadd.f32 v34, v2  }
0x1a9: {  	v3 =	vadd.f32 v3, v54;
	v59 =	vmul.f32 v31, v6;
	v54 =	vmul.f32 v49, v6;
	v34 =	vld [tilespmem:s3+$0x50]  }
0x1aa: {  	v57 =	vld [tilespmem:s3+$0xFFFFFE70];
	v6 =	vmul.f32 v47, v10;
	v2 =	vadd.f32 v8, v2;
	v5 =	vmul.f32 v40, v14  }
0x1ab: {  	v8 =	vadd.f32 v54, v50;
	v40 =	vld [tilespmem:s3+$0xD0]  }
0x1ac: {  	v50 =	vld [tilespmem:s3+$0x150];
	v2 =	vadd.f32 v5, v2;
	v5 =	vadd.f32 v6, v51;
	v6 =	vmul.f32 v35, v10  }
0x1ad: {  	v4 =	vadd.f32 v59, v53;
	v59 =	vmul.f32 v48, v10;
	v53 =	vmul.f32 v37, v10;
	v51 =	vld [tilespmem:s3+$0xFFFFFE60];
	s30 =	spop (v2sf)  }
0x1ae: {  	v52 =	vld [tilespmem:s3+$0xFFFFFEE0];
	v11 =	vadd.f32 v11, v7;
	s30 =	sadd.f32 s30, s12;
	(xrf2) =	vadd.scan.msk.f32 $0xffff, v2;
	v2 =	vadd.f32 v6, v3;
	v3 =	vmul.f32 v34, v10  }
0x1af: {  	v18 =	vmul.f32 v56, v12;
	v54 =	vld [tilespmem:s3+$0xFFFFFF60];
	v59 =	vadd.f32 v59, v9;
	v63 =	vadd.f32 v53, v63  }
0x1b0: {  	v53 =	vld [tilespmem:s3+$0xFFFFFFE0];
	v56 =	vmul.f32 v40, v10;
	v9 =	vmov s30;
	v3 =	vadd.f32 v3, v4  }
0x1b1: {  	v4 =	vmul.f32 v50, v10;
	v6 =	vsub.f32 $0.0e+00, v9;
	v9 =	vmul.f32 v55, v12;
	v55 =	vld [tilespmem:s3+$0x60]  }
0x1b2: {  	v10 =	vmul.f32 v51, v13;
	v7 =	vadd.f32 v56, v11;
	v56 =	vld [tilespmem:s3+$0xE0];
	v11 =	vmul.f32 v58, v12  }
0x1b3: {  	v12 =	vmul.f32 v52, v13;
	v58 =	vld [tilespmem:s3+$0x160];
	v6 =	vmul.f32 $1.442695020e+00, v6  }
0x1b4: {  	v5 =	vadd.f32 v10, v5;
	v10 =	vmul.f32 v54, v13  }
0x1b5: {  	v4 =	vadd.f32 v4, v8;
	v8 =	vadd.f32 v12, v59;
	v6 =	vbroadcast v6, $0x0  }
0x1b6: {  	v21 =	vpop (erf);
	v12 =	vmul.f32 v53, v13;
	v2 =	vadd.f32 v10, v2;
	v10 =	vmul.f32 v55, v13  }
0x1b7: {  	v22 =	vpop (erf);
	(erf) = vpow2.f32 v6;
	v6 =	vadd.f32 v60, v24;
	v60 =	vmul.f32 v56, v13  }
0x1b8: {  	v59 =	vld [tilespmem:s3+$0xFFFFFEF0];
	v3 =	vadd.f32 v10, v3;
	v10 =	vmul.f32 v58, v13;
	v13 =	vmul.f32 v57, v17  }
0x1b9: {  	v62 =	vadd.f32 v62, v27;
	v27 =	vld [tilespmem:s3+$0x70]  }
0x1ba: {  	v61 =	vadd.f32 v61, v25;
	v36 =	vmul.f32 v36, v0;
	v5 =	vadd.f32 v13, v5  }
0x1bb: {  	v18 =	vadd.f32 v18, v28;
	v42 =	vmul.f32 v42, v0;
	v43 =	vmul.f32 v43, v0;
	v24 =	vld [tilespmem:s3+$0xFFFFFF70]  }
0x1bc: {  	v25 =	vld [tilespmem:s3+$0xFFFFFFF0];
	v26 =	vmul.f32 v26, v1;
	v9 =	vadd.f32 v9, v32;
	v12 =	vadd.f32 v12, v63;
	v63, _, _ =	vpop (xrf2);
	(xrf2) =	vadd.scan.msk.f32 $0xffff, v5  }
0x1bd: {  	v11 =	vadd.f32 v11, v33;
	(v2sf) =	vpush v63, $0xF;
	v63 =	vmul.f32 v59, v17  }
0x1be: {  	v28 =	vld [tilespmem:s3+$0x170];
	v32 =	vmul.f32 v38, v0;
	v38 =	vmul.f32 v27, v17;
	v7 =	vadd.f32 v60, v7  }
0x1bf: {  	v53 =	vmul.f32 v53, v16;
	v60 =	vld [tilespmem:s3+$0xF0];
	v4 =	vadd.f32 v10, v4;
	v8 =	vadd.f32 v63, v8  }
0x1c0: {  	v3 =	vadd.f32 v38, v3;
	v38 =	vmul.f32 v41, v0;
	v10 =	vmul.f32 v24, v17  }
0x1c1: {  	v41 =	vadd.f32 v42, v18;
	v63 =	vmul.f32 v25, v17;
	v5 =	vmul.f32 v39, v0;
	(xrf2) =	vadd.scan.msk.f32 $0xffff, v8;
	v39 =	vpop (erf)  }
0x1c2: {  	v42 =	vmul.f32 v45, v1;
	v2 =	vadd.f32 v10, v2;
	v33 =	vadd.f32 $1.000000000e+00, v39  }
0x1c3: {  	v45 =	vmul.f32 v30, v1;
	v12 =	vadd.f32 v63, v12;
	v63 =	vmul.f32 v28, v17  }
0x1c4: {  	v13 =	vmul.f32 v60, v17;
	v17 =	vadd.f32 v32, v19;
	v5 =	vadd.f32 v5, v6;
	(xrf2) =	vadd.scan.msk.f32 $0xffff, v2  }
0x1c5: {  	v6 =	vadd.f32 v36, v61;
	v19 =	vmul.f32 v29, v1;
	v61 =	vmul.f32 v31, v1  }
0x1c6: {  	v32 =	vadd.f32 v38, v62;
	v62 =	vmul.f32 v46, v1;
	(erf) = vrcp.f32 v33;
	v33, _, _ =	vpop (xrf2);
	(xrf2) =	vadd.scan.msk.f32 $0xffff, v12  }
0x1c7: {  	v4 =	vadd.f32 v63, v4;
	v63 =	vmul.f32 v44, v0;
	v44 =	vadd.f32 v26, v17  }
0x1c8: {  	v36 =	vmul.f32 v47, v15;
	v38 =	vmul.f32 v48, v15  }
0x1c9: {  	v46 =	vmul.f32 v40, v15;
	v47 =	vmul.f32 v50, v15;
	(v2sf) =	vpush v33, $0xF  }
0x1ca: {  	v48 =	vmul.f32 v51, v16;
	v51 =	vmul.f32 v52, v16;
	(xrf2) =	vadd.scan.msk.f32 $0xffff, v3  }
0x1cb: {  	v52 =	vmul.f32 v54, v16;
	v39 =	vadd.f32 v13, v7;
	v0 =	vadd.f32 v36, v44;
	v44, _, _ =	vpop (xrf2)  }
0x1cc: {  	v29 =	vmul.f32 v25, v14;
	v5 =	vadd.f32 v19, v5;
	s30 =	spop (v2sf);
	(v2sf) =	vpush v44, $0xF  }
0x1cd: {  	v31 =	vmul.f32 v60, v14;
	v2 =	vadd.f32 v42, v6;
	v10 =	vadd.f32 v45, v32;
	(xrf2) =	vadd.scan.msk.f32 $0xffff, v39  }
0x1ce: {  	v8 =	vadd.f32 v61, v41;
	v41 =	vmul.f32 v35, v15;
	v7 =	vadd.f32 v43, v9;
	v50, _, _ =	vpop (xrf2)  }
0x1cf: {  	v45 =	vmul.f32 v34, v15;
	v34 =	vld [tilespmem:$0x1FDD0];
	v43 =	vadd.f32 v63, v11;
	(v2sf) =	vpush v50, $0xF  }
0x1d0: {  	v35 =	vld [tilespmem:$0x1FDE0];
	v63 =	vmul.f32 v49, v1;
	v5 =	vadd.f32 v38, v5;
	v2 =	vadd.f32 v41, v2;
	v54, _, _ =	vpop (xrf2)  }
0x1d1: {  	v61 =	vmul.f32 v59, v14;
	v8 =	vadd.f32 v45, v8;
	(v2sf) =	vpush v54, $0xF  }
0x1d2: {  	v9 =	vadd.f32 v63, v43;
	v43 =	vmul.f32 v37, v15;
	v15 =	vmul.f32 v55, v16;
	(xrf2) =	vadd.scan.msk.f32 $0xffff, v4  }
0x1d3: {  	v41 =	vadd.f32 $1.000000000e+00, v22;
	v55 =	vmul.f32 v56, v16;
	v56 =	vmul.f32 v58, v16;
	v42 =	vpop (erf)  }
0x1d4: {  	v7 =	vadd.f32 v62, v7;
	v58 =	vmul.f32 v57, v14;
	(erf) = vrcp.f32 v34;
	v63, _, _ =	vpop (xrf2)  }
0x1d5: {  	v0 =	vadd.f32 v48, v0;
	(erf) = vrcp.f32 v35;
	(v2sf) =	vpush v63, $0xF  }
0x1d6: {  	v5 =	vadd.f32 v51, v5;
	v39 =	vadd.f32 $1.000000000e+00, v21;
	s30 =	sadd.f32 s30, s17;
	(erf) = vrcp.f32 v20  }
0x1d7: {  	v2 =	vadd.f32 v52, v2;
	v49 =	vadd.f32 v43, v10;
	(erf) = vrcp.f32 v23;
	v33, _, _ =	vpop (xrf2)  }
0x1d8: {  	v3 =	vmul.f32 s30, v42;
	(erf) = vrcp.f32 v39;
	s30 =	spop (v2sf);
	(v2sf) =	vpush v33, $0xF  }
0x1d9: {  	v26 =	vmul.f32 v24, v14;
	v7 =	vadd.f32 v46, v7;
	v0 =	vadd.f32 v58, v0;
	s30 =	sadd.f32 s30, s12  }
0x1da: {  	v40 =	vld [tilespmem:$0x1FDF0];
	v6 =	vadd.f32 v47, v9;
	v5 =	vadd.f32 v61, v5;
	(erf) = vrcp.f32 v41  }
0x1db: {  	s14 =	sadd.f32 s14, s17;
	v2 =	vadd.f32 v26, v2;
	v1 =	vadd.f32 v53, v49;
	(xrf2) =	vadd.scan.msk.f32 $0xffff, v0;
	v36 =	vmov s30;
	s30 =	spop (v2sf)  }
0x1dc: {  	v32 =	vmul.f32 v28, v14;
	v7 =	vadd.f32 v55, v7;
	v6 =	vadd.f32 v56, v6;
	v38, _, _ =	vpop (xrf2);
	(xrf2) =	vadd.scan.msk.f32 $0xffff, v5;
	s30 =	sadd.f32 s30, s12  }
0x1dd: {  	s1 =	smov.u32 s28;
	s15 =	sadd.f32 s15, s17;
	v30 =	vmul.f32 v27, v14;
	v62 =	vadd.f32 v15, v8;
	v1 =	vadd.f32 v29, v1;
	v46 =	vpop (erf)  }
0x1de: {  	s28 =	sadd.s32 $0x400, s28;
	s22 =	sadd.f32 s22, s17;
	v37 =	vadd.f32 v31, v7;
	v17 =	vadd.f32 v32, v6;
	(xrf2) =	vadd.scan.msk.f32 $0xffff, v2;
	v48 =	vpop (erf);
	v42 =	vmov s30;
	s30 =	spop (v2sf)  }
0x1df: {  	v6 =	vmul.f32 s21, v40;
	[tilespmem:s28+$0x180] =	vst v3;
	v47 =	vmul.f32 s4, v46;
	v53 =	vpop (erf);
	v0 =	vsub.f32 $0.0e+00, v36;
	s21 =	sadd.f32 s30, s12  }
0x1e0: {  	s23 =	sadd.f32 s23, s17;
	v3 =	vadd.f32 v30, v62;
	(xrf2) =	vadd.scan.msk.f32 $0xffff, v1;
	v1 =	vmul.f32 s14, v48;
	v55 =	vmul.f32 s15, v53;
	v56 =	vpop (erf);
	s30 =	spop (v2sf)  }
0x1e1: {  	v62 =	vpop (erf);
	v0 =	vmul.f32 $1.442695020e+00, v0;
	v43 =	vsub.f32 $0.0e+00, v42;
	v45 =	vmov s21;
	s21 =	sadd.f32 s30, s12  }
0x1e2: {  	s20 =	sadd.s32 $0x8, s20;
	s29 =	sadd.f32 s29, s17;
	[tilespmem:s1+$0xFFFFFE00] =	vst v6;
	v59 =	vmul.f32 s22, v56;
	v18 =	vmul.f32 s23, v62;
	v5 =	vsub.f32 $0.0e+00, v45  }
0x1e3: {  	p2 =	slt.u32 s20, $0x98;
	[tilespmem:s1+$0xFFFFFE80] =	vst v47;
	v63 =	vpop (erf);
	v0 =	vbroadcast v0, $0x0;
	v44 =	vmul.f32 $1.442695020e+00, v43;
	v52 =	vmov s21  }
.Ltmp6:
0x1e4: {  	[tilespmem:s1+$0xFFFFFF00] =	vst v1;
	v19 =	vmul.f32 s29, v63;
	v51 =	vmul.f32 $1.442695020e+00, v5;
	s21 =	spop (v2sf);
	v54 =	vsub.f32 $0.0e+00, v52;
	(pc) =	sbr.rel @p2 .LBB2_7-.Ltmp6, $4  }
0x1e5: {  	(v2sf) =	vpush v38, $0xF;
	[tilespmem:s1+$0xFFFFFF80] =	vst v55;
	v50, _, _ =	vpop (xrf2);
	(erf) = vpow2.f32 v0;
	v49 =	vbroadcast v44, $0x0;
	s4 =	sadd.f32 s21, s12  }
0x1e6: {  	[tilespmem:s1+$0x0] =	vst v59;
	v58, _, _ =	vpop (xrf2);
	(v2sf) =	vpush v50, $0xF;
	v57 =	vbroadcast v51, $0x0;
	v60 =	vmul.f32 $1.442695020e+00, v54  }
0x1e7: {  	(xrf2) =	vadd.scan.msk.f32 $0xffff, v3;
	(erf) = vpow2.f32 v49;
	(v2sf) =	vpush v58, $0xF;
	s30 =	spop (v2sf);
	v61 =	vmov s4  }
0x1e8: {  	s3 =	sadd.s32 $0x400, s3;
	(xrf2) =	vadd.scan.msk.f32 $0xffff, v37;
	v21, _, _ =	vpop (xrf2);
	s4 =	sadd.f32 s30, s12;
	(erf) = vpow2.f32 v57;
	v22 =	vsub.f32 $0.0e+00, v61;
	v20 =	vbroadcast v60, $0x0  }
0x1e9: {  	_ =	sdelay $0xa  }
0x1ea: {  	s3 =	spop (v2sf)  }
0x1eb: {  	s3 =	sadd.f32 s3, s12  }
0x1ec: {  	v0 =	vmov s4  }
0x1ed: {  	(xrf2) =	vadd.scan.msk.f32 $0xffff, v17;
	v1 =	vmul.f32 $1.442695020e+00, v22;
	v0 =	vsub.f32 $0.0e+00, v0;
	v2 =	vmov s3  }
0x1ee: {  	v2 =	vsub.f32 $0.0e+00, v2  }
0x1ef: {  	v1 =	vbroadcast v1, $0x0;
	v0 =	vmul.f32 $1.442695020e+00, v0;
	v3 =	vpop (erf)  }
0x1f0: {  	(erf) = vpow2.f32 v20;
	v3 =	vadd.f32 $1.000000000e+00, v3;
	v2 =	vmul.f32 $1.442695020e+00, v2  }
0x1f1: {  	(erf) = vpow2.f32 v1;
	v0 =	vbroadcast v0, $0x0  }
0x1f2: {  	(erf) = vrcp.f32 v3;
	v56 =	vbroadcast v2, $0x0  }
0x1f3: {  	v57, _, _ =	vpop (xrf2);
	(erf) = vpow2.f32 v0  }
0x1f4: {  	v58 =	vpop (erf);
	(v2sf) =	vpush v21, $0xF;
	(erf) = vpow2.f32 v56  }
0x1f5: {  	v59, _, _ =	vpop (xrf2);
	(v2sf) =	vpush v57, $0xF  }
0x1f6: {  	v60, _, _ =	vpop (xrf2);
	(v2sf) =	vpush v59, $0xF  }
0x1f7: {  	v61, _, _ =	vpop (xrf2);
	(v2sf) =	vpush v60, $0xF  }
0x1f8: {  	v62 =	vpop (erf);
	(v2sf) =	vpush v61, $0xF  }
0x1f9: {  	v0 =	vadd.f32 $1.000000000e+00, v58;
	v63 =	vpop (erf)  }
0x1fa: {  	v8 =	vpop (erf);
	v2 =	vadd.f32 $1.000000000e+00, v62  }
0x1fb: {  	v1 =	vadd.f32 $1.000000000e+00, v63;
	v4 =	vpop (erf);
	(erf) = vrcp.f32 v0  }
0x1fc: {  	v3 =	vadd.f32 $1.000000000e+00, v8;
	v9 =	vpop (erf);
	(erf) = vrcp.f32 v2  }
0x1fd: {  	v0 =	vadd.f32 $1.000000000e+00, v9;
	v10 =	vpop (erf);
	(erf) = vrcp.f32 v1  }
0x1fe: {  	(erf) = vrcp.f32 v3;
	v11 =	vadd.f32 $1.000000000e+00, v10  }
0x1ff: {  	(erf) = vrcp.f32 v0  }
0x200: {  	(erf) = vrcp.f32 v11  }
0x201: {  	s15 =	spop (v2sf)  }
0x202: {  	v51 =	vld [tilespmem:$0x1FF30];
	s20 =	spop (v2sf);
	s3 =	sadd.f32 s15, s17  }
0x203: {  	v38 =	vld [tilespmem:$0x1FF20];
	s4 =	sadd.f32 s20, s17;
	s14 =	spop (v2sf)  }
0x204: {  	v33 =	vld [tilespmem:$0x1FF10];
	[tilespmem:s1+$0x80] =	vst v18;
	v12 =	vmul.f32 s3, v4;
	s14 =	sadd.f32 s14, s17;
	s15 =	spop (v2sf);
	v13 =	vpop (erf)  }
0x205: {  	[tilespmem:s1+$0x100] =	vst v19;
	s21 =	sadd.f32 s15, s17;
	s22 =	spop (v2sf);
	v1 =	vmul.f32 s4, v13;
	v14 =	vpop (erf)  }
0x206: {  	[tilespmem:s28+$0xFFFFFE00] =	vst v12;
	s3 =	sadd.f32 s22, s17;
	s23 =	spop (v2sf);
	v32 =	vmul.f32 s14, v14;
	v34 =	vpop (erf)  }
0x207: {  	s29 =	spop (v2sf);
	s4 =	sadd.f32 s23, s17;
	[tilespmem:s28+$0xFFFFFE80] =	vst v1;
	v35 =	vmul.f32 s21, v34;
	v36 =	vpop (erf)  }
0x208: {  	s30 =	sadd.f32 s29, s17;
	[tilespmem:s28+$0xFFFFFF00] =	vst v32;
	v37 =	vmul.f32 s3, v36;
	v39 =	vpop (erf)  }
0x209: {  	[tilespmem:s28+$0xFFFFFF80] =	vst v35;
	v40 =	vmul.f32 s4, v39;
	v41 =	vpop (erf)  }
0x20a: {  	[tilespmem:s28+$0x0] =	vst v37;
	v42 =	vmul.f32 s30, v41  }
0x20b: {  	[tilespmem:s28+$0x80] =	vst v40  }
0x20c: {  	[tilespmem:s28+$0x100] =	vst v42  }
0x20d: {  	v19 =	vld [tilespmem:s26+$0x180]  }
0x20e: {  	v0 =	vld [tilespmem:s9+$0x1F0]  }
0x20f: {  	v20 =	vld [tilespmem:s9+$0xFFFFFE00]  }
0x210: {  	v21 =	vld [tilespmem:s9+$0xFFFFFE10]  }
0x211: {  	v22 =	vld [tilespmem:s9+$0xFFFFFE20]  }
0x212: {  	v17 =	vld [tilespmem:s9+$0xFFFFFE30]  }
0x213: {  	v1 =	vld [tilespmem:s26+$0xFFFFFE80]  }
0x214: {  	v43 =	vld [tilespmem:s9+$0xFFFFFE80]  }
0x215: {  	v44 =	vld [tilespmem:s9+$0xFFFFFE90]  }
0x216: {  	v45 =	vld [tilespmem:s9+$0xFFFFFEA0]  }
0x217: {  	v5 =	vld [tilespmem:s9+$0xFFFFFEB0]  }
0x218: {  	v6 =	vld [tilespmem:s9+$0xFFFFFEC0]  }
0x219: {  	v7 =	vld [tilespmem:s9+$0xFFFFFED0]  }
0x21a: {  	v8 =	vld [tilespmem:s9+$0xFFFFFEE0]  }
0x21b: {  	v18 =	vld [tilespmem:s9+$0xFFFFFE40]  }
0x21c: {  	v46 =	vld [tilespmem:s9+$0xFFFFFEF0]  }
0x21d: {  	v9 =	vld [tilespmem:s26+$0xFFFFFF00]  }
0x21e: {  	v10 =	vld [tilespmem:s9+$0xFFFFFF00]  }
0x21f: {  	v11 =	vld [tilespmem:s9+$0xFFFFFF10]  }
0x220: {  	v12 =	vld [tilespmem:s9+$0xFFFFFF20]  }
0x221: {  	v13 =	vld [tilespmem:s9+$0xFFFFFF30];
	v2 =	vmul.f32 v43, v1  }
0x222: {  	v23 =	vld [tilespmem:s9+$0xFFFFFF40];
	v0 =	vmul.f32 v0, v19  }
0x223: {  	v24 =	vld [tilespmem:s9+$0xFFFFFF50];
	v3 =	vmul.f32 v44, v1;
	[tilespmem:s9+$0xFFFFFE80] =	vst v2  }
0x224: {  	v48 =	vld [tilespmem:s9+$0xFFFFFF60];
	v47 =	vmul.f32 v45, v1;
	[tilespmem:s9+$0x1F0] =	vst v0  }
0x225: {  	v52 =	vld [tilespmem:s9+$0xFFFFFF80];
	v49 =	vmul.f32 v5, v1;
	[tilespmem:s9+$0xFFFFFE90] =	vst v3  }
0x226: {  	v54 =	vld [tilespmem:s9+$0xFFFFFF90];
	v50 =	vmul.f32 v6, v1;
	[tilespmem:s9+$0xFFFFFEA0] =	vst v47  }
0x227: {  	v56 =	vld [tilespmem:s9+$0xFFFFFFA0];
	v53 =	vmul.f32 v7, v1;
	[tilespmem:s9+$0xFFFFFEB0] =	vst v49  }
0x228: {  	v57 =	vld [tilespmem:s9+$0xFFFFFFB0];
	v55 =	vmul.f32 v8, v1;
	[tilespmem:s9+$0xFFFFFEC0] =	vst v50  }
0x229: {  	v59 =	vld [tilespmem:s9+$0xFFFFFFC0];
	v1 =	vmul.f32 v46, v1;
	[tilespmem:s9+$0xFFFFFED0] =	vst v53  }
0x22a: {  	v61 =	vld [tilespmem:s9+$0xFFFFFFD0];
	v58 =	vmul.f32 v10, v9;
	[tilespmem:s9+$0xFFFFFEE0] =	vst v55  }
0x22b: {  	v34 =	vld [tilespmem:s9+$0xFFFFFF70];
	v62 =	vmul.f32 v11, v9;
	[tilespmem:s9+$0xFFFFFEF0] =	vst v1  }
0x22c: {  	v39 =	vld [tilespmem:s26+$0x0];
	v32 =	vmul.f32 v12, v9;
	[tilespmem:s9+$0xFFFFFF00] =	vst v58  }
0x22d: {  	v42 =	vld [tilespmem:s9+$0x20];
	v35 =	vmul.f32 v13, v9;
	[tilespmem:s9+$0xFFFFFF10] =	vst v62  }
0x22e: {  	v5 =	vld [tilespmem:s26+$0xFFFFFF80];
	v37 =	vmul.f32 v23, v9;
	[tilespmem:s9+$0xFFFFFF20] =	vst v32  }
0x22f: {  	v63 =	vld [tilespmem:s9+$0xFFFFFFE0];
	v40 =	vmul.f32 v24, v9;
	[tilespmem:s9+$0xFFFFFF30] =	vst v35  }
0x230: {  	v36 =	vld [tilespmem:s9+$0xFFFFFFF0];
	v4 =	vmul.f32 v48, v9;
	[tilespmem:s9+$0xFFFFFF40] =	vst v37  }
0x231: {  	v23 =	vld [tilespmem:s9+$0x0];
	[tilespmem:s9+$0xFFFFFF50] =	vst v40;
	v1 =	vmul.f32 v34, v9  }
0x232: {  	v41 =	vld [tilespmem:s9+$0x10];
	[tilespmem:s9+$0xFFFFFF60] =	vst v4;
	v58 =	vmul.f32 v42, v39  }
0x233: {  	v14 =	vld [tilespmem:s9+$0xD0];
	[tilespmem:s9+$0xFFFFFF70] =	vst v1;
	v60 =	vmul.f32 v52, v5  }
0x234: {  	v25 =	vld [tilespmem:s9+$0xFFFFFE70];
	[tilespmem:s9+$0x20] =	vst v58;
	v43 =	vmul.f32 v54, v5  }
0x235: {  	v30 =	vld [tilespmem:s9+$0x1B0];
	v45 =	vmul.f32 v56, v5;
	[tilespmem:s9+$0xFFFFFF80] =	vst v60  }
0x236: {  	v27 =	vld [tilespmem:s9+$0x1C0];
	v47 =	vmul.f32 v23, v39;
	[tilespmem:s9+$0xFFFFFF90] =	vst v43  }
0x237: {  	v44 =	vld [tilespmem:s9+$0x30];
	v2 =	vmul.f32 v57, v5;
	[tilespmem:s9+$0xFFFFFFA0] =	vst v45  }
0x238: {  	v46 =	vld [tilespmem:s9+$0x40];
	v3 =	vmul.f32 v59, v5;
	[tilespmem:s9+$0x0] =	vst v47  }
0x239: {  	v48 =	vld [tilespmem:s9+$0x50];
	v50 =	vmul.f32 v61, v5;
	[tilespmem:s9+$0xFFFFFFB0] =	vst v2  }
0x23a: {  	v53 =	vld [tilespmem:s26+$0x80];
	v0 =	vmul.f32 v63, v5;
	[tilespmem:s9+$0xFFFFFFC0] =	vst v3  }
0x23b: {  	v55 =	vld [tilespmem:s9+$0x80];
	v54 =	vmul.f32 v36, v5;
	[tilespmem:s9+$0xFFFFFFD0] =	vst v50  }
0x23c: {  	v49 =	vld [tilespmem:s9+$0x60];
	v56 =	vmul.f32 v41, v39;
	[tilespmem:s9+$0xFFFFFFE0] =	vst v0  }
0x23d: {  	v32 =	vld [tilespmem:s9+$0xE0];
	v62 =	vmul.f32 v46, v39;
	[tilespmem:s9+$0xFFFFFFF0] =	vst v54  }
0x23e: {  	v58 =	vld [tilespmem:s9+$0x180];
	v10 =	vmul.f32 v48, v39;
	[tilespmem:s9+$0x10] =	vst v56  }
0x23f: {  	v52 =	vld [tilespmem:s9+$0x70];
	v60 =	vmul.f32 v44, v39;
	[tilespmem:s9+$0x40] =	vst v62  }
0x240: {  	v57 =	vld [tilespmem:s9+$0x90];
	v12 =	vmul.f32 v55, v53;
	[tilespmem:s9+$0x50] =	vst v10  }
0x241: {  	v59 =	vld [tilespmem:s9+$0xA0];
	v34 =	vmul.f32 v49, v39;
	[tilespmem:s9+$0x30] =	vst v60  }
0x242: {  	v61 =	vld [tilespmem:s9+$0xB0];
	v46 =	vmul.f32 v14, v53;
	[tilespmem:s9+$0x80] =	vst v12  }
0x243: {  	v63 =	vld [tilespmem:s9+$0xC0];
	v48 =	vmul.f32 v32, v53;
	[tilespmem:s9+$0x60] =	vst v34  }
0x244: {  	v36 =	vld [tilespmem:s9+$0xF0];
	[tilespmem:s9+$0xD0] =	vst v46;
	v35 =	vmul.f32 v52, v39  }
0x245: {  	v41 =	vld [tilespmem:s9+$0x100];
	[tilespmem:s9+$0xE0] =	vst v48;
	v37 =	vmul.f32 v57, v53  }
0x246: {  	v39 =	vld [tilespmem:s26+$0x100];
	v40 =	vmul.f32 v59, v53;
	[tilespmem:s9+$0x70] =	vst v35  }
0x247: {  	v43 =	vld [tilespmem:s9+$0x110];
	v42 =	vmul.f32 v61, v53;
	[tilespmem:s9+$0x90] =	vst v37  }
0x248: {  	v45 =	vld [tilespmem:s9+$0x120];
	v44 =	vmul.f32 v63, v53;
	[tilespmem:s9+$0xA0] =	vst v40  }
0x249: {  	v47 =	vld [tilespmem:s9+$0x130];
	v3 =	vmul.f32 v36, v53;
	[tilespmem:s9+$0xB0] =	vst v42  }
0x24a: {  	v49 =	vld [tilespmem:s9+$0x140];
	v63 =	vmul.f32 v58, v19;
	[tilespmem:s9+$0xC0] =	vst v44  }
0x24b: {  	v52 =	vld [tilespmem:s9+$0x150];
	[tilespmem:s9+$0xF0] =	vst v3;
	v50 =	vmul.f32 v41, v39  }
0x24c: {  	v53 =	vld [tilespmem:s9+$0x160];
	[tilespmem:s9+$0x180] =	vst v63;
	v54 =	vmul.f32 v43, v39  }
0x24d: {  	v56 =	vld [tilespmem:s9+$0x170];
	v55 =	vmul.f32 v45, v39;
	[tilespmem:s9+$0x100] =	vst v50  }
0x24e: {  	v59 =	vld [tilespmem:s9+$0x190];
	v57 =	vmul.f32 v47, v39;
	[tilespmem:s9+$0x110] =	vst v54  }
0x24f: {  	v61 =	vld [tilespmem:s9+$0x1A0];
	v2 =	vmul.f32 v49, v39;
	[tilespmem:s9+$0x120] =	vst v55  }
0x250: {  	v28 =	vld [tilespmem:s9+$0x1D0];
	v60 =	vmul.f32 v52, v39;
	[tilespmem:s9+$0x130] =	vst v57  }
0x251: {  	v29 =	vld [tilespmem:s9+$0x1E0];
	v1 =	vmul.f32 v53, v39;
	[tilespmem:s9+$0x140] =	vst v2  }
0x252: {  	v26 =	vld [tilespmem:s26+$0xFFFFFE00];
	v62 =	vmul.f32 v56, v39;
	[tilespmem:s9+$0x150] =	vst v60  }
0x253: {  	v24 =	vld [tilespmem:s9+$0xFFFFFE60];
	v31 =	vmul.f32 v59, v19;
	[tilespmem:s9+$0x160] =	vst v1  }
0x254: {  	s1 =	simm.s32 $0x14B80;
	s3 =	simm.s32 $0x200;
	v23 =	vld [tilespmem:s9+$0xFFFFFE50];
	v32 =	vmul.f32 v61, v19;
	[tilespmem:s9+$0x170] =	vst v62  }
.LBB2_9:
0x255: {  	v0 =	vld [tilespmem:s1+$0x180];
	[tilespmem:s9+$0x190] =	vst v31;
	v1 =	vmul.f32 v30, v19;
	s3 =	sadd.s32 $0x400, s3  }
0x256: {  	s10 =	sadd.s32 $0x8, s10;
	v2 =	vld [tilespmem:s3+$0x1F0];
	[tilespmem:s9+$0x1A0] =	vst v32;
	v3 =	vmul.f32 v27, v19  }
0x257: {  	p2 =	slt.u32 s10, $0x98;
	v4 =	vld [tilespmem:s3+$0xFFFFFE00];
	[tilespmem:s9+$0x1B0] =	vst v1;
	v1 =	vmul.f32 v28, v19  }
0x258: {  	v5 =	vld [tilespmem:s3+$0xFFFFFE10];
	[tilespmem:s9+$0x1C0] =	vst v3;
	v3 =	vmul.f32 v29, v19  }
0x259: {  	v6 =	vld [tilespmem:s3+$0xFFFFFE20];
	v7 =	vmul.f32 v20, v26;
	v8 =	vmul.f32 v21, v26;
	[tilespmem:s9+$0x1D0] =	vst v1  }
0x25a: {  	v1 =	vmul.f32 v22, v26;
	v9 =	vmul.f32 v17, v26;
	v17 =	vld [tilespmem:s3+$0xFFFFFE30];
	[tilespmem:s9+$0x1E0] =	vst v3;
	v19 =	vmov v0  }
0x25b: {  	v0 =	vmul.f32 v2, v19;
	[tilespmem:s9+$0xFFFFFE00] =	vst v7;
	v2 =	vmul.f32 v18, v26;
	v18 =	vld [tilespmem:s3+$0xFFFFFE40]  }
0x25c: {  	v3 =	vmul.f32 v23, v26;
	v7 =	vmul.f32 v24, v26;
	[tilespmem:s9+$0xFFFFFE10] =	vst v8;
	v23 =	vld [tilespmem:s3+$0xFFFFFE50];
	v20 =	vmov v4  }
0x25d: {  	v24 =	vld [tilespmem:s3+$0xFFFFFE60];
	[tilespmem:s3+$0x1F0] =	vst v0;
	v0 =	vmul.f32 v25, v26;
	v21 =	vmov v5  }
0x25e: {  	v25 =	vld [tilespmem:s3+$0xFFFFFE70];
	[tilespmem:s9+$0xFFFFFE20] =	vst v1;
	v22 =	vmov v6  }
0x25f: {  	v1 =	vld [tilespmem:s1+$0xFFFFFE80];
	[tilespmem:s9+$0xFFFFFE30] =	vst v9  }
0x260: {  	v4 =	vld [tilespmem:s3+$0xFFFFFE80];
	[tilespmem:s9+$0xFFFFFE40] =	vst v2  }
0x261: {  	v2 =	vld [tilespmem:s3+$0xFFFFFE90];
	[tilespmem:s9+$0xFFFFFE50] =	vst v3  }
0x262: {  	v3 =	vld [tilespmem:s3+$0xFFFFFEA0];
	[tilespmem:s9+$0xFFFFFE60] =	vst v7  }
0x263: {  	v5 =	vld [tilespmem:s3+$0xFFFFFEB0];
	[tilespmem:s9+$0xFFFFFE70] =	vst v0;
	s9 =	smov.u32 s3  }
0x264: {  	v0 =	vld [tilespmem:s3+$0xFFFFFEC0]  }
0x265: {  	v4 =	vmul.f32 v4, v1;
	v6 =	vld [tilespmem:s3+$0xFFFFFED0]  }
0x266: {  	v2 =	vmul.f32 v2, v1;
	v7 =	vld [tilespmem:s3+$0xFFFFFEE0]  }
0x267: {  	[tilespmem:s3+$0xFFFFFE80] =	vst v4;
	v3 =	vmul.f32 v3, v1;
	v4 =	vld [tilespmem:s3+$0xFFFFFEF0]  }
0x268: {  	[tilespmem:s3+$0xFFFFFE90] =	vst v2;
	v2 =	vmul.f32 v5, v1;
	v5 =	vld [tilespmem:s1+$0xFFFFFF00]  }
0x269: {  	[tilespmem:s3+$0xFFFFFEA0] =	vst v3;
	v0 =	vmul.f32 v0, v1;
	v3 =	vld [tilespmem:s3+$0xFFFFFF00]  }
0x26a: {  	[tilespmem:s3+$0xFFFFFEB0] =	vst v2;
	v2 =	vmul.f32 v6, v1;
	v6 =	vld [tilespmem:s3+$0xFFFFFF10]  }
0x26b: {  	[tilespmem:s3+$0xFFFFFEC0] =	vst v0;
	v0 =	vmul.f32 v7, v1;
	v7 =	vld [tilespmem:s3+$0xFFFFFF20]  }
0x26c: {  	[tilespmem:s3+$0xFFFFFED0] =	vst v2;
	v1 =	vmul.f32 v4, v1;
	v2 =	vld [tilespmem:s3+$0xFFFFFF30]  }
0x26d: {  	[tilespmem:s3+$0xFFFFFEE0] =	vst v0;
	v0 =	vld [tilespmem:s3+$0xFFFFFF40]  }
0x26e: {  	[tilespmem:s3+$0xFFFFFEF0] =	vst v1;
	v1 =	vmul.f32 v3, v5;
	v3 =	vld [tilespmem:s3+$0xFFFFFF50]  }
0x26f: {  	v4 =	vmul.f32 v6, v5;
	v6 =	vld [tilespmem:s3+$0xFFFFFF60]  }
0x270: {  	[tilespmem:s3+$0xFFFFFF00] =	vst v1;
	v1 =	vmul.f32 v7, v5;
	v7 =	vld [tilespmem:s3+$0xFFFFFF70]  }
0x271: {  	[tilespmem:s3+$0xFFFFFF10] =	vst v4;
	v2 =	vmul.f32 v2, v5;
	v4 =	vld [tilespmem:s1+$0xFFFFFF80]  }
0x272: {  	[tilespmem:s3+$0xFFFFFF20] =	vst v1;
	v0 =	vmul.f32 v0, v5;
	v1 =	vld [tilespmem:s3+$0xFFFFFF80]  }
0x273: {  	[tilespmem:s3+$0xFFFFFF30] =	vst v2;
	v2 =	vmul.f32 v3, v5;
	v3 =	vld [tilespmem:s3+$0xFFFFFF90]  }
0x274: {  	[tilespmem:s3+$0xFFFFFF40] =	vst v0;
	v0 =	vmul.f32 v6, v5;
	v6 =	vld [tilespmem:s3+$0xFFFFFFA0]  }
0x275: {  	[tilespmem:s3+$0xFFFFFF50] =	vst v2;
	v2 =	vmul.f32 v7, v5;
	v5 =	vld [tilespmem:s3+$0xFFFFFFB0]  }
0x276: {  	[tilespmem:s3+$0xFFFFFF60] =	vst v0;
	v0 =	vld [tilespmem:s3+$0xFFFFFFC0]  }
0x277: {  	[tilespmem:s3+$0xFFFFFF70] =	vst v2;
	v1 =	vmul.f32 v1, v4;
	v2 =	vld [tilespmem:s3+$0xFFFFFFD0]  }
0x278: {  	v3 =	vmul.f32 v3, v4;
	v7 =	vld [tilespmem:s3+$0xFFFFFFE0]  }
0x279: {  	[tilespmem:s3+$0xFFFFFF80] =	vst v1;
	v1 =	vmul.f32 v6, v4;
	v6 =	vld [tilespmem:s3+$0xFFFFFFF0]  }
0x27a: {  	[tilespmem:s3+$0xFFFFFF90] =	vst v3;
	v3 =	vmul.f32 v5, v4;
	v5 =	vld [tilespmem:s1+$0x0]  }
0x27b: {  	[tilespmem:s3+$0xFFFFFFA0] =	vst v1;
	v0 =	vmul.f32 v0, v4;
	v1 =	vld [tilespmem:s3+$0x0]  }
0x27c: {  	[tilespmem:s3+$0xFFFFFFB0] =	vst v3;
	v2 =	vmul.f32 v2, v4;
	v3 =	vld [tilespmem:s3+$0x10]  }
0x27d: {  	[tilespmem:s3+$0xFFFFFFC0] =	vst v0;
	v0 =	vmul.f32 v7, v4;
	v7 =	vld [tilespmem:s3+$0x20]  }
0x27e: {  	[tilespmem:s3+$0xFFFFFFD0] =	vst v2;
	v2 =	vmul.f32 v6, v4;
	v4 =	vld [tilespmem:s3+$0x30]  }
0x27f: {  	[tilespmem:s3+$0xFFFFFFE0] =	vst v0;
	v0 =	vld [tilespmem:s3+$0x40]  }
0x280: {  	[tilespmem:s3+$0xFFFFFFF0] =	vst v2;
	v1 =	vmul.f32 v1, v5;
	v2 =	vld [tilespmem:s3+$0x50]  }
0x281: {  	v3 =	vmul.f32 v3, v5;
	v6 =	vld [tilespmem:s3+$0x60]  }
0x282: {  	[tilespmem:s3+$0x0] =	vst v1;
	v1 =	vmul.f32 v7, v5;
	v7 =	vld [tilespmem:s3+$0x70]  }
0x283: {  	[tilespmem:s3+$0x10] =	vst v3;
	v3 =	vmul.f32 v4, v5;
	v4 =	vld [tilespmem:s1+$0x80]  }
0x284: {  	[tilespmem:s3+$0x20] =	vst v1;
	v0 =	vmul.f32 v0, v5;
	v1 =	vld [tilespmem:s3+$0x80]  }
0x285: {  	[tilespmem:s3+$0x30] =	vst v3;
	v2 =	vmul.f32 v2, v5;
	v3 =	vld [tilespmem:s3+$0x90]  }
0x286: {  	[tilespmem:s3+$0x40] =	vst v0;
	v0 =	vmul.f32 v6, v5;
	v6 =	vld [tilespmem:s3+$0xA0]  }
0x287: {  	[tilespmem:s3+$0x50] =	vst v2;
	v2 =	vmul.f32 v7, v5;
	v5 =	vld [tilespmem:s3+$0xB0]  }
0x288: {  	[tilespmem:s3+$0x60] =	vst v0;
	v0 =	vld [tilespmem:s3+$0xC0]  }
0x289: {  	[tilespmem:s3+$0x70] =	vst v2;
	v1 =	vmul.f32 v1, v4;
	v2 =	vld [tilespmem:s3+$0xD0]  }
0x28a: {  	v3 =	vmul.f32 v3, v4;
	v7 =	vld [tilespmem:s3+$0xE0]  }
0x28b: {  	[tilespmem:s3+$0x80] =	vst v1;
	v1 =	vmul.f32 v6, v4;
	v6 =	vld [tilespmem:s3+$0xF0]  }
0x28c: {  	[tilespmem:s3+$0x90] =	vst v3;
	v3 =	vmul.f32 v5, v4;
	v5 =	vld [tilespmem:s1+$0x100]  }
0x28d: {  	[tilespmem:s3+$0xA0] =	vst v1;
	v0 =	vmul.f32 v0, v4;
	v1 =	vld [tilespmem:s3+$0x100]  }
0x28e: {  	[tilespmem:s3+$0xB0] =	vst v3;
	v2 =	vmul.f32 v2, v4;
	v3 =	vld [tilespmem:s3+$0x110]  }
0x28f: {  	[tilespmem:s3+$0xC0] =	vst v0;
	v0 =	vmul.f32 v7, v4;
	v7 =	vld [tilespmem:s3+$0x120]  }
0x290: {  	[tilespmem:s3+$0xD0] =	vst v2;
	v2 =	vmul.f32 v6, v4;
	v4 =	vld [tilespmem:s3+$0x130]  }
0x291: {  	[tilespmem:s3+$0xE0] =	vst v0;
	v0 =	vld [tilespmem:s3+$0x140]  }
0x292: {  	[tilespmem:s3+$0xF0] =	vst v2;
	v1 =	vmul.f32 v1, v5;
	v2 =	vld [tilespmem:s3+$0x150]  }
0x293: {  	v3 =	vmul.f32 v3, v5;
	v6 =	vld [tilespmem:s3+$0x160]  }
0x294: {  	[tilespmem:s3+$0x100] =	vst v1;
	v1 =	vmul.f32 v7, v5;
	v7 =	vld [tilespmem:s3+$0x170]  }
0x295: {  	[tilespmem:s3+$0x110] =	vst v3;
	v3 =	vmul.f32 v4, v5;
	v4 =	vld [tilespmem:s3+$0x180]  }
0x296: {  	[tilespmem:s3+$0x120] =	vst v1;
	v0 =	vmul.f32 v0, v5;
	v1 =	vld [tilespmem:s3+$0x190]  }
0x297: {  	[tilespmem:s3+$0x130] =	vst v3;
	v2 =	vmul.f32 v2, v5;
	v3 =	vld [tilespmem:s3+$0x1A0]  }
.Ltmp7:
0x298: {  	[tilespmem:s3+$0x140] =	vst v0;
	v0 =	vmul.f32 v6, v5;
	v30 =	vld [tilespmem:s3+$0x1B0];
	(pc) =	sbr.rel @p2 .LBB2_9-.Ltmp7, $4  }
0x299: {  	[tilespmem:s3+$0x150] =	vst v2;
	v2 =	vmul.f32 v7, v5;
	v27 =	vld [tilespmem:s3+$0x1C0]  }
0x29a: {  	[tilespmem:s3+$0x160] =	vst v0;
	v0 =	vmul.f32 v4, v19;
	v28 =	vld [tilespmem:s3+$0x1D0]  }
0x29b: {  	[tilespmem:s3+$0x170] =	vst v2;
	v31 =	vmul.f32 v1, v19;
	v29 =	vld [tilespmem:s3+$0x1E0]  }
0x29c: {  	v26 =	vld [tilespmem:s1+$0xFFFFFE00];
	[tilespmem:s3+$0x180] =	vst v0;
	v32 =	vmul.f32 v3, v19;
	s1 =	sadd.s32 $0x400, s1  }
0x29d: {  	[tilespmem:s9+$0x190] =	vst v31;
	v0 =	vmul.f32 v30, v19  }
0x29e: {  	[tilespmem:s9+$0x1A0] =	vst v32;
	v1 =	vmul.f32 v27, v19  }
0x29f: {  	[tilespmem:s9+$0x1B0] =	vst v0;
	v30 =	vmul.f32 v28, v19  }
0x2a0: {  	[tilespmem:s9+$0x1C0] =	vst v1;
	v31 =	vmul.f32 v29, v19  }
0x2a1: {  	v2 =	vmul.f32 v20, v26;
	[tilespmem:s9+$0x1D0] =	vst v30  }
0x2a2: {  	v32 =	vmul.f32 v21, v26;
	[tilespmem:s9+$0x1E0] =	vst v31  }
0x2a3: {  	v34 =	vmul.f32 v22, v26;
	[tilespmem:s9+$0xFFFFFE00] =	vst v2  }
0x2a4: {  	v35 =	vmul.f32 v17, v26;
	[tilespmem:s9+$0xFFFFFE10] =	vst v32  }
0x2a5: {  	v36 =	vmul.f32 v18, v26;
	[tilespmem:s9+$0xFFFFFE20] =	vst v34  }
0x2a6: {  	v37 =	vmul.f32 v23, v26;
	[tilespmem:s9+$0xFFFFFE30] =	vst v35  }
0x2a7: {  	v39 =	vmul.f32 v24, v26;
	[tilespmem:s9+$0xFFFFFE40] =	vst v36  }
0x2a8: {  	v40 =	vmul.f32 v25, v26;
	[tilespmem:s9+$0xFFFFFE50] =	vst v37  }
0x2a9: {  	[tilespmem:s9+$0xFFFFFE60] =	vst v39  }
0x2aa: {  	s1 =	simm.s32 $0x14000;
	[tilespmem:s9+$0xFFFFFE70] =	vst v40  }
0x2ab: {  	[spmem:s5] =	stream.indirect.scatter.add.f32 [tilespmem:s6], [sflag:$0x5], $0x80, s1, s25, $0xb8;
	[tilespmem:$0x1B780] =	vst v63  }
0x2ac: {  	s10 =	simm.s32 $0x14080;
	s3 =	simm.s32 $0x2800;
	s1 =	simm.s32 @!p1 $0x7  }
0x2ad: {  	[spmem:s5] =	stream.indirect.scatter.add.f32 [tilespmem:s3], [sflag:$0x5], $0x80, s10, s25, $0xb8;
	[tilespmem:$0x1B780] =	vst v63  }
0x2ae: {  	_ =	swait.ge @!p1 [sflag:s1], $0x2800  }
0x2af: {  	[sflag:s1] =	ssyncset.done @!p1 $0x0;
	s14 =	rddreg [dreg:$0xc]  }
0x2b0: {  	s3 =	sor.u32 s14, s19;
	[sflag:s1] =	ssyncadd.s32 @!p1 $0xFFFFD800  }
0x2b1: {  	_ =	swait.ge @!p1 [sflag:s1], $0x2800;
	s4 =	smul.u32 $0xA00, s3  }
0x2b2: {  	s19 =	simm.s32 $0xA000;
	s20 =	sshll.u32 s3, $0x5;
	[sflag:s1] =	ssyncset.done @!p1 $0x0  }
0x2b3: {  	[sflag:s1] =	ssyncadd.s32 @!p1 $0xFFFFD800;
	s15 =	sadd.s32 s0, s4;
	s1 =	sand.u32 $0xFFFFB80, s20  }
0x2b4: {  	[tilespmem:s19], [sflag:$0x3] =	stream.linear.gather [hbm4b:s15+s6], $0x5000, $0x38;
	[tilespmem:$0x1B780] =	vst v63  }
0x2b5: {  	s21 =	simm.s32 $0x14200;
	s1 =	sadd.s32 s1, s11  }
0x2b6: {  	[tilespmem:s21], [sflag:$0x3] =	stream.linear.gather [hbm4b:s1+s6], $0x100, $0x38;
	[tilespmem:$0x1B780] =	vst v63  }
0x2b7: {  	_ =	swait.ge [sflag:s31], $0x5000  }
0x2b8: {  	[sflag:s31] =	ssyncset.done $0x0  }
0x2b9: {  	[sflag:s31] =	ssyncadd.s32 $0xFFFFB000  }
0x2ba: {  	_ =	swait.ge [sflag:s31], $0x100  }
0x2bb: {  	v61 =	vld [tilespmem:$0x1FF90]  }
0x2bc: {  	v62 =	vld [tilespmem:$0x1FFA0]  }
0x2bd: {  	v63 =	vld [tilespmem:$0x1FF00]  }
0x2be: {  	v58 =	vld [tilespmem:$0x1FFB0]  }
0x2bf: {  	v59 =	vld [tilespmem:$0x1FFC0]  }
0x2c0: {  	[sflag:s31] =	ssyncset.done $0x0;
	v60 =	vld [tilespmem:$0x1FFD0]  }
0x2c1: {  	s9 =	simm.s32 $0x5200;
	v32 =	vld [tilespmem:$0x1FFE0];
	[sflag:s31] =	ssyncadd.s32 $0xFFFFFF00  }
0x2c2: {  	v0 =	vld [tilespmem:s9+$0x180]  }
0x2c3: {  	v1 =	vld [tilespmem:s9+$0x190]  }
0x2c4: {  	v41 =	vld [tilespmem:s9+$0xFFFFFE10]  }
0x2c5: {  	v3 =	vld [tilespmem:s9+$0x1A0]  }
0x2c6: {  	v4 =	vld [tilespmem:s9+$0xFFFFFE80]  }
0x2c7: {  	v5 =	vld [tilespmem:s9+$0x1B0]  }
0x2c8: {  	v6 =	vld [tilespmem:s9+$0xFFFFFE90]  }
0x2c9: {  	v16 =	vld [tilespmem:s9+$0x1C0]  }
0x2ca: {  	v9 =	vld [tilespmem:s9+$0xFFFFFF00]  }
0x2cb: {  	v36 =	vld [tilespmem:s9+$0x1D0]  }
0x2cc: {  	v10 =	vld [tilespmem:s9+$0xFFFFFF10]  }
0x2cd: {  	v48 =	vld [tilespmem:s9+$0x1E0]  }
0x2ce: {  	v13 =	vld [tilespmem:s9+$0xFFFFFF80]  }
0x2cf: {  	v30 =	vld [tilespmem:s9+$0x1F0]  }
0x2d0: {  	v19 =	vld [tilespmem:s9+$0xFFFFFF90]  }
0x2d1: {  	v20 =	vld [tilespmem:s9+$0x0]  }
0x2d2: {  	v21 =	vld [tilespmem:s9+$0x10]  }
0x2d3: {  	v50 =	vld [tilespmem:s9+$0x80];
	v7 =	vmul.f32 v0, v61;
	v8 =	vmul.f32 v1, v62  }
0x2d4: {  	v22 =	vld [tilespmem:s9+$0x90];
	v42 =	vmul.f32 v3, v63;
	v11 =	vmul.f32 v41, v38  }
0x2d5: {  	v23 =	vld [tilespmem:s9+$0x100];
	v43 =	vmul.f32 v5, v58;
	v2 =	vmul.f32 v41, v62  }
0x2d6: {  	v35 =	vld [tilespmem:s9+$0x110];
	v12 =	vmul.f32 v4, v33;
	v4 =	vmul.f32 v4, v61  }
0x2d7: {  	v55 =	vld [tilespmem:s9+$0xFFFFFE00];
	v44 =	vmul.f32 v16, v59;
	v17 =	vmul.f32 v6, v38;
	v7 =	vadd.f32 v8, v7  }
0x2d8: {  	v57 =	vld [tilespmem:s9+$0xFFFFFE20];
	v6 =	vmul.f32 v6, v62;
	v18 =	vmul.f32 v9, v33  }
0x2d9: {  	v40 =	vld [tilespmem:s9+$0x20];
	v45 =	vmul.f32 v36, v60;
	v46 =	vmul.f32 v9, v61;
	v7 =	vadd.f32 v42, v7  }
0x2da: {  	v25 =	vld [tilespmem:s9+$0xFFFFFEB0];
	v47 =	vmul.f32 v10, v62;
	v49 =	vmul.f32 v48, v32  }
0x2db: {  	v26 =	vld [tilespmem:s9+$0xFFFFFFB0];
	v52 =	vmul.f32 v13, v33;
	v13 =	vmul.f32 v13, v61;
	v7 =	vadd.f32 v43, v7  }
0x2dc: {  	v15 =	vld [tilespmem:s9+$0x30];
	v34 =	vmul.f32 v19, v38;
	v19 =	vmul.f32 v19, v62  }
0x2dd: {  	v54 =	vmul.f32 v20, v61;
	v37 =	vmul.f32 v50, v33;
	v9 =	vld [tilespmem:s9+$0xA0];
	v7 =	vadd.f32 v44, v7  }
0x2de: {  	v24 =	vmul.f32 v35, v62;
	v41 =	vld [tilespmem:s9+$0x120];
	v4 =	vadd.f32 v6, v4;
	v6 =	vadd.f32 v47, v46  }
0x2df: {  	v13 =	vadd.f32 v19, v13;
	v19 =	vmul.f32 v21, v38;
	v47 =	vld [tilespmem:s9+$0xFFFFFF20];
	v7 =	vadd.f32 v45, v7  }
0x2e0: {  	v21 =	vmul.f32 v21, v62;
	v42 =	vld [tilespmem:$0x1FFF0];
	v44 =	vmul.f32 v50, v61  }
0x2e1: {  	v50 =	vld [tilespmem:s9+$0xFFFFFFA0];
	v7 =	vadd.f32 v49, v7;
	v49 =	vmul.f32 v23, v33;
	v23 =	vmul.f32 v23, v61  }
0x2e2: {  	v45 =	vld [tilespmem:s9+$0xFFFFFEA0]  }
0x2e3: {  	v46 =	vadd.f32 v21, v54;
	v54 =	vadd.f32 v24, v23;
	v24 =	vld [tilespmem:s9+$0xFFFFFE30]  }
0x2e4: {  	v23 =	vld [tilespmem:s9+$0xFFFFFF30];
	[tilespmem:$0x1FD40] =	vst v15  }
0x2e5: {  	v56 =	vadd.f32 v17, v12;
	v17 =	vld [tilespmem:s9+$0xB0];
	_ =	sdelay $0x2  }
0x2e6: {  	v31 =	vmul.f32 v30, v42;
	_ =	sdelay $0x1  }
0x2e7: {  	v7 =	vadd.f32 v31, v7;
	[tilespmem:$0x1FD50] =	vst v17  }
0x2e8: {  	v27 =	vld [tilespmem:s9+$0x130]  }
0x2e9: {  	v10 =	vmul.f32 v10, v38;
	(xrf2) =	vadd.scan.msk.f32 $0xffff, v7  }
0x2ea: {  	v21 =	vmul.f32 v22, v38;
	v22 =	vmul.f32 v22, v62;
	_ =	sdelay $0x1  }
0x2eb: {  	v14 =	vmovc v33;
	v18 =	vadd.f32 v10, v18;
	v10 =	vadd.f32 v22, v44;
	v22 =	vmul.f32 v35, v38  }
0x2ec: {  	v53 =	vmul.f32 v20, v33;
	v0 =	vmul.f32 v0, v14;
	[tilespmem:$0x1FD60] =	vst v27  }
0x2ed: {  	v20 =	vadd.f32 v34, v52;
	v52 =	vmul.f32 v55, v61;
	v22 =	vadd.f32 v22, v49;
	v49 =	vld [tilespmem:s9+$0xFFFFFE40]  }
0x2ee: {  	v1 =	vmul.f32 v1, v38;
	v8 =	vmul.f32 v55, v33;
	v19 =	vadd.f32 v19, v53  }
0x2ef: {  	v53 =	vmul.f32 v57, v63;
	v2 =	vadd.f32 v2, v52;
	v57 =	vmul.f32 v57, v51  }
0x2f0: {  	v0 =	vadd.f32 v1, v0;
	v39 =	vmul.f32 v9, v63;
	v9 =	vmul.f32 v9, v51  }
0x2f1: {  	v2 =	vadd.f32 v53, v2;
	v53 =	vmul.f32 v15, v58;
	v34 =	vmul.f32 v47, v63;
	v15 =	vld [tilespmem:$0x1FF50]  }
0x2f2: {  	v8 =	vadd.f32 v11, v8;
	v43 =	vmul.f32 v47, v51;
	v35 =	vmul.f32 v50, v63;
	v47, _, _ =	vpop (xrf2);
	[tilespmem:$0x1FD70] =	vst v49  }
0x2f3: {  	v21 =	vadd.f32 v21, v37;
	v37 =	vmul.f32 v40, v63;
	(v2sf) =	vpush v47, $0xF;
	v47 =	vld [tilespmem:s9+$0xFFFFFEC0]  }
0x2f4: {  	v8 =	vadd.f32 v57, v8;
	v11 =	vadd.f32 v35, v13;
	v35 =	vmul.f32 v24, v58  }
0x2f5: {  	v14 =	vld [tilespmem:$0x1FF40];
	v12 =	vadd.f32 v37, v46;
	v37 =	vmul.f32 v26, v58;
	v6 =	vadd.f32 v34, v6  }
0x2f6: {  	v31 =	vmul.f32 v16, v15;
	v16 =	vld [tilespmem:$0x1FF60];
	v2 =	vadd.f32 v35, v2;
	v49 =	vmul.f32 v49, v59  }
0x2f7: {  	v34 =	vmul.f32 v41, v63;
	v10 =	vadd.f32 v39, v10;
	v39 =	vmul.f32 v17, v58;
	v17 =	vld [tilespmem:$0x1FF70]  }
0x2f8: {  	v44 =	vmul.f32 v50, v51;
	v50 =	vmul.f32 v3, v51;
	v2 =	vadd.f32 v49, v2;
	v49 =	vld [tilespmem:$0x1FF80];
	[tilespmem:$0x1FD80] =	vst v47  }
0x2f9: {  	v9 =	vadd.f32 v9, v21;
	v55 =	vmul.f32 v45, v63;
	v13 =	vadd.f32 v34, v54;
	v34 =	vld [tilespmem:s9+$0xFFFFFF40]  }
0x2fa: {  	v0 =	vadd.f32 v50, v0;
	v7 =	vmul.f32 v45, v51;
	v45 =	vmul.f32 v25, v58;
	v35 =	vld [tilespmem:s9+$0xFFFFFFC0]  }
0x2fb: {  	v54 =	vmul.f32 v5, v14;
	v4 =	vadd.f32 v55, v4;
	v55 =	vadd.f32 v37, v11;
	v37 =	vld [tilespmem:s9+$0x40]  }
0x2fc: {  	v18 =	vadd.f32 v43, v18;
	v46 =	vmul.f32 v23, v58;
	v10 =	vadd.f32 v39, v10;
	v39 =	vld [tilespmem:s9+$0xC0]  }
0x2fd: {  	v0 =	vadd.f32 v54, v0;
	v52 =	vadd.f32 v45, v4;
	v33 =	vld [tilespmem:s9+$0x140]  }
0x2fe: {  	v4 =	vadd.f32 v46, v6;
	v6 =	vadd.f32 v53, v12;
	v12 =	vld [tilespmem:s9+$0xFFFFFED0]  }
0x2ff: {  	v0 =	vadd.f32 v31, v0;
	v50 =	vmul.f32 v36, v16;
	v45 =	vmul.f32 v47, v59;
	v29 =	vld [tilespmem:s9+$0xD0]  }
0x300: {  	v7 =	vadd.f32 v7, v56;
	v53 =	vmul.f32 v48, v17;
	v27 =	vmul.f32 v27, v58;
	v36 =	vld [tilespmem:s9+$0xFFFFFEE0]  }
0x301: {  	v0 =	vadd.f32 v50, v0;
	v50 =	vmul.f32 v30, v49;
	v3 =	vadd.f32 v45, v52;
	v45 =	vld [tilespmem:s9+$0xFFFFFF50]  }
0x302: {  	v11 =	vadd.f32 v27, v13;
	v13 =	vld [tilespmem:s9+$0xFFFFFE50];
	v30 =	vmul.f32 v40, v51;
	v46 =	vmul.f32 v34, v59  }
0x303: {  	v0 =	vadd.f32 v53, v0;
	v31 =	vld [tilespmem:s9+$0xFFFFFFD0];
	v40 =	vmul.f32 v41, v51;
	v52 =	vmul.f32 v35, v59  }
0x304: {  	v47 =	vmul.f32 v37, v59;
	v54 =	vmul.f32 v39, v59;
	v4 =	vadd.f32 v46, v4;
	v46 =	vld [tilespmem:s9+$0x50]  }
0x305: {  	v1 =	vld [tilespmem:s9+$0xFFFFFE60];
	v0 =	vadd.f32 v50, v0;
	s22 =	spop (v2sf);
	v53 =	vmul.f32 v12, v60;
	v28 =	vmul.f32 v29, v60  }
0x306: {  	v27 =	vld [tilespmem:s9+$0xFFFFFFE0];
	s1 =	sadd.f32 s22, s12;
	v41 =	vmul.f32 v36, v32;
	v10 =	vadd.f32 v54, v10;
	v54 =	vmul.f32 v45, v60  }
0x307: {  	v5 =	vadd.f32 v52, v55;
	v52 =	vmul.f32 v13, v60;
	v6 =	vadd.f32 v47, v6;
	v47 =	vld [tilespmem:s9+$0x150]  }
0x308: {  	(xrf2) =	vadd.scan.msk.f32 $0xffff, v0;
	v50 =	vmov s1;
	v55 =	vmul.f32 v33, v59;
	v0 =	vadd.f32 v54, v4;
	v4 =	vld [tilespmem:s9+$0xFFFFFF60]  }
0x309: {  	v50 =	vsub.f32 $0.0e+00, v50;
	v2 =	vadd.f32 v52, v2;
	v52 =	vld [tilespmem:s9+$0x60];
	v48 =	vmul.f32 v46, v60  }
0x30a: {  	v3 =	vadd.f32 v53, v3;
	v11 =	vadd.f32 v55, v11;
	v55 =	vmul.f32 v31, v60;
	v54 =	vld [tilespmem:s9+$0xE0]  }
0x30b: {  	v43 =	vld [tilespmem:s9+$0xFFFFFFF0];
	v6 =	vadd.f32 v48, v6;
	v48 =	vmul.f32 $1.442695020e+00, v50;
	v50 =	vmul.f32 v1, v32  }
0x30c: {  	v10 =	vadd.f32 v28, v10;
	v28 =	vld [tilespmem:s9+$0xFFFFFE70];
	v5 =	vadd.f32 v55, v5;
	v53 =	vmul.f32 v47, v60  }
0x30d: {  	v55 =	vld [tilespmem:s9+$0x160];
	v2 =	vadd.f32 v50, v2;
	v50 =	vmul.f32 v27, v32;
	v48 =	vbroadcast v48, $0x0  }
0x30e: {  	v3 =	vadd.f32 v41, v3;
	v41 =	vld [tilespmem:s9+$0xFFFFFEF0];
	v11 =	vadd.f32 v53, v11;
	v56 =	vmul.f32 v52, v32  }
0x30f: {  	v57 =	vmul.f32 v4, v32;
	v53 =	vld [tilespmem:s9+$0xFFFFFF70];
	v5 =	vadd.f32 v50, v5;
	v50 =	vmul.f32 v54, v32;
	[tilespmem:$0x1FD90] =	vst v48  }
0x310: {  	v20 =	vadd.f32 v44, v20;
	v19 =	vadd.f32 v30, v19;
	v30 =	vld [tilespmem:s9+$0x170]  }
0x311: {  	v0 =	vadd.f32 v57, v0;
	v57 =	vmul.f32 v28, v42;
	v10 =	vadd.f32 v50, v10;
	v50 =	vld [tilespmem:s9+$0xF0]  }
0x312: {  	v23 =	vmul.f32 v23, v14;
	v6 =	vadd.f32 v56, v6;
	v48 =	vmul.f32 v55, v32;
	v56, _, _ =	vpop (xrf2);
	v44 =	vld [tilespmem:s9+$0x70]  }
0x313: {  	v21 =	vmul.f32 v43, v42;
	v2 =	vadd.f32 v57, v2;
	(v2sf) =	vpush v56, $0xF  }
0x314: {  	v56 =	vmul.f32 v41, v42;
	v11 =	vadd.f32 v48, v11;
	v48 =	vmul.f32 v53, v42  }
0x315: {  	v22 =	vadd.f32 v40, v22;
	v40 =	vld [tilespmem:$0x1FD50];
	v5 =	vadd.f32 v21, v5;
	v21 =	vmul.f32 v30, v42  }
0x316: {  	(xrf2) =	vadd.scan.msk.f32 $0xffff, v2;
	v3 =	vadd.f32 v56, v3;
	v0 =	vadd.f32 v48, v0;
	v48 =	vld [tilespmem:$0x1FD70];
	v56 =	vmul.f32 v50, v42  }
0x317: {  	v57 =	vmul.f32 v44, v42;
	v11 =	vadd.f32 v21, v11;
	v21 =	vld [tilespmem:$0x1FD60]  }
0x318: {  	v10 =	vadd.f32 v56, v10;
	v56 =	vadd.f32 v23, v18;
	v18 =	vld [tilespmem:$0x1FD80]  }
0x319: {  	v26 =	vmul.f32 v26, v14;
	v24 =	vmul.f32 v24, v14;
	v6 =	vadd.f32 v57, v6;
	v57 =	vld [tilespmem:$0x1FD40]  }
0x31a: {  	v13 =	vmul.f32 v13, v16;
	v2 =	vmul.f32 v25, v14;
	(xrf2) =	vadd.scan.msk.f32 $0xffff, v3  }
0x31b: {  	v8 =	vadd.f32 v24, v8;
	v1 =	vmul.f32 v1, v17;
	v3 =	vmul.f32 v40, v14;
	(xrf2) =	vadd.scan.msk.f32 $0xffff, v0  }
0x31c: {  	v2 =	vadd.f32 v2, v7;
	v24 =	vmul.f32 v48, v15;
	v23 =	vmul.f32 v39, v15  }
0x31d: {  	v3 =	vadd.f32 v3, v9;
	v21 =	vmul.f32 v21, v14;
	v18 =	vmul.f32 v18, v15  }
0x31e: {  	v25 =	vmul.f32 v57, v14;
	v57 =	vadd.f32 v26, v20;
	v20 =	vmul.f32 v34, v15  }
0x31f: {  	s15 =	simm.s32 $0x5600;
	(xrf2) =	vadd.scan.msk.f32 $0xffff, v5;
	v34 =	vadd.f32 v21, v22;
	v2 =	vadd.f32 v18, v2;
	v18 =	vmul.f32 v33, v15  }
0x320: {  	v4 =	vmul.f32 v4, v17;
	(xrf2) =	vadd.scan.msk.f32 $0xffff, v6;
	v8 =	vadd.f32 v24, v8;
	v3 =	vadd.f32 v23, v3;
	v24 =	vld [tilespmem:s15+$0x190];
	v40, _, _ =	vpop (xrf2)  }
0x321: {  	v23 =	vmul.f32 v36, v17;
	(v2sf) =	vpush v40, $0xF;
	v9 =	vadd.f32 v18, v34;
	v18 =	vld [tilespmem:s15+$0x180]  }
0x322: {  	v19 =	vadd.f32 v25, v19;
	v21 =	vmul.f32 v35, v15;
	v22 =	vmul.f32 v37, v15  }
0x323: {  	(xrf2) =	vadd.scan.msk.f32 $0xffff, v10;
	v40 =	vmul.f32 v52, v17;
	v48 =	vadd.f32 v20, v56;
	v56 =	vmul.f32 v12, v16  }
0x324: {  	v33, _, _ =	vpop (xrf2);
	v0 =	vadd.f32 v21, v57;
	v57 =	vadd.f32 v22, v19;
	v21 =	vmul.f32 v46, v16  }
0x325: {  	v8 =	vadd.f32 v13, v8;
	v20 =	vmul.f32 v31, v16;
	v35, _, _ =	vpop (xrf2);
	(xrf2) =	vadd.scan.msk.f32 $0xffff, v11;
	v34 =	vmul.f32 v47, v16  }
0x326: {  	v12 =	vadd.f32 v21, v57;
	v21 =	vmul.f32 v24, v62;
	v39 =	vmul.f32 v18, v61  }
0x327: {  	v37 =	vmul.f32 v27, v17;
	v1 =	vadd.f32 v1, v8;
	(v2sf) =	vpush v33, $0xF  }
0x328: {  	v19 =	vmul.f32 v45, v16;
	v7 =	vadd.f32 v34, v9;
	v9 =	vadd.f32 v21, v39;
	v39 =	vld [tilespmem:$0x1FD90]  }
0x329: {  	v22 =	vmul.f32 v29, v16;
	v45 =	vmul.f32 v54, v17;
	(v2sf) =	vpush v35, $0xF;
	v46, _, _ =	vpop (xrf2)  }
0x32a: {  	v2 =	vadd.f32 v56, v2;
	v47 =	vmul.f32 v55, v17;
	(v2sf) =	vpush v46, $0xF;
	v36, _, _ =	vpop (xrf2)  }
0x32b: {  	v25 =	vld [tilespmem:s15+$0x1A0];
	v55 =	vmul.f32 v41, v49;
	v5 =	vadd.f32 v19, v48;
	(v2sf) =	vpush v36, $0xF  }
0x32c: {  	v0 =	vadd.f32 v20, v0;
	v3 =	vadd.f32 v22, v3;
	v48 =	vmul.f32 v28, v49  }
0x32d: {  	v20 =	vld [tilespmem:s15+$0x1B0];
	v2 =	vadd.f32 v23, v2;
	v4 =	vadd.f32 v4, v5;
	v41, _, _ =	vpop (xrf2);
	(erf) = vpow2.f32 v39  }
0x32e: {  	v56 =	vmul.f32 v53, v49;
	v1 =	vadd.f32 v48, v1;
	(v2sf) =	vpush v41, $0xF  }
0x32f: {  	s3 =	spop (v2sf);
	v19 =	vld [tilespmem:s15+$0x1C0];
	v8 =	vadd.f32 v40, v12;
	v12 =	vmul.f32 v43, v49;
	v2 =	vadd.f32 v55, v2;
	v43, _, _ =	vpop (xrf2)  }
0x330: {  	v22 =	vmul.f32 v25, v63;
	v0 =	vadd.f32 v37, v0;
	(xrf2) =	vadd.scan.msk.f32 $0xffff, v1;
	s23 =	spop (v2sf);
	(v2sf) =	vpush v43, $0xF  }
0x331: {  	v29 =	vmul.f32 v44, v49;
	v3 =	vadd.f32 v45, v3;
	v34 =	vadd.f32 v47, v7;
	(xrf2) =	vadd.scan.msk.f32 $0xffff, v2;
	v21 =	vld [tilespmem:s15+$0x1D0]  }
0x332: {  	v4 =	vadd.f32 v56, v4;
	v54 =	vmul.f32 v20, v58;
	v52 =	vadd.f32 v22, v9;
	s1 =	sadd.f32 s23, s12  }
0x333: {  	v31 =	vmul.f32 v50, v49;
	v0 =	vadd.f32 v12, v0;
	v6 =	vadd.f32 v29, v8;
	v22 =	vld [tilespmem:s15+$0x1E0]  }
0x334: {  	v57 =	vmul.f32 v19, v59;
	(xrf2) =	vadd.scan.msk.f32 $0xffff, v4;
	v5 =	vadd.f32 v54, v52;
	v47 =	vmov s1  }
0x335: {  	v23 =	vld [tilespmem:s15+$0x1F0];
	v2 =	vadd.f32 v31, v3;
	(xrf2) =	vadd.scan.msk.f32 $0xffff, v0;
	v3 =	vsub.f32 $0.0e+00, v47  }
0x336: {  	(xrf2) =	vadd.scan.msk.f32 $0xffff, v6;
	v28 =	vmul.f32 v21, v60;
	v13 =	vadd.f32 v57, v5;
	v50 =	vpop (erf)  }
0x337: {  	(xrf2) =	vadd.scan.msk.f32 $0xffff, v2;
	s26 =	spop (v2sf);
	v52 =	vmul.f32 $1.442695020e+00, v3;
	v2 =	vadd.f32 $1.000000000e+00, v50  }
0x338: {  	v35 =	vmul.f32 v30, v49;
	v33 =	vmul.f32 v22, v32;
	v1 =	vadd.f32 v28, v13;
	s28 =	spop (v2sf)  }
0x339: {  	s1 =	sadd.f32 s26, s12;
	s30 =	spop (v2sf);
	v0 =	vbroadcast v52, $0x0;
	(erf) = vrcp.f32 v2  }
0x33a: {  	v37 =	vmul.f32 v23, v42;
	v44, _, _ =	vpop (xrf2);
	s29 =	sadd.f32 s28, s12;
	v1 =	vadd.f32 v33, v1;
	s10 =	spop (v2sf)  }
0x33b: {  	v40 =	vadd.f32 v35, v34;
	v45, _, _ =	vpop (xrf2);
	(v2sf) =	vpush v44, $0xF;
	s10 =	sadd.f32 s10, s12;
	(erf) = vpow2.f32 v0  }
0x33c: {  	(v2sf) =	vpush v45, $0xF;
	v56 =	vmov s1;
	s4 =	sadd.f32 s30, s12;
	v1 =	vadd.f32 v37, v1  }
0x33d: {  	(xrf2) =	vadd.scan.msk.f32 $0xffff, v40;
	v4 =	vmov s29;
	s14 =	spop (v2sf);
	v7 =	vmov s10;
	v2 =	vsub.f32 $0.0e+00, v56  }
0x33e: {  	v46, _, _ =	vpop (xrf2);
	v6 =	vmov s4;
	s19 =	sadd.f32 s14, s12;
	(xrf2) =	vadd.scan.msk.f32 $0xffff, v1;
	v3 =	vsub.f32 $0.0e+00, v7;
	v0 =	vsub.f32 $0.0e+00, v4  }
0x33f: {  	(v2sf) =	vpush v46, $0xF;
	s20 =	spop (v2sf);
	v5 =	vmul.f32 $1.442695020e+00, v2;
	v2 =	vsub.f32 $0.0e+00, v6  }
0x340: {  	v10 =	vmov s19;
	v9 =	vmul.f32 $1.442695020e+00, v3;
	s22 =	sadd.f32 s20, s12;
	v0 =	vmul.f32 $1.442695020e+00, v0  }
0x341: {  	v12 =	vsub.f32 $0.0e+00, v10;
	v1 =	vbroadcast v5, $0x0;
	v2 =	vmul.f32 $1.442695020e+00, v2  }
0x342: {  	v27 =	vbroadcast v9, $0x0;
	v29 =	vmov s22;
	v0 =	vbroadcast v0, $0x0;
	v11 =	vpop (erf)  }
0x343: {  	v41 =	vld [tilespmem:$0x1FF10];
	v48, _, _ =	vpop (xrf2);
	v5 =	vsub.f32 $0.0e+00, v29;
	(erf) = vpow2.f32 v1;
	v8 =	vbroadcast v2, $0x0;
	[tilespmem:$0x1FDC0] =	vst v11  }
0x344: {  	(v2sf) =	vpush v48, $0xF;
	(erf) = vpow2.f32 v0;
	v0 =	vmul.f32 $1.442695020e+00, v12;
	v26 =	vpop (erf);
	v13 =	vld [tilespmem:s15+$0xFFFFFE10]  }
0x345: {  	v53, _, _ =	vpop (xrf2);
	v5 =	vmul.f32 $1.442695020e+00, v5;
	(erf) = vpow2.f32 v8;
	v28 =	vld [tilespmem:s15+$0xFFFFFE80];
	v4 =	vadd.f32 $1.000000000e+00, v26  }
0x346: {  	(v2sf) =	vpush v53, $0xF;
	v54, _, _ =	vpop (xrf2);
	v30 =	vld [tilespmem:s15+$0xFFFFFE90];
	(erf) = vpow2.f32 v27;
	v0 =	vbroadcast v0, $0x0  }
0x347: {  	(v2sf) =	vpush v54, $0xF;
	v55, _, _ =	vpop (xrf2);
	v5 =	vbroadcast v5, $0x0;
	v31 =	vld [tilespmem:s15+$0xFFFFFF00];
	(erf) = vrcp.f32 v4  }
0x348: {  	(v2sf) =	vpush v55, $0xF;
	v57, _, _ =	vpop (xrf2);
	v33 =	vld [tilespmem:s15+$0xFFFFFF10];
	(erf) = vpow2.f32 v0  }
0x349: {  	v19 =	vmul.f32 v19, v15;
	(v2sf) =	vpush v57, $0xF;
	v34 =	vld [tilespmem:s15+$0xFFFFFF80];
	(erf) = vpow2.f32 v5  }
0x34a: {  	v36 =	vld [tilespmem:s15+$0xFFFFFF90];
	v7 =	vmul.f32 v13, v38;
	v3 =	vmul.f32 v13, v62  }
0x34b: {  	v37 =	vld [tilespmem:s15+$0x0];
	v35 =	vmul.f32 v28, v41;
	v46 =	vmul.f32 v30, v38  }
0x34c: {  	v47 =	vld [tilespmem:s15+$0x10];
	v2 =	vmul.f32 v28, v61;
	v6 =	vmul.f32 v30, v62  }
0x34d: {  	v50 =	vld [tilespmem:s15+$0x80];
	v48 =	vmul.f32 v31, v41;
	v1 =	vmul.f32 v31, v61;
	v39 =	vadd.f32 v46, v35  }
0x34e: {  	v57 =	vld [tilespmem:s15+$0x100];
	v55 =	vmul.f32 v33, v38;
	v4 =	vmul.f32 v33, v62  }
0x34f: {  	v56 =	vld [tilespmem:s15+$0x90];
	v40 =	vmul.f32 v34, v41;
	v8 =	vmul.f32 v34, v61;
	[tilespmem:$0x1FDA0] =	vst v39  }
0x350: {  	v43 =	vmul.f32 v36, v38;
	v10 =	vmul.f32 v36, v62;
	v9 =	vld [tilespmem:s15+$0x110]  }
0x351: {  	s21 =	spop (v2sf);
	v45 =	vmul.f32 v37, v41;
	v11 =	vmul.f32 v37, v61;
	v44 =	vld [tilespmem:s15+$0xFFFFFE00]  }
0x352: {  	s23 =	spop (v2sf);
	v13 =	vmul.f32 v47, v62;
	v46 =	vmul.f32 v47, v38;
	v30 =	vld [tilespmem:s15+$0xFFFFFE20]  }
0x353: {  	s20 =	spop (v2sf);
	v5 =	vmul.f32 v57, v61;
	v2 =	vadd.f32 v6, v2;
	v28 =	vadd.f32 v55, v48;
	v31 =	vld [tilespmem:s15+$0xFFFFFEA0]  }
0x354: {  	s10 =	spop (v2sf);
	v47 =	vmul.f32 v50, v41;
	v48 =	vmul.f32 v50, v61;
	v0 =	vadd.f32 v46, v45;
	v33 =	vld [tilespmem:s15+$0xFFFFFF20]  }
0x355: {  	s14 =	spop (v2sf);
	v34 =	vadd.f32 v43, v40;
	v50 =	vmul.f32 v56, v38;
	v55 =	vmul.f32 v56, v62;
	v40 =	vmovc v38;
	v36 =	vld [tilespmem:s15+$0xFFFFFFA0]  }
0x356: {  	s4 =	spop (v2sf);
	v1 =	vadd.f32 v4, v1;
	v56 =	vmul.f32 v57, v41;
	v40 =	vmul.f32 v24, v40;
	[tilespmem:$0x1FDB0] =	vst v0  }
0x357: {  	s1 =	spop (v2sf);
	v8 =	vadd.f32 v10, v8;
	v10 =	vld [tilespmem:s15+$0x20];
	v57 =	vmul.f32 v9, v38;
	v35 =	vmul.f32 v44, v61  }
0x358: {  	v11 =	vadd.f32 v13, v11;
	s22 =	spop (v2sf);
	v52 =	vld [tilespmem:s15+$0xA0];
	v9 =	vmul.f32 v9, v62;
	v12 =	vmul.f32 v44, v41  }
0x359: {  	v6 =	vadd.f32 v55, v48;
	v4 =	vld [tilespmem:s15+$0x120];
	s22 =	sadd.f32 s22, s12;
	v43 =	vmul.f32 v30, v63;
	v45 =	vmul.f32 v31, v63  }
0x35a: {  	v27 =	vld [tilespmem:s15+$0xFFFFFE30];
	v38 =	vadd.f32 v50, v47;
	v46 =	vmul.f32 v33, v63;
	v47 =	vmul.f32 v36, v63  }
0x35b: {  	v29 =	vld [tilespmem:s15+$0xFFFFFEB0];
	v53 =	vmov s22;
	v13 =	vmul.f32 v31, v51;
	v55 =	vmul.f32 v33, v51  }
0x35c: {  	v24 =	vld [tilespmem:s15+$0xFFFFFEC0];
	v26 =	vmul.f32 v36, v51;
	v37 =	vadd.f32 v57, v56;
	v44 =	vadd.f32 v3, v35  }
0x35d: {  	v39 =	vld [tilespmem:s15+$0xFFFFFF40];
	v3 =	vadd.f32 v9, v5;
	v5 =	vadd.f32 v7, v12;
	v9 =	vmul.f32 v30, v51  }
0x35e: {  	v31 =	vld [tilespmem:s15+$0x30];
	v2 =	vadd.f32 v45, v2;
	v48 =	vmul.f32 v10, v63;
	v50 =	vmul.f32 v52, v63  }
0x35f: {  	v36 =	vld [tilespmem:s15+$0x130];
	v1 =	vadd.f32 v46, v1;
	v33 =	vmul.f32 v4, v63;
	v45 =	vmul.f32 v18, v41  }
0x360: {  	v30 =	vld [tilespmem:s15+$0xFFFFFF30];
	v7 =	vadd.f32 v47, v8;
	v46 =	vmul.f32 v29, v58;
	v57 =	vmul.f32 v20, v14  }
0x361: {  	v35 =	vld [tilespmem:s15+$0xFFFFFFB0];
	v10 =	vmul.f32 v10, v51;
	v12 =	vsub.f32 $0.0e+00, v53;
	v4 =	vmul.f32 v4, v51  }
0x362: {  	v56 =	vld [tilespmem:s15+$0xB0];
	v26 =	vadd.f32 v26, v34;
	v29 =	vmul.f32 v29, v14;
	v0 =	vadd.f32 v43, v44  }
0x363: {  	v18 =	vld [tilespmem:s15+$0xFFFFFE40];
	v11 =	vadd.f32 v48, v11;
	v44 =	vmul.f32 v27, v58;
	v6 =	vadd.f32 v50, v6  }
0x364: {  	v20 =	vld [tilespmem:s15+$0x40];
	v3 =	vadd.f32 v33, v3;
	v8 =	vadd.f32 v40, v45;
	v48 =	vmul.f32 v25, v51  }
0x365: {  	v41 =	vld [tilespmem:s15+$0x140];
	v2 =	vadd.f32 v46, v2;
	v12 =	vmul.f32 $1.442695020e+00, v12;
	v5 =	vadd.f32 v9, v5  }
0x366: {  	v53 =	vld [tilespmem:s15+$0xFFFFFFE0];
	v4 =	vadd.f32 v4, v37;
	v27 =	vmul.f32 v27, v14;
	v54 =	vmul.f32 v31, v58  }
0x367: {  	v33 =	vld [tilespmem:s15+$0xFFFFFFC0];
	v25 =	vmul.f32 v36, v58;
	v0 =	vadd.f32 v44, v0;
	v47 =	vmul.f32 v30, v58  }
0x368: {  	v40 =	vld [tilespmem:s15+$0xC0];
	v8 =	vadd.f32 v48, v8;
	v50 =	vmul.f32 v35, v58;
	v63 =	vmul.f32 v56, v58  }
0x369: {  	v43 =	vld [tilespmem:s15+$0xFFFFFE50];
	v11 =	vadd.f32 v54, v11;
	v48 =	vmul.f32 v18, v59;
	v54 =	vmul.f32 v21, v16  }
0x36a: {  	v45 =	vld [tilespmem:s15+$0xFFFFFF50];
	v3 =	vadd.f32 v25, v3;
	v58 =	vmul.f32 v23, v49;
	v30 =	vmul.f32 v30, v14  }
0x36b: {  	v46 =	vld [tilespmem:s15+$0xFFFFFFD0];
	v35 =	vmul.f32 v35, v14;
	v8 =	vadd.f32 v57, v8;
	v57 =	vmul.f32 v22, v17  }
0x36c: {  	v44 =	vld [tilespmem:s15+$0xFFFFFED0];
	v22 =	vmul.f32 v20, v59;
	v1 =	vadd.f32 v47, v1;
	v7 =	vadd.f32 v50, v7  }
0x36d: {  	v25 =	vld [tilespmem:s15+$0x150];
	v6 =	vadd.f32 v63, v6;
	v50 =	vmul.f32 v24, v59;
	v8 =	vadd.f32 v19, v8  }
0x36e: {  	v0 =	vadd.f32 v48, v0;
	v21 =	vmul.f32 v33, v59;
	v47 =	vld [tilespmem:s15+$0x50];
	v19 =	vmul.f32 v39, v59  }
0x36f: {  	v48 =	vld [tilespmem:s15+$0xD0];
	v23 =	vmul.f32 v43, v60;
	v11 =	vadd.f32 v22, v11;
	v8 =	vadd.f32 v54, v8  }
0x370: {  	v63 =	vld [tilespmem:s15+$0xFFFFFE60];
	v2 =	vadd.f32 v50, v2;
	v1 =	vadd.f32 v19, v1;
	v19 =	vmul.f32 v40, v59  }
0x371: {  	v22 =	vld [tilespmem:s15+$0x160];
	v7 =	vadd.f32 v21, v7;
	v21 =	vmul.f32 v41, v59;
	v8 =	vadd.f32 v57, v8  }
0x372: {  	v0 =	vadd.f32 v23, v0;
	v54 =	vld [tilespmem:s15+$0xFFFFFF60];
	v6 =	vadd.f32 v19, v6;
	v19 =	vmul.f32 v44, v60  }
0x373: {  	v50 =	vld [tilespmem:s15+$0xFFFFFEE0];
	v59 =	vmul.f32 v45, v60;
	v57 =	vmul.f32 v52, v51;
	v8 =	vadd.f32 v58, v8  }
0x374: {  	v52 =	vbroadcast v12, $0x0;
	v12 =	vld [tilespmem:s15+$0xFFFFFE70];
	v2 =	vadd.f32 v19, v2;
	v19 =	vmul.f32 v46, v60  }
0x375: {  	v3 =	vadd.f32 v21, v3;
	v1 =	vadd.f32 v59, v1;
	v21 =	vmul.f32 v63, v32;
	v51 =	vld [tilespmem:$0x1FDA0];
	(xrf2) =	vadd.scan.msk.f32 $0xffff, v8  }
0x376: {  	v58 =	vld [tilespmem:s15+$0x60];
	(erf) = vpow2.f32 v52;
	v7 =	vadd.f32 v19, v7;
	v19 =	vmul.f32 v48, v60  }
0x377: {  	v59 =	vld [tilespmem:s15+$0xE0];
	v0 =	vadd.f32 v21, v0;
	v9 =	vmul.f32 v54, v32;
	v8 =	vmul.f32 v47, v60  }
0x378: {  	v23 =	vld [tilespmem:s15+$0xF0];
	v60 =	vmul.f32 v25, v60;
	v6 =	vadd.f32 v19, v6;
	v19 =	vmul.f32 v50, v32  }
0x379: {  	v52 =	vld [tilespmem:s15+$0xFFFFFF70];
	v1 =	vadd.f32 v9, v1;
	v9 =	vmul.f32 v22, v32;
	v34 =	vmul.f32 v12, v42  }
0x37a: {  	v21 =	vld [tilespmem:s15+$0xFFFFFFF0];
	v8 =	vadd.f32 v8, v11;
	v2 =	vadd.f32 v19, v2;
	v19 =	vmul.f32 v53, v32  }
0x37b: {  	v3 =	vadd.f32 v60, v3;
	v60 =	vld [tilespmem:s15+$0xFFFFFEF0];
	v11 =	vadd.f32 v13, v51;
	v51 =	vmul.f32 v58, v32  }
0x37c: {  	v13 =	vadd.f32 v55, v28;
	v7 =	vadd.f32 v19, v7;
	v19 =	vmul.f32 v59, v32;
	v32 =	vld [tilespmem:$0x1FDB0]  }
0x37d: {  	v18 =	vmul.f32 v18, v15;
	v26 =	vadd.f32 v35, v26;
	v55 =	vld [tilespmem:s15+$0x70];
	v0 =	vadd.f32 v34, v0  }
0x37e: {  	v3 =	vadd.f32 v9, v3;
	v9 =	vmul.f32 v52, v42;
	v13 =	vadd.f32 v30, v13  }
0x37f: {  	v28 =	vmul.f32 v21, v42;
	v8 =	vadd.f32 v51, v8;
	v6 =	vadd.f32 v19, v6;
	v19 =	vld [tilespmem:s15+$0x170];
	v51, _, _ =	vpop (xrf2)  }
0x380: {  	(xrf2) =	vadd.scan.msk.f32 $0xffff, v0;
	v1 =	vadd.f32 v9, v1;
	(v2sf) =	vpush v51, $0xF;
	v51 =	vmul.f32 v60, v42  }
0x381: {  	v24 =	vmul.f32 v24, v15;
	v34 =	vpop (erf);
	v10 =	vadd.f32 v10, v32;
	v32 =	vadd.f32 v57, v38  }
0x382: {  	v9 =	vpop (erf);
	v57 =	vmul.f32 v23, v42;
	v2 =	vadd.f32 v51, v2;
	v51 =	vmul.f32 v55, v42  }
0x383: {  	v53 =	vmul.f32 v53, v17;
	v7 =	vadd.f32 v28, v7;
	v9 =	vadd.f32 $1.000000000e+00, v9  }
0x384: {  	v28 =	vpop (erf);
	v0 =	vadd.f32 v57, v6;
	v8 =	vadd.f32 v51, v8;
	v51 =	vmul.f32 v19, v42;
	(xrf2) =	vadd.scan.msk.f32 $0xffff, v2  }
0x385: {  	v57 =	vmul.f32 v31, v14;
	v31 =	vadd.f32 $1.000000000e+00, v28;
	v2 =	vadd.f32 v27, v5  }
0x386: {  	v6 =	vpop (erf);
	v5 =	vadd.f32 v29, v11;
	(xrf2) =	vadd.scan.msk.f32 $0xffff, v1;
	v3 =	vadd.f32 v51, v3;
	v51 =	vmul.f32 v36, v14  }
0x387: {  	v37 =	vpop (erf);
	v10 =	vadd.f32 v57, v10;
	v42 =	vmul.f32 v56, v14;
	v14 =	vmul.f32 v39, v15  }
0x388: {  	v11 =	vpop (erf);
	(xrf2) =	vadd.scan.msk.f32 $0xffff, v7;
	v39 =	vmul.f32 v20, v15;
	v20 =	vmul.f32 v41, v15;
	v4 =	vadd.f32 v51, v4  }
0x389: {  	v27 =	vmul.f32 v52, v49;
	v11 =	vadd.f32 $1.000000000e+00, v11;
	v35 =	vadd.f32 v18, v2  }
0x38a: {  	v36 =	vadd.f32 v24, v5;
	v18, _, _ =	vpop (xrf2);
	v4 =	vadd.f32 v20, v4;
	v20 =	vmul.f32 v44, v16  }
0x38b: {  	v29 =	vpop (erf);
	v57 =	vadd.f32 v42, v32;
	v42 =	vmul.f32 v43, v16;
	(v2sf) =	vpush v18, $0xF  }
0x38c: {  	v38 =	vpop (erf);
	v43 =	vmul.f32 v45, v16;
	(xrf2) =	vadd.scan.msk.f32 $0xffff, v8;
	v2 =	vadd.f32 v20, v36;
	v20 =	vmul.f32 v47, v16  }
0x38d: {  	v56 =	vadd.f32 $1.000000000e+00, v38;
	v38 =	vmul.f32 v33, v15;
	v33 =	vadd.f32 $1.000000000e+00, v6  }
0x38e: {  	v18 =	vmul.f32 v40, v15;
	v13 =	vadd.f32 v14, v13;
	v7 =	vadd.f32 v39, v10;
	v45, _, _ =	vpop (xrf2)  }
0x38f: {  	v1 =	vadd.f32 v42, v35;
	(erf) = vrcp.f32 v56;
	(xrf2) =	vadd.scan.msk.f32 $0xffff, v0;
	(v2sf) =	vpush v45, $0xF  }
0x390: {  	v24 =	vmul.f32 v60, v49;
	v5 =	vadd.f32 v38, v26;
	v7 =	vadd.f32 v20, v7;
	v20, _, _ =	vpop (xrf2)  }
0x391: {  	s30 =	sadd.f32 s21, s17;
	v42 =	vmul.f32 v19, v49;
	v18 =	vadd.f32 v18, v57;
	(v2sf) =	vpush v20, $0xF  }
0x392: {  	v56 =	vadd.f32 $1.000000000e+00, v34;
	v44 =	vmul.f32 v46, v16;
	v46 =	vmul.f32 v48, v16;
	v51, _, _ =	vpop (xrf2)  }
0x393: {  	v34 =	vmul.f32 s30, v37;
	v37 =	vmul.f32 v55, v49;
	(v2sf) =	vpush v51, $0xF  }
0x394: {  	v48 =	vmul.f32 v63, v17;
	v10 =	vadd.f32 v46, v18;
	v18 =	vmul.f32 v50, v17  }
0x395: {  	v8 =	vadd.f32 v43, v13;
	v63 =	vmul.f32 v22, v17;
	(erf) = vrcp.f32 v56  }
0x396: {  	v5 =	vadd.f32 v44, v5;
	v2 =	vadd.f32 v18, v2;
	v18 =	vmul.f32 v59, v17;
	v59, _, _ =	vpop (xrf2)  }
0x397: {  	v47 =	vmul.f32 v25, v16;
	v50 =	vmul.f32 v54, v17;
	(v2sf) =	vpush v59, $0xF  }
0x398: {  	v1 =	vadd.f32 v48, v1;
	v54 =	vmul.f32 v58, v17;
	(erf) = vrcp.f32 v9;
	v26 =	vpop (erf)  }
0x399: {  	s3 =	sadd.f32 s3, s17;
	v58 =	vmul.f32 v12, v49;
	v36 =	vadd.f32 $1.000000000e+00, v29;
	s26 =	spop (v2sf);
	(erf) = vrcp.f32 v31;
	v30, _, _ =	vpop (xrf2)  }
0x39a: {  	s21 =	sadd.f32 s23, s17;
	v25 =	vld [tilespmem:$0x1FDC0];
	v0 =	vadd.f32 v47, v4;
	(erf) = vrcp.f32 v33;
	s29 =	spop (v2sf);
	(v2sf) =	vpush v30, $0xF  }
0x39b: {  	s20 =	sadd.f32 s20, s17;
	v4 =	vadd.f32 v50, v8;
	v1 =	vadd.f32 v58, v1;
	(erf) = vrcp.f32 v11  }
0x39c: {  	v5 =	vadd.f32 v53, v5;
	v2 =	vadd.f32 v24, v2;
	(xrf2) =	vadd.scan.msk.f32 $0xffff, v3;
	(erf) = vrcp.f32 v36;
	s15 =	sadd.f32 s29, s12  }
0x39d: {  	s10 =	sadd.f32 s10, s17;
	v38 =	vmul.f32 v23, v49;
	v7 =	vadd.f32 v54, v7;
	v57 =	vadd.f32 v18, v10;
	(xrf2) =	vadd.scan.msk.f32 $0xffff, v1  }
0x39e: {  	s28 =	sadd.f32 s26, s17;
	v0 =	vadd.f32 v63, v0;
	v3 =	vadd.f32 v27, v4;
	v32 =	vmov s15;
	(xrf2) =	vadd.scan.msk.f32 $0xffff, v2;
	s15 =	spop (v2sf)  }
0x39f: {  	v10 =	vmul.f32 s3, v25;
	v43 =	vadd.f32 v37, v7;
	v8 =	vadd.f32 v38, v57;
	s3 =	sadd.f32 s15, s12  }
0x3a0: {  	s19 =	simm.s32 $0x14780;
	s14 =	sadd.f32 s14, s17;
	v35 =	vmul.f32 v21, v49;
	v17 =	vadd.f32 v42, v0;
	v40 =	vpop (erf);
	v1 =	vsub.f32 $0.0e+00, v32;
	(xrf2) =	vadd.scan.msk.f32 $0xffff, v3;
	s22 =	spop (v2sf)  }
0x3a1: {  	[tilespmem:s19+$0xFFFFFE00] =	vst v34;
	v9 =	vmul.f32 s28, v26;
	v41 =	vmul.f32 s21, v40;
	v45 =	vpop (erf);
	v39 =	vmov s3;
	s3 =	sadd.f32 s22, s12  }
0x3a2: {  	s26 =	simm.s32 $0x14B80;
	[tilespmem:s19+$0x180] =	vst v10;
	s28 =	sadd.f32 s4, s17;
	v12 =	vmul.f32 s20, v45;
	v2 =	vadd.f32 v35, v5;
	v52 =	vpop (erf);
	v1 =	vmul.f32 $1.442695020e+00, v1;
	s23 =	spop (v2sf)  }
0x3a3: {  	[tilespmem:s26+$0x180] =	vst v9;
	v54 =	vmul.f32 s10, v52;
	v55 =	vpop (erf);
	v44 =	vsub.f32 $0.0e+00, v39;
	v46 =	vmov s3;
	s3 =	sadd.f32 s23, s12  }
0x3a4: {  	s1 =	sadd.f32 s1, s17;
	[tilespmem:s19+$0xFFFFFE80] =	vst v41;
	v58 =	vmul.f32 s14, v55;
	v59 =	vpop (erf);
	v1 =	vbroadcast v1, $0x0;
	v10 =	vsub.f32 $0.0e+00, v46  }
0x3a5: {  	[tilespmem:s19+$0xFFFFFF00] =	vst v12;
	v18 =	vmul.f32 s28, v59;
	v63 =	vpop (erf);
	v7 =	vmul.f32 $1.442695020e+00, v44;
	v51 =	vmov s3  }
0x3a6: {  	v47, _, _ =	vpop (xrf2);
	(xrf2) =	vadd.scan.msk.f32 $0xffff, v2;
	v19 =	vmul.f32 s1, v63;
	s29 =	spop (v2sf);
	v50 =	vmul.f32 $1.442695020e+00, v10;
	v53 =	vsub.f32 $0.0e+00, v51  }
0x3a7: {  	(v2sf) =	vpush v47, $0xF;
	[tilespmem:s19+$0xFFFFFF80] =	vst v54;
	(erf) = vpow2.f32 v1;
	v48, _, _ =	vpop (xrf2);
	s4 =	sadd.f32 s29, s12;
	v49 =	vbroadcast v7, $0x0  }
0x3a8: {  	[tilespmem:s19+$0x0] =	vst v58;
	(v2sf) =	vpush v48, $0xF;
	v57, _, _ =	vpop (xrf2);
	v56 =	vbroadcast v50, $0x0;
	v0 =	vmul.f32 $1.442695020e+00, v53  }
0x3a9: {  	s20 =	simm.s32 $0x8;
	s10 =	simm.s32 $0x0;
	(xrf2) =	vadd.scan.msk.f32 $0xffff, v43;
	(v2sf) =	vpush v57, $0xF;
	v60 =	vmov s4;
	(erf) = vpow2.f32 v49;
	s30 =	spop (v2sf)  }
0x3aa: {  	s1 =	simm.s32 $0x14780;
	(xrf2) =	vadd.scan.msk.f32 $0xffff, v8;
	v21, _, _ =	vpop (xrf2);
	s3 =	simm.s32 $0x5A00;
	v22 =	vsub.f32 $0.0e+00, v60;
	s4 =	sadd.f32 s30, s12;
	(erf) = vpow2.f32 v56;
	v20 =	vbroadcast v0, $0x0  }
.LBB2_11:
0x3ab: {  	v26 =	vld [tilespmem:s3+$0x180]  }
0x3ac: {  	v29 =	vld [tilespmem:s3+$0x190]  }
0x3ad: {  	v3 =	vld [tilespmem:s3+$0xFFFFFE10]  }
0x3ae: {  	v30 =	vld [tilespmem:s3+$0x1A0]  }
0x3af: {  	v59 =	vld [tilespmem:s3+$0xFFFFFE80]  }
0x3b0: {  	v24 =	vld [tilespmem:s3+$0xFFFFFE90]  }
0x3b1: {  	v16 =	vld [tilespmem:$0x1FF20]  }
0x3b2: {  	v34 =	vld [tilespmem:s3+$0x1C0]  }
0x3b3: {  	v9 =	vld [tilespmem:s3+$0xFFFFFF00]  }
0x3b4: {  	v44 =	vld [tilespmem:$0x1FF00]  }
0x3b5: {  	v15 =	vld [tilespmem:$0x1FF10];
	v0 =	vmul.f32 $1.442695020e+00, v22;
	v1 =	vmov s4  }
0x3b6: {  	v35 =	vld [tilespmem:s3+$0x1D0];
	v1 =	vsub.f32 $0.0e+00, v1  }
0x3b7: {  	v50 =	vld [tilespmem:$0x1FFC0];
	v0 =	vbroadcast v0, $0x0  }
0x3b8: {  	v32 =	vld [tilespmem:s3+$0xFFFFFF10];
	v7 =	vmul.f32 $1.442695020e+00, v1;
	v25 =	vmul.f32 v26, v61  }
0x3b9: {  	v56 =	vld [tilespmem:$0x1FFD0];
	v27 =	vmul.f32 v29, v62;
	v1 =	vmul.f32 v3, v16  }
0x3ba: {  	v36 =	vld [tilespmem:s3+$0xFFFFFE20];
	v3 =	vmul.f32 v3, v62;
	v2 =	vpop (erf);
	(erf) = vpow2.f32 v20  }
0x3bb: {  	(v2sf) =	vpush v21, $0xF;
	v31 =	vld [tilespmem:s3+$0x1B0];
	v28 =	vmul.f32 v30, v44;
	v11 =	vmul.f32 v59, v15;
	v4, _, _ =	vpop (xrf2)  }
0x3bc: {  	v52 =	vld [tilespmem:s3+$0x10];
	[tilespmem:s1+$0x80] =	vst v18;
	v18 =	vmul.f32 v24, v16;
	v45 =	vmul.f32 v34, v50;
	v14, _, _ =	vpop (xrf2);
	s23 =	spop (v2sf);
	(v2sf) =	vpush v4, $0xF  }
0x3bd: {  	v46 =	vmul.f32 v9, v15;
	v47 =	vmul.f32 v9, v61;
	(v2sf) =	vpush v14, $0xF;
	v14 =	vld [tilespmem:$0x1FFB0]  }
0x3be: {  	v37 =	vld [tilespmem:s3+$0x1E0];
	v49 =	vmul.f32 v35, v56;
	v51 =	vmul.f32 v32, v16  }
0x3bf: {  	v48 =	vld [tilespmem:s3+$0xFFFFFF90];
	(xrf2) =	vadd.scan.msk.f32 $0xffff, v17;
	v42 =	vmul.f32 v36, v44;
	v63 =	vbroadcast v7, $0x0;
	v2 =	vadd.f32 $1.000000000e+00, v2;
	v6 =	vpop (erf)  }
0x3c0: {  	v21 =	vld [tilespmem:s3+$0x0];
	(erf) = vpow2.f32 v0;
	v60 =	vadd.f32 $1.000000000e+00, v6;
	v6 =	vadd.f32 v27, v25  }
0x3c1: {  	v20 =	vld [tilespmem:s3+$0xFFFFFF80];
	v25 =	vadd.f32 v51, v46;
	v46 =	vmul.f32 v52, v16;
	(erf) = vrcp.f32 v2  }
0x3c2: {  	v40 =	vld [tilespmem:s3+$0x1F0];
	v8 =	vpop (erf);
	v2 =	vmul.f32 v24, v62;
	v6 =	vadd.f32 v28, v6;
	v33 =	vmul.f32 v31, v14  }
0x3c3: {  	v17 =	vadd.f32 $1.000000000e+00, v8;
	v24 =	vadd.f32 v18, v11;
	v12 =	vpop (erf);
	(erf) = vpow2.f32 v63;
	v63 =	vld [tilespmem:$0x1FFE0]  }
0x3c4: {  	v41 =	vld [tilespmem:s3+$0xFFFFFF20];
	v11 =	vmul.f32 v48, v62;
	v8 =	vmul.f32 v52, v62;
	v6 =	vadd.f32 v33, v6  }
0x3c5: {  	v18 =	vld [tilespmem:$0x1FFF0];
	[tilespmem:$0x1FD00] =	vst v60;
	v60 =	vmul.f32 v21, v15;
	v28 =	vmul.f32 v21, v61  }
0x3c6: {  	v22 =	vld [tilespmem:s3+$0x80];
	v54 =	vmul.f32 v20, v15;
	v55 =	vmul.f32 v20, v61;
	v6 =	vadd.f32 v45, v6  }
0x3c7: {  	[tilespmem:s1+$0x100] =	vst v19;
	v57 =	vld [tilespmem:s3+$0x90];
	v4 =	vmul.f32 v59, v61;
	v59 =	vmul.f32 v48, v16  }
0x3c8: {  	v23 =	vld [tilespmem:s3+$0x100];
	v10, _, _ =	vpop (xrf2);
	v8 =	vadd.f32 v8, v28;
	s28 =	spop (v2sf);
	v53 =	vmul.f32 v37, v63;
	v6 =	vadd.f32 v49, v6  }
0x3c9: {  	v43 =	vld [tilespmem:s3+$0xFFFFFFA0];
	v38, _, _ =	vpop (xrf2);
	v28 =	vadd.f32 v46, v60;
	(v2sf) =	vpush v10, $0xF;
	s29 =	spop (v2sf);
	v10 =	vmul.f32 v32, v62  }
0x3ca: {  	s4 =	sadd.f32 s23, s12;
	v58 =	vmul.f32 v40, v18;
	v32 =	vld [tilespmem:s3+$0x110];
	s14 =	spop (v2sf);
	(v2sf) =	vpush v38, $0xF;
	v9 =	vpop (erf);
	v6 =	vadd.f32 v53, v6  }
0x3cb: {  	v48 =	vmul.f32 v22, v61;
	v0 =	vadd.f32 v2, v4;
	v27 =	vadd.f32 v59, v54;
	v13 =	vpop (erf);
	v45 =	vld [tilespmem:s3+$0xFFFFFE00]  }
0x3cc: {  	v2 =	vmul.f32 v57, v62;
	v5 =	vmov s4;
	[tilespmem:$0x1FD30] =	vst v13;
	v13 =	vld [tilespmem:$0x1FF30];
	v6 =	vadd.f32 v58, v6  }
0x3cd: {  	v39 =	vld [tilespmem:s3+$0xFFFFFEB0];
	v59 =	vmul.f32 v23, v61;
	v5 =	vsub.f32 $0.0e+00, v5;
	v4 =	vadd.f32 v10, v47  }
0x3ce: {  	v52 =	vld [tilespmem:s3+$0x20];
	v47 =	vmul.f32 v22, v15;
	v2 =	vadd.f32 v2, v48;
	v48 =	vmul.f32 v43, v44;
	(xrf2) =	vadd.scan.msk.f32 $0xffff, v6  }
0x3cf: {  	v10 =	vadd.f32 v11, v55;
	v55 =	vld [tilespmem:s3+$0xA0];
	v5 =	vmul.f32 $1.442695020e+00, v5;
	v60 =	vmul.f32 v32, v16  }
0x3d0: {  	[tilespmem:$0x1FD10] =	vst v17;
	v17 =	vld [tilespmem:$0x1FF80];
	v33 =	vmul.f32 v57, v16;
	v7 =	vmul.f32 v45, v61  }
0x3d1: {  	v49 =	vld [tilespmem:s3+$0xFFFFFEA0];
	v61 =	vmul.f32 v41, v13;
	v58 =	vmul.f32 v23, v15  }
0x3d2: {  	v23 =	vmul.f32 v32, v62;
	v32 =	vadd.f32 v33, v47;
	v47 =	vmul.f32 v41, v44;
	v41 =	vld [tilespmem:s3+$0xFFFFFFB0]  }
0x3d3: {  	v5 =	vbroadcast v5, $0x0;
	v38 =	vmul.f32 v45, v15;
	v33 =	vadd.f32 v60, v58;
	v58 =	vld [tilespmem:s3+$0x120]  }
0x3d4: {  	v12 =	vadd.f32 $1.000000000e+00, v12;
	v51 =	vmul.f32 v55, v44;
	v62 =	vmul.f32 v43, v13;
	v43 =	vld [tilespmem:s3+$0xB0]  }
0x3d5: {  	(erf) = vpow2.f32 v5;
	v57 =	vadd.f32 v1, v38;
	v45 =	vadd.f32 v3, v7;
	v38 =	vld [tilespmem:s3+$0xFFFFFE30]  }
0x3d6: {  	v2 =	vadd.f32 v51, v2;
	s15 =	spop (v2sf);
	v11 =	vadd.f32 v23, v59;
	v59 =	vmul.f32 v36, v13;
	v36 =	vld [tilespmem:s3+$0xFFFFFF30]  }
0x3d7: {  	s22 =	spop (v2sf);
	v46 =	vmul.f32 v49, v44;
	v20 =	vmul.f32 v49, v13;
	v1 =	vadd.f32 v42, v45;
	v42 =	vld [tilespmem:s3+$0x30]  }
0x3d8: {  	s23 =	spop (v2sf);
	v49 =	vmul.f32 v52, v44;
	v3 =	vadd.f32 v48, v10;
	v54 =	vmul.f32 v58, v44;
	v44 =	vld [tilespmem:s3+$0x130];
	v53, _, _ =	vpop (xrf2)  }
0x3d9: {  	s21 =	sadd.f32 s28, s17;
	s28 =	spop (v2sf);
	v4 =	vadd.f32 v47, v4;
	v47 =	vmul.f32 v29, v16;
	v29 =	vld [tilespmem:s3+$0xFFFFFEC0];
	(v2sf) =	vpush v53, $0xF  }
0x3da: {  	v48 =	vmul.f32 v39, v14;
	v16 =	vld [tilespmem:$0x1FF40];
	v0 =	vadd.f32 v46, v0;
	v60 =	vmul.f32 v43, v14  }
0x3db: {  	v5 =	vadd.f32 v49, v8;
	v46 =	vmul.f32 v26, v15;
	v26 =	vld [tilespmem:s3+$0xFFFFFE40];
	v51 =	vmul.f32 v41, v14  }
0x3dc: {  	[tilespmem:$0x1FD20] =	vst v12;
	v45 =	vld [tilespmem:s3+$0xFFFFFF40];
	v12 =	vmul.f32 v38, v14;
	v49 =	vmul.f32 v36, v14;
	v19 =	vadd.f32 v60, v2  }
0x3dd: {  	v2 =	vld [tilespmem:$0x1FF50];
	v6 =	vadd.f32 v54, v11;
	v54 =	vmul.f32 v42, v14;
	v14 =	vmul.f32 v44, v14  }
0x3de: {  	v15 =	vld [tilespmem:$0x1FF70];
	v8 =	vadd.f32 v47, v46;
	v53 =	vmul.f32 v30, v13  }
0x3df: {  	v61 =	vadd.f32 v61, v25;
	v14 =	vadd.f32 v14, v6;
	v6 =	vld [tilespmem:$0x1FF60]  }
0x3e0: {  	v46 =	vld [tilespmem:s3+$0xC0];
	v1 =	vadd.f32 v12, v1;
	v12 =	vmul.f32 v31, v16;
	v8 =	vadd.f32 v53, v8  }
0x3e1: {  	v23 =	vadd.f32 $1.000000000e+00, v9;
	v9 =	vmul.f32 v40, v17;
	v31 =	vld [tilespmem:s3+$0x40];
	v60 =	vmul.f32 v45, v50  }
0x3e2: {  	v4 =	vadd.f32 v49, v4;
	v49 =	vld [tilespmem:s3+$0x140];
	v34 =	vmul.f32 v34, v2;
	v8 =	vadd.f32 v12, v8  }
0x3e3: {  	v0 =	vadd.f32 v48, v0;
	v5 =	vadd.f32 v54, v5;
	v54 =	vmul.f32 v29, v50;
	v30 =	vld [tilespmem:s3+$0xFFFFFFC0]  }
0x3e4: {  	v47 =	vld [tilespmem:s3+$0xFFFFFE50];
	v4 =	vadd.f32 v60, v4;
	v8 =	vadd.f32 v34, v8;
	v12 =	vmul.f32 v35, v6  }
0x3e5: {  	v60 =	vmul.f32 v46, v50;
	v0 =	vadd.f32 v54, v0;
	v54 =	vmul.f32 v37, v15;
	v37 =	vld [tilespmem:s3+$0xFFFFFFD0]  }
0x3e6: {  	v3 =	vadd.f32 v51, v3;
	v53 =	vmul.f32 v26, v50;
	v35 =	vld [tilespmem:s3+$0xFFFFFF50];
	v8 =	vadd.f32 v12, v8  }
0x3e7: {  	v11 =	vmul.f32 v31, v50;
	v60 =	vadd.f32 v60, v19;
	v51 =	vmul.f32 v49, v50;
	v34 =	vld [tilespmem:s3+$0x50]  }
0x3e8: {  	s4 =	sadd.f32 s29, s17;
	v48 =	vld [tilespmem:s3+$0xFFFFFED0];
	v1 =	vadd.f32 v53, v1;
	v53 =	vmul.f32 v30, v50;
	v8 =	vadd.f32 v54, v8;
	s29 =	spop (v2sf)  }
0x3e9: {  	v5 =	vadd.f32 v11, v5;
	v14 =	vadd.f32 v51, v14;
	v50 =	vld [tilespmem:s3+$0x150];
	s29 =	sadd.f32 s29, s12  }
0x3ea: {  	v10 =	vmul.f32 v52, v13;
	v40 =	vld [tilespmem:s3+$0xD0];
	v3 =	vadd.f32 v53, v3;
	v8 =	vadd.f32 v9, v8  }
0x3eb: {  	v53 =	vmul.f32 v47, v56;
	v9 =	vmul.f32 v35, v56;
	v12 =	vmov s29  }
0x3ec: {  	v52 =	vld [tilespmem:s3+$0xFFFFFEE0];
	v7 =	vmul.f32 v37, v56;
	(xrf2) =	vadd.scan.msk.f32 $0xffff, v8;
	v8 =	vmul.f32 v34, v56;
	v12 =	vsub.f32 $0.0e+00, v12  }
0x3ed: {  	v51 =	vld [tilespmem:s3+$0xFFFFFE60];
	v1 =	vadd.f32 v53, v1;
	v54 =	vmul.f32 v48, v56;
	v4 =	vadd.f32 v9, v4  }
0x3ee: {  	v53 =	vld [tilespmem:s3+$0xFFFFFFE0];
	v5 =	vadd.f32 v8, v5;
	v8 =	vmul.f32 v50, v56;
	v9 =	vmul.f32 $1.442695020e+00, v12  }
0x3ef: {  	v11 =	vmul.f32 v40, v56;
	v3 =	vadd.f32 v7, v3;
	v0 =	vadd.f32 v54, v0;
	v54 =	vld [tilespmem:s3+$0xFFFFFF60]  }
0x3f0: {  	v7 =	vadd.f32 v8, v14;
	v8 =	vbroadcast v9, $0x0;
	v9 =	vadd.f32 v59, v57;
	v57 =	vld [tilespmem:s3+$0xFFFFFE70]  }
0x3f1: {  	v19 =	vmul.f32 v55, v13;
	v55 =	vld [tilespmem:s3+$0x60];
	v60 =	vadd.f32 v11, v60;
	v11 =	vmul.f32 v58, v13  }
0x3f2: {  	v62 =	vadd.f32 v62, v27;
	v20 =	vadd.f32 v20, v24;
	v56 =	vld [tilespmem:s3+$0xE0];
	v12 =	vmul.f32 v51, v63  }
0x3f3: {  	v10 =	vadd.f32 v10, v28;
	v13 =	vmul.f32 v52, v63;
	v58 =	vld [tilespmem:s3+$0x160];
	v11 =	vadd.f32 v11, v33  }
0x3f4: {  	v33 =	vmul.f32 v36, v16;
	v1 =	vadd.f32 v12, v1;
	v12 =	vmul.f32 v54, v63;
	v59 =	vld [tilespmem:s3+$0xFFFFFEF0]  }
0x3f5: {  	v21 =	vpop (erf);
	v24 =	vld [tilespmem:s3+$0xFFFFFF70];
	v0 =	vadd.f32 v13, v0;
	v13 =	vmul.f32 v53, v63;
	v14 =	vmul.f32 v57, v18  }
0x3f6: {  	v25 =	vld [tilespmem:s3+$0xFFFFFFF0];
	v22 =	vpop (erf);
	(erf) = vpow2.f32 v8;
	v4 =	vadd.f32 v12, v4;
	v12 =	vmul.f32 v55, v63  }
0x3f7: {  	v27 =	vld [tilespmem:s3+$0x70];
	v8 =	vadd.f32 v13, v3;
	v13 =	vmul.f32 v56, v63;
	v1 =	vadd.f32 v14, v1  }
0x3f8: {  	v28 =	vld [tilespmem:s3+$0x170];
	v36 =	vmul.f32 v41, v16;
	v5 =	vadd.f32 v12, v5;
	v12 =	vmul.f32 v58, v63;
	v63, _, _ =	vpop (xrf2)  }
0x3f9: {  	v3 =	vadd.f32 v13, v60;
	v60 =	vld [tilespmem:s3+$0xF0];
	(v2sf) =	vpush v63, $0xF;
	v13 =	vmul.f32 v59, v18;
	(xrf2) =	vadd.scan.msk.f32 $0xffff, v1  }
0x3fa: {  	v59 =	vmul.f32 v59, v17;
	v63 =	vadd.f32 v12, v7;
	v12 =	vmul.f32 v24, v18  }
0x3fb: {  	v7 =	vadd.f32 v19, v32;
	v32 =	vmul.f32 v25, v18;
	v24 =	vmul.f32 v24, v17  }
0x3fc: {  	v0 =	vadd.f32 v13, v0;
	v14 =	vmul.f32 v38, v16;
	v38 =	vmul.f32 v27, v18  }
0x3fd: {  	v4 =	vadd.f32 v12, v4;
	v19 =	vadd.f32 v32, v8;
	v8 =	vmul.f32 v28, v18  }
0x3fe: {  	v1 =	vmul.f32 v39, v16;
	v13 =	vmul.f32 v60, v18;
	v5 =	vadd.f32 v38, v5;
	(xrf2) =	vadd.scan.msk.f32 $0xffff, v0  }
0x3ff: {  	v38 =	vadd.f32 v8, v63;
	v0 =	vadd.f32 v14, v9;
	v9 =	vmul.f32 v43, v16  }
0x400: {  	v43 =	vadd.f32 v36, v62;
	v63 =	vmul.f32 v30, v2;
	v30 =	vmul.f32 v31, v2;
	v39 =	vpop (erf)  }
0x401: {  	v31 =	vmul.f32 v46, v2;
	v36 =	vmul.f32 v47, v6;
	(xrf2) =	vadd.scan.msk.f32 $0xffff, v4;
	v32 =	vadd.f32 $1.000000000e+00, v39  }
0x402: {  	v46 =	vmul.f32 v40, v6;
	v47 =	vmul.f32 v50, v6  }
0x403: {  	v41 =	vadd.f32 v33, v61;
	v50 =	vmul.f32 v52, v15;
	(erf) = vrcp.f32 v32;
	v33, _, _ =	vpop (xrf2);
	(xrf2) =	vadd.scan.msk.f32 $0xffff, v19  }
0x404: {  	v32 =	vmul.f32 v44, v16;
	v44 =	vmul.f32 v45, v2  }
0x405: {  	v52 =	vmul.f32 v53, v15;
	v53 =	vmul.f32 v55, v15  }
0x406: {  	v55 =	vmul.f32 v56, v15;
	v56 =	vmul.f32 v58, v15;
	(v2sf) =	vpush v33, $0xF  }
0x407: {  	v58 =	vmul.f32 v57, v17;
	v18 =	vadd.f32 v13, v3;
	v13 =	vmul.f32 v42, v16;
	(xrf2) =	vadd.scan.msk.f32 $0xffff, v5  }
0x408: {  	v1 =	vadd.f32 v1, v20;
	v42 =	vmul.f32 v29, v2;
	v4 =	vadd.f32 v44, v41;
	v44, _, _ =	vpop (xrf2)  }
0x409: {  	v39 =	vmul.f32 v26, v2;
	v7 =	vadd.f32 v9, v7;
	s30 =	spop (v2sf);
	(v2sf) =	vpush v44, $0xF  }
0x40a: {  	v29 =	vmul.f32 v27, v17;
	v10 =	vadd.f32 v13, v10;
	v1 =	vadd.f32 v42, v1;
	(xrf2) =	vadd.scan.msk.f32 $0xffff, v18  }
0x40b: {  	v0 =	vadd.f32 v39, v0;
	v45 =	vadd.f32 v32, v11;
	v32 =	vmul.f32 v49, v2;
	v49, _, _ =	vpop (xrf2)  }
0x40c: {  	v39 =	vmul.f32 v48, v6;
	v48 =	vmul.f32 v51, v15;
	v33 =	vld [tilespmem:$0x1FD00];
	(v2sf) =	vpush v49, $0xF  }
0x40d: {  	v51 =	vmul.f32 v54, v15;
	v9 =	vadd.f32 v32, v45;
	v45 =	vmul.f32 v34, v6;
	v34 =	vld [tilespmem:$0x1FD10];
	v54, _, _ =	vpop (xrf2)  }
0x40e: {  	v26 =	vmul.f32 v25, v17;
	v7 =	vadd.f32 v31, v7;
	(xrf2) =	vadd.scan.msk.f32 $0xffff, v38;
	v38 =	vld [tilespmem:$0x1FD20];
	(v2sf) =	vpush v54, $0xF  }
0x40f: {  	v31 =	vmul.f32 v28, v17;
	v10 =	vadd.f32 v30, v10;
	v11 =	vadd.f32 v63, v43  }
0x410: {  	v41 =	vmul.f32 v35, v6;
	v0 =	vadd.f32 v36, v0;
	v43 =	vmul.f32 v37, v6;
	v42 =	vpop (erf)  }
0x411: {  	v1 =	vadd.f32 v39, v1;
	v7 =	vadd.f32 v46, v7;
	(erf) = vrcp.f32 v33;
	v14, _, _ =	vpop (xrf2)  }
0x412: {  	v39 =	vadd.f32 $1.000000000e+00, v21;
	(erf) = vrcp.f32 v34;
	(v2sf) =	vpush v14, $0xF  }
0x413: {  	v4 =	vadd.f32 v41, v4;
	v3 =	vadd.f32 v43, v11;
	(erf) = vrcp.f32 v38  }
0x414: {  	v0 =	vadd.f32 v48, v0;
	v41 =	vadd.f32 $1.000000000e+00, v22;
	(erf) = vrcp.f32 v23;
	v32, _, _ =	vpop (xrf2)  }
0x415: {  	v40 =	vld [tilespmem:$0x1FD30];
	v1 =	vadd.f32 v50, v1;
	s29 =	sadd.f32 s30, s17;
	(erf) = vrcp.f32 v39;
	s30 =	spop (v2sf);
	(v2sf) =	vpush v32, $0xF  }
0x416: {  	v7 =	vadd.f32 v55, v7;
	v0 =	vadd.f32 v58, v0;
	(erf) = vrcp.f32 v41  }
0x417: {  	v4 =	vadd.f32 v51, v4;
	v1 =	vadd.f32 v59, v1;
	v16 =	vmul.f32 s29, v42;
	s29 =	sadd.f32 s30, s12  }
0x418: {  	s14 =	sadd.f32 s14, s17;
	v30 =	vmul.f32 v60, v17;
	v10 =	vadd.f32 v45, v10;
	v8 =	vadd.f32 v47, v9;
	(xrf2) =	vadd.scan.msk.f32 $0xffff, v0;
	s30 =	spop (v2sf)  }
0x419: {  	v2 =	vadd.f32 v52, v3;
	v4 =	vadd.f32 v24, v4;
	v37, _, _ =	vpop (xrf2);
	(xrf2) =	vadd.scan.msk.f32 $0xffff, v1;
	v35 =	vmov s29;
	s29 =	sadd.f32 s30, s12  }
0x41a: {  	s15 =	sadd.f32 s15, s17;
	v6 =	vmul.f32 s21, v40;
	v63 =	vadd.f32 v53, v10;
	v8 =	vadd.f32 v56, v8;
	v45 =	vpop (erf)  }
0x41b: {  	s23 =	sadd.f32 s23, s17;
	v2 =	vadd.f32 v26, v2;
	(xrf2) =	vadd.scan.msk.f32 $0xffff, v4;
	v47 =	vpop (erf);
	v0 =	vsub.f32 $0.0e+00, v35;
	v42 =	vmov s29;
	s29 =	spop (v2sf)  }
0x41c: {  	v36 =	vadd.f32 v30, v7;
	v3 =	vadd.f32 v29, v63;
	v46 =	vmul.f32 s4, v45;
	v52 =	vpop (erf);
	s21 =	sadd.f32 s29, s12  }
0x41d: {  	s1 =	smov.u32 s26;
	s28 =	sadd.f32 s28, s17;
	v17 =	vadd.f32 v31, v8;
	(xrf2) =	vadd.scan.msk.f32 $0xffff, v2;
	v2 =	vmul.f32 s14, v47;
	v55 =	vpop (erf);
	v0 =	vmul.f32 $1.442695020e+00, v0;
	s30 =	spop (v2sf)  }
0x41e: {  	s26 =	sadd.s32 $0x400, s26;
	[tilespmem:s1+$0xFFFFFE00] =	vst v6;
	v54 =	vmul.f32 s15, v52;
	v60 =	vpop (erf);
	v43 =	vsub.f32 $0.0e+00, v42;
	v44 =	vmov s21;
	s21 =	sadd.f32 s30, s12  }
0x41f: {  	s20 =	sadd.s32 $0x8, s20;
	[tilespmem:s26+$0x180] =	vst v16;
	v18 =	vmul.f32 s23, v60;
	v63 =	vpop (erf);
	v0 =	vbroadcast v0, $0x0;
	v4 =	vsub.f32 $0.0e+00, v44  }
0x420: {  	p2 =	slt.u32 s20, $0x98;
	s22 =	sadd.f32 s22, s17;
	[tilespmem:s1+$0xFFFFFE80] =	vst v46;
	v19 =	vmul.f32 s28, v63;
	v1 =	vmul.f32 $1.442695020e+00, v43;
	v51 =	vmov s21  }
.Ltmp8:
0x421: {  	[tilespmem:s1+$0xFFFFFF00] =	vst v2;
	(erf) = vpow2.f32 v0;
	v50 =	vmul.f32 $1.442695020e+00, v4;
	s29 =	spop (v2sf);
	v53 =	vsub.f32 $0.0e+00, v51;
	(pc) =	sbr.rel @p2 .LBB2_11-.Ltmp8, $4  }
0x422: {  	(v2sf) =	vpush v37, $0xF;
	[tilespmem:s1+$0xFFFFFF80] =	vst v54;
	v49, _, _ =	vpop (xrf2);
	v48 =	vbroadcast v1, $0x0;
	v1 =	vmul.f32 s22, v55;
	s4 =	sadd.f32 s29, s12  }
0x423: {  	(xrf2) =	vadd.scan.msk.f32 $0xffff, v3;
	v57, _, _ =	vpop (xrf2);
	(v2sf) =	vpush v49, $0xF;
	v56 =	vbroadcast v50, $0x0;
	v58 =	vmul.f32 $1.442695020e+00, v53  }
0x424: {  	v61 =	vld [tilespmem:$0x1FF90];
	(xrf2) =	vadd.scan.msk.f32 $0xffff, v36;
	(v2sf) =	vpush v57, $0xF;
	(erf) = vpow2.f32 v48;
	v59 =	vmov s4;
	s30 =	spop (v2sf)  }
0x425: {  	s3 =	sadd.s32 $0x400, s3;
	v62 =	vld [tilespmem:$0x1FFA0];
	v21, _, _ =	vpop (xrf2);
	[tilespmem:s1+$0x0] =	vst v1;
	v22 =	vsub.f32 $0.0e+00, v59;
	(erf) = vpow2.f32 v56;
	s4 =	sadd.f32 s30, s12;
	v20 =	vbroadcast v58, $0x0  }
0x426: {  	_ =	sdelay $0xa  }
0x427: {  	s3 =	spop (v2sf)  }
0x428: {  	s3 =	sadd.f32 s3, s12  }
0x429: {  	v0 =	vmov s4  }
0x42a: {  	(xrf2) =	vadd.scan.msk.f32 $0xffff, v17;
	v1 =	vmul.f32 $1.442695020e+00, v22;
	v0 =	vsub.f32 $0.0e+00, v0;
	v2 =	vmov s3  }
0x42b: {  	v2 =	vsub.f32 $0.0e+00, v2  }
0x42c: {  	v1 =	vbroadcast v1, $0x0;
	v3 =	vpop (erf);
	v0 =	vmul.f32 $1.442695020e+00, v0  }
0x42d: {  	(erf) = vpow2.f32 v20;
	v3 =	vadd.f32 $1.000000000e+00, v3;
	v2 =	vmul.f32 $1.442695020e+00, v2  }
0x42e: {  	(erf) = vpow2.f32 v1;
	v0 =	vbroadcast v0, $0x0  }
0x42f: {  	(erf) = vrcp.f32 v3;
	v60 =	vbroadcast v2, $0x0  }
0x430: {  	v63, _, _ =	vpop (xrf2);
	(erf) = vpow2.f32 v0  }
0x431: {  	v4 =	vpop (erf);
	(v2sf) =	vpush v21, $0xF;
	(erf) = vpow2.f32 v60  }
0x432: {  	v5, _, _ =	vpop (xrf2);
	(v2sf) =	vpush v63, $0xF  }
0x433: {  	v6, _, _ =	vpop (xrf2);
	(v2sf) =	vpush v5, $0xF  }
0x434: {  	v7, _, _ =	vpop (xrf2);
	(v2sf) =	vpush v6, $0xF  }
0x435: {  	v8 =	vpop (erf);
	(v2sf) =	vpush v7, $0xF  }
0x436: {  	v0 =	vadd.f32 $1.000000000e+00, v4;
	v9 =	vpop (erf)  }
0x437: {  	v10 =	vpop (erf);
	v2 =	vadd.f32 $1.000000000e+00, v8  }
0x438: {  	v1 =	vadd.f32 $1.000000000e+00, v9;
	v4 =	vpop (erf);
	(erf) = vrcp.f32 v0  }
0x439: {  	v3 =	vadd.f32 $1.000000000e+00, v10;
	v11 =	vpop (erf);
	(erf) = vrcp.f32 v2  }
0x43a: {  	v0 =	vadd.f32 $1.000000000e+00, v11;
	v12 =	vpop (erf);
	(erf) = vrcp.f32 v1  }
0x43b: {  	(erf) = vrcp.f32 v3;
	v13 =	vadd.f32 $1.000000000e+00, v12  }
0x43c: {  	(erf) = vrcp.f32 v0  }
0x43d: {  	(erf) = vrcp.f32 v13  }
0x43e: {  	s15 =	spop (v2sf)  }
0x43f: {  	s20 =	spop (v2sf);
	s3 =	sadd.f32 s15, s17  }
0x440: {  	s4 =	sadd.f32 s20, s17;
	s14 =	spop (v2sf)  }
0x441: {  	[tilespmem:s1+$0x80] =	vst v18;
	v14 =	vmul.f32 s3, v4;
	s14 =	sadd.f32 s14, s17;
	s15 =	spop (v2sf);
	v32 =	vpop (erf)  }
0x442: {  	[tilespmem:s1+$0x100] =	vst v19;
	s21 =	sadd.f32 s15, s17;
	s22 =	spop (v2sf);
	v1 =	vmul.f32 s4, v32;
	v33 =	vpop (erf)  }
0x443: {  	[tilespmem:s26+$0xFFFFFE00] =	vst v14;
	s3 =	sadd.f32 s22, s17;
	s23 =	spop (v2sf);
	v34 =	vmul.f32 s14, v33;
	v35 =	vpop (erf)  }
0x444: {  	s28 =	spop (v2sf);
	s4 =	sadd.f32 s23, s17;
	[tilespmem:s26+$0xFFFFFE80] =	vst v1;
	v36 =	vmul.f32 s21, v35;
	v37 =	vpop (erf)  }
0x445: {  	s29 =	sadd.f32 s28, s17;
	[tilespmem:s26+$0xFFFFFF00] =	vst v34;
	v38 =	vmul.f32 s3, v37;
	v39 =	vpop (erf)  }
0x446: {  	[tilespmem:s26+$0xFFFFFF80] =	vst v36;
	v40 =	vmul.f32 s4, v39;
	v41 =	vpop (erf)  }
0x447: {  	[tilespmem:s26+$0x0] =	vst v38;
	v42 =	vmul.f32 s29, v41  }
0x448: {  	[tilespmem:s26+$0x80] =	vst v40  }
0x449: {  	[tilespmem:s26+$0x100] =	vst v42  }
0x44a: {  	v19 =	vld [tilespmem:s19+$0x180]  }
0x44b: {  	v0 =	vld [tilespmem:s9+$0x1F0]  }
0x44c: {  	v20 =	vld [tilespmem:s9+$0xFFFFFE00]  }
0x44d: {  	v21 =	vld [tilespmem:s9+$0xFFFFFE10]  }
0x44e: {  	v22 =	vld [tilespmem:s9+$0xFFFFFE20]  }
0x44f: {  	v17 =	vld [tilespmem:s9+$0xFFFFFE30]  }
0x450: {  	v1 =	vld [tilespmem:s19+$0xFFFFFE80]  }
0x451: {  	v43 =	vld [tilespmem:s9+$0xFFFFFE80]  }
0x452: {  	v44 =	vld [tilespmem:s9+$0xFFFFFE90]  }
0x453: {  	v45 =	vld [tilespmem:s9+$0xFFFFFEA0]  }
0x454: {  	v5 =	vld [tilespmem:s9+$0xFFFFFEB0]  }
0x455: {  	v6 =	vld [tilespmem:s9+$0xFFFFFEC0]  }
0x456: {  	v7 =	vld [tilespmem:s9+$0xFFFFFED0]  }
0x457: {  	v8 =	vld [tilespmem:s9+$0xFFFFFEE0]  }
0x458: {  	v18 =	vld [tilespmem:s9+$0xFFFFFE40]  }
0x459: {  	v46 =	vld [tilespmem:s9+$0xFFFFFEF0]  }
0x45a: {  	v9 =	vld [tilespmem:s19+$0xFFFFFF00]  }
0x45b: {  	v10 =	vld [tilespmem:s9+$0xFFFFFF00]  }
0x45c: {  	v11 =	vld [tilespmem:s9+$0xFFFFFF10]  }
0x45d: {  	v12 =	vld [tilespmem:s9+$0xFFFFFF20]  }
0x45e: {  	v13 =	vld [tilespmem:s9+$0xFFFFFF30];
	v2 =	vmul.f32 v43, v1  }
0x45f: {  	v14 =	vld [tilespmem:s9+$0xFFFFFF40];
	v0 =	vmul.f32 v0, v19  }
0x460: {  	v23 =	vld [tilespmem:s9+$0xFFFFFF50];
	v3 =	vmul.f32 v44, v1;
	[tilespmem:s9+$0xFFFFFE80] =	vst v2  }
0x461: {  	v48 =	vld [tilespmem:s9+$0xFFFFFF60];
	v47 =	vmul.f32 v45, v1;
	[tilespmem:s9+$0x1F0] =	vst v0  }
0x462: {  	v51 =	vld [tilespmem:s9+$0xFFFFFF80];
	v49 =	vmul.f32 v5, v1;
	[tilespmem:s9+$0xFFFFFE90] =	vst v3  }
0x463: {  	v53 =	vld [tilespmem:s9+$0xFFFFFF90];
	v50 =	vmul.f32 v6, v1;
	[tilespmem:s9+$0xFFFFFEA0] =	vst v47  }
0x464: {  	v55 =	vld [tilespmem:s9+$0xFFFFFFA0];
	v52 =	vmul.f32 v7, v1;
	[tilespmem:s9+$0xFFFFFEB0] =	vst v49  }
0x465: {  	v56 =	vld [tilespmem:s9+$0xFFFFFFB0];
	v54 =	vmul.f32 v8, v1;
	[tilespmem:s9+$0xFFFFFEC0] =	vst v50  }
0x466: {  	v58 =	vld [tilespmem:s9+$0xFFFFFFC0];
	v1 =	vmul.f32 v46, v1;
	[tilespmem:s9+$0xFFFFFED0] =	vst v52  }
0x467: {  	v60 =	vld [tilespmem:s9+$0xFFFFFFD0];
	v57 =	vmul.f32 v10, v9;
	[tilespmem:s9+$0xFFFFFEE0] =	vst v54  }
0x468: {  	v34 =	vld [tilespmem:s9+$0xFFFFFF70];
	v63 =	vmul.f32 v11, v9;
	[tilespmem:s9+$0xFFFFFEF0] =	vst v1  }
0x469: {  	v38 =	vld [tilespmem:s19+$0x0];
	v33 =	vmul.f32 v12, v9;
	[tilespmem:s9+$0xFFFFFF00] =	vst v57  }
0x46a: {  	v40 =	vld [tilespmem:s9+$0x0];
	v35 =	vmul.f32 v13, v9;
	[tilespmem:s9+$0xFFFFFF10] =	vst v63  }
0x46b: {  	v42 =	vld [tilespmem:s9+$0x20];
	v37 =	vmul.f32 v14, v9;
	[tilespmem:s9+$0xFFFFFF20] =	vst v33  }
0x46c: {  	v5 =	vld [tilespmem:s19+$0xFFFFFF80];
	v39 =	vmul.f32 v23, v9;
	[tilespmem:s9+$0xFFFFFF30] =	vst v35  }
0x46d: {  	v32 =	vld [tilespmem:s9+$0xFFFFFFE0];
	v4 =	vmul.f32 v48, v9;
	[tilespmem:s9+$0xFFFFFF40] =	vst v37  }
0x46e: {  	v36 =	vld [tilespmem:s9+$0xFFFFFFF0];
	[tilespmem:s9+$0xFFFFFF50] =	vst v39;
	v1 =	vmul.f32 v34, v9  }
0x46f: {  	v41 =	vld [tilespmem:s9+$0x10];
	[tilespmem:s9+$0xFFFFFF60] =	vst v4;
	v47 =	vmul.f32 v40, v38  }
0x470: {  	v24 =	vld [tilespmem:s9+$0xFFFFFE60];
	v57 =	vmul.f32 v42, v38;
	[tilespmem:s9+$0xFFFFFF70] =	vst v1  }
0x471: {  	v25 =	vld [tilespmem:s9+$0xFFFFFE70];
	[tilespmem:s9+$0x0] =	vst v47;
	v59 =	vmul.f32 v51, v5  }
0x472: {  	v30 =	vld [tilespmem:s9+$0x1B0];
	[tilespmem:s9+$0x20] =	vst v57;
	v43 =	vmul.f32 v53, v5  }
0x473: {  	v44 =	vld [tilespmem:s9+$0x30];
	v45 =	vmul.f32 v55, v5;
	[tilespmem:s9+$0xFFFFFF80] =	vst v59  }
0x474: {  	v46 =	vld [tilespmem:s9+$0x40];
	v2 =	vmul.f32 v56, v5;
	[tilespmem:s9+$0xFFFFFF90] =	vst v43  }
0x475: {  	v48 =	vld [tilespmem:s9+$0x50];
	v3 =	vmul.f32 v58, v5;
	[tilespmem:s9+$0xFFFFFFA0] =	vst v45  }
0x476: {  	v12 =	vld [tilespmem:s9+$0xC0];
	v50 =	vmul.f32 v60, v5;
	[tilespmem:s9+$0xFFFFFFB0] =	vst v2  }
0x477: {  	v52 =	vld [tilespmem:s19+$0x80];
	v0 =	vmul.f32 v32, v5;
	[tilespmem:s9+$0xFFFFFFC0] =	vst v3  }
0x478: {  	v54 =	vld [tilespmem:s9+$0x80];
	v53 =	vmul.f32 v36, v5;
	[tilespmem:s9+$0xFFFFFFD0] =	vst v50  }
0x479: {  	v49 =	vld [tilespmem:s9+$0x60];
	v55 =	vmul.f32 v41, v38;
	[tilespmem:s9+$0xFFFFFFE0] =	vst v0  }
0x47a: {  	v33 =	vld [tilespmem:s9+$0xE0];
	v63 =	vmul.f32 v46, v38;
	[tilespmem:s9+$0xFFFFFFF0] =	vst v53  }
0x47b: {  	v40 =	vld [tilespmem:s9+$0x100];
	v10 =	vmul.f32 v48, v38;
	[tilespmem:s9+$0x10] =	vst v55  }
0x47c: {  	v51 =	vld [tilespmem:s9+$0x70];
	v59 =	vmul.f32 v44, v38;
	[tilespmem:s9+$0x40] =	vst v63  }
0x47d: {  	v56 =	vld [tilespmem:s9+$0x90];
	v14 =	vmul.f32 v54, v52;
	[tilespmem:s9+$0x50] =	vst v10  }
0x47e: {  	v58 =	vld [tilespmem:s9+$0xA0];
	v34 =	vmul.f32 v49, v38;
	[tilespmem:s9+$0x30] =	vst v59  }
0x47f: {  	v60 =	vld [tilespmem:s9+$0xB0];
	v43 =	vmul.f32 v12, v52;
	[tilespmem:s9+$0x80] =	vst v14  }
0x480: {  	v32 =	vld [tilespmem:s9+$0xD0];
	v47 =	vmul.f32 v33, v52;
	[tilespmem:s9+$0x60] =	vst v34  }
0x481: {  	v36 =	vld [tilespmem:s9+$0xF0];
	[tilespmem:s9+$0xC0] =	vst v43;
	v35 =	vmul.f32 v51, v38  }
0x482: {  	[tilespmem:s9+$0xE0] =	vst v47;
	v37 =	vmul.f32 v56, v52;
	v38 =	vld [tilespmem:s19+$0x100]  }
0x483: {  	v42 =	vld [tilespmem:s9+$0x110];
	v39 =	vmul.f32 v58, v52;
	[tilespmem:s9+$0x70] =	vst v35  }
0x484: {  	v44 =	vld [tilespmem:s9+$0x120];
	v41 =	vmul.f32 v60, v52;
	[tilespmem:s9+$0x90] =	vst v37  }
0x485: {  	v46 =	vld [tilespmem:s9+$0x130];
	v45 =	vmul.f32 v32, v52;
	[tilespmem:s9+$0xA0] =	vst v39  }
0x486: {  	v48 =	vld [tilespmem:s9+$0x140];
	v3 =	vmul.f32 v36, v52;
	[tilespmem:s9+$0xB0] =	vst v41  }
0x487: {  	v50 =	vld [tilespmem:s9+$0x150];
	[tilespmem:s9+$0xD0] =	vst v45;
	v49 =	vmul.f32 v40, v38  }
0x488: {  	v51 =	vld [tilespmem:s9+$0x160];
	[tilespmem:s9+$0xF0] =	vst v3;
	v52 =	vmul.f32 v42, v38  }
0x489: {  	v54 =	vld [tilespmem:s9+$0x170];
	v53 =	vmul.f32 v44, v38;
	[tilespmem:s9+$0x100] =	vst v49  }
0x48a: {  	v56 =	vld [tilespmem:s9+$0x180];
	v55 =	vmul.f32 v46, v38;
	[tilespmem:s9+$0x110] =	vst v52  }
0x48b: {  	v57 =	vld [tilespmem:s9+$0x190];
	v2 =	vmul.f32 v48, v38;
	[tilespmem:s9+$0x120] =	vst v53  }
0x48c: {  	v59 =	vld [tilespmem:s9+$0x1A0];
	v58 =	vmul.f32 v50, v38;
	[tilespmem:s9+$0x130] =	vst v55  }
0x48d: {  	v27 =	vld [tilespmem:s9+$0x1C0];
	v1 =	vmul.f32 v51, v38;
	[tilespmem:s9+$0x140] =	vst v2  }
0x48e: {  	v28 =	vld [tilespmem:s9+$0x1D0];
	v60 =	vmul.f32 v54, v38;
	[tilespmem:s9+$0x150] =	vst v58  }
0x48f: {  	v29 =	vld [tilespmem:s9+$0x1E0];
	v63 =	vmul.f32 v56, v19;
	[tilespmem:s9+$0x160] =	vst v1  }
0x490: {  	v26 =	vld [tilespmem:s19+$0xFFFFFE00];
	v31 =	vmul.f32 v57, v19;
	[tilespmem:s9+$0x170] =	vst v60  }
0x491: {  	s1 =	simm.s32 $0x14B80;
	s30 =	simm.s32 $0x5000;
	s3 =	simm.s32 $0x5200;
	v23 =	vld [tilespmem:s9+$0xFFFFFE50];
	v32 =	vmul.f32 v59, v19;
	[tilespmem:s9+$0x180] =	vst v63  }
.LBB2_13:
0x492: {  	v0 =	vld [tilespmem:s1+$0x180];
	[tilespmem:s9+$0x190] =	vst v31;
	v1 =	vmul.f32 v30, v19;
	s3 =	sadd.s32 $0x400, s3  }
0x493: {  	s10 =	sadd.s32 $0x8, s10;
	v2 =	vld [tilespmem:s3+$0x1F0];
	[tilespmem:s9+$0x1A0] =	vst v32;
	v3 =	vmul.f32 v27, v19  }
0x494: {  	p2 =	slt.u32 s10, $0x98;
	v4 =	vld [tilespmem:s3+$0xFFFFFE00];
	[tilespmem:s9+$0x1B0] =	vst v1;
	v1 =	vmul.f32 v28, v19  }
0x495: {  	v5 =	vld [tilespmem:s3+$0xFFFFFE10];
	[tilespmem:s9+$0x1C0] =	vst v3;
	v3 =	vmul.f32 v29, v19  }
0x496: {  	v6 =	vld [tilespmem:s3+$0xFFFFFE20];
	v7 =	vmul.f32 v20, v26;
	v8 =	vmul.f32 v21, v26;
	[tilespmem:s9+$0x1D0] =	vst v1  }
0x497: {  	v1 =	vmul.f32 v22, v26;
	v9 =	vmul.f32 v17, v26;
	v17 =	vld [tilespmem:s3+$0xFFFFFE30];
	[tilespmem:s9+$0x1E0] =	vst v3;
	v19 =	vmov v0  }
0x498: {  	v0 =	vmul.f32 v2, v19;
	[tilespmem:s9+$0xFFFFFE00] =	vst v7;
	v2 =	vmul.f32 v18, v26;
	v18 =	vld [tilespmem:s3+$0xFFFFFE40]  }
0x499: {  	v3 =	vmul.f32 v23, v26;
	v7 =	vmul.f32 v24, v26;
	[tilespmem:s9+$0xFFFFFE10] =	vst v8;
	v23 =	vld [tilespmem:s3+$0xFFFFFE50];
	v20 =	vmov v4  }
0x49a: {  	v24 =	vld [tilespmem:s3+$0xFFFFFE60];
	[tilespmem:s3+$0x1F0] =	vst v0;
	v0 =	vmul.f32 v25, v26;
	v21 =	vmov v5  }
0x49b: {  	v25 =	vld [tilespmem:s3+$0xFFFFFE70];
	[tilespmem:s9+$0xFFFFFE20] =	vst v1;
	v22 =	vmov v6  }
0x49c: {  	v1 =	vld [tilespmem:s1+$0xFFFFFE80];
	[tilespmem:s9+$0xFFFFFE30] =	vst v9  }
0x49d: {  	v4 =	vld [tilespmem:s3+$0xFFFFFE80];
	[tilespmem:s9+$0xFFFFFE40] =	vst v2  }
0x49e: {  	v2 =	vld [tilespmem:s3+$0xFFFFFE90];
	[tilespmem:s9+$0xFFFFFE50] =	vst v3  }
0x49f: {  	v3 =	vld [tilespmem:s3+$0xFFFFFEA0];
	[tilespmem:s9+$0xFFFFFE60] =	vst v7  }
0x4a0: {  	v5 =	vld [tilespmem:s3+$0xFFFFFEB0];
	[tilespmem:s9+$0xFFFFFE70] =	vst v0;
	s9 =	smov.u32 s3  }
0x4a1: {  	v0 =	vld [tilespmem:s3+$0xFFFFFEC0]  }
0x4a2: {  	v4 =	vmul.f32 v4, v1;
	v6 =	vld [tilespmem:s3+$0xFFFFFED0]  }
0x4a3: {  	v2 =	vmul.f32 v2, v1;
	v7 =	vld [tilespmem:s3+$0xFFFFFEE0]  }
0x4a4: {  	[tilespmem:s3+$0xFFFFFE80] =	vst v4;
	v3 =	vmul.f32 v3, v1;
	v4 =	vld [tilespmem:s3+$0xFFFFFEF0]  }
0x4a5: {  	[tilespmem:s3+$0xFFFFFE90] =	vst v2;
	v2 =	vmul.f32 v5, v1;
	v5 =	vld [tilespmem:s1+$0xFFFFFF00]  }
0x4a6: {  	[tilespmem:s3+$0xFFFFFEA0] =	vst v3;
	v0 =	vmul.f32 v0, v1;
	v3 =	vld [tilespmem:s3+$0xFFFFFF00]  }
0x4a7: {  	[tilespmem:s3+$0xFFFFFEB0] =	vst v2;
	v2 =	vmul.f32 v6, v1;
	v6 =	vld [tilespmem:s3+$0xFFFFFF10]  }
0x4a8: {  	[tilespmem:s3+$0xFFFFFEC0] =	vst v0;
	v0 =	vmul.f32 v7, v1;
	v7 =	vld [tilespmem:s3+$0xFFFFFF20]  }
0x4a9: {  	[tilespmem:s3+$0xFFFFFED0] =	vst v2;
	v1 =	vmul.f32 v4, v1;
	v2 =	vld [tilespmem:s3+$0xFFFFFF30]  }
0x4aa: {  	[tilespmem:s3+$0xFFFFFEE0] =	vst v0;
	v0 =	vld [tilespmem:s3+$0xFFFFFF40]  }
0x4ab: {  	[tilespmem:s3+$0xFFFFFEF0] =	vst v1;
	v1 =	vmul.f32 v3, v5;
	v3 =	vld [tilespmem:s3+$0xFFFFFF50]  }
0x4ac: {  	v4 =	vmul.f32 v6, v5;
	v6 =	vld [tilespmem:s3+$0xFFFFFF60]  }
0x4ad: {  	[tilespmem:s3+$0xFFFFFF00] =	vst v1;
	v1 =	vmul.f32 v7, v5;
	v7 =	vld [tilespmem:s3+$0xFFFFFF70]  }
0x4ae: {  	[tilespmem:s3+$0xFFFFFF10] =	vst v4;
	v2 =	vmul.f32 v2, v5;
	v4 =	vld [tilespmem:s1+$0xFFFFFF80]  }
0x4af: {  	[tilespmem:s3+$0xFFFFFF20] =	vst v1;
	v0 =	vmul.f32 v0, v5;
	v1 =	vld [tilespmem:s3+$0xFFFFFF80]  }
0x4b0: {  	[tilespmem:s3+$0xFFFFFF30] =	vst v2;
	v2 =	vmul.f32 v3, v5;
	v3 =	vld [tilespmem:s3+$0xFFFFFF90]  }
0x4b1: {  	[tilespmem:s3+$0xFFFFFF40] =	vst v0;
	v0 =	vmul.f32 v6, v5;
	v6 =	vld [tilespmem:s3+$0xFFFFFFA0]  }
0x4b2: {  	[tilespmem:s3+$0xFFFFFF50] =	vst v2;
	v2 =	vmul.f32 v7, v5;
	v5 =	vld [tilespmem:s3+$0xFFFFFFB0]  }
0x4b3: {  	[tilespmem:s3+$0xFFFFFF60] =	vst v0;
	v0 =	vld [tilespmem:s3+$0xFFFFFFC0]  }
0x4b4: {  	[tilespmem:s3+$0xFFFFFF70] =	vst v2;
	v1 =	vmul.f32 v1, v4;
	v2 =	vld [tilespmem:s3+$0xFFFFFFD0]  }
0x4b5: {  	v3 =	vmul.f32 v3, v4;
	v7 =	vld [tilespmem:s3+$0xFFFFFFE0]  }
0x4b6: {  	[tilespmem:s3+$0xFFFFFF80] =	vst v1;
	v1 =	vmul.f32 v6, v4;
	v6 =	vld [tilespmem:s3+$0xFFFFFFF0]  }
0x4b7: {  	[tilespmem:s3+$0xFFFFFF90] =	vst v3;
	v3 =	vmul.f32 v5, v4;
	v5 =	vld [tilespmem:s1+$0x0]  }
0x4b8: {  	[tilespmem:s3+$0xFFFFFFA0] =	vst v1;
	v0 =	vmul.f32 v0, v4;
	v1 =	vld [tilespmem:s3+$0x0]  }
0x4b9: {  	[tilespmem:s3+$0xFFFFFFB0] =	vst v3;
	v2 =	vmul.f32 v2, v4;
	v3 =	vld [tilespmem:s3+$0x10]  }
0x4ba: {  	[tilespmem:s3+$0xFFFFFFC0] =	vst v0;
	v0 =	vmul.f32 v7, v4;
	v7 =	vld [tilespmem:s3+$0x20]  }
0x4bb: {  	[tilespmem:s3+$0xFFFFFFD0] =	vst v2;
	v2 =	vmul.f32 v6, v4;
	v4 =	vld [tilespmem:s3+$0x30]  }
0x4bc: {  	[tilespmem:s3+$0xFFFFFFE0] =	vst v0;
	v0 =	vld [tilespmem:s3+$0x40]  }
0x4bd: {  	[tilespmem:s3+$0xFFFFFFF0] =	vst v2;
	v1 =	vmul.f32 v1, v5;
	v2 =	vld [tilespmem:s3+$0x50]  }
0x4be: {  	v3 =	vmul.f32 v3, v5;
	v6 =	vld [tilespmem:s3+$0x60]  }
0x4bf: {  	[tilespmem:s3+$0x0] =	vst v1;
	v1 =	vmul.f32 v7, v5;
	v7 =	vld [tilespmem:s3+$0x70]  }
0x4c0: {  	[tilespmem:s3+$0x10] =	vst v3;
	v3 =	vmul.f32 v4, v5;
	v4 =	vld [tilespmem:s1+$0x80]  }
0x4c1: {  	[tilespmem:s3+$0x20] =	vst v1;
	v0 =	vmul.f32 v0, v5;
	v1 =	vld [tilespmem:s3+$0x80]  }
0x4c2: {  	[tilespmem:s3+$0x30] =	vst v3;
	v2 =	vmul.f32 v2, v5;
	v3 =	vld [tilespmem:s3+$0x90]  }
0x4c3: {  	[tilespmem:s3+$0x40] =	vst v0;
	v0 =	vmul.f32 v6, v5;
	v6 =	vld [tilespmem:s3+$0xA0]  }
0x4c4: {  	[tilespmem:s3+$0x50] =	vst v2;
	v2 =	vmul.f32 v7, v5;
	v5 =	vld [tilespmem:s3+$0xB0]  }
0x4c5: {  	[tilespmem:s3+$0x60] =	vst v0;
	v0 =	vld [tilespmem:s3+$0xC0]  }
0x4c6: {  	[tilespmem:s3+$0x70] =	vst v2;
	v1 =	vmul.f32 v1, v4;
	v2 =	vld [tilespmem:s3+$0xD0]  }
0x4c7: {  	v3 =	vmul.f32 v3, v4;
	v7 =	vld [tilespmem:s3+$0xE0]  }
0x4c8: {  	[tilespmem:s3+$0x80] =	vst v1;
	v1 =	vmul.f32 v6, v4;
	v6 =	vld [tilespmem:s3+$0xF0]  }
0x4c9: {  	[tilespmem:s3+$0x90] =	vst v3;
	v3 =	vmul.f32 v5, v4;
	v5 =	vld [tilespmem:s1+$0x100]  }
0x4ca: {  	[tilespmem:s3+$0xA0] =	vst v1;
	v0 =	vmul.f32 v0, v4;
	v1 =	vld [tilespmem:s3+$0x100]  }
0x4cb: {  	[tilespmem:s3+$0xB0] =	vst v3;
	v2 =	vmul.f32 v2, v4;
	v3 =	vld [tilespmem:s3+$0x110]  }
0x4cc: {  	[tilespmem:s3+$0xC0] =	vst v0;
	v0 =	vmul.f32 v7, v4;
	v7 =	vld [tilespmem:s3+$0x120]  }
0x4cd: {  	[tilespmem:s3+$0xD0] =	vst v2;
	v2 =	vmul.f32 v6, v4;
	v4 =	vld [tilespmem:s3+$0x130]  }
0x4ce: {  	[tilespmem:s3+$0xE0] =	vst v0;
	v0 =	vld [tilespmem:s3+$0x140]  }
0x4cf: {  	[tilespmem:s3+$0xF0] =	vst v2;
	v1 =	vmul.f32 v1, v5;
	v2 =	vld [tilespmem:s3+$0x150]  }
0x4d0: {  	v3 =	vmul.f32 v3, v5;
	v6 =	vld [tilespmem:s3+$0x160]  }
0x4d1: {  	[tilespmem:s3+$0x100] =	vst v1;
	v1 =	vmul.f32 v7, v5;
	v7 =	vld [tilespmem:s3+$0x170]  }
0x4d2: {  	[tilespmem:s3+$0x110] =	vst v3;
	v3 =	vmul.f32 v4, v5;
	v4 =	vld [tilespmem:s3+$0x180]  }
0x4d3: {  	[tilespmem:s3+$0x120] =	vst v1;
	v0 =	vmul.f32 v0, v5;
	v1 =	vld [tilespmem:s3+$0x190]  }
0x4d4: {  	[tilespmem:s3+$0x130] =	vst v3;
	v2 =	vmul.f32 v2, v5;
	v3 =	vld [tilespmem:s3+$0x1A0]  }
.Ltmp9:
0x4d5: {  	[tilespmem:s3+$0x140] =	vst v0;
	v0 =	vmul.f32 v6, v5;
	v30 =	vld [tilespmem:s3+$0x1B0];
	(pc) =	sbr.rel @p2 .LBB2_13-.Ltmp9, $4  }
0x4d6: {  	[tilespmem:s3+$0x150] =	vst v2;
	v2 =	vmul.f32 v7, v5;
	v27 =	vld [tilespmem:s3+$0x1C0]  }
0x4d7: {  	[tilespmem:s3+$0x160] =	vst v0;
	v0 =	vmul.f32 v4, v19;
	v28 =	vld [tilespmem:s3+$0x1D0]  }
0x4d8: {  	[tilespmem:s3+$0x170] =	vst v2;
	v31 =	vmul.f32 v1, v19;
	v29 =	vld [tilespmem:s3+$0x1E0]  }
0x4d9: {  	v26 =	vld [tilespmem:s1+$0xFFFFFE00];
	[tilespmem:s3+$0x180] =	vst v0;
	v32 =	vmul.f32 v3, v19;
	s1 =	sadd.s32 $0x400, s1  }
0x4da: {  	[tilespmem:s9+$0x190] =	vst v31;
	v0 =	vmul.f32 v30, v19  }
0x4db: {  	[tilespmem:s9+$0x1A0] =	vst v32;
	v1 =	vmul.f32 v27, v19  }
0x4dc: {  	[tilespmem:s9+$0x1B0] =	vst v0;
	v6 =	vmul.f32 v28, v19  }
0x4dd: {  	[tilespmem:s9+$0x1C0] =	vst v1;
	v7 =	vmul.f32 v29, v19  }
0x4de: {  	v2 =	vmul.f32 v20, v26;
	[tilespmem:s9+$0x1D0] =	vst v6  }
0x4df: {  	v8 =	vmul.f32 v21, v26;
	[tilespmem:s9+$0x1E0] =	vst v7  }
0x4e0: {  	v9 =	vmul.f32 v22, v26;
	[tilespmem:s9+$0xFFFFFE00] =	vst v2  }
0x4e1: {  	v10 =	vmul.f32 v17, v26;
	[tilespmem:s9+$0xFFFFFE10] =	vst v8  }
0x4e2: {  	v11 =	vmul.f32 v18, v26;
	[tilespmem:s9+$0xFFFFFE20] =	vst v9  }
0x4e3: {  	v12 =	vmul.f32 v23, v26;
	[tilespmem:s9+$0xFFFFFE30] =	vst v10  }
0x4e4: {  	v13 =	vmul.f32 v24, v26;
	[tilespmem:s9+$0xFFFFFE40] =	vst v11  }
0x4e5: {  	v14 =	vmul.f32 v25, v26;
	[tilespmem:s9+$0xFFFFFE50] =	vst v12  }
0x4e6: {  	[tilespmem:s9+$0xFFFFFE60] =	vst v13  }
0x4e7: {  	s1 =	simm.s32 $0x14100;
	[tilespmem:s9+$0xFFFFFE70] =	vst v14  }
0x4e8: {  	[spmem:s5] =	stream.indirect.scatter.add.f32 [tilespmem:s30], [sflag:$0x6], $0x80, s1, s25, $0xb8;
	[tilespmem:$0x1B780] =	vst v63  }
0x4e9: {  	s1 =	sor.u32 $0x3, s18  }
0x4ea: {  	s20 =	simm.s32 $0x14180;
	s3 =	simm.s32 $0x7800;
	p2 =	sge.u32 @!p1 s1, s8  }
0x4eb: {  	[spmem:s5] =	stream.indirect.scatter.add.f32 [tilespmem:s3], [sflag:$0x6], $0x80, s20, s25, $0xb8;
	[tilespmem:$0x1B780] =	vst v63  }
0x4ec: {  	p2 =	por p2, p1  }
0x4ed: {  	s3 =	simm.s32 @!p2 $0x8  }
0x4ee: {  	_ =	swait.ge @!p2 [sflag:s3], $0x2800  }
0x4ef: {  	s4 =	sshll.u32 s1, $0x5;
	[sflag:s3] =	ssyncset.done @!p2 $0x0  }
0x4f0: {  	s4 =	sor.u32 s7, s4;
	p1 =	sge.u32 s1, s8;
	[sflag:s3] =	ssyncadd.s32 @!p2 $0xFFFFD800  }
0x4f1: {  	s1 =	smul.u32 @!p1 $0xA00, s4;
	_ =	swait.ge @!p2 [sflag:s3], $0x2800  }
0x4f2: {  	s9 =	simm.s32 @!p1 $0xF000;
	[sflag:s3] =	ssyncset.done @!p2 $0x0  }
0x4f3: {  	s1 =	sadd.s32 @!p1 s0, s1;
	[sflag:s3] =	ssyncadd.s32 @!p2 $0xFFFFD800;
	s3 =	simm.s32 @!p1 $0x0  }
0x4f4: {  	[tilespmem:s9], [sflag:$0x4] =	stream.linear.gather @!p1 [hbm4b:s1+s3], $0x5000, $0x38;
	[tilespmem:$0x1B780] =	vst v63  }
0x4f5: {  	s1 =	sshll.u32 @!p1 s4, $0x5  }
0x4f6: {  	s1 =	sand.u32 @!p1 $0xFFFFF80, s1  }
0x4f7: {  	s4 =	simm.s32 @!p1 $0x14300;
	s1 =	sadd.s32 @!p1 s1, s11  }
0x4f8: {  	[tilespmem:s4], [sflag:$0x4] =	stream.linear.gather @!p1 [hbm4b:s1+s3], $0x100, $0x38;
	[tilespmem:$0x1B780] =	vst v63  }
0x4f9: {  	_ =	swait.ge [sflag:s2], $0x5000  }
0x4fa: {  	[sflag:s2] =	ssyncset.done $0x0  }
0x4fb: {  	[sflag:s2] =	ssyncadd.s32 $0xFFFFB000  }
0x4fc: {  	_ =	swait.ge [sflag:s2], $0x100  }
0x4fd: {  	v17 =	vld [tilespmem:$0x1FF00]  }
0x4fe: {  	v57 =	vld [tilespmem:$0x1FF20]  }
0x4ff: {  	v58 =	vld [tilespmem:$0x1FFB0]  }
0x500: {  	v59 =	vld [tilespmem:$0x1FF10]  }
0x501: {  	v60 =	vld [tilespmem:$0x1FFC0]  }
0x502: {  	v38 =	vld [tilespmem:$0x1FFD0]  }
0x503: {  	v42 =	vld [tilespmem:$0x1FFE0]  }
0x504: {  	[sflag:s2] =	ssyncset.done $0x0;
	v48 =	vld [tilespmem:$0x1FFF0]  }
0x505: {  	s9 =	simm.s32 $0xA200;
	v16 =	vld [tilespmem:$0x1FF30];
	[sflag:s2] =	ssyncadd.s32 $0xFFFFFF00  }
0x506: {  	v0 =	vld [tilespmem:s9+$0x180]  }
0x507: {  	v1 =	vld [tilespmem:s9+$0x190]  }
0x508: {  	v24 =	vld [tilespmem:s9+$0xFFFFFE10]  }
0x509: {  	v3 =	vld [tilespmem:s9+$0x1A0]  }
0x50a: {  	v4 =	vld [tilespmem:s9+$0xFFFFFE80]  }
0x50b: {  	v5 =	vld [tilespmem:s9+$0x1B0]  }
0x50c: {  	v6 =	vld [tilespmem:s9+$0xFFFFFE90]  }
0x50d: {  	v44 =	vld [tilespmem:s9+$0x1C0]  }
0x50e: {  	v9 =	vld [tilespmem:s9+$0xFFFFFF00]  }
0x50f: {  	v36 =	vld [tilespmem:s9+$0x1D0]  }
0x510: {  	v10 =	vld [tilespmem:s9+$0xFFFFFF10]  }
0x511: {  	v47 =	vld [tilespmem:s9+$0x1E0]  }
0x512: {  	v13 =	vld [tilespmem:s9+$0xFFFFFF80]  }
0x513: {  	v30 =	vld [tilespmem:s9+$0x1F0]  }
0x514: {  	v19 =	vld [tilespmem:s9+$0xFFFFFF90]  }
0x515: {  	v20 =	vld [tilespmem:s9+$0x0]  }
0x516: {  	v21 =	vld [tilespmem:s9+$0x10]  }
0x517: {  	v35 =	vld [tilespmem:s9+$0x80];
	v7 =	vmul.f32 v0, v61;
	v8 =	vmul.f32 v1, v62  }
0x518: {  	v39 =	vld [tilespmem:s9+$0x90]  }
0x519: {  	v22 =	vld [tilespmem:s9+$0x100];
	v25 =	vmul.f32 v3, v17;
	v11 =	vmul.f32 v24, v57;
	v7 =	vadd.f32 v8, v7  }
0x51a: {  	v23 =	vld [tilespmem:s9+$0x110];
	v26 =	vmul.f32 v5, v58;
	v2 =	vmul.f32 v24, v62  }
0x51b: {  	v46 =	vld [tilespmem:s9+$0xFFFFFE00];
	v12 =	vmul.f32 v4, v59;
	v4 =	vmul.f32 v4, v61;
	v7 =	vadd.f32 v25, v7  }
0x51c: {  	v49 =	vld [tilespmem:s9+$0xFFFFFE20];
	v27 =	vmul.f32 v44, v60;
	v14 =	vmul.f32 v6, v57  }
0x51d: {  	v52 =	vld [tilespmem:s9+$0xFFFFFEA0];
	v6 =	vmul.f32 v6, v62;
	v18 =	vmul.f32 v9, v59;
	v7 =	vadd.f32 v26, v7  }
0x51e: {  	v53 =	vld [tilespmem:s9+$0xFFFFFF20];
	v31 =	vmul.f32 v36, v38;
	v32 =	vmul.f32 v9, v61  }
0x51f: {  	v63 =	vld [tilespmem:s9+$0xFFFFFFA0];
	v33 =	vmul.f32 v10, v62;
	v34 =	vmul.f32 v47, v42;
	v7 =	vadd.f32 v27, v7  }
0x520: {  	v15 =	vld [tilespmem:s9+$0xFFFFFFB0];
	v10 =	vmul.f32 v10, v57;
	v51 =	vmul.f32 v35, v61  }
0x521: {  	v9 =	vld [tilespmem:s9+$0xA0];
	v55 =	vadd.f32 v14, v12;
	v14 =	vmul.f32 v39, v62;
	v7 =	vadd.f32 v31, v7  }
0x522: {  	v40 =	vmul.f32 v30, v48;
	v50 =	vmul.f32 v35, v59;
	v24 =	vld [tilespmem:s9+$0xFFFFFE30];
	v18 =	vadd.f32 v10, v18  }
0x523: {  	v56 =	vmul.f32 v22, v61;
	v10 =	vadd.f32 v14, v51;
	v14 =	vld [tilespmem:s9+$0x120];
	v7 =	vadd.f32 v34, v7  }
0x524: {  	v25 =	vld [tilespmem:s9+$0xFFFFFEB0];
	v34 =	vmul.f32 v23, v57;
	v23 =	vmul.f32 v23, v62  }
0x525: {  	v35 =	vmul.f32 v46, v61;
	v4 =	vadd.f32 v6, v4;
	v7 =	vadd.f32 v40, v7;
	v40 =	vld [tilespmem:s9+$0x20]  }
0x526: {  	v6 =	vadd.f32 v33, v32;
	v8 =	vmul.f32 v46, v59;
	v33 =	vadd.f32 v23, v56;
	v23 =	vld [tilespmem:s9+$0xFFFFFF30];
	[tilespmem:$0x1FC40] =	vst v15  }
0x527: {  	v46 =	vmul.f32 v53, v17;
	v56 =	vmul.f32 v53, v16;
	v53 =	vld [tilespmem:s9+$0x30];
	_ =	sdelay $0x3  }
0x528: {  	v54 =	vmul.f32 v22, v59  }
0x529: {  	[tilespmem:$0x1FC50] =	vst v53  }
0x52a: {  	v22 =	vadd.f32 v34, v54;
	v54 =	vld [tilespmem:s9+$0xB0];
	_ =	sdelay $0x4  }
0x52b: {  	v37 =	vmul.f32 v13, v59;
	v13 =	vmul.f32 v13, v61;
	[tilespmem:$0x1FC60] =	vst v54  }
0x52c: {  	v41 =	vmul.f32 v19, v57;
	v19 =	vmul.f32 v19, v62;
	v28 =	vld [tilespmem:s9+$0x130]  }
0x52d: {  	v45 =	vmul.f32 v20, v61;
	(xrf2) =	vadd.scan.msk.f32 $0xffff, v7  }
0x52e: {  	v13 =	vadd.f32 v19, v13;
	v19 =	vmul.f32 v21, v57;
	v21 =	vmul.f32 v21, v62  }
0x52f: {  	v43 =	vmul.f32 v20, v59;
	v0 =	vmul.f32 v0, v59  }
0x530: {  	v1 =	vmul.f32 v1, v57;
	v12 =	vadd.f32 v21, v45;
	v45 =	vmul.f32 v52, v17  }
0x531: {  	v20 =	vadd.f32 v41, v37;
	v37 =	vmul.f32 v49, v17;
	v2 =	vadd.f32 v2, v35;
	[tilespmem:$0x1FC70] =	vst v28  }
0x532: {  	v41 =	vmul.f32 v49, v16;
	v21 =	vmul.f32 v39, v57;
	v4 =	vadd.f32 v45, v4;
	v45 =	vld [tilespmem:s9+$0xFFFFFE40]  }
0x533: {  	v49 =	vmul.f32 v63, v17;
	v0 =	vadd.f32 v1, v0;
	v32 =	vld [tilespmem:$0x1FF40];
	v51 =	vmul.f32 v9, v17  }
0x534: {  	v2 =	vadd.f32 v37, v2;
	v37 =	vmul.f32 v15, v58;
	v21 =	vadd.f32 v21, v50  }
0x535: {  	v10 =	vadd.f32 v51, v10;
	v51 =	vmul.f32 v3, v16;
	v15 =	vld [tilespmem:$0x1FF50];
	v50 =	vmul.f32 v40, v17  }
0x536: {  	v8 =	vadd.f32 v11, v8;
	v11 =	vadd.f32 v49, v13  }
0x537: {  	v0 =	vadd.f32 v51, v0;
	v7 =	vmul.f32 v52, v16;
	v12 =	vadd.f32 v50, v12;
	v52, _, _ =	vpop (xrf2);
	[tilespmem:$0x1FC80] =	vst v45  }
0x538: {  	(v2sf) =	vpush v52, $0xF;
	v52 =	vmul.f32 v53, v58;
	v53 =	vmul.f32 v5, v32;
	v50 =	vld [tilespmem:s9+$0xFFFFFEC0]  }
0x539: {  	v19 =	vadd.f32 v19, v43;
	v34 =	vmul.f32 v14, v17;
	v39 =	vmul.f32 v54, v58  }
0x53a: {  	v54 =	vadd.f32 v37, v11;
	v37 =	vmul.f32 v44, v15;
	v0 =	vadd.f32 v53, v0  }
0x53b: {  	v43 =	vmul.f32 v63, v16;
	v63 =	vadd.f32 v34, v33;
	v33 =	vld [tilespmem:$0x1FF70];
	v26 =	vmul.f32 v28, v58  }
0x53c: {  	v0 =	vadd.f32 v37, v0;
	v37 =	vld [tilespmem:$0x1FF80]  }
0x53d: {  	v35 =	vmul.f32 v24, v58;
	v11 =	vadd.f32 v26, v63;
	v63 =	vld [tilespmem:$0x1FF60];
	[tilespmem:$0x1FC90] =	vst v50  }
0x53e: {  	v34 =	vld [tilespmem:s9+$0xFFFFFF40]  }
0x53f: {  	v2 =	vadd.f32 v35, v2;
	v35 =	vld [tilespmem:s9+$0xFFFFFFC0]  }
0x540: {  	v6 =	vadd.f32 v46, v6;
	v46 =	vmul.f32 v25, v58;
	v31 =	vld [tilespmem:s9+$0x40]  }
0x541: {  	v14 =	vmul.f32 v14, v16;
	v49 =	vmul.f32 v23, v58;
	v10 =	vadd.f32 v39, v10;
	v39 =	vld [tilespmem:s9+$0xC0]  }
0x542: {  	v8 =	vadd.f32 v41, v8;
	v3 =	vadd.f32 v46, v4;
	v51 =	vmul.f32 v36, v63;
	v29 =	vld [tilespmem:s9+$0x140]  }
0x543: {  	v14 =	vadd.f32 v14, v22;
	v22 =	vmul.f32 v24, v32;
	v4 =	vadd.f32 v49, v6;
	v13 =	vld [tilespmem:s9+$0xFFFFFE50]  }
0x544: {  	v6 =	vadd.f32 v52, v12;
	v53 =	vmul.f32 v47, v33;
	v0 =	vadd.f32 v51, v0;
	v12 =	vld [tilespmem:s9+$0xFFFFFED0]  }
0x545: {  	v20 =	vadd.f32 v43, v20;
	v7 =	vadd.f32 v7, v55;
	v50 =	vmul.f32 v50, v60;
	v44 =	vld [tilespmem:s9+$0xFFFFFF50]  }
0x546: {  	v8 =	vadd.f32 v22, v8;
	v49 =	vmul.f32 v45, v60;
	v0 =	vadd.f32 v53, v0;
	v27 =	vld [tilespmem:s9+$0xFFFFFFD0]  }
0x547: {  	v26 =	vld [tilespmem:s9+$0xD0];
	v3 =	vadd.f32 v50, v3;
	v50 =	vmul.f32 v30, v37;
	v30 =	vmul.f32 v40, v16  }
0x548: {  	v2 =	vadd.f32 v49, v2;
	v1 =	vld [tilespmem:s9+$0xFFFFFE60];
	v45 =	vmul.f32 v34, v60;
	v52 =	vmul.f32 v35, v60  }
0x549: {  	v36 =	vld [tilespmem:s9+$0xFFFFFEE0];
	v0 =	vadd.f32 v50, v0;
	v46 =	vmul.f32 v31, v60;
	v49 =	vmul.f32 v29, v60  }
0x54a: {  	s21 =	spop (v2sf);
	v51 =	vmul.f32 v13, v38;
	v53 =	vmul.f32 v44, v38;
	v4 =	vadd.f32 v45, v4;
	v45 =	vld [tilespmem:s9+$0x50]  }
0x54b: {  	s1 =	sadd.f32 s21, s12;
	v5 =	vadd.f32 v52, v54;
	v54 =	vmul.f32 v39, v60;
	v6 =	vadd.f32 v46, v6;
	v46 =	vld [tilespmem:s9+$0x150]  }
0x54c: {  	(xrf2) =	vadd.scan.msk.f32 $0xffff, v0;
	v52 =	vmul.f32 v12, v38;
	v11 =	vadd.f32 v49, v11;
	v2 =	vadd.f32 v51, v2;
	v51 =	vld [tilespmem:s9+$0x60]  }
0x54d: {  	v50 =	vld [tilespmem:s9+$0xFFFFFFE0];
	v49 =	vmov s1;
	v10 =	vadd.f32 v54, v10;
	v54 =	vmul.f32 v27, v38  }
0x54e: {  	v28 =	vmul.f32 v26, v38;
	v49 =	vsub.f32 $0.0e+00, v49;
	v0 =	vadd.f32 v53, v4;
	v4 =	vld [tilespmem:s9+$0xFFFFFF60]  }
0x54f: {  	v22 =	vld [tilespmem:$0x1FC80];
	v3 =	vadd.f32 v52, v3;
	v5 =	vadd.f32 v54, v5;
	v47 =	vmul.f32 v45, v38  }
0x550: {  	v53 =	vld [tilespmem:s9+$0xE0];
	v10 =	vadd.f32 v28, v10;
	v28 =	vmul.f32 v36, v42;
	v52 =	vmul.f32 v46, v38  }
0x551: {  	v41 =	vld [tilespmem:s9+$0xFFFFFE70];
	v55 =	vmul.f32 v51, v42;
	v6 =	vadd.f32 v47, v6;
	v47 =	vmul.f32 $1.442695020e+00, v49  }
0x552: {  	v40 =	vld [tilespmem:s9+$0xFFFFFEF0];
	v3 =	vadd.f32 v28, v3;
	v28 =	vmul.f32 v50, v42;
	v49 =	vmul.f32 v1, v42  }
0x553: {  	v54 =	vld [tilespmem:s9+$0x160];
	v11 =	vadd.f32 v52, v11;
	v52 =	vmul.f32 v4, v42;
	v47 =	vbroadcast v47, $0x0  }
0x554: {  	v18 =	vadd.f32 v56, v18;
	v5 =	vadd.f32 v28, v5;
	v28 =	vld [tilespmem:s9+$0xFFFFFFF0]  }
0x555: {  	v2 =	vadd.f32 v49, v2;
	v0 =	vadd.f32 v52, v0;
	v52 =	vld [tilespmem:s9+$0xFFFFFF70];
	v49 =	vmul.f32 v53, v42;
	[tilespmem:$0x1FCA0] =	vst v47  }
0x556: {  	v19 =	vadd.f32 v30, v19;
	v56 =	vmul.f32 v41, v48;
	v6 =	vadd.f32 v55, v6;
	v55, _, _ =	vpop (xrf2);
	v43 =	vld [tilespmem:s9+$0x70]  }
0x557: {  	v9 =	vmul.f32 v9, v16;
	(v2sf) =	vpush v55, $0xF;
	v10 =	vadd.f32 v49, v10;
	v49 =	vld [tilespmem:s9+$0xF0]  }
0x558: {  	v55 =	vmul.f32 v40, v48;
	v47 =	vmul.f32 v54, v42;
	v2 =	vadd.f32 v56, v2;
	v30 =	vld [tilespmem:s9+$0x170]  }
0x559: {  	v23 =	vmul.f32 v23, v32;
	v22 =	vmul.f32 v22, v15  }
0x55a: {  	v3 =	vadd.f32 v55, v3;
	v11 =	vadd.f32 v47, v11;
	(xrf2) =	vadd.scan.msk.f32 $0xffff, v2;
	v47 =	vmul.f32 v52, v48  }
0x55b: {  	v9 =	vadd.f32 v9, v21;
	v21 =	vmul.f32 v28, v48;
	v56 =	vmul.f32 v43, v48  }
0x55c: {  	v8 =	vadd.f32 v22, v8;
	(xrf2) =	vadd.scan.msk.f32 $0xffff, v3;
	v0 =	vadd.f32 v47, v0;
	v47 =	vld [tilespmem:$0x1FC50];
	v55 =	vmul.f32 v49, v48  }
0x55d: {  	v5 =	vadd.f32 v21, v5;
	v21 =	vmul.f32 v30, v48;
	v6 =	vadd.f32 v56, v6;
	v56 =	vld [tilespmem:$0x1FC40]  }
0x55e: {  	v22 =	vmul.f32 v39, v15;
	v13 =	vmul.f32 v13, v63;
	v10 =	vadd.f32 v55, v10;
	v55 =	vld [tilespmem:$0x1FC60]  }
0x55f: {  	v39 =	vmul.f32 v46, v63;
	v46 =	vmul.f32 v50, v33;
	(xrf2) =	vadd.scan.msk.f32 $0xffff, v0;
	v11 =	vadd.f32 v21, v11;
	v21 =	vld [tilespmem:$0x1FC70]  }
0x560: {  	v8 =	vadd.f32 v13, v8;
	v50 =	vmul.f32 v51, v33;
	v1 =	vmul.f32 v1, v33  }
0x561: {  	v2 =	vmul.f32 v25, v32;
	(xrf2) =	vadd.scan.msk.f32 $0xffff, v5;
	v25 =	vmul.f32 v47, v32  }
0x562: {  	v4 =	vmul.f32 v4, v33;
	v51 =	vmul.f32 v53, v33;
	v1 =	vadd.f32 v1, v8  }
0x563: {  	v2 =	vadd.f32 v2, v7;
	v19 =	vadd.f32 v25, v19;
	v24 =	vmul.f32 v56, v32  }
0x564: {  	v3 =	vmul.f32 v55, v32;
	v21 =	vmul.f32 v21, v32;
	v56 =	vadd.f32 v23, v18;
	v23, _, _ =	vpop (xrf2)  }
0x565: {  	v55 =	vmul.f32 v35, v15;
	(v2sf) =	vpush v23, $0xF;
	v24 =	vadd.f32 v24, v20  }
0x566: {  	(xrf2) =	vadd.scan.msk.f32 $0xffff, v6;
	v18 =	vld [tilespmem:$0x1FC90];
	v35, _, _ =	vpop (xrf2);
	v20 =	vmul.f32 v34, v15;
	v3 =	vadd.f32 v3, v9;
	v47 =	vadd.f32 v21, v14  }
0x567: {  	v21 =	vmul.f32 v31, v15;
	v34 =	vmul.f32 v44, v63;
	(v2sf) =	vpush v35, $0xF  }
0x568: {  	(xrf2) =	vadd.scan.msk.f32 $0xffff, v10;
	v35 =	vmul.f32 v52, v37;
	v56 =	vadd.f32 v20, v56;
	v0 =	vadd.f32 v55, v24  }
0x569: {  	v31 =	vadd.f32 v21, v19;
	v3 =	vadd.f32 v22, v3;
	v19 =	vmul.f32 v27, v63;
	v44, _, _ =	vpop (xrf2)  }
0x56a: {  	v52 =	vld [tilespmem:$0x1FCA0];
	v20 =	vmul.f32 v45, v63;
	v21 =	vmul.f32 v26, v63;
	(v2sf) =	vpush v44, $0xF  }
0x56b: {  	v18 =	vmul.f32 v18, v15;
	v53, _, _ =	vpop (xrf2);
	v5 =	vadd.f32 v34, v56;
	v0 =	vadd.f32 v19, v0  }
0x56c: {  	v45 =	vmul.f32 v36, v33;
	v3 =	vadd.f32 v21, v3;
	(v2sf) =	vpush v53, $0xF  }
0x56d: {  	v2 =	vadd.f32 v18, v2;
	v18 =	vmul.f32 v29, v15;
	v29 =	vmul.f32 v12, v63  }
0x56e: {  	s15 =	simm.s32 $0xA600;
	v55 =	vmul.f32 v54, v33;
	v12 =	vadd.f32 v20, v31;
	v4 =	vadd.f32 v4, v5  }
0x56f: {  	v24 =	vld [tilespmem:s15+$0x190];
	(xrf2) =	vadd.scan.msk.f32 $0xffff, v11;
	(erf) = vpow2.f32 v52;
	v0 =	vadd.f32 v46, v0;
	v2 =	vadd.f32 v29, v2  }
0x570: {  	v56 =	vmul.f32 v41, v37;
	v9 =	vadd.f32 v18, v47;
	v18 =	vld [tilespmem:s15+$0x180];
	v8 =	vadd.f32 v50, v12;
	v50, _, _ =	vpop (xrf2)  }
0x571: {  	v34 =	vmul.f32 v40, v37;
	(v2sf) =	vpush v50, $0xF;
	v2 =	vadd.f32 v45, v2  }
0x572: {  	v25 =	vld [tilespmem:s15+$0x1A0];
	v44 =	vmul.f32 v43, v37;
	v1 =	vadd.f32 v56, v1;
	v54, _, _ =	vpop (xrf2);
	v7 =	vadd.f32 v39, v9  }
0x573: {  	v39 =	vmul.f32 v28, v37;
	(v2sf) =	vpush v54, $0xF;
	v2 =	vadd.f32 v34, v2  }
0x574: {  	v20 =	vld [tilespmem:s15+$0x1B0];
	v3 =	vadd.f32 v51, v3;
	v21 =	vmul.f32 v24, v62;
	v4 =	vadd.f32 v35, v4;
	(xrf2) =	vadd.scan.msk.f32 $0xffff, v1  }
0x575: {  	v19 =	vld [tilespmem:s15+$0x1C0];
	v45 =	vmul.f32 v49, v37;
	v0 =	vadd.f32 v39, v0;
	v47 =	vmul.f32 v18, v61;
	(xrf2) =	vadd.scan.msk.f32 $0xffff, v2  }
0x576: {  	s3 =	spop (v2sf);
	v6 =	vadd.f32 v44, v8;
	(xrf2) =	vadd.scan.msk.f32 $0xffff, v4  }
0x577: {  	v22 =	vmul.f32 v25, v17;
	v2 =	vadd.f32 v45, v3;
	v9 =	vadd.f32 v21, v47;
	s22 =	spop (v2sf);
	(xrf2) =	vadd.scan.msk.f32 $0xffff, v0  }
0x578: {  	v21 =	vld [tilespmem:s15+$0x1D0];
	v47 =	vadd.f32 v55, v7;
	v10 =	vpop (erf);
	s1 =	sadd.f32 s22, s12;
	(xrf2) =	vadd.scan.msk.f32 $0xffff, v6  }
0x579: {  	v23 =	vld [tilespmem:s15+$0x1F0];
	v31 =	vmul.f32 v20, v58;
	v55, _, _ =	vpop (xrf2);
	v29 =	vadd.f32 v22, v9;
	(xrf2) =	vadd.scan.msk.f32 $0xffff, v2;
	v2 =	vadd.f32 $1.000000000e+00, v10  }
0x57a: {  	v36 =	vmul.f32 v19, v60;
	(v2sf) =	vpush v55, $0xF;
	v22 =	vld [tilespmem:s15+$0x1E0];
	v8 =	vmov s1  }
0x57b: {  	s23 =	spop (v2sf);
	v5 =	vadd.f32 v31, v29;
	v3 =	vsub.f32 $0.0e+00, v8;
	(erf) = vrcp.f32 v2  }
0x57c: {  	s1 =	sadd.f32 s23, s12  }
0x57d: {  	s26 =	spop (v2sf);
	v41 =	vmul.f32 v21, v38;
	v40 =	vadd.f32 v36, v5;
	v11 =	vmul.f32 $1.442695020e+00, v3  }
0x57e: {  	v51 =	vmul.f32 v23, v48;
	v49 =	vmul.f32 v30, v37;
	v26 =	vmov s1;
	s28 =	sadd.f32 s26, s12;
	s29 =	spop (v2sf)  }
0x57f: {  	s4 =	sadd.f32 s29, s12;
	v46 =	vmul.f32 v22, v42;
	v1 =	vadd.f32 v41, v40;
	v0 =	vbroadcast v11, $0x0  }
0x580: {  	v53 =	vadd.f32 v49, v47;
	v2 =	vsub.f32 $0.0e+00, v26;
	v28 =	vmov s28;
	s10 =	spop (v2sf)  }
0x581: {  	v30 =	vmov s4;
	v1 =	vadd.f32 v46, v1;
	(erf) = vpow2.f32 v0;
	s10 =	sadd.f32 s10, s12  }
0x582: {  	v29 =	vmul.f32 $1.442695020e+00, v2;
	v2 =	vsub.f32 $0.0e+00, v30;
	v0 =	vsub.f32 $0.0e+00, v28;
	s14 =	spop (v2sf)  }
0x583: {  	s19 =	sadd.f32 s14, s12;
	v1 =	vadd.f32 v51, v1;
	v31 =	vmov s10  }
0x584: {  	(xrf2) =	vadd.scan.msk.f32 $0xffff, v53;
	v2 =	vmul.f32 $1.442695020e+00, v2;
	v0 =	vmul.f32 $1.442695020e+00, v0;
	v3 =	vsub.f32 $0.0e+00, v31;
	v39 =	vpop (erf)  }
0x585: {  	v36 =	vmov s19;
	(xrf2) =	vadd.scan.msk.f32 $0xffff, v1;
	v1 =	vbroadcast v29, $0x0;
	[tilespmem:$0x1FCF0] =	vst v39  }
0x586: {  	v34 =	vbroadcast v2, $0x0;
	v0 =	vbroadcast v0, $0x0;
	v40 =	vsub.f32 $0.0e+00, v36;
	v41 =	vld [tilespmem:s15+$0xFFFFFE10]  }
0x587: {  	v56, _, _ =	vpop (xrf2);
	v35 =	vmul.f32 $1.442695020e+00, v3;
	(erf) = vpow2.f32 v1;
	v45 =	vld [tilespmem:s15+$0xFFFFFE80]  }
0x588: {  	v6, _, _ =	vpop (xrf2);
	v47 =	vld [tilespmem:s15+$0xFFFFFE90];
	(erf) = vpow2.f32 v0;
	v0 =	vmul.f32 $1.442695020e+00, v40  }
0x589: {  	(v2sf) =	vpush v56, $0xF;
	v7, _, _ =	vpop (xrf2);
	v49 =	vld [tilespmem:s15+$0xFFFFFF00];
	v44 =	vbroadcast v35, $0x0  }
0x58a: {  	(v2sf) =	vpush v6, $0xF;
	s20 =	spop (v2sf);
	v50 =	vld [tilespmem:s15+$0xFFFFFF10];
	v43 =	vpop (erf);
	(erf) = vpow2.f32 v34;
	v0 =	vbroadcast v0, $0x0  }
0x58b: {  	(v2sf) =	vpush v7, $0xF;
	v56 =	vld [tilespmem:s15+$0xFFFFFF80];
	s22 =	sadd.f32 s20, s12;
	(erf) = vpow2.f32 v44;
	v7 =	vmul.f32 v41, v57  }
0x58c: {  	v36 =	vld [tilespmem:s15+$0x0];
	v3 =	vmul.f32 v41, v62;
	v34 =	vmul.f32 v45, v59  }
0x58d: {  	v51 =	vld [tilespmem:s15+$0x90];
	v46 =	vmov s22;
	v2 =	vmul.f32 v45, v61;
	v39 =	vmul.f32 v47, v57  }
0x58e: {  	v52 =	vld [tilespmem:s15+$0x100];
	v4 =	vadd.f32 $1.000000000e+00, v43;
	v6 =	vmul.f32 v47, v62;
	v41 =	vmul.f32 v49, v59  }
0x58f: {  	v35 =	vld [tilespmem:s15+$0xFFFFFF90];
	v1 =	vmul.f32 v49, v61;
	v44 =	vmul.f32 v50, v57;
	v45 =	vadd.f32 v39, v34  }
0x590: {  	v9, _, _ =	vpop (xrf2);
	v40 =	vld [tilespmem:s15+$0x10];
	v5 =	vsub.f32 $0.0e+00, v46;
	v46 =	vmul.f32 v56, v59;
	v8 =	vmul.f32 v56, v61  }
0x591: {  	(v2sf) =	vpush v9, $0xF;
	v43 =	vld [tilespmem:s15+$0x80];
	v54 =	vmul.f32 v36, v59;
	(erf) = vrcp.f32 v4;
	[tilespmem:$0x1FCB0] =	vst v45  }
0x592: {  	v12, _, _ =	vpop (xrf2);
	v11 =	vmul.f32 v36, v61;
	(erf) = vpow2.f32 v0;
	v0 =	vadd.f32 v44, v41;
	v47 =	vld [tilespmem:s15+$0x110]  }
0x593: {  	(v2sf) =	vpush v12, $0xF;
	v13, _, _ =	vpop (xrf2);
	v5 =	vmul.f32 $1.442695020e+00, v5;
	v4 =	vmul.f32 v50, v62  }
0x594: {  	(v2sf) =	vpush v13, $0xF;
	v14, _, _ =	vpop (xrf2);
	v49 =	vmul.f32 v35, v57;
	v10 =	vmul.f32 v35, v62;
	v50 =	vld [tilespmem:s15+$0xFFFFFE00];
	[tilespmem:$0x1FCC0] =	vst v0  }
0x595: {  	(v2sf) =	vpush v14, $0xF;
	v55 =	vmul.f32 v40, v57;
	v13 =	vmul.f32 v40, v62;
	v30 =	vld [tilespmem:s15+$0xFFFFFE20]  }
0x596: {  	v2 =	vadd.f32 v6, v2;
	v41 =	vmul.f32 v51, v57;
	v44 =	vmul.f32 v52, v59;
	v56 =	vld [tilespmem:s15+$0xFFFFFEA0]  }
0x597: {  	v27, _, _ =	vpop (xrf2);
	v5 =	vbroadcast v5, $0x0;
	v8 =	vadd.f32 v10, v8;
	v40 =	vld [tilespmem:s15+$0xFFFFFF20];
	v45 =	vmul.f32 v47, v57  }
0x598: {  	(v2sf) =	vpush v27, $0xF;
	v34 =	vmul.f32 v43, v59;
	v35 =	vmul.f32 v43, v61;
	v36 =	vld [tilespmem:s15+$0xFFFFFFA0]  }
0x599: {  	v43 =	vmul.f32 v51, v62;
	(erf) = vpow2.f32 v5;
	v10 =	vld [tilespmem:s15+$0x20];
	v0 =	vadd.f32 v45, v44  }
0x59a: {  	v26 =	vadd.f32 v49, v46;
	v5 =	vmul.f32 v52, v61;
	v52 =	vld [tilespmem:s15+$0xA0];
	v46 =	vmul.f32 v50, v61  }
0x59b: {  	v1 =	vadd.f32 v4, v1;
	v4 =	vld [tilespmem:s15+$0x120];
	v9 =	vmul.f32 v47, v62;
	v12 =	vmul.f32 v50, v59;
	[tilespmem:$0x1FCD0] =	vst v0  }
0x59c: {  	v11 =	vadd.f32 v13, v11;
	v47 =	vmul.f32 v30, v17;
	v50 =	vmul.f32 v56, v17;
	v44 =	vld [tilespmem:s15+$0xB0]  }
0x59d: {  	v28 =	vadd.f32 v55, v54;
	v51 =	vmul.f32 v40, v17;
	v54 =	vmul.f32 v36, v17;
	v27 =	vld [tilespmem:s15+$0xFFFFFE30]  }
0x59e: {  	v6 =	vadd.f32 v43, v35;
	v13 =	vmul.f32 v56, v16;
	v55 =	vmul.f32 v10, v17;
	v29 =	vld [tilespmem:s15+$0xFFFFFEB0]  }
0x59f: {  	v49 =	vadd.f32 v3, v46;
	v3 =	vadd.f32 v9, v5;
	v9 =	vmul.f32 v30, v16;
	v30 =	vld [tilespmem:s15+$0xFFFFFF30]  }
0x5a0: {  	s21 =	spop (v2sf);
	v56 =	vmul.f32 v52, v17;
	v5 =	vadd.f32 v7, v12;
	v1 =	vadd.f32 v51, v1;
	v35 =	vld [tilespmem:s15+$0xFFFFFFB0]  }
0x5a1: {  	s19 =	spop (v2sf);
	v7 =	vadd.f32 v54, v8;
	v51 =	vmul.f32 v18, v59;
	v54 =	vmul.f32 v24, v57;
	v31 =	vld [tilespmem:s15+$0x30];
	[tilespmem:$0x1FCE0] =	vst v44  }
0x5a2: {  	s20 =	spop (v2sf);
	v0 =	vadd.f32 v47, v49;
	v49 =	vmul.f32 v4, v17;
	v17 =	vmul.f32 v36, v16;
	v36 =	vld [tilespmem:s15+$0x130]  }
0x5a3: {  	v19 =	vmul.f32 v19, v15;
	s10 =	spop (v2sf);
	v57 =	vmul.f32 v25, v16;
	v8 =	vadd.f32 v54, v51;
	v18 =	vld [tilespmem:s15+$0xFFFFFE40]  }
0x5a4: {  	v34 =	vadd.f32 v41, v34;
	s14 =	spop (v2sf);
	v14 =	vmul.f32 v40, v16;
	v2 =	vadd.f32 v50, v2;
	v24 =	vld [tilespmem:s15+$0xFFFFFEC0]  }
0x5a5: {  	s4 =	spop (v2sf);
	v11 =	vadd.f32 v55, v11;
	v8 =	vadd.f32 v57, v8;
	v57 =	vmul.f32 v22, v33;
	v39 =	vld [tilespmem:s15+$0xFFFFFF40]  }
0x5a6: {  	s1 =	spop (v2sf);
	v6 =	vadd.f32 v56, v6;
	v50 =	vmul.f32 v27, v58;
	v55 =	vmul.f32 v29, v58;
	v25 =	vld [tilespmem:s15+$0xFFFFFFC0]  }
0x5a7: {  	v3 =	vadd.f32 v49, v3;
	s22 =	spop (v2sf);
	v56 =	vmul.f32 v30, v58;
	v59 =	vmul.f32 v35, v58;
	v40 =	vld [tilespmem:s15+$0xC0]  }
0x5a8: {  	s22 =	sadd.f32 s22, s12;
	v49 =	vmul.f32 v31, v58;
	v41 =	vld [tilespmem:s15+$0x140];
	v0 =	vadd.f32 v50, v0;
	v50 =	vmul.f32 v20, v32  }
0x5a9: {  	v44 =	vmul.f32 v44, v58;
	v43 =	vld [tilespmem:s15+$0xFFFFFE50];
	v2 =	vadd.f32 v55, v2;
	v1 =	vadd.f32 v56, v1  }
0x5aa: {  	v45 =	vld [tilespmem:s15+$0xFFFFFF50];
	v53 =	vmov s22;
	v7 =	vadd.f32 v59, v7;
	v8 =	vadd.f32 v50, v8  }
0x5ab: {  	v20 =	vld [tilespmem:s15+$0x40];
	v6 =	vadd.f32 v44, v6;
	v56 =	vmul.f32 v21, v63;
	v51 =	vmul.f32 v36, v58  }
0x5ac: {  	v44 =	vld [tilespmem:s15+$0xFFFFFED0];
	v54 =	vmul.f32 v18, v60;
	v55 =	vmul.f32 v24, v60;
	v8 =	vadd.f32 v19, v8  }
0x5ad: {  	v46 =	vld [tilespmem:s15+$0xFFFFFFD0];
	v11 =	vadd.f32 v49, v11;
	v19 =	vmul.f32 v39, v60;
	v21 =	vmul.f32 v25, v60  }
0x5ae: {  	v47 =	vld [tilespmem:s15+$0x50];
	v58 =	vmul.f32 v23, v37;
	v23 =	vmul.f32 v43, v38;
	v8 =	vadd.f32 v56, v8  }
0x5af: {  	v49 =	vld [tilespmem:s15+$0x150];
	v59 =	vmul.f32 v45, v38;
	v1 =	vadd.f32 v19, v1;
	v19 =	vmul.f32 v40, v60  }
0x5b0: {  	v22 =	vmul.f32 v20, v60;
	v2 =	vadd.f32 v55, v2;
	v55 =	vld [tilespmem:s15+$0xD0];
	v8 =	vadd.f32 v57, v8  }
0x5b1: {  	v3 =	vadd.f32 v51, v3;
	v6 =	vadd.f32 v19, v6;
	v19 =	vmul.f32 v44, v38  }
0x5b2: {  	v50 =	vld [tilespmem:s15+$0xFFFFFEE0];
	v7 =	vadd.f32 v21, v7;
	v21 =	vmul.f32 v41, v60;
	v8 =	vadd.f32 v58, v8  }
0x5b3: {  	v0 =	vadd.f32 v54, v0;
	v51 =	vld [tilespmem:s15+$0xFFFFFE60];
	v2 =	vadd.f32 v19, v2;
	v19 =	vmul.f32 v46, v38  }
0x5b4: {  	v54 =	vld [tilespmem:s15+$0xFFFFFF60];
	v60 =	vsub.f32 $0.0e+00, v53;
	v3 =	vadd.f32 v21, v3;
	(xrf2) =	vadd.scan.msk.f32 $0xffff, v8;
	v8 =	vmul.f32 v47, v38  }
0x5b5: {  	v53 =	vld [tilespmem:s15+$0xFFFFFFE0];
	v7 =	vadd.f32 v19, v7;
	v19 =	vmul.f32 v55, v38;
	v38 =	vmul.f32 v49, v38  }
0x5b6: {  	v58 =	vld [tilespmem:s15+$0xE0]  }
0x5b7: {  	v10 =	vmul.f32 v10, v16;
	v12 =	vmul.f32 $1.442695020e+00, v60;
	v3 =	vadd.f32 v38, v3;
	v38 =	vld [tilespmem:$0x1FCB0]  }
0x5b8: {  	v4 =	vmul.f32 v4, v16;
	v56 =	vmul.f32 v52, v16;
	v16 =	vld [tilespmem:s15+$0x160];
	v11 =	vadd.f32 v22, v11  }
0x5b9: {  	v52 =	vbroadcast v12, $0x0;
	v12 =	vld [tilespmem:s15+$0xFFFFFE70];
	v6 =	vadd.f32 v19, v6;
	v19 =	vmul.f32 v50, v42  }
0x5ba: {  	v22 =	vld [tilespmem:s15+$0x70];
	v0 =	vadd.f32 v23, v0;
	v1 =	vadd.f32 v59, v1;
	v21 =	vmul.f32 v51, v42  }
0x5bb: {  	v57 =	vld [tilespmem:s15+$0x60];
	v60 =	vmul.f32 v54, v42;
	v8 =	vadd.f32 v8, v11;
	v2 =	vadd.f32 v19, v2  }
0x5bc: {  	v59 =	vld [tilespmem:s15+$0xFFFFFEF0];
	v19 =	vmul.f32 v53, v42;
	v11 =	vadd.f32 v13, v38;
	v38 =	vmul.f32 v58, v42  }
0x5bd: {  	v10 =	vadd.f32 v10, v28;
	(erf) = vpow2.f32 v52;
	v1 =	vadd.f32 v60, v1;
	v60 =	vld [tilespmem:$0x1FCC0]  }
0x5be: {  	v52 =	vld [tilespmem:s15+$0xFFFFFF70];
	v0 =	vadd.f32 v21, v0;
	v6 =	vadd.f32 v38, v6;
	v38 =	vmul.f32 v12, v48  }
0x5bf: {  	v5 =	vadd.f32 v9, v5;
	v26 =	vadd.f32 v17, v26;
	v27 =	vmul.f32 v27, v32;
	v23 =	vld [tilespmem:s15+$0xF0]  }
0x5c0: {  	v29 =	vmul.f32 v29, v32;
	v21 =	vld [tilespmem:s15+$0xFFFFFFF0];
	v7 =	vadd.f32 v19, v7;
	v19, _, _ =	vpop (xrf2);
	v0 =	vadd.f32 v38, v0  }
0x5c1: {  	v30 =	vmul.f32 v30, v32;
	v9 =	vmul.f32 v57, v42;
	(v2sf) =	vpush v19, $0xF;
	v19 =	vld [tilespmem:s15+$0x170]  }
0x5c2: {  	v13 =	vadd.f32 v14, v60;
	v60 =	vmul.f32 v16, v42;
	v42 =	vmul.f32 v59, v48;
	(xrf2) =	vadd.scan.msk.f32 $0xffff, v0  }
0x5c3: {  	v35 =	vmul.f32 v35, v32;
	v8 =	vadd.f32 v9, v8;
	v9 =	vmul.f32 v52, v48  }
0x5c4: {  	v3 =	vadd.f32 v60, v3;
	v2 =	vadd.f32 v42, v2;
	v60 =	vmul.f32 v22, v48;
	v42 =	vld [tilespmem:$0x1FCD0]  }
0x5c5: {  	v26 =	vadd.f32 v35, v26;
	v28 =	vmul.f32 v21, v48;
	v14 =	vadd.f32 v56, v34  }
0x5c6: {  	v17 =	vpop (erf);
	v56 =	vmul.f32 v23, v48;
	v8 =	vadd.f32 v60, v8;
	v60 =	vmul.f32 v19, v48;
	v48 =	vld [tilespmem:$0x1FCE0]  }
0x5c7: {  	v18 =	vmul.f32 v18, v15;
	v1 =	vadd.f32 v9, v1;
	v7 =	vadd.f32 v28, v7;
	v9 =	vpop (erf)  }
0x5c8: {  	v13 =	vadd.f32 v30, v13;
	v9 =	vadd.f32 $1.000000000e+00, v9;
	v38 =	vmul.f32 v31, v32  }
0x5c9: {  	v0 =	vadd.f32 v56, v6;
	v56 =	vmul.f32 v36, v32;
	v4 =	vadd.f32 v4, v42;
	(xrf2) =	vadd.scan.msk.f32 $0xffff, v2  }
0x5ca: {  	v24 =	vmul.f32 v24, v15;
	v2 =	vadd.f32 v27, v5;
	v5 =	vadd.f32 v29, v11  }
0x5cb: {  	v28 =	vpop (erf);
	v10 =	vadd.f32 v38, v10;
	(xrf2) =	vadd.scan.msk.f32 $0xffff, v1;
	v4 =	vadd.f32 v56, v4;
	v30 =	vmul.f32 v48, v32  }
0x5cc: {  	v38 =	vmul.f32 v25, v15;
	v35 =	vadd.f32 v18, v2;
	v36 =	vadd.f32 v24, v5;
	v18, _, _ =	vpop (xrf2)  }
0x5cd: {  	v6 =	vpop (erf);
	(xrf2) =	vadd.scan.msk.f32 $0xffff, v7;
	v14 =	vadd.f32 v30, v14;
	(v2sf) =	vpush v18, $0xF;
	v18 =	vmul.f32 v40, v15  }
0x5ce: {  	v34 =	vpop (erf);
	v5 =	vadd.f32 v38, v26;
	v32 =	vmul.f32 v39, v15;
	v39 =	vmul.f32 v20, v15  }
0x5cf: {  	v11 =	vpop (erf);
	v20 =	vmul.f32 v41, v15;
	v14 =	vadd.f32 v18, v14;
	v18 =	vmul.f32 v44, v63  }
0x5d0: {  	v29 =	vpop (erf);
	v26 =	vmul.f32 v52, v37;
	v11 =	vadd.f32 $1.000000000e+00, v11;
	v38 =	vmul.f32 v23, v37  }
0x5d1: {  	v42 =	vpop (erf);
	v3 =	vadd.f32 v60, v3;
	(xrf2) =	vadd.scan.msk.f32 $0xffff, v8;
	v2 =	vadd.f32 v18, v36;
	v18 =	vmul.f32 v47, v63  }
0x5d2: {  	v60 =	vadd.f32 $1.000000000e+00, v42;
	v42 =	vmul.f32 v43, v63;
	v43 =	vmul.f32 v45, v63  }
0x5d3: {  	v45 =	vmul.f32 v55, v63;
	v7 =	vadd.f32 v39, v10;
	v4 =	vadd.f32 v20, v4;
	v20, _, _ =	vpop (xrf2)  }
0x5d4: {  	v55 =	vadd.f32 $1.000000000e+00, v17;
	(erf) = vrcp.f32 v60;
	(xrf2) =	vadd.scan.msk.f32 $0xffff, v0;
	(v2sf) =	vpush v20, $0xF  }
0x5d5: {  	v1 =	vadd.f32 v42, v35;
	v60 =	vmul.f32 v16, v33;
	v7 =	vadd.f32 v18, v7;
	v18, _, _ =	vpop (xrf2)  }
0x5d6: {  	v35 =	vadd.f32 $1.000000000e+00, v29;
	v42 =	vmul.f32 v19, v37;
	(v2sf) =	vpush v18, $0xF  }
0x5d7: {  	v48 =	vmul.f32 v50, v33;
	(erf) = vrcp.f32 v55;
	v13 =	vadd.f32 v32, v13;
	v50, _, _ =	vpop (xrf2)  }
0x5d8: {  	(erf) = vrcp.f32 v9;
	v30 =	vadd.f32 $1.000000000e+00, v28;
	(v2sf) =	vpush v50, $0xF  }
0x5d9: {  	v32 =	vadd.f32 $1.000000000e+00, v6;
	v44 =	vmul.f32 v46, v63;
	v46 =	vmul.f32 v49, v63  }
0x5da: {  	v8 =	vadd.f32 v43, v13;
	v49 =	vmul.f32 v54, v33;
	v54 =	vmul.f32 v58, v33  }
0x5db: {  	v5 =	vadd.f32 v44, v5;
	v47 =	vmul.f32 v51, v33;
	v10 =	vadd.f32 v45, v14;
	v58, _, _ =	vpop (xrf2)  }
0x5dc: {  	v51 =	vmul.f32 v53, v33;
	v53 =	vmul.f32 v57, v33;
	(v2sf) =	vpush v58, $0xF  }
0x5dd: {  	s3 =	sadd.f32 s3, s17;
	v0 =	vadd.f32 v46, v4;
	v57 =	vmul.f32 v12, v37;
	v25 =	vpop (erf);
	(erf) = vrcp.f32 v30  }
0x5de: {  	s29 =	sadd.f32 s21, s17;
	v24 =	vld [tilespmem:$0x1FCF0];
	s23 =	spop (v2sf);
	v63 =	vmul.f32 v59, v37;
	v1 =	vadd.f32 v47, v1;
	(erf) = vrcp.f32 v32;
	v27, _, _ =	vpop (xrf2)  }
0x5df: {  	s19 =	sadd.f32 s19, s17;
	v2 =	vadd.f32 v48, v2;
	(erf) = vrcp.f32 v11;
	s28 =	spop (v2sf);
	(v2sf) =	vpush v27, $0xF  }
0x5e0: {  	s20 =	sadd.f32 s20, s17;
	v4 =	vadd.f32 v49, v8;
	v33 =	vmul.f32 s29, v34;
	v1 =	vadd.f32 v57, v1  }
0x5e1: {  	v34 =	vmul.f32 v21, v37;
	v2 =	vadd.f32 v63, v2;
	(erf) = vrcp.f32 v35;
	(xrf2) =	vadd.scan.msk.f32 $0xffff, v3;
	s15 =	sadd.f32 s28, s12  }
0x5e2: {  	s26 =	sadd.f32 s23, s17;
	v36 =	vmul.f32 v22, v37;
	v5 =	vadd.f32 v51, v5;
	v56 =	vadd.f32 v54, v10;
	(xrf2) =	vadd.scan.msk.f32 $0xffff, v1  }
0x5e3: {  	s10 =	sadd.f32 s10, s17;
	v10 =	vmul.f32 s3, v24;
	v40 =	vpop (erf);
	v3 =	vadd.f32 v26, v4;
	(xrf2) =	vadd.scan.msk.f32 $0xffff, v2;
	v31 =	vmov s15;
	s15 =	spop (v2sf)  }
0x5e4: {  	v0 =	vadd.f32 v60, v0;
	v9 =	vmul.f32 s26, v25;
	v41 =	vmul.f32 s19, v40;
	v45 =	vpop (erf);
	s3 =	sadd.f32 s15, s12  }
0x5e5: {  	s14 =	sadd.f32 s14, s17;
	s19 =	simm.s32 $0x14780;
	v7 =	vadd.f32 v53, v7;
	v12 =	vmul.f32 s20, v45;
	v8 =	vadd.f32 v38, v56;
	(xrf2) =	vadd.scan.msk.f32 $0xffff, v3;
	s21 =	spop (v2sf)  }
0x5e6: {  	s26 =	simm.s32 $0x14B80;
	[tilespmem:s19+$0x180] =	vst v10;
	v17 =	vadd.f32 v42, v0;
	v52 =	vpop (erf);
	v1 =	vsub.f32 $0.0e+00, v31;
	v39 =	vmov s3;
	s3 =	sadd.f32 s21, s12  }
0x5e7: {  	s23 =	sadd.f32 s4, s17;
	[tilespmem:s26+$0x180] =	vst v9;
	v43 =	vadd.f32 v36, v7;
	v2 =	vadd.f32 v34, v5;
	v54 =	vmul.f32 s10, v52;
	v55 =	vpop (erf);
	s22 =	spop (v2sf)  }
0x5e8: {  	[tilespmem:s19+$0xFFFFFE00] =	vst v33;
	v59 =	vpop (erf);
	v1 =	vmul.f32 $1.442695020e+00, v1;
	v44 =	vsub.f32 $0.0e+00, v39;
	v46 =	vmov s3;
	s3 =	sadd.f32 s22, s12  }
0x5e9: {  	s1 =	sadd.f32 s1, s17;
	[tilespmem:s19+$0xFFFFFE80] =	vst v41;
	v58 =	vmul.f32 s14, v55;
	v18 =	vmul.f32 s23, v59;
	v10 =	vsub.f32 $0.0e+00, v46  }
0x5ea: {  	[tilespmem:s19+$0xFFFFFF00] =	vst v12;
	v63 =	vpop (erf);
	v1 =	vbroadcast v1, $0x0;
	v7 =	vmul.f32 $1.442695020e+00, v44;
	v51 =	vmov s3  }
0x5eb: {  	[tilespmem:s19+$0xFFFFFF80] =	vst v54;
	v19 =	vmul.f32 s1, v63;
	v47, _, _ =	vpop (xrf2);
	s28 =	spop (v2sf);
	v50 =	vmul.f32 $1.442695020e+00, v10;
	v53 =	vsub.f32 $0.0e+00, v51  }
0x5ec: {  	[tilespmem:s19+$0x0] =	vst v58;
	(v2sf) =	vpush v47, $0xF;
	v48, _, _ =	vpop (xrf2);
	(erf) = vpow2.f32 v1;
	v49 =	vbroadcast v7, $0x0;
	s4 =	sadd.f32 s28, s12  }
0x5ed: {  	(xrf2) =	vadd.scan.msk.f32 $0xffff, v2;
	(v2sf) =	vpush v48, $0xF;
	v57, _, _ =	vpop (xrf2);
	v56 =	vbroadcast v50, $0x0;
	v0 =	vmul.f32 $1.442695020e+00, v53  }
0x5ee: {  	s20 =	simm.s32 $0x8;
	s10 =	simm.s32 $0x0;
	(xrf2) =	vadd.scan.msk.f32 $0xffff, v43;
	(v2sf) =	vpush v57, $0xF;
	(erf) = vpow2.f32 v49;
	v60 =	vmov s4;
	s29 =	spop (v2sf)  }
0x5ef: {  	s1 =	simm.s32 $0x14780;
	(xrf2) =	vadd.scan.msk.f32 $0xffff, v8;
	v21, _, _ =	vpop (xrf2);
	s3 =	simm.s32 $0xAA00;
	v22 =	vsub.f32 $0.0e+00, v60;
	s4 =	sadd.f32 s29, s12;
	(erf) = vpow2.f32 v56;
	v20 =	vbroadcast v0, $0x0  }
.LBB2_15:
0x5f0: {  	v26 =	vld [tilespmem:s3+$0x180]  }
0x5f1: {  	v29 =	vld [tilespmem:s3+$0x190]  }
0x5f2: {  	v3 =	vld [tilespmem:s3+$0xFFFFFE10]  }
0x5f3: {  	v30 =	vld [tilespmem:s3+$0x1A0]  }
0x5f4: {  	v53 =	vld [tilespmem:s3+$0xFFFFFE80]  }
0x5f5: {  	v31 =	vld [tilespmem:s3+$0x1B0]  }
0x5f6: {  	v57 =	vld [tilespmem:s3+$0xFFFFFE90]  }
0x5f7: {  	v45 =	vld [tilespmem:$0x1FF20]  }
0x5f8: {  	v34 =	vld [tilespmem:s3+$0x1C0]  }
0x5f9: {  	v9 =	vld [tilespmem:s3+$0xFFFFFF00]  }
0x5fa: {  	v44 =	vld [tilespmem:$0x1FF00]  }
0x5fb: {  	v47 =	vld [tilespmem:$0x1FF10];
	v0 =	vmul.f32 $1.442695020e+00, v22;
	v1 =	vmov s4  }
0x5fc: {  	v46 =	vld [tilespmem:$0x1FFB0];
	v1 =	vsub.f32 $0.0e+00, v1  }
0x5fd: {  	v50 =	vld [tilespmem:$0x1FFC0];
	v0 =	vbroadcast v0, $0x0  }
0x5fe: {  	v63 =	vld [tilespmem:s3+$0xFFFFFF10];
	v7 =	vmul.f32 $1.442695020e+00, v1;
	v58 =	vmul.f32 v26, v61  }
0x5ff: {  	v32 =	vld [tilespmem:s3+$0xFFFFFF80];
	v59 =	vmul.f32 v29, v62;
	v1 =	vmul.f32 v3, v45  }
0x600: {  	(v2sf) =	vpush v21, $0xF;
	v21 =	vld [tilespmem:s3+$0x0];
	v3 =	vmul.f32 v3, v62;
	v60 =	vmul.f32 v30, v44  }
0x601: {  	v43 =	vld [tilespmem:s3+$0x10];
	v11 =	vmul.f32 v53, v47;
	v27 =	vmul.f32 v31, v46  }
0x602: {  	v15 =	vmul.f32 v57, v45;
	v33 =	vmul.f32 v34, v50  }
0x603: {  	v35 =	vld [tilespmem:s3+$0x1D0];
	v36 =	vmul.f32 v9, v47;
	v38 =	vmul.f32 v9, v61;
	v2 =	vpop (erf)  }
0x604: {  	v40 =	vld [tilespmem:s3+$0x1F0];
	(xrf2) =	vadd.scan.msk.f32 $0xffff, v17;
	v42 =	vmul.f32 v63, v45;
	v51 =	vmul.f32 v32, v47;
	v6 =	vpop (erf)  }
0x605: {  	v39 =	vld [tilespmem:s3+$0xFFFFFF90];
	v52 =	vmul.f32 v32, v61;
	v23 =	vmul.f32 v21, v61;
	v4, _, _ =	vpop (xrf2);
	v54 =	vadd.f32 $1.000000000e+00, v6  }
0x606: {  	[tilespmem:s1+$0x80] =	vst v18;
	v18 =	vld [tilespmem:$0x1FFF0];
	v48 =	vmul.f32 v43, v45;
	v56, _, _ =	vpop (xrf2);
	v6 =	vadd.f32 v59, v58;
	s22 =	spop (v2sf);
	(v2sf) =	vpush v4, $0xF  }
0x607: {  	(erf) = vpow2.f32 v20;
	v55 =	vbroadcast v7, $0x0;
	(v2sf) =	vpush v56, $0xF;
	v56 =	vld [tilespmem:$0x1FFD0]  }
0x608: {  	v37 =	vld [tilespmem:s3+$0x1E0];
	v2 =	vadd.f32 $1.000000000e+00, v2;
	(erf) = vpow2.f32 v0;
	v10, _, _ =	vpop (xrf2);
	v6 =	vadd.f32 v60, v6  }
0x609: {  	[tilespmem:s1+$0x100] =	vst v19;
	v24 =	vadd.f32 v15, v11;
	s23 =	spop (v2sf);
	(v2sf) =	vpush v10, $0xF;
	v10 =	vmul.f32 v63, v62;
	v63 =	vld [tilespmem:$0x1FFE0]  }
0x60a: {  	v22 =	vld [tilespmem:s3+$0x100];
	v11 =	vmul.f32 v39, v62;
	v8 =	vpop (erf);
	(erf) = vrcp.f32 v2;
	v6 =	vadd.f32 v27, v6  }
0x60b: {  	v32 =	vld [tilespmem:s3+$0x110];
	v58 =	vmul.f32 v40, v18;
	v59 =	vmul.f32 v39, v45;
	v14 =	vadd.f32 $1.000000000e+00, v8  }
0x60c: {  	v8 =	vmul.f32 v43, v62;
	v43 =	vld [tilespmem:s3+$0xFFFFFFA0];
	v6 =	vadd.f32 v33, v6;
	v41 =	vmul.f32 v35, v56  }
0x60d: {  	v16 =	vld [tilespmem:$0x1FF70];
	v25 =	vadd.f32 v42, v36;
	v2 =	vmul.f32 v57, v62;
	v60 =	vmul.f32 v21, v47;
	s4 =	sadd.f32 s22, s12  }
0x60e: {  	[tilespmem:$0x1FBE0] =	vst v54;
	v54 =	vld [tilespmem:s3+$0x90];
	v28, _, _ =	vpop (xrf2);
	v8 =	vadd.f32 v8, v23;
	s28 =	spop (v2sf);
	v49 =	vmul.f32 v37, v63;
	v6 =	vadd.f32 v41, v6  }
0x60f: {  	v4 =	vmul.f32 v53, v61;
	v53 =	vld [tilespmem:s3+$0x80];
	v5 =	vmov s4;
	s14 =	spop (v2sf);
	(v2sf) =	vpush v28, $0xF  }
0x610: {  	v23 =	vmul.f32 v32, v62;
	v33 =	vld [tilespmem:s3+$0xFFFFFE00];
	v5 =	vsub.f32 $0.0e+00, v5;
	v6 =	vadd.f32 v49, v6  }
0x611: {  	v17 =	vld [tilespmem:$0x1FF80];
	v27 =	vadd.f32 v59, v51;
	v59 =	vmul.f32 v22, v61;
	v51 =	vmul.f32 v43, v44;
	v12 =	vpop (erf)  }
0x612: {  	v36 =	vld [tilespmem:s3+$0xFFFFFE20];
	(erf) = vpow2.f32 v55;
	v9 =	vpop (erf);
	v5 =	vmul.f32 $1.442695020e+00, v5;
	v6 =	vadd.f32 v58, v6  }
0x613: {  	v39 =	vld [tilespmem:s3+$0xFFFFFEB0];
	v0 =	vadd.f32 v2, v4;
	v57 =	vmul.f32 v54, v45;
	v2 =	vmul.f32 v54, v62;
	v13 =	vpop (erf)  }
0x614: {  	v4 =	vadd.f32 v10, v38;
	[tilespmem:$0x1FC20] =	vst v13;
	v13 =	vld [tilespmem:$0x1FF30];
	v5 =	vbroadcast v5, $0x0;
	(xrf2) =	vadd.scan.msk.f32 $0xffff, v6  }
0x615: {  	v10 =	vadd.f32 v11, v52;
	v52 =	vld [tilespmem:s3+$0x20];
	v55 =	vmul.f32 v53, v61;
	v38 =	vmul.f32 v33, v47  }
0x616: {  	v41 =	vld [tilespmem:s3+$0xFFFFFF20];
	(erf) = vpow2.f32 v5;
	v49 =	vmul.f32 v53, v47  }
0x617: {  	v28 =	vadd.f32 v48, v60;
	v60 =	vmul.f32 v32, v45;
	v2 =	vadd.f32 v2, v55;
	v55 =	vld [tilespmem:s3+$0xA0]  }
0x618: {  	v62 =	vmul.f32 v36, v44;
	v32 =	vadd.f32 v57, v49;
	v57 =	vadd.f32 v1, v38;
	v38 =	vld [tilespmem:s3+$0xFFFFFE30]  }
0x619: {  	v11 =	vadd.f32 v23, v59;
	v7 =	vmul.f32 v33, v61;
	v59 =	vmul.f32 v36, v13;
	v36 =	vld [tilespmem:s3+$0xFFFFFF30]  }
0x61a: {  	v12 =	vadd.f32 $1.000000000e+00, v12;
	v53 =	vmul.f32 v52, v44;
	v58 =	vmul.f32 v22, v47;
	v6 =	vld [tilespmem:s3+$0xFFFFFEA0]  }
0x61b: {  	v42 =	vadd.f32 v3, v7;
	v49 =	vmul.f32 v41, v44;
	v61 =	vmul.f32 v41, v13;
	v41 =	vld [tilespmem:s3+$0xFFFFFFB0]  }
0x61c: {  	v3 =	vadd.f32 v51, v10;
	v33 =	vadd.f32 v60, v58;
	v58 =	vld [tilespmem:s3+$0x120];
	s15 =	spop (v2sf)  }
0x61d: {  	v15 =	vpop (erf);
	v1 =	vadd.f32 v62, v42;
	v54 =	vmul.f32 v55, v44;
	v5 =	vadd.f32 v53, v8;
	v42 =	vld [tilespmem:s3+$0x30];
	s22 =	spop (v2sf)  }
0x61e: {  	[tilespmem:$0x1FBF0] =	vst v14;
	s21 =	sadd.f32 s23, s17;
	v4 =	vadd.f32 v49, v4;
	v49 =	vmul.f32 v29, v45;
	v29 =	vld [tilespmem:s3+$0xFFFFFEC0];
	s23 =	spop (v2sf);
	v14 =	vmul.f32 v38, v46;
	v62, _, _ =	vpop (xrf2)  }
0x61f: {  	s4 =	sadd.f32 s28, s17;
	[tilespmem:$0x1FC10] =	vst v15;
	s28 =	spop (v2sf);
	v15 =	vpop (erf);
	v48 =	vmul.f32 v6, v44;
	(v2sf) =	vpush v62, $0xF;
	v62 =	vmul.f32 v43, v13;
	v43 =	vld [tilespmem:s3+$0xB0]  }
0x620: {  	v2 =	vadd.f32 v54, v2;
	v53 =	vmul.f32 v36, v46;
	v54 =	vmul.f32 v41, v46;
	[tilespmem:$0x1FC30] =	vst v15;
	v15 =	vld [tilespmem:$0x1FF40]  }
0x621: {  	[tilespmem:$0x1FC00] =	vst v12;
	v12 =	vmul.f32 v58, v44;
	v44 =	vld [tilespmem:s3+$0x130];
	v0 =	vadd.f32 v48, v0;
	v48 =	vmul.f32 v26, v47  }
0x622: {  	v51 =	vmul.f32 v39, v46;
	v45 =	vld [tilespmem:s3+$0xFFFFFF40];
	v1 =	vadd.f32 v14, v1;
	v4 =	vadd.f32 v53, v4  }
0x623: {  	v60 =	vmul.f32 v6, v13;
	v3 =	vadd.f32 v54, v3;
	v26 =	vld [tilespmem:s3+$0xFFFFFE40];
	v8 =	vadd.f32 v49, v48  }
0x624: {  	v48 =	vmul.f32 v30, v13;
	v0 =	vadd.f32 v51, v0;
	v30 =	vld [tilespmem:s3+$0xFFFFFFC0];
	v51 =	vmul.f32 v43, v46  }
0x625: {  	v6 =	vadd.f32 v12, v11;
	v49 =	vmul.f32 v42, v46;
	v53 =	vmul.f32 v31, v15;
	v31 =	vld [tilespmem:s3+$0x40]  }
0x626: {  	v54 =	vmul.f32 v44, v46;
	v8 =	vadd.f32 v48, v8;
	v14 =	vadd.f32 v51, v2;
	v2 =	vld [tilespmem:$0x1FF50]  }
0x627: {  	v5 =	vadd.f32 v49, v5;
	v49 =	vld [tilespmem:s3+$0x140]  }
0x628: {  	v19 =	vadd.f32 v54, v6;
	v6 =	vld [tilespmem:$0x1FF60];
	v8 =	vadd.f32 v53, v8;
	v53 =	vmul.f32 v29, v50  }
0x629: {  	v23 =	vadd.f32 $1.000000000e+00, v9;
	v9 =	vmul.f32 v40, v17;
	v46 =	vld [tilespmem:s3+$0xC0]  }
0x62a: {  	v54 =	vmul.f32 v45, v50;
	v0 =	vadd.f32 v53, v0;
	v53 =	vmul.f32 v37, v16;
	v37 =	vld [tilespmem:s3+$0xFFFFFFD0]  }
0x62b: {  	v48 =	vld [tilespmem:s3+$0xFFFFFED0];
	v11 =	vmul.f32 v31, v50;
	v12 =	vmul.f32 v34, v2  }
0x62c: {  	v40 =	vld [tilespmem:s3+$0xD0];
	v22 =	vmul.f32 v52, v13;
	v4 =	vadd.f32 v54, v4;
	v51 =	vmul.f32 v30, v50  }
0x62d: {  	v5 =	vadd.f32 v11, v5;
	v8 =	vadd.f32 v12, v8;
	v12 =	vmul.f32 v35, v6  }
0x62e: {  	v47 =	vld [tilespmem:s3+$0xFFFFFE50];
	v3 =	vadd.f32 v51, v3;
	v54 =	vmul.f32 v46, v50;
	v34 =	vmul.f32 v26, v50  }
0x62f: {  	v51 =	vmul.f32 v49, v50;
	v7 =	vmul.f32 v37, v56;
	v35 =	vld [tilespmem:s3+$0xFFFFFF50];
	v8 =	vadd.f32 v12, v8  }
0x630: {  	v14 =	vadd.f32 v54, v14;
	v54 =	vmul.f32 v48, v56;
	v1 =	vadd.f32 v34, v1;
	v34 =	vld [tilespmem:s3+$0x50];
	s29 =	spop (v2sf)  }
0x631: {  	v11 =	vmul.f32 v40, v56;
	v10 =	vadd.f32 v51, v19;
	v51 =	vld [tilespmem:s3+$0xFFFFFE60];
	s29 =	sadd.f32 s29, s12;
	v8 =	vadd.f32 v53, v8  }
0x632: {  	v3 =	vadd.f32 v7, v3;
	v19 =	vmul.f32 v55, v13;
	v50 =	vld [tilespmem:s3+$0x150];
	v0 =	vadd.f32 v54, v0  }
0x633: {  	v54 =	vld [tilespmem:s3+$0xFFFFFF60];
	v53 =	vmul.f32 v47, v56;
	v12 =	vmov s29;
	v8 =	vadd.f32 v9, v8  }
0x634: {  	v52 =	vld [tilespmem:s3+$0xFFFFFEE0];
	v7 =	vadd.f32 v11, v14;
	v12 =	vsub.f32 $0.0e+00, v12;
	v9 =	vmul.f32 v35, v56  }
0x635: {  	v55 =	vld [tilespmem:s3+$0x60];
	v14 =	vmul.f32 v58, v13;
	v1 =	vadd.f32 v53, v1;
	(xrf2) =	vadd.scan.msk.f32 $0xffff, v8;
	v8 =	vmul.f32 v34, v56  }
0x636: {  	v58 =	vld [tilespmem:s3+$0x160];
	v4 =	vadd.f32 v9, v4;
	v9 =	vmul.f32 $1.442695020e+00, v12;
	v12 =	vmul.f32 v51, v63  }
0x637: {  	v53 =	vld [tilespmem:s3+$0xFFFFFFE0];
	v5 =	vadd.f32 v8, v5;
	v8 =	vmul.f32 v50, v56  }
0x638: {  	v56 =	vld [tilespmem:s3+$0xE0];
	v1 =	vadd.f32 v12, v1;
	v12 =	vmul.f32 v54, v63  }
0x639: {  	v11 =	vadd.f32 v8, v10;
	v8 =	vbroadcast v9, $0x0;
	v9 =	vadd.f32 v59, v57;
	v57 =	vld [tilespmem:s3+$0xFFFFFE70];
	_ =	sdelay $0x1  }
0x63a: {  	v4 =	vadd.f32 v12, v4;
	v12 =	vmul.f32 v55, v63  }
0x63b: {  	v13 =	vmul.f32 v52, v63;
	v10 =	vmul.f32 v53, v63  }
0x63c: {  	(erf) = vpow2.f32 v8;
	v5 =	vadd.f32 v12, v5;
	v12 =	vmul.f32 v58, v63  }
0x63d: {  	v59 =	vld [tilespmem:s3+$0xFFFFFEF0];
	v8 =	vadd.f32 v10, v3;
	v10 =	vmul.f32 v56, v63;
	v63 =	vmul.f32 v57, v18  }
0x63e: {  	v21 =	vadd.f32 v60, v24;
	v24 =	vld [tilespmem:s3+$0xFFFFFF70]  }
0x63f: {  	v22 =	vadd.f32 v22, v28;
	v36 =	vmul.f32 v36, v15;
	v1 =	vadd.f32 v63, v1  }
0x640: {  	v20 =	vadd.f32 v61, v25;
	v25 =	vld [tilespmem:s3+$0xFFFFFFF0];
	v26 =	vmul.f32 v26, v2;
	v45 =	vmul.f32 v45, v2  }
0x641: {  	v60 =	vld [tilespmem:s3+$0xF0];
	v61 =	vadd.f32 v62, v27;
	v30 =	vmul.f32 v30, v2;
	v31 =	vmul.f32 v31, v2;
	v3, _, _ =	vpop (xrf2);
	(xrf2) =	vadd.scan.msk.f32 $0xffff, v1  }
0x642: {  	v27 =	vld [tilespmem:s3+$0x70];
	v0 =	vadd.f32 v13, v0;
	v13 =	vmul.f32 v59, v18;
	(v2sf) =	vpush v3, $0xF  }
0x643: {  	v28 =	vld [tilespmem:s3+$0x170];
	v62 =	vadd.f32 v12, v11;
	v12 =	vmul.f32 v24, v18;
	v11 =	vadd.f32 v14, v33  }
0x644: {  	v24 =	vmul.f32 v24, v17;
	v10 =	vadd.f32 v10, v7;
	v0 =	vadd.f32 v13, v0  }
0x645: {  	v7 =	vadd.f32 v19, v32;
	v32 =	vmul.f32 v38, v15;
	v63 =	vmul.f32 v25, v18  }
0x646: {  	v38 =	vmul.f32 v41, v15;
	v4 =	vadd.f32 v12, v4;
	v13 =	vmul.f32 v60, v18;
	(xrf2) =	vadd.scan.msk.f32 $0xffff, v0  }
0x647: {  	v12 =	vmul.f32 v27, v18;
	v1 =	vmul.f32 v39, v15;
	v39 =	vadd.f32 v63, v8  }
0x648: {  	v8 =	vmul.f32 v28, v18;
	v19 =	vadd.f32 v13, v10;
	v13 =	vmul.f32 v42, v15;
	(xrf2) =	vadd.scan.msk.f32 $0xffff, v4  }
0x649: {  	v42 =	vmul.f32 v29, v2;
	v0 =	vadd.f32 v32, v9;
	v32 =	vmul.f32 v43, v15;
	v63 =	vpop (erf)  }
0x64a: {  	v43 =	vadd.f32 v38, v61;
	v38 =	vmul.f32 v47, v6;
	v33 =	vadd.f32 $1.000000000e+00, v63  }
0x64b: {  	v41 =	vadd.f32 v36, v20;
	v47 =	vmul.f32 v50, v6;
	v50 =	vmul.f32 v52, v16;
	v36, _, _ =	vpop (xrf2);
	(xrf2) =	vadd.scan.msk.f32 $0xffff, v39  }
0x64c: {  	(erf) = vrcp.f32 v33;
	v33 =	vmul.f32 v44, v15;
	v44 =	vadd.f32 v13, v22  }
0x64d: {  	v5 =	vadd.f32 v12, v5;
	v52 =	vmul.f32 v53, v16;
	v53 =	vmul.f32 v55, v16  }
0x64e: {  	v55 =	vmul.f32 v56, v16;
	v18 =	vadd.f32 v8, v62;
	(v2sf) =	vpush v36, $0xF  }
0x64f: {  	v1 =	vadd.f32 v1, v21;
	v4 =	vadd.f32 v45, v41;
	v41 =	vmul.f32 v35, v6;
	(xrf2) =	vadd.scan.msk.f32 $0xffff, v5  }
0x650: {  	v45 =	vmul.f32 v34, v6;
	v7 =	vadd.f32 v32, v7;
	v10 =	vadd.f32 v31, v44;
	v44, _, _ =	vpop (xrf2)  }
0x651: {  	v0 =	vadd.f32 v26, v0;
	v32 =	vmul.f32 v46, v2;
	(xrf2) =	vadd.scan.msk.f32 $0xffff, v19;
	s29 =	spop (v2sf);
	(v2sf) =	vpush v44, $0xF  }
0x652: {  	v1 =	vadd.f32 v42, v1;
	v63 =	vadd.f32 v33, v11;
	v33 =	vmul.f32 v49, v2;
	v49, _, _ =	vpop (xrf2);
	(xrf2) =	vadd.scan.msk.f32 $0xffff, v18  }
0x653: {  	v34 =	vld [tilespmem:$0x1FBF0];
	v46 =	vmul.f32 v40, v6;
	v4 =	vadd.f32 v41, v4;
	v7 =	vadd.f32 v32, v7  }
0x654: {  	v41 =	vld [tilespmem:$0x1FC30];
	v0 =	vadd.f32 v38, v0;
	v39 =	vmul.f32 v48, v6;
	(v2sf) =	vpush v49, $0xF  }
0x655: {  	v9 =	vadd.f32 v33, v63;
	v33 =	vld [tilespmem:$0x1FBE0];
	v48 =	vmul.f32 v51, v16;
	v51 =	vmul.f32 v54, v16;
	v54, _, _ =	vpop (xrf2)  }
0x656: {  	v56 =	vmul.f32 v58, v16;
	v38 =	vld [tilespmem:$0x1FC00];
	v1 =	vadd.f32 v39, v1;
	(v2sf) =	vpush v54, $0xF  }
0x657: {  	v58 =	vmul.f32 v57, v17;
	v7 =	vadd.f32 v46, v7;
	v0 =	vadd.f32 v48, v0;
	v39 =	vld [tilespmem:$0x1FC10]  }
0x658: {  	v59 =	vmul.f32 v59, v17;
	v11 =	vadd.f32 v30, v43;
	v1 =	vadd.f32 v50, v1  }
0x659: {  	v30 =	vmul.f32 v60, v17;
	v7 =	vadd.f32 v55, v7;
	v0 =	vadd.f32 v58, v0;
	v14, _, _ =	vpop (xrf2)  }
0x65a: {  	v3 =	vld [tilespmem:$0x1FFA0];
	v42 =	vpop (erf);
	(erf) = vrcp.f32 v33;
	v1 =	vadd.f32 v59, v1;
	(v2sf) =	vpush v14, $0xF  }
0x65b: {  	v43 =	vmul.f32 v37, v6;
	v36 =	vadd.f32 v30, v7;
	s29 =	sadd.f32 s29, s17;
	(erf) = vrcp.f32 v34;
	v32, _, _ =	vpop (xrf2);
	(xrf2) =	vadd.scan.msk.f32 $0xffff, v0  }
0x65c: {  	v7 =	vadd.f32 $1.000000000e+00, v41;
	(erf) = vrcp.f32 v38;
	v37, _, _ =	vpop (xrf2);
	(xrf2) =	vadd.scan.msk.f32 $0xffff, v1;
	v1 =	vadd.f32 $1.000000000e+00, v39  }
0x65d: {  	v15 =	vmul.f32 s29, v42;
	(erf) = vrcp.f32 v23;
	s29 =	spop (v2sf);
	(v2sf) =	vpush v32, $0xF  }
0x65e: {  	v29 =	vmul.f32 v27, v17;
	v40 =	vld [tilespmem:$0x1FC20];
	(erf) = vrcp.f32 v1;
	s29 =	sadd.f32 s29, s12  }
0x65f: {  	v62 =	vmovc v3;
	v3 =	vadd.f32 v43, v11;
	v4 =	vadd.f32 v51, v4;
	(erf) = vrcp.f32 v7  }
0x660: {  	v10 =	vadd.f32 v45, v10;
	v8 =	vadd.f32 v47, v9;
	v35 =	vmov s29;
	s29 =	spop (v2sf)  }
0x661: {  	v26 =	vmul.f32 v25, v17;
	v2 =	vadd.f32 v52, v3;
	v4 =	vadd.f32 v24, v4;
	s29 =	sadd.f32 s29, s12  }
0x662: {  	s14 =	sadd.f32 s14, s17;
	v31 =	vmul.f32 v28, v17;
	v63 =	vadd.f32 v53, v10;
	v0 =	vsub.f32 $0.0e+00, v35  }
0x663: {  	s15 =	sadd.f32 s15, s17;
	v6 =	vmul.f32 s21, v40;
	v8 =	vadd.f32 v56, v8;
	v45 =	vpop (erf);
	(xrf2) =	vadd.scan.msk.f32 $0xffff, v4;
	v42 =	vmov s29;
	s29 =	spop (v2sf)  }
0x664: {  	s1 =	smov.u32 s26;
	v2 =	vadd.f32 v26, v2;
	v3 =	vadd.f32 v29, v63;
	v47 =	vpop (erf);
	v0 =	vmul.f32 $1.442695020e+00, v0;
	s21 =	sadd.f32 s29, s12  }
0x665: {  	s23 =	sadd.f32 s23, s17;
	[tilespmem:s1+$0xFFFFFE00] =	vst v6;
	v17 =	vadd.f32 v31, v8;
	v46 =	vmul.f32 s4, v45;
	v52 =	vpop (erf);
	v43 =	vsub.f32 $0.0e+00, v42;
	s29 =	spop (v2sf)  }
0x666: {  	s26 =	sadd.s32 $0x400, s26;
	(xrf2) =	vadd.scan.msk.f32 $0xffff, v2;
	v2 =	vmul.f32 s14, v47;
	v55 =	vpop (erf);
	v0 =	vbroadcast v0, $0x0;
	v44 =	vmov s21;
	s21 =	sadd.f32 s29, s12  }
0x667: {  	s20 =	sadd.s32 $0x8, s20;
	s28 =	sadd.f32 s28, s17;
	[tilespmem:s26+$0x180] =	vst v15;
	v54 =	vmul.f32 s15, v52;
	v60 =	vpop (erf);
	v1 =	vmul.f32 $1.442695020e+00, v43;
	v4 =	vsub.f32 $0.0e+00, v44  }
0x668: {  	p2 =	slt.u32 s20, $0x98;
	s22 =	sadd.f32 s22, s17;
	[tilespmem:s1+$0xFFFFFE80] =	vst v46;
	v18 =	vmul.f32 s23, v60;
	v63 =	vpop (erf);
	(erf) = vpow2.f32 v0;
	v51 =	vmov s21  }
.Ltmp10:
0x669: {  	[tilespmem:s1+$0xFFFFFF00] =	vst v2;
	v19 =	vmul.f32 s28, v63;
	v50 =	vmul.f32 $1.442695020e+00, v4;
	s21 =	spop (v2sf);
	v53 =	vsub.f32 $0.0e+00, v51;
	(pc) =	sbr.rel @p2 .LBB2_15-.Ltmp10, $4  }
0x66a: {  	[tilespmem:s1+$0xFFFFFF80] =	vst v54;
	(v2sf) =	vpush v37, $0xF;
	v49, _, _ =	vpop (xrf2);
	v48 =	vbroadcast v1, $0x0;
	v1 =	vmul.f32 s22, v55;
	s4 =	sadd.f32 s21, s12  }
0x66b: {  	(xrf2) =	vadd.scan.msk.f32 $0xffff, v3;
	v57, _, _ =	vpop (xrf2);
	(v2sf) =	vpush v49, $0xF;
	v56 =	vbroadcast v50, $0x0;
	v58 =	vmul.f32 $1.442695020e+00, v53  }
0x66c: {  	(xrf2) =	vadd.scan.msk.f32 $0xffff, v36;
	(erf) = vpow2.f32 v48;
	(v2sf) =	vpush v57, $0xF;
	s29 =	spop (v2sf);
	v59 =	vmov s4  }
0x66d: {  	s3 =	sadd.s32 $0x400, s3;
	v61 =	vld [tilespmem:$0x1FF90];
	v21, _, _ =	vpop (xrf2);
	[tilespmem:s1+$0x0] =	vst v1;
	s4 =	sadd.f32 s29, s12;
	(erf) = vpow2.f32 v56;
	v22 =	vsub.f32 $0.0e+00, v59;
	v20 =	vbroadcast v58, $0x0  }
0x66e: {  	_ =	sdelay $0xa  }
0x66f: {  	s3 =	spop (v2sf)  }
0x670: {  	s3 =	sadd.f32 s3, s12  }
0x671: {  	v0 =	vmov s4  }
0x672: {  	(xrf2) =	vadd.scan.msk.f32 $0xffff, v17;
	v1 =	vmul.f32 $1.442695020e+00, v22;
	v0 =	vsub.f32 $0.0e+00, v0;
	v2 =	vmov s3  }
0x673: {  	v2 =	vsub.f32 $0.0e+00, v2  }
0x674: {  	v3 =	vpop (erf);
	v1 =	vbroadcast v1, $0x0;
	v0 =	vmul.f32 $1.442695020e+00, v0  }
0x675: {  	(erf) = vpow2.f32 v20;
	v3 =	vadd.f32 $1.000000000e+00, v3;
	v2 =	vmul.f32 $1.442695020e+00, v2  }
0x676: {  	(erf) = vpow2.f32 v1;
	v0 =	vbroadcast v0, $0x0  }
0x677: {  	(erf) = vrcp.f32 v3;
	v60 =	vbroadcast v2, $0x0  }
0x678: {  	v63, _, _ =	vpop (xrf2);
	(erf) = vpow2.f32 v0  }
0x679: {  	v4 =	vpop (erf);
	(v2sf) =	vpush v21, $0xF;
	(erf) = vpow2.f32 v60  }
0x67a: {  	v5, _, _ =	vpop (xrf2);
	(v2sf) =	vpush v63, $0xF  }
0x67b: {  	v6, _, _ =	vpop (xrf2);
	(v2sf) =	vpush v5, $0xF  }
0x67c: {  	v7, _, _ =	vpop (xrf2);
	(v2sf) =	vpush v6, $0xF  }
0x67d: {  	v8 =	vpop (erf);
	(v2sf) =	vpush v7, $0xF  }
0x67e: {  	v0 =	vadd.f32 $1.000000000e+00, v4;
	v9 =	vpop (erf)  }
0x67f: {  	v10 =	vpop (erf);
	v2 =	vadd.f32 $1.000000000e+00, v8  }
0x680: {  	v1 =	vadd.f32 $1.000000000e+00, v9;
	v4 =	vpop (erf);
	(erf) = vrcp.f32 v0  }
0x681: {  	v3 =	vadd.f32 $1.000000000e+00, v10;
	v11 =	vpop (erf);
	(erf) = vrcp.f32 v2  }
0x682: {  	v0 =	vadd.f32 $1.000000000e+00, v11;
	v12 =	vpop (erf);
	(erf) = vrcp.f32 v1  }
0x683: {  	(erf) = vrcp.f32 v3;
	v13 =	vadd.f32 $1.000000000e+00, v12  }
0x684: {  	(erf) = vrcp.f32 v0  }
0x685: {  	(erf) = vrcp.f32 v13  }
0x686: {  	s15 =	spop (v2sf)  }
0x687: {  	s20 =	spop (v2sf);
	s3 =	sadd.f32 s15, s17  }
0x688: {  	s4 =	sadd.f32 s20, s17;
	s14 =	spop (v2sf)  }
0x689: {  	[tilespmem:s1+$0x80] =	vst v18;
	v14 =	vmul.f32 s3, v4;
	s14 =	sadd.f32 s14, s17;
	s15 =	spop (v2sf);
	v32 =	vpop (erf)  }
0x68a: {  	[tilespmem:s1+$0x100] =	vst v19;
	s21 =	sadd.f32 s15, s17;
	s22 =	spop (v2sf);
	v1 =	vmul.f32 s4, v32;
	v33 =	vpop (erf)  }
0x68b: {  	[tilespmem:s26+$0xFFFFFE00] =	vst v14;
	s3 =	sadd.f32 s22, s17;
	s23 =	spop (v2sf);
	v34 =	vmul.f32 s14, v33;
	v35 =	vpop (erf)  }
0x68c: {  	s28 =	spop (v2sf);
	s4 =	sadd.f32 s23, s17;
	[tilespmem:s26+$0xFFFFFE80] =	vst v1;
	v36 =	vmul.f32 s21, v35;
	v37 =	vpop (erf)  }
0x68d: {  	s29 =	sadd.f32 s28, s17;
	[tilespmem:s26+$0xFFFFFF00] =	vst v34;
	v38 =	vmul.f32 s3, v37;
	v39 =	vpop (erf)  }
0x68e: {  	[tilespmem:s26+$0xFFFFFF80] =	vst v36;
	v40 =	vmul.f32 s4, v39;
	v41 =	vpop (erf)  }
0x68f: {  	[tilespmem:s26+$0x0] =	vst v38;
	v42 =	vmul.f32 s29, v41  }
0x690: {  	[tilespmem:s26+$0x80] =	vst v40  }
0x691: {  	[tilespmem:s26+$0x100] =	vst v42  }
0x692: {  	v19 =	vld [tilespmem:s19+$0x180]  }
0x693: {  	v0 =	vld [tilespmem:s9+$0x1F0]  }
0x694: {  	v20 =	vld [tilespmem:s9+$0xFFFFFE00]  }
0x695: {  	v21 =	vld [tilespmem:s9+$0xFFFFFE10]  }
0x696: {  	v22 =	vld [tilespmem:s9+$0xFFFFFE20]  }
0x697: {  	v17 =	vld [tilespmem:s9+$0xFFFFFE30]  }
0x698: {  	v1 =	vld [tilespmem:s19+$0xFFFFFE80]  }
0x699: {  	v43 =	vld [tilespmem:s9+$0xFFFFFE80]  }
0x69a: {  	v44 =	vld [tilespmem:s9+$0xFFFFFE90]  }
0x69b: {  	v45 =	vld [tilespmem:s9+$0xFFFFFEA0]  }
0x69c: {  	v5 =	vld [tilespmem:s9+$0xFFFFFEB0]  }
0x69d: {  	v6 =	vld [tilespmem:s9+$0xFFFFFEC0]  }
0x69e: {  	v7 =	vld [tilespmem:s9+$0xFFFFFED0]  }
0x69f: {  	v8 =	vld [tilespmem:s9+$0xFFFFFEE0]  }
0x6a0: {  	v18 =	vld [tilespmem:s9+$0xFFFFFE40]  }
0x6a1: {  	v46 =	vld [tilespmem:s9+$0xFFFFFEF0]  }
0x6a2: {  	v9 =	vld [tilespmem:s19+$0xFFFFFF00]  }
0x6a3: {  	v10 =	vld [tilespmem:s9+$0xFFFFFF00]  }
0x6a4: {  	v11 =	vld [tilespmem:s9+$0xFFFFFF10]  }
0x6a5: {  	v12 =	vld [tilespmem:s9+$0xFFFFFF20]  }
0x6a6: {  	v13 =	vld [tilespmem:s9+$0xFFFFFF30];
	v2 =	vmul.f32 v43, v1  }
0x6a7: {  	v14 =	vld [tilespmem:s9+$0xFFFFFF40];
	v0 =	vmul.f32 v0, v19  }
0x6a8: {  	v23 =	vld [tilespmem:s9+$0xFFFFFF50];
	v3 =	vmul.f32 v44, v1;
	[tilespmem:s9+$0xFFFFFE80] =	vst v2  }
0x6a9: {  	v48 =	vld [tilespmem:s9+$0xFFFFFF60];
	v47 =	vmul.f32 v45, v1;
	[tilespmem:s9+$0x1F0] =	vst v0  }
0x6aa: {  	v51 =	vld [tilespmem:s9+$0xFFFFFF80];
	v49 =	vmul.f32 v5, v1;
	[tilespmem:s9+$0xFFFFFE90] =	vst v3  }
0x6ab: {  	v53 =	vld [tilespmem:s9+$0xFFFFFF90];
	v50 =	vmul.f32 v6, v1;
	[tilespmem:s9+$0xFFFFFEA0] =	vst v47  }
0x6ac: {  	v55 =	vld [tilespmem:s9+$0xFFFFFFA0];
	v52 =	vmul.f32 v7, v1;
	[tilespmem:s9+$0xFFFFFEB0] =	vst v49  }
0x6ad: {  	v56 =	vld [tilespmem:s9+$0xFFFFFFB0];
	v54 =	vmul.f32 v8, v1;
	[tilespmem:s9+$0xFFFFFEC0] =	vst v50  }
0x6ae: {  	v58 =	vld [tilespmem:s9+$0xFFFFFFC0];
	v1 =	vmul.f32 v46, v1;
	[tilespmem:s9+$0xFFFFFED0] =	vst v52  }
0x6af: {  	v60 =	vld [tilespmem:s9+$0xFFFFFFD0];
	v57 =	vmul.f32 v10, v9;
	[tilespmem:s9+$0xFFFFFEE0] =	vst v54  }
0x6b0: {  	v34 =	vld [tilespmem:s9+$0xFFFFFF70];
	v63 =	vmul.f32 v11, v9;
	[tilespmem:s9+$0xFFFFFEF0] =	vst v1  }
0x6b1: {  	v38 =	vld [tilespmem:s19+$0x0];
	v33 =	vmul.f32 v12, v9;
	[tilespmem:s9+$0xFFFFFF00] =	vst v57  }
0x6b2: {  	v40 =	vld [tilespmem:s9+$0x0];
	v35 =	vmul.f32 v13, v9;
	[tilespmem:s9+$0xFFFFFF10] =	vst v63  }
0x6b3: {  	v42 =	vld [tilespmem:s9+$0x20];
	v37 =	vmul.f32 v14, v9;
	[tilespmem:s9+$0xFFFFFF20] =	vst v33  }
0x6b4: {  	v5 =	vld [tilespmem:s19+$0xFFFFFF80];
	v39 =	vmul.f32 v23, v9;
	[tilespmem:s9+$0xFFFFFF30] =	vst v35  }
0x6b5: {  	v32 =	vld [tilespmem:s9+$0xFFFFFFE0];
	v4 =	vmul.f32 v48, v9;
	[tilespmem:s9+$0xFFFFFF40] =	vst v37  }
0x6b6: {  	v36 =	vld [tilespmem:s9+$0xFFFFFFF0];
	[tilespmem:s9+$0xFFFFFF50] =	vst v39;
	v1 =	vmul.f32 v34, v9  }
0x6b7: {  	v41 =	vld [tilespmem:s9+$0x10];
	[tilespmem:s9+$0xFFFFFF60] =	vst v4;
	v47 =	vmul.f32 v40, v38  }
0x6b8: {  	v24 =	vld [tilespmem:s9+$0xFFFFFE60];
	v57 =	vmul.f32 v42, v38;
	[tilespmem:s9+$0xFFFFFF70] =	vst v1  }
0x6b9: {  	v25 =	vld [tilespmem:s9+$0xFFFFFE70];
	[tilespmem:s9+$0x0] =	vst v47;
	v59 =	vmul.f32 v51, v5  }
0x6ba: {  	v30 =	vld [tilespmem:s9+$0x1B0];
	[tilespmem:s9+$0x20] =	vst v57;
	v43 =	vmul.f32 v53, v5  }
0x6bb: {  	v44 =	vld [tilespmem:s9+$0x30];
	v45 =	vmul.f32 v55, v5;
	[tilespmem:s9+$0xFFFFFF80] =	vst v59  }
0x6bc: {  	v46 =	vld [tilespmem:s9+$0x40];
	v2 =	vmul.f32 v56, v5;
	[tilespmem:s9+$0xFFFFFF90] =	vst v43  }
0x6bd: {  	v48 =	vld [tilespmem:s9+$0x50];
	v3 =	vmul.f32 v58, v5;
	[tilespmem:s9+$0xFFFFFFA0] =	vst v45  }
0x6be: {  	v12 =	vld [tilespmem:s9+$0xC0];
	v50 =	vmul.f32 v60, v5;
	[tilespmem:s9+$0xFFFFFFB0] =	vst v2  }
0x6bf: {  	v52 =	vld [tilespmem:s19+$0x80];
	v0 =	vmul.f32 v32, v5;
	[tilespmem:s9+$0xFFFFFFC0] =	vst v3  }
0x6c0: {  	v54 =	vld [tilespmem:s9+$0x80];
	v53 =	vmul.f32 v36, v5;
	[tilespmem:s9+$0xFFFFFFD0] =	vst v50  }
0x6c1: {  	v49 =	vld [tilespmem:s9+$0x60];
	v55 =	vmul.f32 v41, v38;
	[tilespmem:s9+$0xFFFFFFE0] =	vst v0  }
0x6c2: {  	v33 =	vld [tilespmem:s9+$0xE0];
	v63 =	vmul.f32 v46, v38;
	[tilespmem:s9+$0xFFFFFFF0] =	vst v53  }
0x6c3: {  	v40 =	vld [tilespmem:s9+$0x100];
	v10 =	vmul.f32 v48, v38;
	[tilespmem:s9+$0x10] =	vst v55  }
0x6c4: {  	v51 =	vld [tilespmem:s9+$0x70];
	v59 =	vmul.f32 v44, v38;
	[tilespmem:s9+$0x40] =	vst v63  }
0x6c5: {  	v56 =	vld [tilespmem:s9+$0x90];
	v14 =	vmul.f32 v54, v52;
	[tilespmem:s9+$0x50] =	vst v10  }
0x6c6: {  	v58 =	vld [tilespmem:s9+$0xA0];
	v34 =	vmul.f32 v49, v38;
	[tilespmem:s9+$0x30] =	vst v59  }
0x6c7: {  	v60 =	vld [tilespmem:s9+$0xB0];
	v43 =	vmul.f32 v12, v52;
	[tilespmem:s9+$0x80] =	vst v14  }
0x6c8: {  	v32 =	vld [tilespmem:s9+$0xD0];
	v47 =	vmul.f32 v33, v52;
	[tilespmem:s9+$0x60] =	vst v34  }
0x6c9: {  	v36 =	vld [tilespmem:s9+$0xF0];
	[tilespmem:s9+$0xC0] =	vst v43;
	v35 =	vmul.f32 v51, v38  }
0x6ca: {  	[tilespmem:s9+$0xE0] =	vst v47;
	v37 =	vmul.f32 v56, v52;
	v38 =	vld [tilespmem:s19+$0x100]  }
0x6cb: {  	v42 =	vld [tilespmem:s9+$0x110];
	v39 =	vmul.f32 v58, v52;
	[tilespmem:s9+$0x70] =	vst v35  }
0x6cc: {  	v44 =	vld [tilespmem:s9+$0x120];
	v41 =	vmul.f32 v60, v52;
	[tilespmem:s9+$0x90] =	vst v37  }
0x6cd: {  	v46 =	vld [tilespmem:s9+$0x130];
	v45 =	vmul.f32 v32, v52;
	[tilespmem:s9+$0xA0] =	vst v39  }
0x6ce: {  	v48 =	vld [tilespmem:s9+$0x140];
	v3 =	vmul.f32 v36, v52;
	[tilespmem:s9+$0xB0] =	vst v41  }
0x6cf: {  	v50 =	vld [tilespmem:s9+$0x150];
	[tilespmem:s9+$0xD0] =	vst v45;
	v49 =	vmul.f32 v40, v38  }
0x6d0: {  	v51 =	vld [tilespmem:s9+$0x160];
	[tilespmem:s9+$0xF0] =	vst v3;
	v52 =	vmul.f32 v42, v38  }
0x6d1: {  	v54 =	vld [tilespmem:s9+$0x170];
	v53 =	vmul.f32 v44, v38;
	[tilespmem:s9+$0x100] =	vst v49  }
0x6d2: {  	v56 =	vld [tilespmem:s9+$0x180];
	v55 =	vmul.f32 v46, v38;
	[tilespmem:s9+$0x110] =	vst v52  }
0x6d3: {  	v57 =	vld [tilespmem:s9+$0x190];
	v2 =	vmul.f32 v48, v38;
	[tilespmem:s9+$0x120] =	vst v53  }
0x6d4: {  	v59 =	vld [tilespmem:s9+$0x1A0];
	v58 =	vmul.f32 v50, v38;
	[tilespmem:s9+$0x130] =	vst v55  }
0x6d5: {  	v27 =	vld [tilespmem:s9+$0x1C0];
	v1 =	vmul.f32 v51, v38;
	[tilespmem:s9+$0x140] =	vst v2  }
0x6d6: {  	v28 =	vld [tilespmem:s9+$0x1D0];
	v60 =	vmul.f32 v54, v38;
	[tilespmem:s9+$0x150] =	vst v58  }
0x6d7: {  	v29 =	vld [tilespmem:s9+$0x1E0];
	v63 =	vmul.f32 v56, v19;
	[tilespmem:s9+$0x160] =	vst v1  }
0x6d8: {  	v26 =	vld [tilespmem:s19+$0xFFFFFE00];
	v31 =	vmul.f32 v57, v19;
	[tilespmem:s9+$0x170] =	vst v60  }
0x6d9: {  	s1 =	simm.s32 $0x14B80;
	s3 =	simm.s32 $0xA200;
	v23 =	vld [tilespmem:s9+$0xFFFFFE50];
	v32 =	vmul.f32 v59, v19;
	[tilespmem:s9+$0x180] =	vst v63  }
.LBB2_17:
0x6da: {  	v0 =	vld [tilespmem:s1+$0x180];
	[tilespmem:s9+$0x190] =	vst v31;
	v1 =	vmul.f32 v30, v19;
	s3 =	sadd.s32 $0x400, s3  }
0x6db: {  	s10 =	sadd.s32 $0x8, s10;
	v2 =	vld [tilespmem:s3+$0x1F0];
	[tilespmem:s9+$0x1A0] =	vst v32;
	v3 =	vmul.f32 v27, v19  }
0x6dc: {  	p2 =	slt.u32 s10, $0x98;
	v4 =	vld [tilespmem:s3+$0xFFFFFE00];
	[tilespmem:s9+$0x1B0] =	vst v1;
	v1 =	vmul.f32 v28, v19  }
0x6dd: {  	v5 =	vld [tilespmem:s3+$0xFFFFFE10];
	[tilespmem:s9+$0x1C0] =	vst v3;
	v3 =	vmul.f32 v29, v19  }
0x6de: {  	v6 =	vld [tilespmem:s3+$0xFFFFFE20];
	v7 =	vmul.f32 v20, v26;
	v8 =	vmul.f32 v21, v26;
	[tilespmem:s9+$0x1D0] =	vst v1  }
0x6df: {  	v1 =	vmul.f32 v22, v26;
	v9 =	vmul.f32 v17, v26;
	v17 =	vld [tilespmem:s3+$0xFFFFFE30];
	[tilespmem:s9+$0x1E0] =	vst v3;
	v19 =	vmov v0  }
0x6e0: {  	v0 =	vmul.f32 v2, v19;
	[tilespmem:s9+$0xFFFFFE00] =	vst v7;
	v2 =	vmul.f32 v18, v26;
	v18 =	vld [tilespmem:s3+$0xFFFFFE40]  }
0x6e1: {  	v3 =	vmul.f32 v23, v26;
	v7 =	vmul.f32 v24, v26;
	[tilespmem:s9+$0xFFFFFE10] =	vst v8;
	v23 =	vld [tilespmem:s3+$0xFFFFFE50];
	v20 =	vmov v4  }
0x6e2: {  	v24 =	vld [tilespmem:s3+$0xFFFFFE60];
	[tilespmem:s3+$0x1F0] =	vst v0;
	v0 =	vmul.f32 v25, v26;
	v21 =	vmov v5  }
0x6e3: {  	v25 =	vld [tilespmem:s3+$0xFFFFFE70];
	[tilespmem:s9+$0xFFFFFE20] =	vst v1;
	v22 =	vmov v6  }
0x6e4: {  	v1 =	vld [tilespmem:s1+$0xFFFFFE80];
	[tilespmem:s9+$0xFFFFFE30] =	vst v9  }
0x6e5: {  	v4 =	vld [tilespmem:s3+$0xFFFFFE80];
	[tilespmem:s9+$0xFFFFFE40] =	vst v2  }
0x6e6: {  	v2 =	vld [tilespmem:s3+$0xFFFFFE90];
	[tilespmem:s9+$0xFFFFFE50] =	vst v3  }
0x6e7: {  	v3 =	vld [tilespmem:s3+$0xFFFFFEA0];
	[tilespmem:s9+$0xFFFFFE60] =	vst v7  }
0x6e8: {  	v5 =	vld [tilespmem:s3+$0xFFFFFEB0];
	[tilespmem:s9+$0xFFFFFE70] =	vst v0;
	s9 =	smov.u32 s3  }
0x6e9: {  	v0 =	vld [tilespmem:s3+$0xFFFFFEC0]  }
0x6ea: {  	v4 =	vmul.f32 v4, v1;
	v6 =	vld [tilespmem:s3+$0xFFFFFED0]  }
0x6eb: {  	v2 =	vmul.f32 v2, v1;
	v7 =	vld [tilespmem:s3+$0xFFFFFEE0]  }
0x6ec: {  	[tilespmem:s3+$0xFFFFFE80] =	vst v4;
	v3 =	vmul.f32 v3, v1;
	v4 =	vld [tilespmem:s3+$0xFFFFFEF0]  }
0x6ed: {  	[tilespmem:s3+$0xFFFFFE90] =	vst v2;
	v2 =	vmul.f32 v5, v1;
	v5 =	vld [tilespmem:s1+$0xFFFFFF00]  }
0x6ee: {  	[tilespmem:s3+$0xFFFFFEA0] =	vst v3;
	v0 =	vmul.f32 v0, v1;
	v3 =	vld [tilespmem:s3+$0xFFFFFF00]  }
0x6ef: {  	[tilespmem:s3+$0xFFFFFEB0] =	vst v2;
	v2 =	vmul.f32 v6, v1;
	v6 =	vld [tilespmem:s3+$0xFFFFFF10]  }
0x6f0: {  	[tilespmem:s3+$0xFFFFFEC0] =	vst v0;
	v0 =	vmul.f32 v7, v1;
	v7 =	vld [tilespmem:s3+$0xFFFFFF20]  }
0x6f1: {  	[tilespmem:s3+$0xFFFFFED0] =	vst v2;
	v1 =	vmul.f32 v4, v1;
	v2 =	vld [tilespmem:s3+$0xFFFFFF30]  }
0x6f2: {  	[tilespmem:s3+$0xFFFFFEE0] =	vst v0;
	v0 =	vld [tilespmem:s3+$0xFFFFFF40]  }
0x6f3: {  	[tilespmem:s3+$0xFFFFFEF0] =	vst v1;
	v1 =	vmul.f32 v3, v5;
	v3 =	vld [tilespmem:s3+$0xFFFFFF50]  }
0x6f4: {  	v4 =	vmul.f32 v6, v5;
	v6 =	vld [tilespmem:s3+$0xFFFFFF60]  }
0x6f5: {  	[tilespmem:s3+$0xFFFFFF00] =	vst v1;
	v1 =	vmul.f32 v7, v5;
	v7 =	vld [tilespmem:s3+$0xFFFFFF70]  }
0x6f6: {  	[tilespmem:s3+$0xFFFFFF10] =	vst v4;
	v2 =	vmul.f32 v2, v5;
	v4 =	vld [tilespmem:s1+$0xFFFFFF80]  }
0x6f7: {  	[tilespmem:s3+$0xFFFFFF20] =	vst v1;
	v0 =	vmul.f32 v0, v5;
	v1 =	vld [tilespmem:s3+$0xFFFFFF80]  }
0x6f8: {  	[tilespmem:s3+$0xFFFFFF30] =	vst v2;
	v2 =	vmul.f32 v3, v5;
	v3 =	vld [tilespmem:s3+$0xFFFFFF90]  }
0x6f9: {  	[tilespmem:s3+$0xFFFFFF40] =	vst v0;
	v0 =	vmul.f32 v6, v5;
	v6 =	vld [tilespmem:s3+$0xFFFFFFA0]  }
0x6fa: {  	[tilespmem:s3+$0xFFFFFF50] =	vst v2;
	v2 =	vmul.f32 v7, v5;
	v5 =	vld [tilespmem:s3+$0xFFFFFFB0]  }
0x6fb: {  	[tilespmem:s3+$0xFFFFFF60] =	vst v0;
	v0 =	vld [tilespmem:s3+$0xFFFFFFC0]  }
0x6fc: {  	[tilespmem:s3+$0xFFFFFF70] =	vst v2;
	v1 =	vmul.f32 v1, v4;
	v2 =	vld [tilespmem:s3+$0xFFFFFFD0]  }
0x6fd: {  	v3 =	vmul.f32 v3, v4;
	v7 =	vld [tilespmem:s3+$0xFFFFFFE0]  }
0x6fe: {  	[tilespmem:s3+$0xFFFFFF80] =	vst v1;
	v1 =	vmul.f32 v6, v4;
	v6 =	vld [tilespmem:s3+$0xFFFFFFF0]  }
0x6ff: {  	[tilespmem:s3+$0xFFFFFF90] =	vst v3;
	v3 =	vmul.f32 v5, v4;
	v5 =	vld [tilespmem:s1+$0x0]  }
0x700: {  	[tilespmem:s3+$0xFFFFFFA0] =	vst v1;
	v0 =	vmul.f32 v0, v4;
	v1 =	vld [tilespmem:s3+$0x0]  }
0x701: {  	[tilespmem:s3+$0xFFFFFFB0] =	vst v3;
	v2 =	vmul.f32 v2, v4;
	v3 =	vld [tilespmem:s3+$0x10]  }
0x702: {  	[tilespmem:s3+$0xFFFFFFC0] =	vst v0;
	v0 =	vmul.f32 v7, v4;
	v7 =	vld [tilespmem:s3+$0x20]  }
0x703: {  	[tilespmem:s3+$0xFFFFFFD0] =	vst v2;
	v2 =	vmul.f32 v6, v4;
	v4 =	vld [tilespmem:s3+$0x30]  }
0x704: {  	[tilespmem:s3+$0xFFFFFFE0] =	vst v0;
	v0 =	vld [tilespmem:s3+$0x40]  }
0x705: {  	[tilespmem:s3+$0xFFFFFFF0] =	vst v2;
	v1 =	vmul.f32 v1, v5;
	v2 =	vld [tilespmem:s3+$0x50]  }
0x706: {  	v3 =	vmul.f32 v3, v5;
	v6 =	vld [tilespmem:s3+$0x60]  }
0x707: {  	[tilespmem:s3+$0x0] =	vst v1;
	v1 =	vmul.f32 v7, v5;
	v7 =	vld [tilespmem:s3+$0x70]  }
0x708: {  	[tilespmem:s3+$0x10] =	vst v3;
	v3 =	vmul.f32 v4, v5;
	v4 =	vld [tilespmem:s1+$0x80]  }
0x709: {  	[tilespmem:s3+$0x20] =	vst v1;
	v0 =	vmul.f32 v0, v5;
	v1 =	vld [tilespmem:s3+$0x80]  }
0x70a: {  	[tilespmem:s3+$0x30] =	vst v3;
	v2 =	vmul.f32 v2, v5;
	v3 =	vld [tilespmem:s3+$0x90]  }
0x70b: {  	[tilespmem:s3+$0x40] =	vst v0;
	v0 =	vmul.f32 v6, v5;
	v6 =	vld [tilespmem:s3+$0xA0]  }
0x70c: {  	[tilespmem:s3+$0x50] =	vst v2;
	v2 =	vmul.f32 v7, v5;
	v5 =	vld [tilespmem:s3+$0xB0]  }
0x70d: {  	[tilespmem:s3+$0x60] =	vst v0;
	v0 =	vld [tilespmem:s3+$0xC0]  }
0x70e: {  	[tilespmem:s3+$0x70] =	vst v2;
	v1 =	vmul.f32 v1, v4;
	v2 =	vld [tilespmem:s3+$0xD0]  }
0x70f: {  	v3 =	vmul.f32 v3, v4;
	v7 =	vld [tilespmem:s3+$0xE0]  }
0x710: {  	[tilespmem:s3+$0x80] =	vst v1;
	v1 =	vmul.f32 v6, v4;
	v6 =	vld [tilespmem:s3+$0xF0]  }
0x711: {  	[tilespmem:s3+$0x90] =	vst v3;
	v3 =	vmul.f32 v5, v4;
	v5 =	vld [tilespmem:s1+$0x100]  }
0x712: {  	[tilespmem:s3+$0xA0] =	vst v1;
	v0 =	vmul.f32 v0, v4;
	v1 =	vld [tilespmem:s3+$0x100]  }
0x713: {  	[tilespmem:s3+$0xB0] =	vst v3;
	v2 =	vmul.f32 v2, v4;
	v3 =	vld [tilespmem:s3+$0x110]  }
0x714: {  	[tilespmem:s3+$0xC0] =	vst v0;
	v0 =	vmul.f32 v7, v4;
	v7 =	vld [tilespmem:s3+$0x120]  }
0x715: {  	[tilespmem:s3+$0xD0] =	vst v2;
	v2 =	vmul.f32 v6, v4;
	v4 =	vld [tilespmem:s3+$0x130]  }
0x716: {  	[tilespmem:s3+$0xE0] =	vst v0;
	v0 =	vld [tilespmem:s3+$0x140]  }
0x717: {  	[tilespmem:s3+$0xF0] =	vst v2;
	v1 =	vmul.f32 v1, v5;
	v2 =	vld [tilespmem:s3+$0x150]  }
0x718: {  	v3 =	vmul.f32 v3, v5;
	v6 =	vld [tilespmem:s3+$0x160]  }
0x719: {  	[tilespmem:s3+$0x100] =	vst v1;
	v1 =	vmul.f32 v7, v5;
	v7 =	vld [tilespmem:s3+$0x170]  }
0x71a: {  	[tilespmem:s3+$0x110] =	vst v3;
	v3 =	vmul.f32 v4, v5;
	v4 =	vld [tilespmem:s3+$0x180]  }
0x71b: {  	[tilespmem:s3+$0x120] =	vst v1;
	v0 =	vmul.f32 v0, v5;
	v1 =	vld [tilespmem:s3+$0x190]  }
0x71c: {  	[tilespmem:s3+$0x130] =	vst v3;
	v2 =	vmul.f32 v2, v5;
	v3 =	vld [tilespmem:s3+$0x1A0]  }
.Ltmp11:
0x71d: {  	[tilespmem:s3+$0x140] =	vst v0;
	v0 =	vmul.f32 v6, v5;
	v30 =	vld [tilespmem:s3+$0x1B0];
	(pc) =	sbr.rel @p2 .LBB2_17-.Ltmp11, $4  }
0x71e: {  	[tilespmem:s3+$0x150] =	vst v2;
	v2 =	vmul.f32 v7, v5;
	v27 =	vld [tilespmem:s3+$0x1C0]  }
0x71f: {  	[tilespmem:s3+$0x160] =	vst v0;
	v0 =	vmul.f32 v4, v19;
	v28 =	vld [tilespmem:s3+$0x1D0]  }
0x720: {  	[tilespmem:s3+$0x170] =	vst v2;
	v31 =	vmul.f32 v1, v19;
	v29 =	vld [tilespmem:s3+$0x1E0]  }
0x721: {  	v26 =	vld [tilespmem:s1+$0xFFFFFE00];
	[tilespmem:s3+$0x180] =	vst v0;
	v32 =	vmul.f32 v3, v19;
	s1 =	sadd.s32 $0x400, s1  }
0x722: {  	[tilespmem:s9+$0x190] =	vst v31;
	v0 =	vmul.f32 v30, v19  }
0x723: {  	[tilespmem:s9+$0x1A0] =	vst v32;
	v1 =	vmul.f32 v27, v19  }
0x724: {  	[tilespmem:s9+$0x1B0] =	vst v0;
	v53 =	vmul.f32 v28, v19  }
0x725: {  	[tilespmem:s9+$0x1C0] =	vst v1;
	v54 =	vmul.f32 v29, v19  }
0x726: {  	v2 =	vmul.f32 v20, v26;
	[tilespmem:s9+$0x1D0] =	vst v53  }
0x727: {  	v55 =	vmul.f32 v21, v26;
	[tilespmem:s9+$0x1E0] =	vst v54  }
0x728: {  	v56 =	vmul.f32 v22, v26;
	[tilespmem:s9+$0xFFFFFE00] =	vst v2  }
0x729: {  	v57 =	vmul.f32 v17, v26;
	[tilespmem:s9+$0xFFFFFE10] =	vst v55  }
0x72a: {  	v58 =	vmul.f32 v18, v26;
	[tilespmem:s9+$0xFFFFFE20] =	vst v56  }
0x72b: {  	v59 =	vmul.f32 v23, v26;
	[tilespmem:s9+$0xFFFFFE30] =	vst v57  }
0x72c: {  	v60 =	vmul.f32 v24, v26;
	[tilespmem:s9+$0xFFFFFE40] =	vst v58  }
0x72d: {  	v63 =	vmul.f32 v25, v26;
	[tilespmem:s9+$0xFFFFFE50] =	vst v59  }
0x72e: {  	[tilespmem:s9+$0xFFFFFE60] =	vst v60  }
0x72f: {  	s1 =	simm.s32 $0xA000;
	s3 =	simm.s32 $0x14200;
	[tilespmem:s9+$0xFFFFFE70] =	vst v63  }
0x730: {  	[spmem:s5] =	stream.indirect.scatter.add.f32 [tilespmem:s1], [sflag:$0x7], $0x80, s3, s25, $0xb8;
	[tilespmem:$0x1B780] =	vst v63  }
0x731: {  	s1 =	sadd.s32 $0x4, s18  }
0x732: {  	s28 =	simm.s32 $0x14280;
	s29 =	simm.s32 $0xC800;
	p2 =	sge.u32 s1, s8  }
0x733: {  	[spmem:s5] =	stream.indirect.scatter.add.f32 [tilespmem:s29], [sflag:$0x7], $0x80, s28, s25, $0xb8;
	[tilespmem:$0x1B780] =	vst v63  }
0x734: {  	s3 =	simm.s32 @!p2 $0x5  }
0x735: {  	_ =	swait.ge @!p2 [sflag:s3], $0x2800  }
0x736: {  	s1 =	sshll.u32 @!p2 s1, $0x5;
	[sflag:s3] =	ssyncset.done @!p2 $0x0  }
0x737: {  	s1 =	sor.u32 @!p2 s7, s1;
	[sflag:s3] =	ssyncadd.s32 @!p2 $0xFFFFD800  }
0x738: {  	s4 =	smul.u32 @!p2 $0xA00, s1;
	s1 =	sshll.u32 @!p2 s1, $0x5;
	_ =	swait.ge @!p2 [sflag:s3], $0x2800  }
.Ltmp12:
0x739: {  	s1 =	sand.u32 @!p2 $0xFFFF380, s1;
	[sflag:s3] =	ssyncset.done @!p2 $0x0;
	v14 =	vld [tilespmem:$0x1FF10];
	(pc) =	sbr.rel @p1 .LBB2_24-.Ltmp12, $4  }
0x73a: {  	v16 =	vld [tilespmem:$0x1FF20];
	[sflag:s3] =	ssyncadd.s32 @!p2 $0xFFFFD800;
	s3 =	sadd.s32 @!p2 s0, s4;
	s4 =	simm.s32 @!p2 $0x0  }
0x73b: {  	v11 =	vld [tilespmem:$0x1FF30];
	[tilespmem:s4], [sflag:$0x1] =	stream.linear.gather @!p2 [hbm4b:s3+s4], $0x5000, $0x38  }
0x73c: {  	s1 =	sadd.s32 @!p2 s1, s11;
	v13 =	vld [tilespmem:$0x1FFE0];
	s3 =	simm.s32 @!p2 $0x14000  }
0x73d: {  	v15 =	vld [tilespmem:$0x1FFF0];
	[tilespmem:s3], [sflag:$0x1] =	stream.linear.gather @!p2 [hbm4b:s1+s4], $0x100, $0x38  }
0x73e: {  	_ =	swait.ge [sflag:s16], $0x5000  }
0x73f: {  	[sflag:s16] =	ssyncset.done $0x0  }
0x740: {  	[sflag:s16] =	ssyncadd.s32 $0xFFFFB000  }
0x741: {  	_ =	swait.ge [sflag:s16], $0x100  }
0x742: {  	v34 =	vld [tilespmem:$0x1FF00]  }
0x743: {  	[sflag:s16] =	ssyncset.done $0x0;
	v57 =	vld [tilespmem:$0x1FFB0]  }
0x744: {  	s9 =	simm.s32 $0xF200;
	v59 =	vld [tilespmem:$0x1FFC0];
	[sflag:s16] =	ssyncadd.s32 $0xFFFFFF00  }
0x745: {  	v0 =	vld [tilespmem:s9+$0x180]  }
0x746: {  	v1 =	vld [tilespmem:s9+$0x190]  }
0x747: {  	v2 =	vld [tilespmem:s9+$0xFFFFFE10]  }
0x748: {  	v3 =	vld [tilespmem:s9+$0x1A0]  }
0x749: {  	v4 =	vld [tilespmem:s9+$0xFFFFFE80]  }
0x74a: {  	v5 =	vld [tilespmem:s9+$0x1B0]  }
0x74b: {  	v6 =	vld [tilespmem:s9+$0xFFFFFE90]  }
0x74c: {  	v39 =	vld [tilespmem:s9+$0x1C0]  }
0x74d: {  	v9 =	vld [tilespmem:s9+$0xFFFFFF00]  }
0x74e: {  	v41 =	vld [tilespmem:s9+$0x1D0]  }
0x74f: {  	v10 =	vld [tilespmem:s9+$0xFFFFFF10]  }
0x750: {  	v44 =	vld [tilespmem:s9+$0x1E0]  }
0x751: {  	v12 =	vld [tilespmem:s9+$0xFFFFFF80]  }
0x752: {  	v40 =	vld [tilespmem:s9+$0x1F0];
	v7 =	vmul.f32 v0, v61;
	v8 =	vmul.f32 v1, v62  }
0x753: {  	v45 =	vld [tilespmem:s9+$0xFFFFFF90];
	v32 =	vmul.f32 v3, v34;
	v33 =	vmul.f32 v5, v57  }
0x754: {  	v17 =	vmovc v11;
	v19 =	vld [tilespmem:s9+$0x0];
	v35 =	vmul.f32 v4, v14;
	v4 =	vmul.f32 v4, v61;
	v7 =	vadd.f32 v8, v7  }
0x755: {  	v28 =	vmovc v14;
	v60 =	vmov v17;
	v20 =	vld [tilespmem:s9+$0x10];
	v38 =	vmul.f32 v39, v59;
	v17 =	vmul.f32 v6, v16  }
0x756: {  	v21 =	vld [tilespmem:s9+$0x80];
	v6 =	vmul.f32 v6, v62;
	v18 =	vmul.f32 v9, v28;
	v7 =	vadd.f32 v32, v7  }
0x757: {  	v50 =	vld [tilespmem:s9+$0x90];
	v47 =	vmul.f32 v9, v61;
	v48 =	vmul.f32 v10, v62  }
0x758: {  	v23 =	vld [tilespmem:s9+$0x110];
	v10 =	vmul.f32 v10, v16;
	v51 =	vmul.f32 v12, v28;
	v7 =	vadd.f32 v33, v7  }
0x759: {  	v22 =	vld [tilespmem:s9+$0x100];
	v12 =	vmul.f32 v12, v61;
	v14 =	vmul.f32 v45, v62  }
0x75a: {  	v25 =	vmul.f32 v19, v28;
	v55 =	vmul.f32 v20, v16;
	v7 =	vadd.f32 v38, v7;
	v38 =	vld [tilespmem:$0x1FFD0]  }
0x75b: {  	v43 =	vmov v16;
	v24 =	vld [tilespmem:s9+$0xFFFFFE00];
	v56 =	vmul.f32 v21, v28;
	v63 =	vmul.f32 v21, v61  }
0x75c: {  	v58 =	vmovc v13;
	v54 =	vld [tilespmem:s9+$0xFFFFFE20];
	v21 =	vmul.f32 v50, v43;
	v13 =	vmul.f32 v50, v62;
	v4 =	vadd.f32 v6, v4  }
0x75d: {  	v27 =	vld [tilespmem:s9+$0xFFFFFEA0];
	v37 =	vmul.f32 v23, v43;
	v12 =	vadd.f32 v14, v12;
	v14 =	vadd.f32 v55, v25  }
0x75e: {  	v31 =	vld [tilespmem:s9+$0xFFFFFFA0];
	v17 =	vadd.f32 v17, v35;
	v6 =	vadd.f32 v48, v47;
	v35 =	vmul.f32 v22, v28  }
0x75f: {  	v18 =	vadd.f32 v10, v18;
	v9 =	vadd.f32 v21, v56;
	v33 =	vld [tilespmem:s9+$0xFFFFFF20];
	[tilespmem:$0x1FB20] =	vst v14;
	v46 =	vmul.f32 v41, v38  }
0x760: {  	v10 =	vadd.f32 v13, v63;
	v13 =	vadd.f32 v37, v35;
	v47 =	vld [tilespmem:s9+$0xA0]  }
0x761: {  	v7 =	vadd.f32 v46, v7;
	v46 =	vld [tilespmem:s9+$0x20];
	[tilespmem:$0x1FB30] =	vst v9  }
0x762: {  	v29 =	vld [tilespmem:s9+$0x120];
	[tilespmem:$0x1FB40] =	vst v13  }
0x763: {  	v63 =	vld [tilespmem:s9+$0x30]  }
0x764: {  	v19 =	vmul.f32 v19, v61;
	v26 =	vmul.f32 v20, v62  }
0x765: {  	v11 =	vmul.f32 v2, v16;
	v53 =	vmul.f32 v45, v16;
	v21 =	vld [tilespmem:s9+$0xFFFFFE30]  }
0x766: {  	v36 =	vmul.f32 v22, v61;
	v23 =	vmul.f32 v23, v62;
	v16 =	vadd.f32 v26, v19;
	v19 =	vld [tilespmem:s9+$0xFFFFFEB0]  }
0x767: {  	v22 =	vld [tilespmem:s9+$0xFFFFFF30];
	v56 =	vmul.f32 v46, v34  }
0x768: {  	v49 =	vmul.f32 v44, v58;
	v13 =	vadd.f32 v23, v36;
	v23 =	vld [tilespmem:s9+$0xFFFFFFB0];
	[tilespmem:$0x1FB50] =	vst v63  }
0x769: {  	v14 =	vadd.f32 v56, v16;
	v16 =	vld [tilespmem:s9+$0xB0]  }
0x76a: {  	v52 =	vmul.f32 v40, v15;
	v7 =	vadd.f32 v49, v7;
	_ =	sdelay $0x1  }
0x76b: {  	v7 =	vadd.f32 v52, v7  }
0x76c: {  	v2 =	vmul.f32 v2, v62;
	v42 =	vmul.f32 v24, v61  }
0x76d: {  	v30 =	vmul.f32 v24, v28;
	(xrf2) =	vadd.scan.msk.f32 $0xffff, v7;
	[tilespmem:$0x1FB60] =	vst v16  }
0x76e: {  	v45 =	vmul.f32 v54, v34;
	v50 =	vmul.f32 v31, v34;
	v2 =	vadd.f32 v2, v42;
	v42 =	vld [tilespmem:s9+$0x130]  }
0x76f: {  	v0 =	vmul.f32 v0, v28;
	v1 =	vmul.f32 v1, v43;
	v26 =	vld [tilespmem:$0x1FF40]  }
0x770: {  	v48 =	vmul.f32 v27, v34;
	v49 =	vmul.f32 v33, v34  }
0x771: {  	v20 =	vadd.f32 v53, v51;
	v8 =	vmul.f32 v54, v60;
	v52 =	vmul.f32 v16, v57;
	v16 =	vld [tilespmem:$0x1FF50]  }
0x772: {  	v0 =	vadd.f32 v1, v0;
	v6 =	vadd.f32 v49, v6;
	v49 =	vmul.f32 v3, v60  }
0x773: {  	v11 =	vadd.f32 v11, v30;
	v54 =	vmul.f32 v31, v60;
	v36 =	vmul.f32 v47, v34;
	[tilespmem:$0x1FB70] =	vst v42  }
0x774: {  	v2 =	vadd.f32 v45, v2;
	v55 =	vmul.f32 v5, v26;
	v0 =	vadd.f32 v49, v0;
	v45 =	vld [tilespmem:s9+$0xFFFFFE40]  }
0x775: {  	v9 =	vadd.f32 v50, v12;
	v10 =	vadd.f32 v36, v10;
	v32 =	vmul.f32 v29, v34  }
0x776: {  	v36 =	vmul.f32 v23, v57;
	v0 =	vadd.f32 v55, v0;
	v31 =	vmul.f32 v39, v16  }
0x777: {  	v30 =	vld [tilespmem:$0x1FF70];
	v51 =	vmul.f32 v63, v57;
	v12 =	vadd.f32 v32, v13;
	v37, _, _ =	vpop (xrf2);
	v63 =	vmul.f32 v42, v57  }
0x778: {  	v7 =	vmul.f32 v33, v60;
	(v2sf) =	vpush v37, $0xF;
	v0 =	vadd.f32 v31, v0;
	v31 =	vld [tilespmem:$0x1FF80]  }
0x779: {  	v33 =	vmul.f32 v21, v57;
	v56 =	vadd.f32 v36, v9;
	v9 =	vadd.f32 v63, v12;
	v63 =	vld [tilespmem:$0x1FF60];
	[tilespmem:$0x1FB80] =	vst v45  }
0x77a: {  	v4 =	vadd.f32 v48, v4;
	v32 =	vld [tilespmem:s9+$0xFFFFFEC0]  }
0x77b: {  	v48 =	vmul.f32 v19, v57;
	v35 =	vmul.f32 v22, v57;
	v2 =	vadd.f32 v33, v2;
	v33 =	vld [tilespmem:s9+$0xFFFFFF40]  }
0x77c: {  	v53 =	vmul.f32 v27, v60;
	v27 =	vld [tilespmem:s9+$0xFFFFFFC0]  }
0x77d: {  	v50 =	vadd.f32 v48, v4;
	v4 =	vadd.f32 v35, v6;
	v35 =	vld [tilespmem:s9+$0x40]  }
0x77e: {  	v36 =	vld [tilespmem:s9+$0xC0]  }
0x77f: {  	v37 =	vld [tilespmem:s9+$0x140]  }
0x780: {  	v25 =	vld [tilespmem:s9+$0xFFFFFE50];
	v49 =	vmul.f32 v41, v63  }
0x781: {  	v6 =	vadd.f32 v51, v14;
	v42 =	vmul.f32 v45, v59;
	v39 =	vld [tilespmem:s9+$0xFFFFFED0]  }
0x782: {  	v10 =	vadd.f32 v52, v10;
	v52 =	vmul.f32 v44, v30;
	v41 =	vld [tilespmem:s9+$0xFFFFFF50];
	v0 =	vadd.f32 v49, v0  }
0x783: {  	v24 =	vld [tilespmem:s9+$0x50];
	v2 =	vadd.f32 v42, v2;
	v45 =	vmul.f32 v32, v59;
	v48 =	vmul.f32 v33, v59  }
0x784: {  	v42 =	vld [tilespmem:s9+$0xFFFFFFD0];
	v0 =	vadd.f32 v52, v0;
	v51 =	vmul.f32 v35, v59;
	v55 =	vmul.f32 v36, v59  }
0x785: {  	v44 =	vld [tilespmem:s9+$0xD0];
	v13 =	vmul.f32 v37, v59;
	v3 =	vadd.f32 v45, v50;
	v50 =	vmul.f32 v27, v59  }
0x786: {  	v52 =	vmul.f32 v25, v38;
	v4 =	vadd.f32 v48, v4;
	v45 =	vld [tilespmem:s9+$0xFFFFFE60];
	v6 =	vadd.f32 v51, v6  }
0x787: {  	v12 =	vld [tilespmem:s9+$0xFFFFFEE0];
	s1 =	spop (v2sf);
	v10 =	vadd.f32 v55, v10;
	v5 =	vadd.f32 v50, v56;
	v56 =	vmul.f32 v40, v31  }
0x788: {  	v49 =	vld [tilespmem:s9+$0xFFFFFE70];
	v55 =	vmul.f32 v39, v38;
	v9 =	vadd.f32 v13, v9;
	s1 =	sadd.f32 s1, s12;
	v2 =	vadd.f32 v52, v2  }
0x789: {  	v48 =	vld [tilespmem:s9+$0x150];
	v13 =	vmul.f32 v46, v60;
	v46 =	vmul.f32 v42, v38;
	v0 =	vadd.f32 v56, v0  }
0x78a: {  	v52 =	vld [tilespmem:s9+$0xFFFFFF60];
	v51 =	vmul.f32 v44, v38;
	v50 =	vmov s1;
	v56 =	vmul.f32 v41, v38  }
0x78b: {  	v3 =	vadd.f32 v55, v3;
	v40 =	vld [tilespmem:s9+$0xFFFFFFE0];
	v55 =	vsub.f32 $0.0e+00, v50;
	v50 =	vmul.f32 v45, v58;
	(xrf2) =	vadd.scan.msk.f32 $0xffff, v0  }
0x78c: {  	v5 =	vadd.f32 v46, v5;
	v46 =	vld [tilespmem:s9+$0x60];
	v1 =	vadd.f32 v56, v4;
	v56 =	vmul.f32 v24, v38  }
0x78d: {  	v4 =	vmul.f32 $1.442695020e+00, v55;
	v55 =	vld [tilespmem:s9+$0xFFFFFEF0];
	v2 =	vadd.f32 v50, v2;
	v50 =	vmul.f32 v49, v15  }
0x78e: {  	v8 =	vadd.f32 v8, v11;
	v0 =	vadd.f32 v56, v6;
	v6 =	vmul.f32 v48, v38  }
0x78f: {  	v14 =	vmul.f32 v47, v60;
	v11 =	vld [tilespmem:s9+$0xFFFFFF70];
	v10 =	vadd.f32 v51, v10;
	v2 =	vadd.f32 v50, v2  }
0x790: {  	v47 =	vld [tilespmem:s9+$0xE0];
	v56 =	vmul.f32 v12, v58;
	v4 =	vbroadcast v4, $0x0;
	v6 =	vadd.f32 v6, v9  }
0x791: {  	v51 =	vld [tilespmem:s9+$0xFFFFFFF0];
	v9 =	vmul.f32 v52, v58;
	(xrf2) =	vadd.scan.msk.f32 $0xffff, v2;
	v2 =	vadd.f32 v53, v17;
	v53 =	vmul.f32 v46, v58  }
0x792: {  	v50 =	vld [tilespmem:s9+$0x160];
	v3 =	vadd.f32 v56, v3;
	v56 =	vmul.f32 v40, v58;
	v17 =	vmul.f32 v55, v15  }
0x793: {  	v20 =	vadd.f32 v54, v20;
	v54 =	vld [tilespmem:s9+$0xF0];
	(erf) = vpow2.f32 v4;
	v1 =	vadd.f32 v9, v1  }
0x794: {  	v5 =	vadd.f32 v56, v5;
	v56 =	vld [tilespmem:$0x1FB20];
	v3 =	vadd.f32 v17, v3;
	v17 =	vmul.f32 v11, v15  }
0x795: {  	v7 =	vadd.f32 v7, v18;
	v18 =	vmul.f32 v47, v58;
	v9 =	vld [tilespmem:s9+$0x70];
	v0 =	vadd.f32 v53, v0;
	v53, _, _ =	vpop (xrf2)  }
0x796: {  	v1 =	vadd.f32 v17, v1;
	(v2sf) =	vpush v53, $0xF;
	v53 =	vmul.f32 v51, v15  }
0x797: {  	v10 =	vadd.f32 v18, v10;
	v18 =	vld [tilespmem:s9+$0x170];
	v4 =	vmul.f32 v50, v58;
	(xrf2) =	vadd.scan.msk.f32 $0xffff, v3  }
0x798: {  	(xrf2) =	vadd.scan.msk.f32 $0xffff, v1;
	v1 =	vmul.f32 v19, v26;
	v19 =	vmul.f32 v54, v15;
	v5 =	vadd.f32 v53, v5;
	v53 =	vld [tilespmem:$0x1FB30]  }
0x799: {  	v13 =	vadd.f32 v13, v56;
	v56 =	vld [tilespmem:$0x1FB40]  }
0x79a: {  	v3 =	vadd.f32 v4, v6;
	v4 =	vmul.f32 v9, v15;
	v10 =	vadd.f32 v19, v10;
	v19 =	vld [tilespmem:$0x1FB50]  }
0x79b: {  	v29 =	vmul.f32 v29, v60;
	v23 =	vmul.f32 v23, v26  }
0x79c: {  	v27 =	vmul.f32 v27, v16;
	v40 =	vmul.f32 v40, v30;
	v0 =	vadd.f32 v4, v0  }
0x79d: {  	v17 =	vmul.f32 v21, v26;
	v21 =	vpop (erf);
	v1 =	vadd.f32 v1, v2;
	v6 =	vadd.f32 v14, v53  }
0x79e: {  	(xrf2) =	vadd.scan.msk.f32 $0xffff, v5;
	v14 =	vadd.f32 v29, v56;
	v53 =	vadd.f32 $1.000000000e+00, v21;
	v21 =	vmul.f32 v22, v26  }
0x79f: {  	v29 =	vmul.f32 v18, v15;
	v22, _, _ =	vpop (xrf2);
	v19 =	vmul.f32 v19, v26;
	(xrf2) =	vadd.scan.msk.f32 $0xffff, v0;
	v0 =	vadd.f32 v17, v8  }
0x7a0: {  	(v2sf) =	vpush v22, $0xF;
	(erf) = vrcp.f32 v53;
	v2 =	vadd.f32 v21, v7  }
0x7a1: {  	v56 =	vld [tilespmem:$0x1FB60];
	v17, _, _ =	vpop (xrf2);
	v53 =	vmul.f32 v32, v16;
	v13 =	vadd.f32 v19, v13;
	v19 =	vmul.f32 v33, v16  }
0x7a2: {  	v8 =	vld [tilespmem:$0x1FB70];
	(v2sf) =	vpush v17, $0xF;
	v32 =	vmul.f32 v36, v16;
	v17 =	vmul.f32 v25, v63  }
0x7a3: {  	v3 =	vadd.f32 v29, v3;
	v29 =	vld [tilespmem:$0x1FB80];
	v25 =	vmul.f32 v45, v30;
	v45 =	vmul.f32 v50, v30  }
0x7a4: {  	v33, _, _ =	vpop (xrf2);
	v1 =	vadd.f32 v53, v1;
	v2 =	vadd.f32 v19, v2;
	v53 =	vmul.f32 v42, v63  }
0x7a5: {  	(v2sf) =	vpush v33, $0xF;
	v19 =	vmul.f32 v48, v63;
	v33 =	vmul.f32 v55, v31  }
0x7a6: {  	v42 =	vmul.f32 v47, v30;
	v4 =	vmul.f32 v56, v26  }
0x7a7: {  	(xrf2) =	vadd.scan.msk.f32 $0xffff, v10;
	v47 =	vmul.f32 v51, v31;
	v5 =	vmul.f32 v8, v26  }
0x7a8: {  	v56 =	vadd.f32 v23, v20;
	v8 =	vmul.f32 v29, v16;
	v4 =	vadd.f32 v4, v6  }
0x7a9: {  	(xrf2) =	vadd.scan.msk.f32 $0xffff, v3;
	v5 =	vadd.f32 v5, v14;
	v29 =	vmul.f32 v35, v16;
	v35 =	vmul.f32 v37, v16;
	v36, _, _ =	vpop (xrf2)  }
0x7aa: {  	v6 =	vadd.f32 v27, v56;
	v37 =	vmul.f32 v39, v63;
	(v2sf) =	vpush v36, $0xF  }
0x7ab: {  	v39 =	vmul.f32 v41, v63;
	v0 =	vadd.f32 v8, v0;
	v8 =	vadd.f32 v29, v13  }
0x7ac: {  	v56 =	vmul.f32 v24, v63;
	v4 =	vadd.f32 v32, v4;
	v3 =	vadd.f32 v35, v5  }
0x7ad: {  	v27 =	vmul.f32 v12, v30;
	v1 =	vadd.f32 v37, v1;
	v2 =	vadd.f32 v39, v2  }
0x7ae: {  	v6 =	vadd.f32 v53, v6;
	v32 =	vmul.f32 v52, v30;
	v41, _, _ =	vpop (xrf2);
	v0 =	vadd.f32 v17, v0  }
0x7af: {  	v24 =	vmul.f32 v44, v63;
	(v2sf) =	vpush v41, $0xF;
	v8 =	vadd.f32 v56, v8  }
0x7b0: {  	v48 =	vmul.f32 v9, v31;
	v1 =	vadd.f32 v27, v1;
	v2 =	vadd.f32 v32, v2  }
0x7b1: {  	v29 =	vmul.f32 v49, v31;
	v17, _, _ =	vpop (xrf2);
	v4 =	vadd.f32 v24, v4;
	v0 =	vadd.f32 v25, v0  }
0x7b2: {  	s22 =	simm.s32 $0xF600;
	v51 =	vmul.f32 v54, v31;
	s29 =	spop (v2sf);
	v44 =	vadd.f32 v19, v3;
	v12 =	vpop (erf);
	(v2sf) =	vpush v17, $0xF  }
0x7b3: {  	v41 =	vmul.f32 v46, v30;
	v1 =	vadd.f32 v33, v1;
	v33 =	vld [tilespmem:s22+$0x190];
	v35, _, _ =	vpop (xrf2);
	v0 =	vadd.f32 v29, v0;
	s3 =	spop (v2sf)  }
0x7b4: {  	v37 =	vmul.f32 v11, v31;
	v5 =	vadd.f32 v40, v6;
	(v2sf) =	vpush v35, $0xF;
	v35 =	vld [tilespmem:s22+$0x180];
	[tilespmem:$0x1FBD0] =	vst v12;
	s3 =	sadd.f32 s3, s12  }
0x7b5: {  	v54 =	vmul.f32 v18, v31;
	v46 =	vadd.f32 v41, v8;
	v4 =	vadd.f32 v42, v4;
	v42 =	vld [tilespmem:s22+$0x1C0];
	(xrf2) =	vadd.scan.msk.f32 $0xffff, v0  }
0x7b6: {  	v2 =	vadd.f32 v37, v2;
	s15 =	spop (v2sf);
	(xrf2) =	vadd.scan.msk.f32 $0xffff, v1;
	v1 =	vadd.f32 v45, v44;
	v36 =	vmov s3  }
0x7b7: {  	v6 =	vadd.f32 v48, v46;
	v44 =	vld [tilespmem:s22+$0x1B0];
	s3 =	sadd.f32 s15, s12;
	s4 =	spop (v2sf);
	v39 =	vsub.f32 $0.0e+00, v36  }
0x7b8: {  	(xrf2) =	vadd.scan.msk.f32 $0xffff, v2;
	v2 =	vadd.f32 v47, v5;
	s18 =	sadd.f32 s4, s12;
	v36 =	vld [tilespmem:s22+$0x1A0];
	v1 =	vadd.f32 v54, v1  }
0x7b9: {  	v37 =	vmul.f32 v35, v61;
	v49 =	vmov s3;
	v0 =	vmul.f32 $1.442695020e+00, v39  }
0x7ba: {  	v29 =	vld [tilespmem:s22+$0xFFFFFE80];
	v54 =	vmul.f32 v42, v59;
	v50 =	vsub.f32 $0.0e+00, v49;
	v52 =	vmov s18  }
0x7bb: {  	v24 =	vld [tilespmem:s22+$0xFFFFFE10];
	v39 =	vmul.f32 v33, v62;
	s19 =	spop (v2sf);
	v5 =	vsub.f32 $0.0e+00, v52;
	v0 =	vbroadcast v0, $0x0  }
0x7bc: {  	(xrf2) =	vadd.scan.msk.f32 $0xffff, v2;
	s4 =	sadd.f32 s19, s12;
	v3 =	vmul.f32 $1.442695020e+00, v50;
	v50 =	vmul.f32 v44, v57  }
0x7bd: {  	(xrf2) =	vadd.scan.msk.f32 $0xffff, v6;
	v6 =	vld [tilespmem:s22+$0xFFFFFE90];
	v7 =	vadd.f32 v39, v37;
	v5 =	vmul.f32 $1.442695020e+00, v5;
	v47 =	vmul.f32 v36, v34  }
0x7be: {  	v49 =	vld [tilespmem:s22+$0xFFFFFF10];
	(erf) = vpow2.f32 v0;
	v53 =	vmov s4;
	v0 =	vadd.f32 v51, v4  }
0x7bf: {  	v39 =	vld [tilespmem:s22+$0x1E0];
	s20 =	spop (v2sf);
	v3 =	vbroadcast v3, $0x0;
	v51 =	vmul.f32 v29, v28;
	v55 =	vsub.f32 $0.0e+00, v53  }
0x7c0: {  	v46 =	vld [tilespmem:s22+$0xFFFFFF00];
	s21 =	sadd.f32 s20, s12;
	v56, _, _ =	vpop (xrf2);
	v10 =	vbroadcast v5, $0x0;
	v5 =	vmul.f32 v24, v62;
	v7 =	vadd.f32 v47, v7  }
0x7c1: {  	(v2sf) =	vpush v56, $0xF;
	(erf) = vpow2.f32 v3;
	(xrf2) =	vadd.scan.msk.f32 $0xffff, v0;
	v0 =	vmul.f32 v29, v61  }
0x7c2: {  	s10 =	spop (v2sf);
	v53 =	vld [tilespmem:s22+$0xFFFFFF80];
	v11, _, _ =	vpop (xrf2);
	v2 =	vmul.f32 $1.442695020e+00, v55;
	v8 =	vmov s21;
	(erf) = vpow2.f32 v10  }
0x7c3: {  	v47 =	vld [tilespmem:s22+$0x90];
	s23 =	sadd.f32 s10, s12;
	(v2sf) =	vpush v11, $0xF;
	v55 =	vmul.f32 v6, v43;
	v6 =	vmul.f32 v6, v62  }
0x7c4: {  	v25, _, _ =	vpop (xrf2);
	v41 =	vmul.f32 v39, v58;
	v10 =	vmul.f32 v49, v62;
	v4 =	vsub.f32 $0.0e+00, v8  }
0x7c5: {  	v37 =	vld [tilespmem:s22+$0x1F0];
	v14 =	vmov s23;
	(v2sf) =	vpush v25, $0xF;
	v25 =	vmul.f32 v46, v28  }
0x7c6: {  	v56 =	vld [tilespmem:s22+$0xFFFFFF90];
	(xrf2) =	vadd.scan.msk.f32 $0xffff, v1;
	s26 =	spop (v2sf);
	v13 =	vbroadcast v2, $0x0;
	v2 =	vsub.f32 $0.0e+00, v14;
	v45, _, _ =	vpop (xrf2);
	v4 =	vmul.f32 $1.442695020e+00, v4  }
0x7c7: {  	s4 =	sadd.f32 s26, s12;
	(v2sf) =	vpush v45, $0xF;
	v45 =	vmul.f32 v49, v43;
	v49 =	vmul.f32 v53, v28  }
0x7c8: {  	v40 =	vld [tilespmem:s22+$0x1D0];
	v7 =	vadd.f32 v50, v7;
	v48, _, _ =	vpop (xrf2);
	v12 =	vmul.f32 v53, v61;
	v53 =	vmul.f32 v47, v43  }
0x7c9: {  	v2 =	vmul.f32 $1.442695020e+00, v2;
	v32 =	vmov s4;
	(v2sf) =	vpush v48, $0xF  }
0x7ca: {  	v48 =	vmul.f32 v37, v15;
	v4 =	vbroadcast v4, $0x0;
	v1 =	vsub.f32 $0.0e+00, v32;
	v32 =	vld [tilespmem:s22+$0x10];
	v27 =	vpop (erf)  }
0x7cb: {  	v20 =	vmul.f32 v56, v43;
	(erf) = vpow2.f32 v13;
	v3 =	vadd.f32 $1.000000000e+00, v27;
	v27 =	vld [tilespmem:s22+$0x0]  }
0x7cc: {  	v22 =	vld [tilespmem:s22+$0x100];
	v7 =	vadd.f32 v54, v7;
	v2 =	vbroadcast v2, $0x0;
	(erf) = vpow2.f32 v4  }
0x7cd: {  	v23 =	vld [tilespmem:s22+$0x110];
	v0 =	vadd.f32 v6, v0;
	v4 =	vmul.f32 v24, v43;
	v24 =	vmul.f32 v40, v38  }
0x7ce: {  	v18 =	vadd.f32 v55, v51;
	(erf) = vrcp.f32 v3;
	v3 =	vmul.f32 v46, v61  }
0x7cf: {  	v52, _, _ =	vpop (xrf2);
	v7 =	vadd.f32 v24, v7;
	v46 =	vld [tilespmem:s22+$0x80];
	(erf) = vpow2.f32 v2;
	v2 =	vmul.f32 v56, v62  }
0x7d0: {  	v11 =	vld [tilespmem:s22+$0xFFFFFE00];
	(v2sf) =	vpush v52, $0xF;
	v29, _, _ =	vpop (xrf2);
	v9 =	vmul.f32 v32, v62;
	v55 =	vmul.f32 v27, v61  }
0x7d1: {  	v54 =	vld [tilespmem:s22+$0xFFFFFF20];
	v56 =	vmul.f32 v32, v43;
	(v2sf) =	vpush v29, $0xF;
	v7 =	vadd.f32 v41, v7  }
0x7d2: {  	v13 =	vld [tilespmem:s22+$0xFFFFFE20];
	v29 =	vmul.f32 v23, v43;
	v8 =	vadd.f32 v9, v55;
	v55 =	vmul.f32 v22, v28  }
0x7d3: {  	v21 =	vadd.f32 v20, v49;
	v52 =	vld [tilespmem:s22+$0xFFFFFEA0];
	v41 =	vmul.f32 v23, v62;
	v50 =	vmul.f32 v27, v28  }
0x7d4: {  	v7 =	vadd.f32 v48, v7;
	v48 =	vld [tilespmem:s22+$0x20];
	v32 =	vmul.f32 v46, v28;
	v6 =	vadd.f32 v29, v55  }
0x7d5: {  	v51 =	vmul.f32 v46, v61;
	v20 =	vadd.f32 v56, v50;
	v56 =	vmul.f32 v22, v61;
	v46 =	vld [tilespmem:s22+$0xFFFFFFA0]  }
0x7d6: {  	v23 =	vadd.f32 v53, v32;
	v32 =	vld [tilespmem:s22+$0xA0];
	[tilespmem:$0x1FB90] =	vst v6  }
0x7d7: {  	v1 =	vmul.f32 $1.442695020e+00, v1;
	v6 =	vadd.f32 v41, v56;
	v41 =	vld [tilespmem:s22+$0xFFFFFEB0];
	_ =	sdelay $0x1  }
0x7d8: {  	v1 =	vbroadcast v1, $0x0;
	_ =	sdelay $0x1  }
0x7d9: {  	(erf) = vpow2.f32 v1;
	v1 =	vmul.f32 v47, v62;
	v17 =	vld [tilespmem:s22+$0x120]  }
0x7da: {  	v24 =	vld [tilespmem:s22+$0xFFFFFE30];
	[tilespmem:$0x1FBA0] =	vst v41  }
0x7db: {  	v1 =	vadd.f32 v1, v51;
	v51 =	vld [tilespmem:s22+$0xFFFFFF30];
	_ =	sdelay $0x3  }
0x7dc: {  	(xrf2) =	vadd.scan.msk.f32 $0xffff, v7;
	v47 =	vmul.f32 v52, v34  }
0x7dd: {  	[tilespmem:$0x1FBB0] =	vst v51  }
0x7de: {  	v0 =	vadd.f32 v47, v0;
	v47 =	vld [tilespmem:s22+$0xFFFFFFB0];
	_ =	sdelay $0x2  }
0x7df: {  	v19 =	vadd.f32 v45, v25;
	v49 =	vmul.f32 v54, v34;
	v3 =	vadd.f32 v10, v3  }
0x7e0: {  	v45 =	vmul.f32 v13, v34;
	v2 =	vadd.f32 v2, v12;
	v12 =	vmul.f32 v54, v60  }
0x7e1: {  	v3 =	vadd.f32 v49, v3;
	v49 =	vmul.f32 v33, v43;
	v22 =	vmul.f32 v11, v61;
	[tilespmem:$0x1FBC0] =	vst v47  }
0x7e2: {  	v11 =	vmul.f32 v11, v28;
	v28 =	vmul.f32 v35, v28;
	v27 =	vld [tilespmem:s22+$0x30]  }
0x7e3: {  	v12 =	vadd.f32 v12, v19;
	v9 =	vmul.f32 v52, v60;
	v5 =	vadd.f32 v5, v22;
	v29 =	vld [tilespmem:s22+$0xB0]  }
0x7e4: {  	v4 =	vadd.f32 v4, v11;
	v7 =	vadd.f32 v49, v28;
	v52 =	vmul.f32 v48, v34;
	v53, _, _ =	vpop (xrf2);
	v25 =	vld [tilespmem:s22+$0x130]  }
0x7e5: {  	v10 =	vmul.f32 v13, v60;
	v9 =	vadd.f32 v9, v18;
	(v2sf) =	vpush v53, $0xF;
	v22 =	vld [tilespmem:s22+$0xFFFFFE40]  }
0x7e6: {  	v8 =	vadd.f32 v52, v8;
	v52 =	vmul.f32 v36, v60;
	v55 =	vmul.f32 v17, v34;
	v35 =	vld [tilespmem:s22+$0xFFFFFEC0]  }
0x7e7: {  	v5 =	vadd.f32 v45, v5;
	v14 =	vmul.f32 v48, v60;
	v50 =	vmul.f32 v46, v34;
	v36 =	vld [tilespmem:s22+$0xFFFFFF40]  }
0x7e8: {  	v7 =	vadd.f32 v52, v7;
	v6 =	vadd.f32 v55, v6;
	v55 =	vmul.f32 v44, v26;
	v33 =	vld [tilespmem:s22+$0xFFFFFFC0]  }
0x7e9: {  	v2 =	vadd.f32 v50, v2;
	v54 =	vmul.f32 v32, v34;
	v50 =	vmul.f32 v41, v57;
	v28 =	vld [tilespmem:s22+$0x40]  }
0x7ea: {  	v34 =	vmul.f32 v42, v16;
	v7 =	vadd.f32 v55, v7;
	v51 =	vmul.f32 v51, v57;
	v41 =	vld [tilespmem:s22+$0xC0]  }
0x7eb: {  	v4 =	vadd.f32 v10, v4;
	v32 =	vmul.f32 v32, v60;
	v56 =	vmul.f32 v24, v57;
	v43 =	vld [tilespmem:s22+$0x140]  }
0x7ec: {  	v7 =	vadd.f32 v34, v7;
	v3 =	vadd.f32 v51, v3;
	v51 =	vmul.f32 v40, v63;
	v42 =	vld [tilespmem:s22+$0xFFFFFE50]  }
0x7ed: {  	s18 =	spop (v2sf);
	v1 =	vadd.f32 v54, v1;
	v5 =	vadd.f32 v56, v5;
	v40 =	vld [tilespmem:s22+$0xFFFFFED0];
	v54 =	vmul.f32 v27, v57  }
0x7ee: {  	s20 =	spop (v2sf);
	v7 =	vadd.f32 v51, v7;
	v53 =	vmul.f32 v47, v57;
	v44 =	vld [tilespmem:s22+$0xFFFFFF50];
	v56 =	vmul.f32 v29, v57  }
0x7ef: {  	s19 =	spop (v2sf);
	v45 =	vld [tilespmem:s22+$0xFFFFFFD0];
	v57 =	vmul.f32 v25, v57;
	v8 =	vadd.f32 v54, v8;
	v54 =	vmul.f32 v39, v30  }
0x7f0: {  	s15 =	spop (v2sf);
	v14 =	vadd.f32 v14, v20;
	v23 =	vadd.f32 v32, v23;
	v51 =	vmul.f32 v46, v60;
	v47 =	vld [tilespmem:s22+$0xD0]  }
0x7f1: {  	s14 =	spop (v2sf);
	v46 =	vld [tilespmem:s22+$0xFFFFFEE0];
	v6 =	vadd.f32 v57, v6;
	v57 =	vmul.f32 v37, v31;
	v7 =	vadd.f32 v54, v7  }
0x7f2: {  	s10 =	spop (v2sf);
	v0 =	vadd.f32 v50, v0;
	v48 =	vld [tilespmem:s22+$0xFFFFFF60];
	v2 =	vadd.f32 v53, v2;
	v49 =	vmul.f32 v22, v59  }
0x7f3: {  	s4 =	spop (v2sf);
	v10 =	vld [tilespmem:s22+$0xFFFFFE70];
	v50 =	vmul.f32 v35, v59;
	v52 =	vmul.f32 v36, v59;
	v7 =	vadd.f32 v57, v7  }
0x7f4: {  	v19 =	vld [tilespmem:s22+$0x70];
	s21 =	spop (v2sf);
	v53 =	vmul.f32 v33, v59;
	v55 =	vmul.f32 v28, v59;
	v1 =	vadd.f32 v56, v1  }
0x7f5: {  	v34 =	vmul.f32 v43, v59;
	s21 =	sadd.f32 s21, s12;
	v5 =	vadd.f32 v49, v5;
	v0 =	vadd.f32 v50, v0;
	v39 =	vld [tilespmem:s22+$0x50];
	(xrf2) =	vadd.scan.msk.f32 $0xffff, v7  }
0x7f6: {  	v3 =	vadd.f32 v52, v3;
	v2 =	vadd.f32 v53, v2;
	v50 =	vld [tilespmem:s22+$0x150];
	v54 =	vmul.f32 v42, v38  }
0x7f7: {  	v56 =	vmul.f32 v41, v59;
	v53 =	vld [tilespmem:s22+$0x160];
	v6 =	vadd.f32 v34, v6;
	v57 =	vmov s21  }
0x7f8: {  	v59 =	vmul.f32 v45, v38;
	v5 =	vadd.f32 v54, v5;
	v54 =	vld [tilespmem:s22+$0xE0];
	v34 =	vsub.f32 $0.0e+00, v57  }
0x7f9: {  	v49 =	vld [tilespmem:s22+$0xFFFFFE60];
	v8 =	vadd.f32 v55, v8;
	v1 =	vadd.f32 v56, v1;
	v56 =	vmul.f32 v44, v38  }
0x7fa: {  	v52 =	vld [tilespmem:s22+$0xFFFFFFE0];
	v55 =	vmul.f32 v40, v38;
	v2 =	vadd.f32 v59, v2;
	v11 =	vmul.f32 $1.442695020e+00, v34  }
0x7fb: {  	v37 =	vld [tilespmem:s22+$0xFFFFFFF0];
	v3 =	vadd.f32 v56, v3;
	v56 =	vmul.f32 v39, v38;
	v57 =	vmul.f32 v47, v38  }
0x7fc: {  	v0 =	vadd.f32 v55, v0;
	v55 =	vld [tilespmem:s22+$0xFFFFFEF0];
	v59 =	vmul.f32 v50, v38;
	v11 =	vbroadcast v11, $0x0  }
0x7fd: {  	v13 =	vmul.f32 v53, v58;
	v7 =	vld [tilespmem:s22+$0x60];
	v1 =	vadd.f32 v57, v1;
	v18 =	vmul.f32 v54, v58  }
0x7fe: {  	v51 =	vadd.f32 v51, v21;
	v38 =	vmul.f32 v17, v60;
	(erf) = vpow2.f32 v11;
	v11 =	vld [tilespmem:s22+$0xFFFFFF70]  }
0x7ff: {  	v60 =	vmul.f32 v19, v15;
	v8 =	vadd.f32 v56, v8;
	v1 =	vadd.f32 v18, v1;
	v18 =	vld [tilespmem:s22+$0x170];
	v21, _, _ =	vpop (xrf2)  }
0x800: {  	v56 =	vmul.f32 v46, v58;
	v57 =	vmul.f32 v48, v58;
	(v2sf) =	vpush v21, $0xF;
	v21 =	vld [tilespmem:s22+$0xF0]  }
0x801: {  	v34 =	vmul.f32 v49, v58;
	v6 =	vadd.f32 v59, v6;
	v59 =	vmul.f32 v52, v58  }
0x802: {  	v0 =	vadd.f32 v56, v0;
	v3 =	vadd.f32 v57, v3;
	v56 =	vmul.f32 v10, v15  }
0x803: {  	v2 =	vadd.f32 v59, v2;
	v57 =	vmul.f32 v55, v15;
	v59 =	vld [tilespmem:$0x1FB90];
	v20 =	vmul.f32 v11, v15  }
0x804: {  	v5 =	vadd.f32 v34, v5;
	v34 =	vmul.f32 v7, v58;
	v58 =	vmul.f32 v37, v15  }
0x805: {  	v32 =	vmul.f32 v18, v15;
	v3 =	vadd.f32 v20, v3;
	v20 =	vmul.f32 v21, v15;
	v15 =	vld [tilespmem:$0x1FBB0]  }
0x806: {  	v5 =	vadd.f32 v56, v5  }
0x807: {  	v6 =	vadd.f32 v13, v6;
	v8 =	vadd.f32 v34, v8;
	v34 =	vld [tilespmem:$0x1FBA0]  }
0x808: {  	v0 =	vadd.f32 v57, v0;
	(xrf2) =	vadd.scan.msk.f32 $0xffff, v5;
	v13 =	vadd.f32 v38, v59;
	v38 =	vld [tilespmem:$0x1FBC0]  }
0x809: {  	v24 =	vmul.f32 v24, v26;
	v39 =	vmul.f32 v39, v63  }
0x80a: {  	v52 =	vmul.f32 v52, v30;
	(xrf2) =	vadd.scan.msk.f32 $0xffff, v0;
	v1 =	vadd.f32 v20, v1;
	v20 =	vmul.f32 v15, v26  }
0x80b: {  	v4 =	vadd.f32 v24, v4;
	v57 =	vmul.f32 v27, v26;
	v59 =	vmul.f32 v22, v16  }
0x80c: {  	v0 =	vmul.f32 v34, v26;
	(xrf2) =	vadd.scan.msk.f32 $0xffff, v3;
	v56 =	vadd.f32 v20, v12;
	v20 =	vmul.f32 v25, v26  }
0x80d: {  	v22 =	vmul.f32 v35, v16;
	v5 =	vadd.f32 v60, v8;
	v8 =	vmul.f32 v38, v26  }
0x80e: {  	v0 =	vadd.f32 v0, v9;
	v13 =	vadd.f32 v20, v13;
	v20 =	vmul.f32 v36, v16  }
0x80f: {  	v2 =	vadd.f32 v58, v2;
	v58 =	vmul.f32 v29, v26;
	v4 =	vadd.f32 v59, v4  }
0x810: {  	v60 =	vpop (erf);
	v8 =	vadd.f32 v8, v51;
	v0 =	vadd.f32 v22, v0;
	v22 =	vmul.f32 v33, v16  }
0x811: {  	v6 =	vadd.f32 v32, v6;
	v3 =	vadd.f32 v58, v23;
	v32 =	vpop (erf);
	v23 =	vmul.f32 v28, v16;
	(xrf2) =	vadd.scan.msk.f32 $0xffff, v2  }
0x812: {  	v8 =	vadd.f32 v22, v8;
	v22 =	vmul.f32 v43, v16;
	v9 =	vadd.f32 v20, v56;
	v20, _, _ =	vpop (xrf2)  }
0x813: {  	v10 =	vmul.f32 v10, v31;
	v12 =	vadd.f32 v57, v14;
	(v2sf) =	vpush v20, $0xF;
	v20 =	vpop (erf)  }
0x814: {  	v34 =	vmul.f32 v42, v63;
	v13 =	vadd.f32 v22, v13;
	v22 =	vmul.f32 v40, v63;
	(xrf2) =	vadd.scan.msk.f32 $0xffff, v5;
	v36, _, _ =	vpop (xrf2)  }
0x815: {  	v7 =	vmul.f32 v7, v30;
	v35 =	vmul.f32 v44, v63;
	v12 =	vadd.f32 v23, v12;
	v23 =	vpop (erf)  }
0x816: {  	v38 =	vmul.f32 v45, v63;
	v45 =	vmul.f32 v49, v30;
	v4 =	vadd.f32 v34, v4;
	v42, _, _ =	vpop (xrf2)  }
0x817: {  	v2 =	vadd.f32 $1.000000000e+00, v60;
	v60 =	vadd.f32 $1.000000000e+00, v32;
	v33 =	vmul.f32 v41, v16;
	v5 =	vpop (erf)  }
0x818: {  	v34 =	vmul.f32 v19, v31;
	v0 =	vadd.f32 v22, v0;
	(v2sf) =	vpush v36, $0xF;
	(xrf2) =	vadd.scan.msk.f32 $0xffff, v1;
	v22 =	vpop (erf)  }
0x819: {  	v51 =	vmul.f32 v48, v30;
	v4 =	vadd.f32 v45, v4;
	v3 =	vadd.f32 v33, v3;
	v44 =	vpop (erf)  }
0x81a: {  	v41 =	vmul.f32 v50, v63;
	v8 =	vadd.f32 v38, v8;
	(v2sf) =	vpush v42, $0xF;
	v49 =	vpop (erf)  }
0x81b: {  	v4 =	vadd.f32 v10, v4;
	v40 =	vmul.f32 v47, v63;
	v47, _, _ =	vpop (xrf2);
	v24 =	vadd.f32 $1.000000000e+00, v49  }
0x81c: {  	v50 =	vmul.f32 v46, v30;
	v8 =	vadd.f32 v52, v8;
	(v2sf) =	vpush v47, $0xF  }
0x81d: {  	v57 =	vmul.f32 v53, v30;
	v43 =	vadd.f32 v39, v12;
	(erf) = vrcp.f32 v24  }
0x81e: {  	v56 =	vmul.f32 v54, v30;
	v9 =	vadd.f32 v35, v9;
	v58, _, _ =	vpop (xrf2);
	(xrf2) =	vadd.scan.msk.f32 $0xffff, v6;
	(erf) = vrcp.f32 v2  }
0x81f: {  	v30 =	vmul.f32 v37, v31;
	v3 =	vadd.f32 v40, v3;
	v13 =	vadd.f32 v41, v13  }
0x820: {  	v24 =	vadd.f32 $1.000000000e+00, v20;
	(v2sf) =	vpush v58, $0xF;
	(erf) = vrcp.f32 v60;
	(xrf2) =	vadd.scan.msk.f32 $0xffff, v4  }
0x821: {  	v63 =	vmul.f32 v55, v31;
	v8 =	vadd.f32 v30, v8;
	v27 =	vadd.f32 $1.000000000e+00, v23  }
0x822: {  	v29 =	vld [tilespmem:$0x1FBD0];
	s28 =	spop (v2sf);
	v0 =	vadd.f32 v50, v0;
	v9 =	vadd.f32 v51, v9;
	v26, _, _ =	vpop (xrf2);
	(erf) = vrcp.f32 v24  }
0x823: {  	s1 =	sadd.f32 s29, s17;
	v1 =	vadd.f32 v7, v43;
	(erf) = vrcp.f32 v27;
	s29 =	spop (v2sf);
	(v2sf) =	vpush v26, $0xF  }
0x824: {  	s26 =	sadd.f32 s20, s17;
	v25 =	vmul.f32 v11, v31;
	v0 =	vadd.f32 v63, v0;
	v33 =	vadd.f32 $1.000000000e+00, v22  }
0x825: {  	v40 =	vmul.f32 v18, v31;
	v3 =	vadd.f32 v56, v3;
	v59 =	vadd.f32 v57, v13;
	s21 =	sadd.f32 s29, s12  }
0x826: {  	s15 =	sadd.f32 s15, s17;
	v36 =	vmul.f32 v21, v31;
	v35 =	vadd.f32 $1.000000000e+00, v44;
	(xrf2) =	vadd.scan.msk.f32 $0xffff, v0;
	(erf) = vrcp.f32 v33;
	v37 =	vpop (erf)  }
0x827: {  	s22 =	sadd.f32 s18, s17;
	v7 =	vmul.f32 s1, v29;
	v28 =	vadd.f32 v25, v9;
	v32 =	vmov s21;
	s21 =	spop (v2sf);
	v45 =	vpop (erf)  }
0x828: {  	v41 =	vadd.f32 v36, v3;
	(erf) = vrcp.f32 v35;
	v2 =	vsub.f32 $0.0e+00, v32;
	s1 =	sadd.f32 s21, s12;
	v42, _, _ =	vpop (xrf2)  }
0x829: {  	s3 =	sadd.f32 s28, s17;
	v5 =	vmul.f32 s22, v5;
	v17 =	vadd.f32 v40, v59;
	v0 =	vadd.f32 v34, v1;
	(xrf2) =	vadd.scan.msk.f32 $0xffff, v28;
	s23 =	spop (v2sf);
	v47 =	vpop (erf)  }
0x82a: {  	s18 =	simm.s32 $0x14780;
	(v2sf) =	vpush v42, $0xF;
	v50, _, _ =	vpop (xrf2);
	v2 =	vmul.f32 $1.442695020e+00, v2;
	v38 =	vmov s1;
	s1 =	sadd.f32 s23, s12  }
0x82b: {  	[tilespmem:s18+$0x180] =	vst v7;
	v39 =	vmul.f32 s3, v37;
	v48 =	vmul.f32 s26, v45;
	s21 =	sadd.f32 s14, s17;
	s29 =	spop (v2sf);
	v52 =	vpop (erf);
	(v2sf) =	vpush v50, $0xF  }
0x82c: {  	[tilespmem:s18+$0xFFFFFE00] =	vst v5;
	v55 =	vpop (erf);
	v11 =	vsub.f32 $0.0e+00, v38;
	v2 =	vbroadcast v2, $0x0;
	v44 =	vmov s1;
	s1 =	sadd.f32 s29, s12  }
0x82d: {  	s28 =	sadd.f32 s19, s17;
	s19 =	simm.s32 $0x14B80;
	(xrf2) =	vadd.scan.msk.f32 $0xffff, v8;
	v54 =	vmul.f32 s15, v52;
	v58 =	vmul.f32 s21, v55;
	v46 =	vsub.f32 $0.0e+00, v44  }
0x82e: {  	s22 =	sadd.f32 s10, s17;
	[tilespmem:s19+$0x180] =	vst v39;
	v43 =	vmul.f32 $1.442695020e+00, v11;
	(erf) = vpow2.f32 v2;
	v51 =	vmov s1  }
0x82f: {  	(xrf2) =	vadd.scan.msk.f32 $0xffff, v0;
	v59 =	vpop (erf);
	v2 =	vmul.f32 s28, v47;
	s23 =	spop (v2sf);
	s28 =	sadd.f32 s4, s17;
	v4 =	vmul.f32 $1.442695020e+00, v46;
	v53 =	vsub.f32 $0.0e+00, v51  }
0x830: {  	[tilespmem:s18+$0xFFFFFE80] =	vst v48;
	v57, _, _ =	vpop (xrf2);
	(xrf2) =	vadd.scan.msk.f32 $0xffff, v41;
	v18 =	vmul.f32 s22, v59;
	v49 =	vbroadcast v43, $0x0;
	s26 =	sadd.f32 s23, s12  }
0x831: {  	[tilespmem:s18+$0xFFFFFF80] =	vst v54;
	(v2sf) =	vpush v57, $0xF;
	v63 =	vpop (erf);
	v56 =	vbroadcast v4, $0x0;
	v3 =	vmul.f32 $1.442695020e+00, v53  }
0x832: {  	s20 =	simm.s32 $0x8;
	s10 =	simm.s32 $0x0;
	[tilespmem:s18+$0x0] =	vst v58;
	v19 =	vmul.f32 s28, v63;
	(erf) = vpow2.f32 v49;
	v60 =	vmov s26;
	s29 =	spop (v2sf)  }
0x833: {  	s3 =	simm.s32 $0xFA00;
	v21, _, _ =	vpop (xrf2);
	s1 =	simm.s32 $0x14780;
	[tilespmem:s18+$0xFFFFFF00] =	vst v2;
	v22 =	vsub.f32 $0.0e+00, v60;
	(erf) = vpow2.f32 v56;
	v20 =	vbroadcast v3, $0x0;
	s4 =	sadd.f32 s29, s12  }
.LBB2_20:
0x834: {  	v26 =	vld [tilespmem:s3+$0x180]  }
0x835: {  	v29 =	vld [tilespmem:s3+$0x190]  }
0x836: {  	v3 =	vld [tilespmem:s3+$0xFFFFFE10]  }
0x837: {  	v30 =	vld [tilespmem:s3+$0x1A0]  }
0x838: {  	v52 =	vld [tilespmem:s3+$0xFFFFFE80]  }
0x839: {  	v31 =	vld [tilespmem:s3+$0x1B0]  }
0x83a: {  	v56 =	vld [tilespmem:s3+$0xFFFFFE90]  }
0x83b: {  	v45 =	vld [tilespmem:$0x1FF20]  }
0x83c: {  	v34 =	vld [tilespmem:s3+$0x1C0]  }
0x83d: {  	v9 =	vld [tilespmem:s3+$0xFFFFFF00]  }
0x83e: {  	v63 =	vld [tilespmem:$0x1FF00]  }
0x83f: {  	v47 =	vld [tilespmem:$0x1FF10]  }
0x840: {  	v35 =	vld [tilespmem:s3+$0x1D0];
	v0 =	vmul.f32 $1.442695020e+00, v22;
	v1 =	vmov s4  }
0x841: {  	v46 =	vld [tilespmem:$0x1FFB0];
	v1 =	vsub.f32 $0.0e+00, v1  }
0x842: {  	v50 =	vld [tilespmem:$0x1FFC0];
	v0 =	vbroadcast v0, $0x0  }
0x843: {  	v60 =	vld [tilespmem:s3+$0xFFFFFF10];
	v7 =	vmul.f32 $1.442695020e+00, v1;
	v57 =	vmul.f32 v26, v61  }
0x844: {  	(v2sf) =	vpush v21, $0xF;
	v37 =	vld [tilespmem:s3+$0x1E0];
	v58 =	vmul.f32 v29, v62;
	v1 =	vmul.f32 v3, v45  }
0x845: {  	v32 =	vld [tilespmem:s3+$0xFFFFFF80];
	v3 =	vmul.f32 v3, v62;
	v59 =	vmul.f32 v30, v63  }
0x846: {  	v41 =	vld [tilespmem:s3+$0xFFFFFF90];
	v11 =	vmul.f32 v52, v47;
	v27 =	vmul.f32 v31, v46  }
0x847: {  	v21 =	vld [tilespmem:s3+$0x0];
	v15 =	vmul.f32 v56, v45;
	v33 =	vmul.f32 v34, v50;
	v2 =	vpop (erf)  }
0x848: {  	v44 =	vld [tilespmem:s3+$0x10];
	(xrf2) =	vadd.scan.msk.f32 $0xffff, v17;
	v36 =	vmul.f32 v9, v47;
	(erf) = vpow2.f32 v20;
	v2 =	vadd.f32 $1.000000000e+00, v2;
	v6 =	vpop (erf)  }
0x849: {  	[tilespmem:s1+$0x80] =	vst v18;
	v18 =	vld [tilespmem:$0x1FFE0];
	(erf) = vpow2.f32 v0;
	v53 =	vadd.f32 $1.000000000e+00, v6;
	v6 =	vadd.f32 v58, v57  }
0x84a: {  	(erf) = vrcp.f32 v2;
	v2 =	vmul.f32 v56, v62;
	v56 =	vld [tilespmem:$0x1FFD0]  }
0x84b: {  	v40 =	vld [tilespmem:s3+$0x1F0];
	v38 =	vmul.f32 v9, v61;
	v43 =	vmul.f32 v60, v45;
	v6 =	vadd.f32 v59, v6  }
0x84c: {  	[tilespmem:s1+$0x100] =	vst v19;
	v19 =	vld [tilespmem:$0x1FFF0];
	v51 =	vmul.f32 v32, v47;
	v23 =	vmul.f32 v21, v61  }
0x84d: {  	v39 =	vld [tilespmem:s3+$0xFFFFFEB0];
	v48 =	vmul.f32 v44, v45;
	v54 =	vbroadcast v7, $0x0;
	v6 =	vadd.f32 v27, v6  }
0x84e: {  	v16 =	vld [tilespmem:$0x1FF40];
	v49 =	vmul.f32 v37, v18;
	v4, _, _ =	vpop (xrf2);
	v24 =	vadd.f32 v15, v11;
	v25 =	vadd.f32 v43, v36  }
0x84f: {  	v22 =	vld [tilespmem:s3+$0x100];
	v11 =	vmul.f32 v41, v62;
	v8 =	vpop (erf);
	v6 =	vadd.f32 v33, v6;
	v42 =	vmul.f32 v35, v56  }
0x850: {  	v36 =	vld [tilespmem:s3+$0xFFFFFE20];
	v55, _, _ =	vpop (xrf2);
	v14 =	vadd.f32 $1.000000000e+00, v8;
	v8 =	vmul.f32 v44, v62;
	s23 =	spop (v2sf);
	(v2sf) =	vpush v4, $0xF  }
0x851: {  	v43 =	vld [tilespmem:s3+$0xFFFFFFA0];
	v58 =	vmul.f32 v40, v19;
	v10, _, _ =	vpop (xrf2);
	(v2sf) =	vpush v55, $0xF;
	s26 =	spop (v2sf);
	v6 =	vadd.f32 v42, v6  }
0x852: {  	[tilespmem:$0x1FAD0] =	vst v53;
	v53 =	vld [tilespmem:s3+$0x80];
	v59 =	vmul.f32 v41, v45;
	v28, _, _ =	vpop (xrf2);
	v8 =	vadd.f32 v8, v23;
	(v2sf) =	vpush v10, $0xF;
	s28 =	spop (v2sf)  }
0x853: {  	v4 =	vmul.f32 v52, v61;
	v33 =	vld [tilespmem:s3+$0xFFFFFE00];
	s14 =	spop (v2sf);
	(v2sf) =	vpush v28, $0xF;
	v6 =	vadd.f32 v49, v6  }
0x854: {  	v52 =	vmul.f32 v32, v61;
	v27 =	vadd.f32 v59, v51;
	v12 =	vpop (erf);
	(erf) = vpow2.f32 v54;
	v54 =	vld [tilespmem:s3+$0x90]  }
0x855: {  	v17 =	vld [tilespmem:$0x1FF80];
	v59 =	vmul.f32 v22, v61;
	s4 =	sadd.f32 s23, s12;
	v10 =	vmul.f32 v60, v62;
	v6 =	vadd.f32 v58, v6  }
0x856: {  	v32 =	vld [tilespmem:s3+$0x110];
	v51 =	vmul.f32 v43, v63;
	v0 =	vadd.f32 v2, v4;
	v60 =	vmul.f32 v21, v47  }
0x857: {  	v41 =	vld [tilespmem:s3+$0xFFFFFF20];
	v5 =	vmov s4;
	v55 =	vmul.f32 v53, v61;
	v9 =	vpop (erf);
	v4 =	vadd.f32 v10, v38;
	(xrf2) =	vadd.scan.msk.f32 $0xffff, v6  }
0x858: {  	v10 =	vadd.f32 v11, v52;
	v52 =	vld [tilespmem:s3+$0x20];
	v42 =	vmul.f32 v36, v63;
	v13 =	vpop (erf);
	v49 =	vmul.f32 v53, v47  }
0x859: {  	v5 =	vsub.f32 $0.0e+00, v5;
	[tilespmem:$0x1FB10] =	vst v13;
	v38 =	vmul.f32 v33, v47;
	v13 =	vld [tilespmem:$0x1FF30];
	v2 =	vmul.f32 v54, v62  }
0x85a: {  	v12 =	vadd.f32 $1.000000000e+00, v12;
	v58 =	vmul.f32 v22, v47;
	v47 =	vmul.f32 v26, v47;
	v26 =	vld [tilespmem:s3+$0xFFFFFE40]  }
0x85b: {  	v28 =	vadd.f32 v48, v60;
	v60 =	vmul.f32 v32, v45;
	v7 =	vmul.f32 v33, v61;
	v6 =	vld [tilespmem:s3+$0xFFFFFEA0]  }
0x85c: {  	v5 =	vmul.f32 $1.442695020e+00, v5;
	v57 =	vmul.f32 v54, v45;
	v2 =	vadd.f32 v2, v55;
	v55 =	vld [tilespmem:s3+$0xA0]  }
0x85d: {  	v23 =	vmul.f32 v32, v62;
	v44 =	vadd.f32 v3, v7;
	v33 =	vadd.f32 v60, v58;
	v58 =	vld [tilespmem:s3+$0x120]  }
0x85e: {  	v5 =	vbroadcast v5, $0x0;
	v32 =	vadd.f32 v57, v49;
	v57 =	vadd.f32 v1, v38;
	v38 =	vld [tilespmem:s3+$0xFFFFFE30]  }
0x85f: {  	v11 =	vadd.f32 v23, v59;
	v49 =	vmul.f32 v41, v63;
	v1 =	vadd.f32 v42, v44;
	v42 =	vld [tilespmem:s3+$0x30];
	s15 =	spop (v2sf)  }
0x860: {  	v23 =	vadd.f32 $1.000000000e+00, v9;
	v53 =	vmul.f32 v52, v63;
	(erf) = vpow2.f32 v5;
	v44 =	vld [tilespmem:s3+$0x130];
	s22 =	spop (v2sf)  }
0x861: {  	v59 =	vmul.f32 v36, v13;
	v4 =	vadd.f32 v49, v4;
	v36 =	vld [tilespmem:s3+$0xFFFFFF30];
	v61 =	vmul.f32 v41, v13;
	s23 =	spop (v2sf);
	v62, _, _ =	vpop (xrf2)  }
0x862: {  	s21 =	sadd.f32 s26, s17;
	v49 =	vmul.f32 v39, v46;
	s26 =	spop (v2sf);
	(v2sf) =	vpush v62, $0xF;
	v62 =	vmul.f32 v43, v13;
	v43 =	vld [tilespmem:s3+$0xB0]  }
0x863: {  	[tilespmem:$0x1FAF0] =	vst v12;
	v3 =	vadd.f32 v51, v10;
	v15 =	vpop (erf);
	v41 =	vld [tilespmem:s3+$0xFFFFFFB0];
	v48 =	vmul.f32 v6, v63;
	v20 =	vmul.f32 v6, v13  }
0x864: {  	v5 =	vadd.f32 v53, v8;
	[tilespmem:$0x1FB00] =	vst v15;
	v15 =	vld [tilespmem:$0x1FF70];
	v54 =	vmul.f32 v55, v63;
	v12 =	vmul.f32 v58, v63  }
0x865: {  	v60 =	vmul.f32 v42, v46;
	v0 =	vadd.f32 v48, v0;
	v48 =	vmul.f32 v29, v45;
	v29 =	vld [tilespmem:s3+$0xFFFFFEC0]  }
0x866: {  	[tilespmem:$0x1FAE0] =	vst v14;
	v14 =	vmul.f32 v38, v46;
	v2 =	vadd.f32 v54, v2;
	v6 =	vadd.f32 v12, v11;
	v45 =	vld [tilespmem:s3+$0xFFFFFF40]  }
0x867: {  	v51 =	vmul.f32 v36, v46;
	v5 =	vadd.f32 v60, v5;
	v60 =	vld [tilespmem:$0x1FF50];
	v63 =	vmul.f32 v43, v46  }
0x868: {  	v1 =	vadd.f32 v14, v1;
	v54 =	vmul.f32 v30, v13;
	v30 =	vld [tilespmem:s3+$0xFFFFFFC0];
	v8 =	vadd.f32 v48, v47  }
0x869: {  	v53 =	vmul.f32 v41, v46;
	v4 =	vadd.f32 v51, v4;
	v51 =	vadd.f32 v63, v2;
	v2 =	vld [tilespmem:$0x1FF60]  }
0x86a: {  	v12 =	vmul.f32 v31, v16;
	v31 =	vld [tilespmem:s3+$0x40];
	v14 =	vmul.f32 v44, v46;
	v8 =	vadd.f32 v54, v8  }
0x86b: {  	v0 =	vadd.f32 v49, v0;
	v3 =	vadd.f32 v53, v3;
	v53 =	vmul.f32 v26, v50;
	v49 =	vld [tilespmem:s3+$0x140]  }
0x86c: {  	v9 =	vmul.f32 v40, v17;
	v8 =	vadd.f32 v12, v8;
	v34 =	vmul.f32 v34, v60;
	v46 =	vld [tilespmem:s3+$0xC0]  }
0x86d: {  	v6 =	vadd.f32 v14, v6;
	v1 =	vadd.f32 v53, v1;
	v54 =	vmul.f32 v29, v50  }
0x86e: {  	v40 =	vld [tilespmem:s3+$0xD0];
	v53 =	vmul.f32 v30, v50;
	v8 =	vadd.f32 v34, v8;
	v14 =	vmul.f32 v35, v2  }
0x86f: {  	v11 =	vmul.f32 v31, v50;
	v63 =	vmul.f32 v45, v50;
	v35 =	vld [tilespmem:s3+$0xFFFFFF50]  }
0x870: {  	v47 =	vld [tilespmem:s3+$0xFFFFFE50];
	v0 =	vadd.f32 v54, v0;
	v54 =	vmul.f32 v37, v15;
	v8 =	vadd.f32 v14, v8  }
0x871: {  	v34 =	vld [tilespmem:s3+$0x50];
	v4 =	vadd.f32 v63, v4;
	v63 =	vmul.f32 v46, v50;
	v50 =	vmul.f32 v49, v50  }
0x872: {  	s4 =	sadd.f32 s28, s17;
	v48 =	vld [tilespmem:s3+$0xFFFFFED0];
	s28 =	spop (v2sf);
	v8 =	vadd.f32 v54, v8  }
0x873: {  	v21 =	vmul.f32 v52, v13;
	v10 =	vadd.f32 v50, v6;
	v50 =	vld [tilespmem:s3+$0x150];
	s28 =	sadd.f32 s28, s12  }
0x874: {  	v3 =	vadd.f32 v53, v3;
	v37 =	vld [tilespmem:s3+$0xFFFFFFD0];
	v8 =	vadd.f32 v9, v8;
	v9 =	vmul.f32 v35, v56  }
0x875: {  	v53 =	vmul.f32 v47, v56;
	v5 =	vadd.f32 v11, v5;
	v14 =	vmov s28  }
0x876: {  	v52 =	vld [tilespmem:s3+$0xFFFFFEE0];
	(xrf2) =	vadd.scan.msk.f32 $0xffff, v8;
	v4 =	vadd.f32 v9, v4;
	v8 =	vmul.f32 v34, v56;
	v9 =	vsub.f32 $0.0e+00, v14  }
0x877: {  	v1 =	vadd.f32 v53, v1;
	v63 =	vadd.f32 v63, v51;
	v51 =	vld [tilespmem:s3+$0xFFFFFE60];
	v54 =	vmul.f32 v48, v56  }
0x878: {  	v53 =	vld [tilespmem:s3+$0xFFFFFFE0];
	v5 =	vadd.f32 v8, v5;
	v8 =	vmul.f32 v50, v56;
	v9 =	vmul.f32 $1.442695020e+00, v9  }
0x879: {  	v11 =	vmul.f32 v40, v56;
	v12 =	vmul.f32 v37, v56;
	v0 =	vadd.f32 v54, v0;
	v54 =	vld [tilespmem:s3+$0xFFFFFF60]  }
0x87a: {  	v7 =	vadd.f32 v8, v10;
	v8 =	vbroadcast v9, $0x0;
	v9 =	vadd.f32 v59, v57;
	v57 =	vld [tilespmem:s3+$0xFFFFFE70]  }
0x87b: {  	v6 =	vadd.f32 v11, v63;
	v63 =	vmul.f32 v52, v18;
	v14 =	vmul.f32 v55, v13;
	v55 =	vld [tilespmem:s3+$0x60]  }
0x87c: {  	v3 =	vadd.f32 v12, v3;
	v11 =	vmul.f32 v58, v13;
	v12 =	vmul.f32 v51, v18;
	v56 =	vld [tilespmem:s3+$0xE0]  }
0x87d: {  	v22 =	vpop (erf);
	v58 =	vld [tilespmem:s3+$0x160];
	v0 =	vadd.f32 v63, v0;
	v63 =	vmul.f32 v53, v18;
	(erf) = vpow2.f32 v8  }
0x87e: {  	v21 =	vadd.f32 v21, v28;
	v28 =	vld [tilespmem:s3+$0x170];
	v1 =	vadd.f32 v12, v1;
	v12 =	vmul.f32 v54, v18  }
0x87f: {  	v36 =	vmul.f32 v36, v16;
	v3 =	vadd.f32 v63, v3;
	v59 =	vld [tilespmem:s3+$0xFFFFFEF0];
	v63 =	vmul.f32 v57, v19  }
0x880: {  	v4 =	vadd.f32 v12, v4;
	v12 =	vmul.f32 v55, v18;
	v8 =	vadd.f32 v20, v24;
	v24 =	vld [tilespmem:s3+$0xFFFFFF70]  }
0x881: {  	v20 =	vadd.f32 v61, v25;
	v25 =	vld [tilespmem:s3+$0xFFFFFFF0];
	v10 =	vmul.f32 v56, v18;
	v1 =	vadd.f32 v63, v1  }
0x882: {  	v61 =	vadd.f32 v62, v27;
	v27 =	vld [tilespmem:s3+$0x70];
	v5 =	vadd.f32 v12, v5;
	v12 =	vmul.f32 v58, v18  }
0x883: {  	v26 =	vmul.f32 v26, v60;
	v11 =	vadd.f32 v11, v33;
	v18 =	vld [tilespmem:s3+$0xF0];
	v10 =	vadd.f32 v10, v6;
	v62, _, _ =	vpop (xrf2);
	(xrf2) =	vadd.scan.msk.f32 $0xffff, v1  }
0x884: {  	v13 =	vmul.f32 v59, v19;
	v6 =	vadd.f32 v12, v7;
	(v2sf) =	vpush v62, $0xF  }
0x885: {  	v7 =	vadd.f32 v14, v32;
	v32 =	vmul.f32 v38, v16;
	v12 =	vmul.f32 v24, v19  }
0x886: {  	v0 =	vadd.f32 v13, v0;
	v63 =	vmul.f32 v25, v19;
	v1 =	vmul.f32 v39, v16;
	v39 =	vpop (erf)  }
0x887: {  	v38 =	vmul.f32 v27, v19;
	v24 =	vmul.f32 v24, v17;
	v33 =	vadd.f32 $1.000000000e+00, v39  }
0x888: {  	v13 =	vmul.f32 v18, v19;
	v4 =	vadd.f32 v12, v4;
	v12 =	vmul.f32 v28, v19;
	(xrf2) =	vadd.scan.msk.f32 $0xffff, v0  }
0x889: {  	(erf) = vrcp.f32 v33;
	v33 =	vmul.f32 v44, v16  }
0x88a: {  	v3 =	vadd.f32 v63, v3;
	v63 =	vmul.f32 v41, v16;
	v41 =	vmul.f32 v29, v60;
	(xrf2) =	vadd.scan.msk.f32 $0xffff, v4  }
0x88b: {  	v5 =	vadd.f32 v38, v5;
	v38 =	vmul.f32 v48, v2;
	v48 =	vmul.f32 v51, v15  }
0x88c: {  	v51 =	vmul.f32 v54, v15;
	v29 =	vmul.f32 v27, v17;
	v0 =	vadd.f32 v32, v9  }
0x88d: {  	v32 =	vmul.f32 v43, v16;
	v44 =	vmul.f32 v45, v60;
	v45 =	vadd.f32 v33, v11;
	v33, _, _ =	vpop (xrf2);
	(xrf2) =	vadd.scan.msk.f32 $0xffff, v3  }
0x88e: {  	v1 =	vadd.f32 v1, v8;
	v8 =	vadd.f32 v36, v20;
	v36 =	vmul.f32 v47, v2  }
0x88f: {  	v6 =	vadd.f32 v12, v6;
	v47 =	vmul.f32 v50, v2;
	v50 =	vmul.f32 v52, v15  }
0x890: {  	v52 =	vmul.f32 v53, v15;
	v53 =	vmul.f32 v55, v15;
	(v2sf) =	vpush v33, $0xF  }
0x891: {  	v55 =	vmul.f32 v56, v15;
	v56 =	vmul.f32 v58, v15;
	v39 =	vadd.f32 v13, v10;
	(xrf2) =	vadd.scan.msk.f32 $0xffff, v5  }
0x892: {  	v13 =	vmul.f32 v42, v16;
	v42 =	vadd.f32 v63, v61;
	v4 =	vadd.f32 v44, v8;
	v44, _, _ =	vpop (xrf2)  }
0x893: {  	v58 =	vmul.f32 v57, v17;
	v7 =	vadd.f32 v32, v7;
	(xrf2) =	vadd.scan.msk.f32 $0xffff, v39;
	s29 =	spop (v2sf);
	(v2sf) =	vpush v44, $0xF  }
0x894: {  	v63 =	vmul.f32 v30, v60;
	v32 =	vmul.f32 v49, v60;
	v1 =	vadd.f32 v41, v1;
	v49, _, _ =	vpop (xrf2);
	(xrf2) =	vadd.scan.msk.f32 $0xffff, v6  }
0x895: {  	v0 =	vadd.f32 v26, v0;
	v30 =	vmul.f32 v31, v60;
	v31 =	vmul.f32 v46, v60  }
0x896: {  	v46 =	vmul.f32 v40, v2;
	v1 =	vadd.f32 v38, v1;
	v38 =	vld [tilespmem:$0x1FAF0];
	(v2sf) =	vpush v49, $0xF  }
0x897: {  	v26 =	vmul.f32 v25, v17;
	v43 =	vadd.f32 v13, v21;
	v0 =	vadd.f32 v36, v0;
	v33 =	vld [tilespmem:$0x1FAD0];
	v54, _, _ =	vpop (xrf2)  }
0x898: {  	v9 =	vadd.f32 v32, v45;
	v45 =	vmul.f32 v34, v2;
	v34 =	vld [tilespmem:$0x1FAE0];
	(v2sf) =	vpush v54, $0xF  }
0x899: {  	v41 =	vmul.f32 v35, v2;
	v7 =	vadd.f32 v31, v7;
	v0 =	vadd.f32 v48, v0;
	v39 =	vld [tilespmem:$0x1FB00]  }
0x89a: {  	v60 =	vmul.f32 v59, v17;
	v11 =	vadd.f32 v63, v42;
	v1 =	vadd.f32 v50, v1  }
0x89b: {  	v10 =	vadd.f32 v30, v43;
	v43 =	vmul.f32 v37, v2;
	v0 =	vadd.f32 v58, v0;
	v14, _, _ =	vpop (xrf2)  }
0x89c: {  	v1 =	vadd.f32 v60, v1;
	v42 =	vpop (erf);
	(erf) = vrcp.f32 v33;
	(v2sf) =	vpush v14, $0xF  }
0x89d: {  	v7 =	vadd.f32 v46, v7;
	v30 =	vmul.f32 v18, v17;
	(erf) = vrcp.f32 v34;
	v32, _, _ =	vpop (xrf2);
	(xrf2) =	vadd.scan.msk.f32 $0xffff, v0  }
0x89e: {  	v4 =	vadd.f32 v41, v4;
	(erf) = vrcp.f32 v38;
	v37, _, _ =	vpop (xrf2);
	(xrf2) =	vadd.scan.msk.f32 $0xffff, v1;
	v1 =	vadd.f32 $1.000000000e+00, v39  }
0x89f: {  	v7 =	vadd.f32 v55, v7;
	s28 =	sadd.f32 s29, s17;
	(erf) = vrcp.f32 v23;
	s29 =	spop (v2sf);
	(v2sf) =	vpush v32, $0xF  }
0x8a0: {  	v40 =	vld [tilespmem:$0x1FB10];
	v41 =	vadd.f32 $1.000000000e+00, v22;
	v3 =	vadd.f32 v43, v11;
	(erf) = vrcp.f32 v1  }
0x8a1: {  	v10 =	vadd.f32 v45, v10;
	v4 =	vadd.f32 v51, v4;
	v16 =	vmul.f32 s28, v42;
	s28 =	sadd.f32 s29, s12  }
0x8a2: {  	v8 =	vadd.f32 v47, v9;
	v36 =	vadd.f32 v30, v7;
	(erf) = vrcp.f32 v41;
	s29 =	spop (v2sf)  }
0x8a3: {  	v2 =	vadd.f32 v52, v3;
	v4 =	vadd.f32 v24, v4;
	v35 =	vmov s28;
	s28 =	sadd.f32 s29, s12  }
0x8a4: {  	s14 =	sadd.f32 s14, s17;
	v31 =	vmul.f32 v28, v17;
	v63 =	vadd.f32 v53, v10;
	v0 =	vsub.f32 $0.0e+00, v35  }
0x8a5: {  	s15 =	sadd.f32 s15, s17;
	v8 =	vadd.f32 v56, v8;
	v6 =	vmul.f32 s21, v40;
	(xrf2) =	vadd.scan.msk.f32 $0xffff, v4;
	v45 =	vpop (erf);
	v42 =	vmov s28;
	s28 =	spop (v2sf)  }
0x8a6: {  	s1 =	smov.u32 s19;
	v2 =	vadd.f32 v26, v2;
	v3 =	vadd.f32 v29, v63;
	v47 =	vpop (erf);
	v0 =	vmul.f32 $1.442695020e+00, v0;
	s21 =	sadd.f32 s28, s12  }
0x8a7: {  	s23 =	sadd.f32 s23, s17;
	v17 =	vadd.f32 v31, v8;
	[tilespmem:s1+$0xFFFFFE00] =	vst v6;
	v46 =	vmul.f32 s4, v45;
	v52 =	vpop (erf);
	v43 =	vsub.f32 $0.0e+00, v42;
	s29 =	spop (v2sf)  }
0x8a8: {  	s19 =	sadd.s32 $0x400, s19;
	(xrf2) =	vadd.scan.msk.f32 $0xffff, v2;
	v2 =	vmul.f32 s14, v47;
	v55 =	vpop (erf);
	v0 =	vbroadcast v0, $0x0;
	v44 =	vmov s21;
	s21 =	sadd.f32 s29, s12  }
0x8a9: {  	s20 =	sadd.s32 $0x8, s20;
	s22 =	sadd.f32 s22, s17;
	[tilespmem:s19+$0x180] =	vst v16;
	v54 =	vmul.f32 s15, v52;
	v1 =	vmul.f32 $1.442695020e+00, v43;
	v60 =	vpop (erf);
	v4 =	vsub.f32 $0.0e+00, v44  }
0x8aa: {  	p1 =	slt.u32 s20, $0x98;
	s26 =	sadd.f32 s26, s17;
	[tilespmem:s1+$0xFFFFFE80] =	vst v46;
	v18 =	vmul.f32 s23, v60;
	(erf) = vpow2.f32 v0;
	v51 =	vmov s21  }
.Ltmp13:
0x8ab: {  	[tilespmem:s1+$0xFFFFFF00] =	vst v2;
	v63 =	vpop (erf);
	v48 =	vbroadcast v1, $0x0;
	v50 =	vmul.f32 $1.442695020e+00, v4;
	s28 =	spop (v2sf);
	v53 =	vsub.f32 $0.0e+00, v51;
	(pc) =	sbr.rel @p1 .LBB2_20-.Ltmp13, $4  }
0x8ac: {  	(v2sf) =	vpush v37, $0xF;
	[tilespmem:s1+$0xFFFFFF80] =	vst v54;
	v49, _, _ =	vpop (xrf2);
	v1 =	vmul.f32 s22, v55;
	v19 =	vmul.f32 s26, v63;
	s4 =	sadd.f32 s28, s12  }
0x8ad: {  	(xrf2) =	vadd.scan.msk.f32 $0xffff, v3;
	v57, _, _ =	vpop (xrf2);
	(v2sf) =	vpush v49, $0xF;
	v56 =	vbroadcast v50, $0x0;
	v58 =	vmul.f32 $1.442695020e+00, v53  }
0x8ae: {  	v62 =	vld [tilespmem:$0x1FFA0];
	(xrf2) =	vadd.scan.msk.f32 $0xffff, v36;
	(v2sf) =	vpush v57, $0xF;
	(erf) = vpow2.f32 v48;
	v59 =	vmov s4;
	s29 =	spop (v2sf)  }
0x8af: {  	s3 =	sadd.s32 $0x400, s3;
	v61 =	vld [tilespmem:$0x1FF90];
	v21, _, _ =	vpop (xrf2);
	[tilespmem:s1+$0x0] =	vst v1;
	v22 =	vsub.f32 $0.0e+00, v59;
	(erf) = vpow2.f32 v56;
	s4 =	sadd.f32 s29, s12;
	v20 =	vbroadcast v58, $0x0  }
0x8b0: {  	_ =	sdelay $0xa  }
0x8b1: {  	s3 =	spop (v2sf)  }
0x8b2: {  	s3 =	sadd.f32 s3, s12  }
0x8b3: {  	v0 =	vmov s4  }
0x8b4: {  	(xrf2) =	vadd.scan.msk.f32 $0xffff, v17;
	v1 =	vmul.f32 $1.442695020e+00, v22;
	v0 =	vsub.f32 $0.0e+00, v0;
	v2 =	vmov s3  }
0x8b5: {  	v2 =	vsub.f32 $0.0e+00, v2  }
0x8b6: {  	v3 =	vpop (erf);
	v1 =	vbroadcast v1, $0x0;
	v0 =	vmul.f32 $1.442695020e+00, v0  }
0x8b7: {  	(erf) = vpow2.f32 v20;
	v3 =	vadd.f32 $1.000000000e+00, v3;
	v2 =	vmul.f32 $1.442695020e+00, v2  }
0x8b8: {  	(erf) = vpow2.f32 v1;
	v0 =	vbroadcast v0, $0x0  }
0x8b9: {  	(erf) = vrcp.f32 v3;
	v60 =	vbroadcast v2, $0x0  }
0x8ba: {  	v63, _, _ =	vpop (xrf2);
	(erf) = vpow2.f32 v0  }
0x8bb: {  	v4 =	vpop (erf);
	(v2sf) =	vpush v21, $0xF;
	(erf) = vpow2.f32 v60  }
0x8bc: {  	v5, _, _ =	vpop (xrf2);
	(v2sf) =	vpush v63, $0xF  }
0x8bd: {  	v6, _, _ =	vpop (xrf2);
	(v2sf) =	vpush v5, $0xF  }
0x8be: {  	v7, _, _ =	vpop (xrf2);
	(v2sf) =	vpush v6, $0xF  }
0x8bf: {  	v8 =	vpop (erf);
	(v2sf) =	vpush v7, $0xF  }
0x8c0: {  	v0 =	vadd.f32 $1.000000000e+00, v4;
	v9 =	vpop (erf)  }
0x8c1: {  	v10 =	vpop (erf);
	v2 =	vadd.f32 $1.000000000e+00, v8  }
0x8c2: {  	v1 =	vadd.f32 $1.000000000e+00, v9;
	v4 =	vpop (erf);
	(erf) = vrcp.f32 v0  }
0x8c3: {  	v3 =	vadd.f32 $1.000000000e+00, v10;
	v11 =	vpop (erf);
	(erf) = vrcp.f32 v2  }
0x8c4: {  	v0 =	vadd.f32 $1.000000000e+00, v11;
	v12 =	vpop (erf);
	(erf) = vrcp.f32 v1  }
0x8c5: {  	(erf) = vrcp.f32 v3;
	v13 =	vadd.f32 $1.000000000e+00, v12  }
0x8c6: {  	(erf) = vrcp.f32 v0  }
0x8c7: {  	(erf) = vrcp.f32 v13  }
0x8c8: {  	s20 =	spop (v2sf)  }
0x8c9: {  	s21 =	spop (v2sf);
	s3 =	sadd.f32 s20, s17  }
0x8ca: {  	s4 =	sadd.f32 s21, s17;
	s14 =	spop (v2sf)  }
0x8cb: {  	[tilespmem:s1+$0x80] =	vst v18;
	v14 =	vmul.f32 s3, v4;
	s14 =	sadd.f32 s14, s17;
	s15 =	spop (v2sf);
	v32 =	vpop (erf)  }
0x8cc: {  	[tilespmem:s1+$0x100] =	vst v19;
	s22 =	sadd.f32 s15, s17;
	s23 =	spop (v2sf);
	v1 =	vmul.f32 s4, v32;
	v33 =	vpop (erf)  }
0x8cd: {  	[tilespmem:s19+$0xFFFFFE00] =	vst v14;
	s3 =	sadd.f32 s23, s17;
	s26 =	spop (v2sf);
	v34 =	vmul.f32 s14, v33;
	v35 =	vpop (erf)  }
0x8ce: {  	s28 =	spop (v2sf);
	s4 =	sadd.f32 s26, s17;
	[tilespmem:s19+$0xFFFFFE80] =	vst v1;
	v36 =	vmul.f32 s22, v35;
	v37 =	vpop (erf)  }
0x8cf: {  	s29 =	sadd.f32 s28, s17;
	[tilespmem:s19+$0xFFFFFF00] =	vst v34;
	v38 =	vmul.f32 s3, v37;
	v39 =	vpop (erf)  }
0x8d0: {  	[tilespmem:s19+$0xFFFFFF80] =	vst v36;
	v40 =	vmul.f32 s4, v39;
	v41 =	vpop (erf)  }
0x8d1: {  	[tilespmem:s19+$0x0] =	vst v38;
	v42 =	vmul.f32 s29, v41  }
0x8d2: {  	[tilespmem:s19+$0x80] =	vst v40  }
0x8d3: {  	[tilespmem:s19+$0x100] =	vst v42  }
0x8d4: {  	v19 =	vld [tilespmem:s18+$0x180]  }
0x8d5: {  	v0 =	vld [tilespmem:s9+$0x1F0]  }
0x8d6: {  	v20 =	vld [tilespmem:s9+$0xFFFFFE00]  }
0x8d7: {  	v21 =	vld [tilespmem:s9+$0xFFFFFE10]  }
0x8d8: {  	v22 =	vld [tilespmem:s9+$0xFFFFFE20]  }
0x8d9: {  	v17 =	vld [tilespmem:s9+$0xFFFFFE30]  }
0x8da: {  	v1 =	vld [tilespmem:s18+$0xFFFFFE80]  }
0x8db: {  	v43 =	vld [tilespmem:s9+$0xFFFFFE80]  }
0x8dc: {  	v44 =	vld [tilespmem:s9+$0xFFFFFE90]  }
0x8dd: {  	v45 =	vld [tilespmem:s9+$0xFFFFFEA0]  }
0x8de: {  	v5 =	vld [tilespmem:s9+$0xFFFFFEB0]  }
0x8df: {  	v6 =	vld [tilespmem:s9+$0xFFFFFEC0]  }
0x8e0: {  	v7 =	vld [tilespmem:s9+$0xFFFFFED0]  }
0x8e1: {  	v8 =	vld [tilespmem:s9+$0xFFFFFEE0]  }
0x8e2: {  	v18 =	vld [tilespmem:s9+$0xFFFFFE40]  }
0x8e3: {  	v46 =	vld [tilespmem:s9+$0xFFFFFEF0]  }
0x8e4: {  	v9 =	vld [tilespmem:s18+$0xFFFFFF00]  }
0x8e5: {  	v10 =	vld [tilespmem:s9+$0xFFFFFF00]  }
0x8e6: {  	v11 =	vld [tilespmem:s9+$0xFFFFFF10]  }
0x8e7: {  	v12 =	vld [tilespmem:s9+$0xFFFFFF20]  }
0x8e8: {  	v13 =	vld [tilespmem:s9+$0xFFFFFF30];
	v2 =	vmul.f32 v43, v1  }
0x8e9: {  	v14 =	vld [tilespmem:s9+$0xFFFFFF40];
	v0 =	vmul.f32 v0, v19  }
0x8ea: {  	v23 =	vld [tilespmem:s9+$0xFFFFFF50];
	v3 =	vmul.f32 v44, v1;
	[tilespmem:s9+$0xFFFFFE80] =	vst v2  }
0x8eb: {  	v48 =	vld [tilespmem:s9+$0xFFFFFF60];
	v47 =	vmul.f32 v45, v1;
	[tilespmem:s9+$0x1F0] =	vst v0  }
0x8ec: {  	v51 =	vld [tilespmem:s9+$0xFFFFFF80];
	v49 =	vmul.f32 v5, v1;
	[tilespmem:s9+$0xFFFFFE90] =	vst v3  }
0x8ed: {  	v53 =	vld [tilespmem:s9+$0xFFFFFF90];
	v50 =	vmul.f32 v6, v1;
	[tilespmem:s9+$0xFFFFFEA0] =	vst v47  }
0x8ee: {  	v55 =	vld [tilespmem:s9+$0xFFFFFFA0];
	v52 =	vmul.f32 v7, v1;
	[tilespmem:s9+$0xFFFFFEB0] =	vst v49  }
0x8ef: {  	v56 =	vld [tilespmem:s9+$0xFFFFFFB0];
	v54 =	vmul.f32 v8, v1;
	[tilespmem:s9+$0xFFFFFEC0] =	vst v50  }
0x8f0: {  	v58 =	vld [tilespmem:s9+$0xFFFFFFC0];
	v1 =	vmul.f32 v46, v1;
	[tilespmem:s9+$0xFFFFFED0] =	vst v52  }
0x8f1: {  	v60 =	vld [tilespmem:s9+$0xFFFFFFD0];
	v57 =	vmul.f32 v10, v9;
	[tilespmem:s9+$0xFFFFFEE0] =	vst v54  }
0x8f2: {  	v34 =	vld [tilespmem:s9+$0xFFFFFF70];
	v63 =	vmul.f32 v11, v9;
	[tilespmem:s9+$0xFFFFFEF0] =	vst v1  }
0x8f3: {  	v38 =	vld [tilespmem:s18+$0x0];
	v33 =	vmul.f32 v12, v9;
	[tilespmem:s9+$0xFFFFFF00] =	vst v57  }
0x8f4: {  	v40 =	vld [tilespmem:s9+$0x0];
	v35 =	vmul.f32 v13, v9;
	[tilespmem:s9+$0xFFFFFF10] =	vst v63  }
0x8f5: {  	v42 =	vld [tilespmem:s9+$0x20];
	v37 =	vmul.f32 v14, v9;
	[tilespmem:s9+$0xFFFFFF20] =	vst v33  }
0x8f6: {  	v5 =	vld [tilespmem:s18+$0xFFFFFF80];
	v39 =	vmul.f32 v23, v9;
	[tilespmem:s9+$0xFFFFFF30] =	vst v35  }
0x8f7: {  	v32 =	vld [tilespmem:s9+$0xFFFFFFE0];
	v4 =	vmul.f32 v48, v9;
	[tilespmem:s9+$0xFFFFFF40] =	vst v37  }
0x8f8: {  	v36 =	vld [tilespmem:s9+$0xFFFFFFF0];
	[tilespmem:s9+$0xFFFFFF50] =	vst v39;
	v1 =	vmul.f32 v34, v9  }
0x8f9: {  	v41 =	vld [tilespmem:s9+$0x10];
	[tilespmem:s9+$0xFFFFFF60] =	vst v4;
	v47 =	vmul.f32 v40, v38  }
0x8fa: {  	v24 =	vld [tilespmem:s9+$0xFFFFFE60];
	v57 =	vmul.f32 v42, v38;
	[tilespmem:s9+$0xFFFFFF70] =	vst v1  }
0x8fb: {  	v25 =	vld [tilespmem:s9+$0xFFFFFE70];
	[tilespmem:s9+$0x0] =	vst v47;
	v59 =	vmul.f32 v51, v5  }
0x8fc: {  	v30 =	vld [tilespmem:s9+$0x1B0];
	[tilespmem:s9+$0x20] =	vst v57;
	v43 =	vmul.f32 v53, v5  }
0x8fd: {  	v44 =	vld [tilespmem:s9+$0x30];
	v45 =	vmul.f32 v55, v5;
	[tilespmem:s9+$0xFFFFFF80] =	vst v59  }
0x8fe: {  	v46 =	vld [tilespmem:s9+$0x40];
	v2 =	vmul.f32 v56, v5;
	[tilespmem:s9+$0xFFFFFF90] =	vst v43  }
0x8ff: {  	v48 =	vld [tilespmem:s9+$0x50];
	v3 =	vmul.f32 v58, v5;
	[tilespmem:s9+$0xFFFFFFA0] =	vst v45  }
0x900: {  	v12 =	vld [tilespmem:s9+$0xC0];
	v50 =	vmul.f32 v60, v5;
	[tilespmem:s9+$0xFFFFFFB0] =	vst v2  }
0x901: {  	v52 =	vld [tilespmem:s18+$0x80];
	v0 =	vmul.f32 v32, v5;
	[tilespmem:s9+$0xFFFFFFC0] =	vst v3  }
0x902: {  	v54 =	vld [tilespmem:s9+$0x80];
	v53 =	vmul.f32 v36, v5;
	[tilespmem:s9+$0xFFFFFFD0] =	vst v50  }
0x903: {  	v49 =	vld [tilespmem:s9+$0x60];
	v55 =	vmul.f32 v41, v38;
	[tilespmem:s9+$0xFFFFFFE0] =	vst v0  }
0x904: {  	v33 =	vld [tilespmem:s9+$0xE0];
	v63 =	vmul.f32 v46, v38;
	[tilespmem:s9+$0xFFFFFFF0] =	vst v53  }
0x905: {  	v40 =	vld [tilespmem:s9+$0x100];
	v10 =	vmul.f32 v48, v38;
	[tilespmem:s9+$0x10] =	vst v55  }
0x906: {  	v51 =	vld [tilespmem:s9+$0x70];
	v59 =	vmul.f32 v44, v38;
	[tilespmem:s9+$0x40] =	vst v63  }
0x907: {  	v56 =	vld [tilespmem:s9+$0x90];
	v14 =	vmul.f32 v54, v52;
	[tilespmem:s9+$0x50] =	vst v10  }
0x908: {  	v58 =	vld [tilespmem:s9+$0xA0];
	v34 =	vmul.f32 v49, v38;
	[tilespmem:s9+$0x30] =	vst v59  }
0x909: {  	v60 =	vld [tilespmem:s9+$0xB0];
	v43 =	vmul.f32 v12, v52;
	[tilespmem:s9+$0x80] =	vst v14  }
0x90a: {  	v32 =	vld [tilespmem:s9+$0xD0];
	v47 =	vmul.f32 v33, v52;
	[tilespmem:s9+$0x60] =	vst v34  }
0x90b: {  	v36 =	vld [tilespmem:s9+$0xF0];
	[tilespmem:s9+$0xC0] =	vst v43;
	v35 =	vmul.f32 v51, v38  }
0x90c: {  	[tilespmem:s9+$0xE0] =	vst v47;
	v37 =	vmul.f32 v56, v52;
	v38 =	vld [tilespmem:s18+$0x100]  }
0x90d: {  	v42 =	vld [tilespmem:s9+$0x110];
	v39 =	vmul.f32 v58, v52;
	[tilespmem:s9+$0x70] =	vst v35  }
0x90e: {  	v44 =	vld [tilespmem:s9+$0x120];
	v41 =	vmul.f32 v60, v52;
	[tilespmem:s9+$0x90] =	vst v37  }
0x90f: {  	v46 =	vld [tilespmem:s9+$0x130];
	v45 =	vmul.f32 v32, v52;
	[tilespmem:s9+$0xA0] =	vst v39  }
0x910: {  	v48 =	vld [tilespmem:s9+$0x140];
	v3 =	vmul.f32 v36, v52;
	[tilespmem:s9+$0xB0] =	vst v41  }
0x911: {  	v50 =	vld [tilespmem:s9+$0x150];
	[tilespmem:s9+$0xD0] =	vst v45;
	v49 =	vmul.f32 v40, v38  }
0x912: {  	v51 =	vld [tilespmem:s9+$0x160];
	[tilespmem:s9+$0xF0] =	vst v3;
	v52 =	vmul.f32 v42, v38  }
0x913: {  	v54 =	vld [tilespmem:s9+$0x170];
	v53 =	vmul.f32 v44, v38;
	[tilespmem:s9+$0x100] =	vst v49  }
0x914: {  	v56 =	vld [tilespmem:s9+$0x180];
	v55 =	vmul.f32 v46, v38;
	[tilespmem:s9+$0x110] =	vst v52  }
0x915: {  	v57 =	vld [tilespmem:s9+$0x190];
	v2 =	vmul.f32 v48, v38;
	[tilespmem:s9+$0x120] =	vst v53  }
0x916: {  	v59 =	vld [tilespmem:s9+$0x1A0];
	v58 =	vmul.f32 v50, v38;
	[tilespmem:s9+$0x130] =	vst v55  }
0x917: {  	v27 =	vld [tilespmem:s9+$0x1C0];
	v1 =	vmul.f32 v51, v38;
	[tilespmem:s9+$0x140] =	vst v2  }
0x918: {  	v28 =	vld [tilespmem:s9+$0x1D0];
	v60 =	vmul.f32 v54, v38;
	[tilespmem:s9+$0x150] =	vst v58  }
0x919: {  	v29 =	vld [tilespmem:s9+$0x1E0];
	v63 =	vmul.f32 v56, v19;
	[tilespmem:s9+$0x160] =	vst v1  }
0x91a: {  	v26 =	vld [tilespmem:s18+$0xFFFFFE00];
	v31 =	vmul.f32 v57, v19;
	[tilespmem:s9+$0x170] =	vst v60  }
0x91b: {  	s1 =	simm.s32 $0x14B80;
	s3 =	simm.s32 $0xF200;
	v23 =	vld [tilespmem:s9+$0xFFFFFE50];
	v32 =	vmul.f32 v59, v19;
	[tilespmem:s9+$0x180] =	vst v63  }
.LBB2_22:
0x91c: {  	v0 =	vld [tilespmem:s1+$0x180];
	[tilespmem:s9+$0x190] =	vst v31;
	v1 =	vmul.f32 v30, v19;
	s3 =	sadd.s32 $0x400, s3  }
0x91d: {  	s10 =	sadd.s32 $0x8, s10;
	v2 =	vld [tilespmem:s3+$0x1F0];
	[tilespmem:s9+$0x1A0] =	vst v32;
	v3 =	vmul.f32 v27, v19  }
0x91e: {  	p1 =	slt.u32 s10, $0x98;
	v4 =	vld [tilespmem:s3+$0xFFFFFE00];
	[tilespmem:s9+$0x1B0] =	vst v1;
	v1 =	vmul.f32 v28, v19  }
0x91f: {  	v5 =	vld [tilespmem:s3+$0xFFFFFE10];
	[tilespmem:s9+$0x1C0] =	vst v3;
	v3 =	vmul.f32 v29, v19  }
0x920: {  	v6 =	vld [tilespmem:s3+$0xFFFFFE20];
	v7 =	vmul.f32 v20, v26;
	v8 =	vmul.f32 v21, v26;
	[tilespmem:s9+$0x1D0] =	vst v1  }
0x921: {  	v1 =	vmul.f32 v22, v26;
	v9 =	vmul.f32 v17, v26;
	v17 =	vld [tilespmem:s3+$0xFFFFFE30];
	[tilespmem:s9+$0x1E0] =	vst v3;
	v19 =	vmov v0  }
0x922: {  	v0 =	vmul.f32 v2, v19;
	[tilespmem:s9+$0xFFFFFE00] =	vst v7;
	v2 =	vmul.f32 v18, v26;
	v18 =	vld [tilespmem:s3+$0xFFFFFE40]  }
0x923: {  	v3 =	vmul.f32 v23, v26;
	v7 =	vmul.f32 v24, v26;
	[tilespmem:s9+$0xFFFFFE10] =	vst v8;
	v23 =	vld [tilespmem:s3+$0xFFFFFE50];
	v20 =	vmov v4  }
0x924: {  	v24 =	vld [tilespmem:s3+$0xFFFFFE60];
	[tilespmem:s3+$0x1F0] =	vst v0;
	v0 =	vmul.f32 v25, v26;
	v21 =	vmov v5  }
0x925: {  	v25 =	vld [tilespmem:s3+$0xFFFFFE70];
	[tilespmem:s9+$0xFFFFFE20] =	vst v1;
	v22 =	vmov v6  }
0x926: {  	v1 =	vld [tilespmem:s1+$0xFFFFFE80];
	[tilespmem:s9+$0xFFFFFE30] =	vst v9  }
0x927: {  	v4 =	vld [tilespmem:s3+$0xFFFFFE80];
	[tilespmem:s9+$0xFFFFFE40] =	vst v2  }
0x928: {  	v2 =	vld [tilespmem:s3+$0xFFFFFE90];
	[tilespmem:s9+$0xFFFFFE50] =	vst v3  }
0x929: {  	v3 =	vld [tilespmem:s3+$0xFFFFFEA0];
	[tilespmem:s9+$0xFFFFFE60] =	vst v7  }
0x92a: {  	v5 =	vld [tilespmem:s3+$0xFFFFFEB0];
	[tilespmem:s9+$0xFFFFFE70] =	vst v0;
	s9 =	smov.u32 s3  }
0x92b: {  	v0 =	vld [tilespmem:s3+$0xFFFFFEC0]  }
0x92c: {  	v4 =	vmul.f32 v4, v1;
	v6 =	vld [tilespmem:s3+$0xFFFFFED0]  }
0x92d: {  	v2 =	vmul.f32 v2, v1;
	v7 =	vld [tilespmem:s3+$0xFFFFFEE0]  }
0x92e: {  	[tilespmem:s3+$0xFFFFFE80] =	vst v4;
	v3 =	vmul.f32 v3, v1;
	v4 =	vld [tilespmem:s3+$0xFFFFFEF0]  }
0x92f: {  	[tilespmem:s3+$0xFFFFFE90] =	vst v2;
	v2 =	vmul.f32 v5, v1;
	v5 =	vld [tilespmem:s1+$0xFFFFFF00]  }
0x930: {  	[tilespmem:s3+$0xFFFFFEA0] =	vst v3;
	v0 =	vmul.f32 v0, v1;
	v3 =	vld [tilespmem:s3+$0xFFFFFF00]  }
0x931: {  	[tilespmem:s3+$0xFFFFFEB0] =	vst v2;
	v2 =	vmul.f32 v6, v1;
	v6 =	vld [tilespmem:s3+$0xFFFFFF10]  }
0x932: {  	[tilespmem:s3+$0xFFFFFEC0] =	vst v0;
	v0 =	vmul.f32 v7, v1;
	v7 =	vld [tilespmem:s3+$0xFFFFFF20]  }
0x933: {  	[tilespmem:s3+$0xFFFFFED0] =	vst v2;
	v1 =	vmul.f32 v4, v1;
	v2 =	vld [tilespmem:s3+$0xFFFFFF30]  }
0x934: {  	[tilespmem:s3+$0xFFFFFEE0] =	vst v0;
	v0 =	vld [tilespmem:s3+$0xFFFFFF40]  }
0x935: {  	[tilespmem:s3+$0xFFFFFEF0] =	vst v1;
	v1 =	vmul.f32 v3, v5;
	v3 =	vld [tilespmem:s3+$0xFFFFFF50]  }
0x936: {  	v4 =	vmul.f32 v6, v5;
	v6 =	vld [tilespmem:s3+$0xFFFFFF60]  }
0x937: {  	[tilespmem:s3+$0xFFFFFF00] =	vst v1;
	v1 =	vmul.f32 v7, v5;
	v7 =	vld [tilespmem:s3+$0xFFFFFF70]  }
0x938: {  	[tilespmem:s3+$0xFFFFFF10] =	vst v4;
	v2 =	vmul.f32 v2, v5;
	v4 =	vld [tilespmem:s1+$0xFFFFFF80]  }
0x939: {  	[tilespmem:s3+$0xFFFFFF20] =	vst v1;
	v0 =	vmul.f32 v0, v5;
	v1 =	vld [tilespmem:s3+$0xFFFFFF80]  }
0x93a: {  	[tilespmem:s3+$0xFFFFFF30] =	vst v2;
	v2 =	vmul.f32 v3, v5;
	v3 =	vld [tilespmem:s3+$0xFFFFFF90]  }
0x93b: {  	[tilespmem:s3+$0xFFFFFF40] =	vst v0;
	v0 =	vmul.f32 v6, v5;
	v6 =	vld [tilespmem:s3+$0xFFFFFFA0]  }
0x93c: {  	[tilespmem:s3+$0xFFFFFF50] =	vst v2;
	v2 =	vmul.f32 v7, v5;
	v5 =	vld [tilespmem:s3+$0xFFFFFFB0]  }
0x93d: {  	[tilespmem:s3+$0xFFFFFF60] =	vst v0;
	v0 =	vld [tilespmem:s3+$0xFFFFFFC0]  }
0x93e: {  	[tilespmem:s3+$0xFFFFFF70] =	vst v2;
	v1 =	vmul.f32 v1, v4;
	v2 =	vld [tilespmem:s3+$0xFFFFFFD0]  }
0x93f: {  	v3 =	vmul.f32 v3, v4;
	v7 =	vld [tilespmem:s3+$0xFFFFFFE0]  }
0x940: {  	[tilespmem:s3+$0xFFFFFF80] =	vst v1;
	v1 =	vmul.f32 v6, v4;
	v6 =	vld [tilespmem:s3+$0xFFFFFFF0]  }
0x941: {  	[tilespmem:s3+$0xFFFFFF90] =	vst v3;
	v3 =	vmul.f32 v5, v4;
	v5 =	vld [tilespmem:s1+$0x0]  }
0x942: {  	[tilespmem:s3+$0xFFFFFFA0] =	vst v1;
	v0 =	vmul.f32 v0, v4;
	v1 =	vld [tilespmem:s3+$0x0]  }
0x943: {  	[tilespmem:s3+$0xFFFFFFB0] =	vst v3;
	v2 =	vmul.f32 v2, v4;
	v3 =	vld [tilespmem:s3+$0x10]  }
0x944: {  	[tilespmem:s3+$0xFFFFFFC0] =	vst v0;
	v0 =	vmul.f32 v7, v4;
	v7 =	vld [tilespmem:s3+$0x20]  }
0x945: {  	[tilespmem:s3+$0xFFFFFFD0] =	vst v2;
	v2 =	vmul.f32 v6, v4;
	v4 =	vld [tilespmem:s3+$0x30]  }
0x946: {  	[tilespmem:s3+$0xFFFFFFE0] =	vst v0;
	v0 =	vld [tilespmem:s3+$0x40]  }
0x947: {  	[tilespmem:s3+$0xFFFFFFF0] =	vst v2;
	v1 =	vmul.f32 v1, v5;
	v2 =	vld [tilespmem:s3+$0x50]  }
0x948: {  	v3 =	vmul.f32 v3, v5;
	v6 =	vld [tilespmem:s3+$0x60]  }
0x949: {  	[tilespmem:s3+$0x0] =	vst v1;
	v1 =	vmul.f32 v7, v5;
	v7 =	vld [tilespmem:s3+$0x70]  }
0x94a: {  	[tilespmem:s3+$0x10] =	vst v3;
	v3 =	vmul.f32 v4, v5;
	v4 =	vld [tilespmem:s1+$0x80]  }
0x94b: {  	[tilespmem:s3+$0x20] =	vst v1;
	v0 =	vmul.f32 v0, v5;
	v1 =	vld [tilespmem:s3+$0x80]  }
0x94c: {  	[tilespmem:s3+$0x30] =	vst v3;
	v2 =	vmul.f32 v2, v5;
	v3 =	vld [tilespmem:s3+$0x90]  }
0x94d: {  	[tilespmem:s3+$0x40] =	vst v0;
	v0 =	vmul.f32 v6, v5;
	v6 =	vld [tilespmem:s3+$0xA0]  }
0x94e: {  	[tilespmem:s3+$0x50] =	vst v2;
	v2 =	vmul.f32 v7, v5;
	v5 =	vld [tilespmem:s3+$0xB0]  }
0x94f: {  	[tilespmem:s3+$0x60] =	vst v0;
	v0 =	vld [tilespmem:s3+$0xC0]  }
0x950: {  	[tilespmem:s3+$0x70] =	vst v2;
	v1 =	vmul.f32 v1, v4;
	v2 =	vld [tilespmem:s3+$0xD0]  }
0x951: {  	v3 =	vmul.f32 v3, v4;
	v7 =	vld [tilespmem:s3+$0xE0]  }
0x952: {  	[tilespmem:s3+$0x80] =	vst v1;
	v1 =	vmul.f32 v6, v4;
	v6 =	vld [tilespmem:s3+$0xF0]  }
0x953: {  	[tilespmem:s3+$0x90] =	vst v3;
	v3 =	vmul.f32 v5, v4;
	v5 =	vld [tilespmem:s1+$0x100]  }
0x954: {  	[tilespmem:s3+$0xA0] =	vst v1;
	v0 =	vmul.f32 v0, v4;
	v1 =	vld [tilespmem:s3+$0x100]  }
0x955: {  	[tilespmem:s3+$0xB0] =	vst v3;
	v2 =	vmul.f32 v2, v4;
	v3 =	vld [tilespmem:s3+$0x110]  }
0x956: {  	[tilespmem:s3+$0xC0] =	vst v0;
	v0 =	vmul.f32 v7, v4;
	v7 =	vld [tilespmem:s3+$0x120]  }
0x957: {  	[tilespmem:s3+$0xD0] =	vst v2;
	v2 =	vmul.f32 v6, v4;
	v4 =	vld [tilespmem:s3+$0x130]  }
0x958: {  	[tilespmem:s3+$0xE0] =	vst v0;
	v0 =	vld [tilespmem:s3+$0x140]  }
0x959: {  	[tilespmem:s3+$0xF0] =	vst v2;
	v1 =	vmul.f32 v1, v5;
	v2 =	vld [tilespmem:s3+$0x150]  }
0x95a: {  	v3 =	vmul.f32 v3, v5;
	v6 =	vld [tilespmem:s3+$0x160]  }
0x95b: {  	[tilespmem:s3+$0x100] =	vst v1;
	v1 =	vmul.f32 v7, v5;
	v7 =	vld [tilespmem:s3+$0x170]  }
0x95c: {  	[tilespmem:s3+$0x110] =	vst v3;
	v3 =	vmul.f32 v4, v5;
	v4 =	vld [tilespmem:s3+$0x180]  }
0x95d: {  	[tilespmem:s3+$0x120] =	vst v1;
	v0 =	vmul.f32 v0, v5;
	v1 =	vld [tilespmem:s3+$0x190]  }
0x95e: {  	[tilespmem:s3+$0x130] =	vst v3;
	v2 =	vmul.f32 v2, v5;
	v3 =	vld [tilespmem:s3+$0x1A0]  }
.Ltmp14:
0x95f: {  	[tilespmem:s3+$0x140] =	vst v0;
	v0 =	vmul.f32 v6, v5;
	v30 =	vld [tilespmem:s3+$0x1B0];
	(pc) =	sbr.rel @p1 .LBB2_22-.Ltmp14, $4  }
0x960: {  	[tilespmem:s3+$0x150] =	vst v2;
	v2 =	vmul.f32 v7, v5;
	v27 =	vld [tilespmem:s3+$0x1C0]  }
0x961: {  	[tilespmem:s3+$0x160] =	vst v0;
	v0 =	vmul.f32 v4, v19;
	v28 =	vld [tilespmem:s3+$0x1D0]  }
0x962: {  	[tilespmem:s3+$0x170] =	vst v2;
	v31 =	vmul.f32 v1, v19;
	v29 =	vld [tilespmem:s3+$0x1E0]  }
0x963: {  	v26 =	vld [tilespmem:s1+$0xFFFFFE00];
	[tilespmem:s3+$0x180] =	vst v0;
	v32 =	vmul.f32 v3, v19;
	s1 =	sadd.s32 $0x400, s1  }
0x964: {  	[tilespmem:s9+$0x190] =	vst v31;
	v0 =	vmul.f32 v30, v19  }
0x965: {  	[tilespmem:s9+$0x1A0] =	vst v32;
	v1 =	vmul.f32 v27, v19  }
0x966: {  	[tilespmem:s9+$0x1B0] =	vst v0;
	v53 =	vmul.f32 v28, v19  }
0x967: {  	[tilespmem:s9+$0x1C0] =	vst v1;
	v54 =	vmul.f32 v29, v19  }
0x968: {  	v2 =	vmul.f32 v20, v26;
	[tilespmem:s9+$0x1D0] =	vst v53  }
0x969: {  	v55 =	vmul.f32 v21, v26;
	[tilespmem:s9+$0x1E0] =	vst v54  }
0x96a: {  	v56 =	vmul.f32 v22, v26;
	[tilespmem:s9+$0xFFFFFE00] =	vst v2  }
0x96b: {  	v57 =	vmul.f32 v17, v26;
	[tilespmem:s9+$0xFFFFFE10] =	vst v55  }
0x96c: {  	v58 =	vmul.f32 v18, v26;
	[tilespmem:s9+$0xFFFFFE20] =	vst v56  }
0x96d: {  	v59 =	vmul.f32 v23, v26;
	[tilespmem:s9+$0xFFFFFE30] =	vst v57  }
0x96e: {  	v60 =	vmul.f32 v24, v26;
	[tilespmem:s9+$0xFFFFFE40] =	vst v58  }
0x96f: {  	v63 =	vmul.f32 v25, v26;
	[tilespmem:s9+$0xFFFFFE50] =	vst v59  }
0x970: {  	[tilespmem:s9+$0xFFFFFE60] =	vst v60  }
0x971: {  	[tilespmem:s9+$0xFFFFFE70] =	vst v63  }
.Ltmp15:
0x972: {  	v14 =	vld [tilespmem:$0x1FF10];
	(pc) =	sbr.rel .LBB2_24-.Ltmp15, $4  }
0x973: {  	s1 =	simm.s32 $0x14300;
	s3 =	simm.s32 $0xF000;
	v16 =	vld [tilespmem:$0x1FF20]  }
0x974: {  	[spmem:s5] =	stream.indirect.scatter.add.f32 [tilespmem:s3], [sflag:$0x8], $0x80, s1, s25, $0xb8;
	v11 =	vld [tilespmem:$0x1FF30]  }
0x975: {  	s28 =	simm.s32 $0x14380;
	s29 =	simm.s32 $0x11800;
	v13 =	vld [tilespmem:$0x1FFE0]  }
0x976: {  	v15 =	vld [tilespmem:$0x1FFF0];
	[spmem:s5] =	stream.indirect.scatter.add.f32 [tilespmem:s29], [sflag:$0x8], $0x80, s28, s25, $0xb8  }
.LBB2_26:
0x977: {  	_ =	sfence.sel $0x180000  }
0x978: {  	[bflag:$0x0] =	sbarrier.arrive $0xFFFF  }
0x979: {  	_ =	strace $0x90000047  }
0x97a: {  	[bflag:$0x2] =	sbarrier.arrive $0xFFFF  }
0x97b: {  	s0 =	rddreg [dreg:$0x6]  }
0x97c: {  	s0 =	sadd.s32 @!p0 $0x100000, s0  }
0x97d: {  	[sflag:s0] =	ssyncadd.tile.s32 @!p0 $0x1;
	_ =	shalt  }
.Lfunc_end2:
_tile_overlayer_lowered:
.L_overlay_start_2:
0x97e: {  	(tag) =	ssettag $0x2  }
0x97f: {  	s0 =	rddreg [dreg:$0x0];
	s2 =	stileid.u32  }
0x980: {  	s1 =	rddreg [dreg:$0x1];
	p0 =	sne.s32 s2, $0x0  }
0x981: {  	s3 =	rddreg [dreg:$0x2];
	[bflag:$0x3] =	sbarrier.arrive $0xFFFF;
	s2 =	simm.s32 @!p0 $0x1C09  }
0x982: {  	[timem:s3], [sflag:s2] =	dma.local @!p0 [hbm:s0], s1  }
0x983: {  	s0 =	simm.s32 @!p0 $0x9  }
0x984: {  	_ =	swait.ge @!p0 [sflag:s0], s1  }
0x985: {  	s1 =	ssub.s32 @!p0 $0x0, s1;
	[sflag:s0] =	ssyncset.done @!p0 $0x0  }
0x986: {  	[sflag:s0] =	ssyncadd.s32 @!p0 s1  }
0x987: {  	[bflag:$0x3] =	sbarrier.arrive $0xFFFF  }
0x988: {  	_ =	shalt  }

</sc_bundles>
